<compile_context>
chip_gen: v7x
topology: tpu7x:2x2x1
jax: 0.10.2.dev20260603
libtpu: 0.0.44.dev20260713+nightly
codegen_flags: <defaults>
</compile_context>

<pallas_src>
import functools

import jax
import jax.numpy as jnp
from jax import lax
from jax.experimental import pallas as pl
from jax.experimental.pallas import tpu as pltpu
from jax.experimental.pallas import tpu_sc as plsc

N_NODES = 10000
N_EDGES = 320000
D_FEAT = 128
D_EDGE = 16
MSG_DIM = 128

NC = 2
NS = 16
LANES = 16

EDGES_PER_TILE = N_EDGES // (NC * NS)
CHUNK = 40
N_CHUNKS = EDGES_PER_TILE // CHUNK
NBUF = 3
ROWS_PER_TILE = 624
REM_ROWS = N_NODES - NS * ROWS_PER_TILE



def _pq_body(nf_ref, wa_ref, wb_ref, b1_ref, p_ref, q_ref):
    nf = nf_ref[...]
    p_ref[...] = jnp.dot(nf, wa_ref[...], preferred_element_type=jnp.float32)
    q_ref[...] = (
        jnp.dot(nf, wb_ref[...], preferred_element_type=jnp.float32)
        + b1_ref[...][None, :]
    )


def _pq(node_features, w1a, w1b, b1):
    blk = 2000
    grid = (N_NODES // blk,)
    return pl.pallas_call(
        _pq_body,
        grid=grid,
        in_specs=[
            pl.BlockSpec((blk, D_FEAT), lambda i: (i, 0)),
            pl.BlockSpec((D_FEAT, MSG_DIM), lambda i: (0, 0)),
            pl.BlockSpec((D_FEAT, MSG_DIM), lambda i: (0, 0)),
            pl.BlockSpec((MSG_DIM,), lambda i: (0,)),
        ],
        out_specs=[
            pl.BlockSpec((blk, MSG_DIM), lambda i: (i, 0)),
            pl.BlockSpec((blk, MSG_DIM), lambda i: (i, 0)),
        ],
        out_shape=[
            jax.ShapeDtypeStruct((N_NODES, MSG_DIM), jnp.float32),
            jax.ShapeDtypeStruct((N_NODES, MSG_DIM), jnp.float32),
        ],
    )(node_features, w1a, w1b, b1)


def _e_body(ef_ref, wc_ref, e_ref):
    e_ref[...] = jnp.dot(
        ef_ref[...], wc_ref[...], preferred_element_type=jnp.float32
    )


def _e_proj(edge_features, w1c):
    blk = 8000
    grid = (N_EDGES // blk,)
    return pl.pallas_call(
        _e_body,
        grid=grid,
        in_specs=[
            pl.BlockSpec((blk, D_EDGE), lambda i: (i, 0)),
            pl.BlockSpec((D_EDGE, MSG_DIM), lambda i: (0, 0)),
        ],
        out_specs=pl.BlockSpec((blk, MSG_DIM), lambda i: (i, 0)),
        out_shape=jax.ShapeDtypeStruct((N_EDGES, MSG_DIM), jnp.float32),
    )(edge_features, w1c)


def _final_body(s0_ref, s1_ref, c0_ref, c1_ref, w2_ref, b2_ref, out_ref):
    s = s0_ref[...] + s1_ref[...]
    c = c0_ref[:, 0] + c1_ref[:, 0]
    mean = s / jnp.maximum(c, 1.0)[:, None]
    out = jnp.dot(mean, w2_ref[...], preferred_element_type=jnp.float32)
    out_ref[...] = out + jnp.where(c > 0.0, 1.0, 0.0)[:, None] * b2_ref[...][None, :]


def _final(s_partial, c_partial, W2, b2):
    blk = 2000
    grid = (N_NODES // blk,)
    return pl.pallas_call(
        _final_body,
        grid=grid,
        in_specs=[
            pl.BlockSpec((blk, MSG_DIM), lambda i: (i, 0)),
            pl.BlockSpec((blk, MSG_DIM), lambda i: (i, 0)),
            pl.BlockSpec((blk, MSG_DIM), lambda i: (i, 0)),
            pl.BlockSpec((blk, MSG_DIM), lambda i: (i, 0)),
            pl.BlockSpec((MSG_DIM, MSG_DIM), lambda i: (0, 0)),
            pl.BlockSpec((MSG_DIM,), lambda i: (0,)),
        ],
        out_specs=pl.BlockSpec((blk, MSG_DIM), lambda i: (i, 0)),
        out_shape=jax.ShapeDtypeStruct((N_NODES, MSG_DIM), jnp.float32),
    )(
        s_partial[:N_NODES], s_partial[N_NODES:],
        c_partial[:N_NODES], c_partial[N_NODES:],
        W2, b2,
    )



@functools.partial(
    pl.kernel,
    out_type=[
        jax.ShapeDtypeStruct((NC * N_NODES, MSG_DIM), jnp.float32),
        jax.ShapeDtypeStruct((NC * N_NODES, MSG_DIM), jnp.float32),
    ],
    mesh=plsc.VectorSubcoreMesh(core_axis_name="c", subcore_axis_name="s"),
    scratch_types=[
        pltpu.VMEM((NBUF, CHUNK), jnp.int32),
        pltpu.VMEM((NBUF, CHUNK), jnp.int32),
        pltpu.VMEM((NBUF, CHUNK, MSG_DIM), jnp.float32),
        pltpu.VMEM((NBUF, CHUNK, MSG_DIM), jnp.float32),
        pltpu.VMEM((NBUF, CHUNK, MSG_DIM), jnp.float32),
        pltpu.VMEM_SHARED((N_NODES, MSG_DIM), jnp.float32),
        pltpu.SemaphoreType.DMA((2,)),
    ],
)
def _sc_aggregate(src_hbm, tgt_hbm, p_hbm, q_hbm, e_hbm, s_out, c_out,
                  idx_s2, idx_t2, p_v2, q_v2, e_v2, s_sh, sems):
    gsem = sems.at[0]
    ssem = sems.at[1]
    cid = lax.axis_index("c")
    sid = lax.axis_index("s")

    def fill(ref3, b, val):
        @plsc.parallel_loop(0, CHUNK, unroll=4)
        def body(r):
            for k in range(MSG_DIM // LANES):
                ref3[b, r, pl.ds(k * LANES, LANES)] = jnp.full(
                    (LANES,), val, jnp.float32)

    row0 = sid * ROWS_PER_TILE
    rem0 = NS * ROWS_PER_TILE

    def zero_share(zbuf):
        for j in range(15):
            pltpu.sync_copy(zbuf, s_sh.at[pl.ds(row0 + j * CHUNK, CHUNK)])
        pltpu.sync_copy(zbuf.at[pl.ds(0, 24)], s_sh.at[pl.ds(row0 + 600, 24)])

        @pl.when(sid == NS - 1)
        def _zero_rem():
            pltpu.sync_copy(zbuf.at[pl.ds(0, REM_ROWS)],
                            s_sh.at[pl.ds(rem0, REM_ROWS)])

    def copy_out(dst):
        out0 = cid * N_NODES + row0
        pltpu.sync_copy(s_sh.at[pl.ds(row0, ROWS_PER_TILE)],
                        dst.at[pl.ds(out0, ROWS_PER_TILE)])

        @pl.when(sid == NS - 1)
        def _copy_rem():
            orem = cid * N_NODES + rem0
            pltpu.sync_copy(s_sh.at[pl.ds(rem0, REM_ROWS)],
                            dst.at[pl.ds(orem, REM_ROWS)])

    base0 = (cid * NS + sid) * EDGES_PER_TILE

    fill(e_v2, 0, 0.0)
    zero_share(e_v2.at[0])
    plsc.subcore_barrier()

    def drain_scatter(b):
        pltpu.make_async_copy(p_hbm.at[pl.ds(0, CHUNK)], p_v2.at[b],
                              ssem).wait()

    def fire(g, b):
        base = base0 + g * CHUNK
        pltpu.sync_copy(src_hbm.at[pl.ds(base, CHUNK)], idx_s2.at[b])
        pltpu.sync_copy(tgt_hbm.at[pl.ds(base, CHUNK)], idx_t2.at[b])
        pltpu.async_copy(p_hbm.at[idx_s2.at[b]], p_v2.at[b], gsem)
        pltpu.async_copy(q_hbm.at[idx_t2.at[b]], q_v2.at[b], gsem)
        pltpu.async_copy(e_hbm.at[pl.ds(base, CHUNK)], e_v2.at[b], gsem)

    def drain(b):
        pltpu.make_async_copy(p_hbm.at[pl.ds(0, CHUNK)], p_v2.at[b], gsem).wait()
        pltpu.make_async_copy(q_hbm.at[pl.ds(0, CHUNK)], q_v2.at[b], gsem).wait()
        pltpu.make_async_copy(e_hbm.at[pl.ds(0, CHUNK)], e_v2.at[b], gsem).wait()

    def consume(g, b):
        drain(b)

        @plsc.parallel_loop(0, CHUNK, unroll=4)
        def row(r):
            for k in range(MSG_DIM // LANES):
                sl = pl.ds(k * LANES, LANES)
                p_v2[b, r, sl] = jnp.maximum(
                    p_v2[b, r, sl] + q_v2[b, r, sl] + e_v2[b, r, sl], 0.0)

        pltpu.async_copy(p_v2.at[b], s_sh.at[idx_t2.at[b]], ssem, add=True)

    fire(0, 0)
    fire(1, 1)

    def body(g, _):
        b = lax.rem(g, NBUF)
        nb = lax.rem(g + 2, NBUF)
        consume(g, b)

        @pl.when(g + 2 < N_CHUNKS)
        def _prep_next():
            @pl.when(g >= 1)
            def _drain_prev():
                drain_scatter(nb)
            fire(g + 2, nb)
        return 0

    lax.fori_loop(0, N_CHUNKS, body, 0)
    for _ in range(NBUF):
        drain_scatter(0)
    plsc.subcore_barrier()
    copy_out(s_out)

    fill(e_v2, 0, 0.0)
    zero_share(e_v2.at[0])
    fill(p_v2, 0, 1.0)
    plsc.subcore_barrier()

    def fire_cnt(g, b):
        base = base0 + g * CHUNK
        pltpu.async_copy(tgt_hbm.at[pl.ds(base, CHUNK)], idx_t2.at[b], gsem)

    def consume_cnt(b):
        pltpu.make_async_copy(tgt_hbm.at[pl.ds(0, CHUNK)], idx_t2.at[b],
                              gsem).wait()
        pltpu.async_copy(p_v2.at[0], s_sh.at[idx_t2.at[b]], ssem, add=True)

    fire_cnt(0, 0)
    fire_cnt(1, 1)

    def body_cnt(g, _):
        b = lax.rem(g, NBUF)
        nb = lax.rem(g + 2, NBUF)
        consume_cnt(b)

        @pl.when(g + 2 < N_CHUNKS)
        def _prep_next():
            @pl.when(g >= 1)
            def _drain_prev():
                drain_scatter(nb)
            fire_cnt(g + 2, nb)
        return 0

    lax.fori_loop(0, N_CHUNKS, body_cnt, 0)
    for _ in range(NBUF):
        drain_scatter(0)
    plsc.subcore_barrier()
    copy_out(c_out)


def kernel(source_nodes, target_nodes, edge_features, node_features,
           timestamps, W1, b1, W2, b2):
    del timestamps
    w1a = W1[:D_FEAT]
    w1b = W1[D_FEAT:2 * D_FEAT]
    w1c = W1[2 * D_FEAT:]
    P, Q = _pq(node_features, w1a, w1b, b1)
    E = _e_proj(edge_features, w1c)
    s_partial, c_partial = _sc_aggregate(
        source_nodes.astype(jnp.int32), target_nodes.astype(jnp.int32),
        P, Q, E)
    return _final(s_partial, c_partial, W2, b2)

# --- scband reference (transcript-rebuilt; emitter-appended) ---
"""Pipeline reference for scband-message-aggregator-91027536872092 (READ-ONLY COPY).

The authoritative reference and input builder live on the scoring server;
editing this copy changes nothing except your own understanding.
"""

import jax, jax.numpy as jnp
import numpy as np

N_NODES = 10000
N_EDGES = 320000
D_FEAT = 128
D_EDGE = 16
MSG_DIM = 128

def setup_inputs(seed: int = 0) -> dict:
    key = jax.random.key(seed)
    ks = jax.random.split(key, 10)
    source_nodes = jax.random.randint(ks[0], (N_EDGES,), 0, N_NODES, dtype=jnp.int64) if jax.config.jax_enable_x64 else jax.random.randint(ks[0], (N_EDGES,), 0, N_NODES, dtype=jnp.int32)
    target_nodes = jax.random.randint(ks[1], (N_EDGES,), 0, N_NODES, dtype=jnp.int32)
    source_nodes = jax.random.randint(ks[0], (N_EDGES,), 0, N_NODES, dtype=jnp.int32)
    edge_features = jax.random.normal(ks[2], (N_EDGES, D_EDGE), dtype=jnp.float32)
    node_features = jax.random.normal(ks[3], (N_NODES, D_FEAT), dtype=jnp.float32)
    timestamps = jax.random.uniform(ks[4], (N_EDGES,), dtype=jnp.float32)
    in_dim = 2 * D_FEAT + D_EDGE
    W1 = jax.random.normal(ks[5], (in_dim, MSG_DIM), dtype=jnp.float32) * (1.0 / np.sqrt(in_dim))
    b1 = jnp.zeros((MSG_DIM,), dtype=jnp.float32)
    W2 = jax.random.normal(ks[6], (MSG_DIM, MSG_DIM), dtype=jnp.float32) * (1.0 / np.sqrt(MSG_DIM))
    b2 = jnp.zeros((MSG_DIM,), dtype=jnp.float32)
    return {
        "source_nodes": source_nodes,
        "target_nodes": target_nodes,
        "edge_features": edge_features,
        "node_features": node_features,
        "timestamps": timestamps,
        "W1": W1, "b1": b1, "W2": W2, "b2": b2,
    }

def reference(source_nodes, target_nodes, edge_features, node_features, timestamps, W1, b1, W2, b2):
    # message_function: Linear -> ReLU -> Linear
    source_feats = jnp.take(node_features, source_nodes, axis=0)
    target_feats = jnp.take(node_features, target_nodes, axis=0)
    message_input = jnp.concatenate([source_feats, target_feats, edge_features], axis=-1)
    h = jax.nn.relu(message_input @ W1 + b1)
    messages = h @ W2 + b2
    # aggregation_method == 'mean': per-target-node mean of messages.
    # (single-message nodes trivially equal their mean; nodes with no
    #  incoming messages are absent from the torch dict -> zero rows here)
    sums = jax.ops.segment_sum(messages, target_nodes, num_segments=N_NODES)
    counts = jax.ops.segment_sum(jnp.ones((messages.shape[0],), dtype=jnp.float32), target_nodes, num_segments=N_NODES)
    aggregated = sums / jnp.maximum(counts, 1.0)[:, None]
    return aggregated

if __name__ == "__main__":
    import jax
    _d = setup_inputs()
    print(jax.jit(kernel)(*tuple(_d.values())))

</pallas_src>

<mosaic_0001>
#map = affine_map<(d0, d1) -> (0)>
#map1 = affine_map<(d0, d1) -> (0, 0)>
module attributes {stable_mosaic.version = 14 : i64} {
  func.func @_sc_aggregate(%arg0: i32, %arg1: i32, %arg2: memref<320000xi32, #tpu.memory_space<hbm>>, %arg3: memref<320000xi32, #tpu.memory_space<hbm>>, %arg4: memref<10000x128xf32, #tpu.memory_space<hbm>>, %arg5: memref<10000x128xf32, #tpu.memory_space<hbm>>, %arg6: memref<320000x128xf32, #tpu.memory_space<hbm>>, %arg7: memref<20000x128xf32, #tpu.memory_space<hbm>>, %arg8: memref<20000x128xf32, #tpu.memory_space<hbm>>, %arg9: memref<3x40xi32, #tpu.memory_space<vmem>>, %arg10: memref<3x40xi32, #tpu.memory_space<vmem>>, %arg11: memref<3x40x128xf32, #tpu.memory_space<vmem>>, %arg12: memref<3x40x128xf32, #tpu.memory_space<vmem>>, %arg13: memref<3x40x128xf32, #tpu.memory_space<vmem>>, %arg14: memref<10000x128xf32, #tpu.memory_space<vmem_shared>>, %arg15: memref<2x!tpu.dma_semaphore, #tpu.memory_space<semaphore_mem>>) attributes {dimension_semantics = [#tpu.dimension_semantics<core_parallel>, #tpu.dimension_semantics<subcore_parallel>], iteration_bounds = array<i64: 2, 16>, scalar_prefetch = 0 : i64, scratch_operands = 7 : i64, tpu.core_type = #tpu.core_type<sc_vector_subcore>, window_params = [{transform_indices = #map}, {transform_indices = #map}, {transform_indices = #map1}, {transform_indices = #map1}, {transform_indices = #map1}, {transform_indices = #map1}, {transform_indices = #map1}]} {
    %mul3A = arith.constant 624 : i32
    %mul3A_0 = arith.muli %arg1, %mul3A : i32
    %mul3A_1 = arith.constant 16 : i32
    %mul3A_2 = arith.muli %arg0, %mul3A_1 : i32
    %add3A = arith.addi %mul3A_2, %arg1 : i32
    %mul3A_3 = arith.constant 10000 : i32
    %mul3A_4 = arith.muli %add3A, %mul3A_3 : i32
    %parallel_loop3A = arith.constant 0 : i32
    %parallel_loop3A_5 = arith.constant 40 : i32
    %parallel_loop3A_6 = arith.constant 1 : i32
    scf.for %parallel_loop3A_387 = %parallel_loop3A to %parallel_loop3A_5 step %parallel_loop3A_6  : i32 {
      %parallel_loop3A_388 = arith.constant 0.000000e+00 : f32
      %parallel_loop3A_389 = vector.broadcast %parallel_loop3A_388 : f32 to vector<16xf32>
      %parallel_loop3A_390 = arith.constant 0 : i32
      %parallel_loop3A_391 = arith.index_cast %parallel_loop3A_390 : i32 to index
      %parallel_loop3A_392 = arith.index_cast %parallel_loop3A_387 : i32 to index
      %parallel_loop3A_393 = arith.constant 0 : index
      %parallel_loop3A_394 = tpu.vector_load %arg13[%parallel_loop3A_391, %parallel_loop3A_392, %parallel_loop3A_393] {strides = array<i32>} : memref<3x40x128xf32, #tpu.memory_space<vmem>>, vector<1x1x16xf32>,
      %parallel_loop3A_395 = vector.shape_cast %parallel_loop3A_394 : vector<1x1x16xf32> to vector<16xf32>
      %parallel_loop3A_396 = vector.shape_cast %parallel_loop3A_389 : vector<16xf32> to vector<1x1x16xf32>
      tpu.vector_store %arg13[%parallel_loop3A_391, %parallel_loop3A_392, %parallel_loop3A_393], %parallel_loop3A_396 {strides = array<i32>} : memref<3x40x128xf32, #tpu.memory_space<vmem>>, vector<1x1x16xf32>,
      %parallel_loop3A_397 = arith.constant 0.000000e+00 : f32
      %parallel_loop3A_398 = vector.broadcast %parallel_loop3A_397 : f32 to vector<16xf32>
      %parallel_loop3A_399 = arith.constant 0 : i32
      %parallel_loop3A_400 = arith.index_cast %parallel_loop3A_399 : i32 to index
      %parallel_loop3A_401 = arith.index_cast %parallel_loop3A_387 : i32 to index
      %parallel_loop3A_402 = arith.constant 16 : index
      %parallel_loop3A_403 = tpu.vector_load %arg13[%parallel_loop3A_400, %parallel_loop3A_401, %parallel_loop3A_402] {strides = array<i32>} : memref<3x40x128xf32, #tpu.memory_space<vmem>>, vector<1x1x16xf32>,
      %parallel_loop3A_404 = vector.shape_cast %parallel_loop3A_403 : vector<1x1x16xf32> to vector<16xf32>
      %parallel_loop3A_405 = vector.shape_cast %parallel_loop3A_398 : vector<16xf32> to vector<1x1x16xf32>
      tpu.vector_store %arg13[%parallel_loop3A_400, %parallel_loop3A_401, %parallel_loop3A_402], %parallel_loop3A_405 {strides = array<i32>} : memref<3x40x128xf32, #tpu.memory_space<vmem>>, vector<1x1x16xf32>,
      %parallel_loop3A_406 = arith.constant 0.000000e+00 : f32
      %parallel_loop3A_407 = vector.broadcast %parallel_loop3A_406 : f32 to vector<16xf32>
      %parallel_loop3A_408 = arith.constant 0 : i32
      %parallel_loop3A_409 = arith.index_cast %parallel_loop3A_408 : i32 to index
      %parallel_loop3A_410 = arith.index_cast %parallel_loop3A_387 : i32 to index
      %parallel_loop3A_411 = arith.constant 32 : index
      %parallel_loop3A_412 = tpu.vector_load %arg13[%parallel_loop3A_409, %parallel_loop3A_410, %parallel_loop3A_411] {strides = array<i32>} : memref<3x40x128xf32, #tpu.memory_space<vmem>>, vector<1x1x16xf32>,
      %parallel_loop3A_413 = vector.shape_cast %parallel_loop3A_412 : vector<1x1x16xf32> to vector<16xf32>
      %parallel_loop3A_414 = vector.shape_cast %parallel_loop3A_407 : vector<16xf32> to vector<1x1x16xf32>
      tpu.vector_store %arg13[%parallel_loop3A_409, %parallel_loop3A_410, %parallel_loop3A_411], %parallel_loop3A_414 {strides = array<i32>} : memref<3x40x128xf32, #tpu.memory_space<vmem>>, vector<1x1x16xf32>,
      %parallel_loop3A_415 = arith.constant 0.000000e+00 : f32
      %parallel_loop3A_416 = vector.broadcast %parallel_loop3A_415 : f32 to vector<16xf32>
      %parallel_loop3A_417 = arith.constant 0 : i32
      %parallel_loop3A_418 = arith.index_cast %parallel_loop3A_417 : i32 to index
      %parallel_loop3A_419 = arith.index_cast %parallel_loop3A_387 : i32 to index
      %parallel_loop3A_420 = arith.constant 48 : index
      %parallel_loop3A_421 = tpu.vector_load %arg13[%parallel_loop3A_418, %parallel_loop3A_419, %parallel_loop3A_420] {strides = array<i32>} : memref<3x40x128xf32, #tpu.memory_space<vmem>>, vector<1x1x16xf32>,
      %parallel_loop3A_422 = vector.shape_cast %parallel_loop3A_421 : vector<1x1x16xf32> to vector<16xf32>
      %parallel_loop3A_423 = vector.shape_cast %parallel_loop3A_416 : vector<16xf32> to vector<1x1x16xf32>
      tpu.vector_store %arg13[%parallel_loop3A_418, %parallel_loop3A_419, %parallel_loop3A_420], %parallel_loop3A_423 {strides = array<i32>} : memref<3x40x128xf32, #tpu.memory_space<vmem>>, vector<1x1x16xf32>,
      %parallel_loop3A_424 = arith.constant 0.000000e+00 : f32
      %parallel_loop3A_425 = vector.broadcast %parallel_loop3A_424 : f32 to vector<16xf32>
      %parallel_loop3A_426 = arith.constant 0 : i32
      %parallel_loop3A_427 = arith.index_cast %parallel_loop3A_426 : i32 to index
      %parallel_loop3A_428 = arith.index_cast %parallel_loop3A_387 : i32 to index
      %parallel_loop3A_429 = arith.constant 64 : index
      %parallel_loop3A_430 = tpu.vector_load %arg13[%parallel_loop3A_427, %parallel_loop3A_428, %parallel_loop3A_429] {strides = array<i32>} : memref<3x40x128xf32, #tpu.memory_space<vmem>>, vector<1x1x16xf32>,
      %parallel_loop3A_431 = vector.shape_cast %parallel_loop3A_430 : vector<1x1x16xf32> to vector<16xf32>
      %parallel_loop3A_432 = vector.shape_cast %parallel_loop3A_425 : vector<16xf32> to vector<1x1x16xf32>
      tpu.vector_store %arg13[%parallel_loop3A_427, %parallel_loop3A_428, %parallel_loop3A_429], %parallel_loop3A_432 {strides = array<i32>} : memref<3x40x128xf32, #tpu.memory_space<vmem>>, vector<1x1x16xf32>,
      %parallel_loop3A_433 = arith.constant 0.000000e+00 : f32
      %parallel_loop3A_434 = vector.broadcast %parallel_loop3A_433 : f32 to vector<16xf32>
      %parallel_loop3A_435 = arith.constant 0 : i32
      %parallel_loop3A_436 = arith.index_cast %parallel_loop3A_435 : i32 to index
      %parallel_loop3A_437 = arith.index_cast %parallel_loop3A_387 : i32 to index
      %parallel_loop3A_438 = arith.constant 80 : index
      %parallel_loop3A_439 = tpu.vector_load %arg13[%parallel_loop3A_436, %parallel_loop3A_437, %parallel_loop3A_438] {strides = array<i32>} : memref<3x40x128xf32, #tpu.memory_space<vmem>>, vector<1x1x16xf32>,
      %parallel_loop3A_440 = vector.shape_cast %parallel_loop3A_439 : vector<1x1x16xf32> to vector<16xf32>
      %parallel_loop3A_441 = vector.shape_cast %parallel_loop3A_434 : vector<16xf32> to vector<1x1x16xf32>
      tpu.vector_store %arg13[%parallel_loop3A_436, %parallel_loop3A_437, %parallel_loop3A_438], %parallel_loop3A_441 {strides = array<i32>} : memref<3x40x128xf32, #tpu.memory_space<vmem>>, vector<1x1x16xf32>,
      %parallel_loop3A_442 = arith.constant 0.000000e+00 : f32
      %parallel_loop3A_443 = vector.broadcast %parallel_loop3A_442 : f32 to vector<16xf32>
      %parallel_loop3A_444 = arith.constant 0 : i32
      %parallel_loop3A_445 = arith.index_cast %parallel_loop3A_444 : i32 to index
      %parallel_loop3A_446 = arith.index_cast %parallel_loop3A_387 : i32 to index
      %parallel_loop3A_447 = arith.constant 96 : index
      %parallel_loop3A_448 = tpu.vector_load %arg13[%parallel_loop3A_445, %parallel_loop3A_446, %parallel_loop3A_447] {strides = array<i32>} : memref<3x40x128xf32, #tpu.memory_space<vmem>>, vector<1x1x16xf32>,
      %parallel_loop3A_449 = vector.shape_cast %parallel_loop3A_448 : vector<1x1x16xf32> to vector<16xf32>
      %parallel_loop3A_450 = vector.shape_cast %parallel_loop3A_443 : vector<16xf32> to vector<1x1x16xf32>
      tpu.vector_store %arg13[%parallel_loop3A_445, %parallel_loop3A_446, %parallel_loop3A_447], %parallel_loop3A_450 {strides = array<i32>} : memref<3x40x128xf32, #tpu.memory_space<vmem>>, vector<1x1x16xf32>,
      %parallel_loop3A_451 = arith.constant 0.000000e+00 : f32
      %parallel_loop3A_452 = vector.broadcast %parallel_loop3A_451 : f32 to vector<16xf32>
      %parallel_loop3A_453 = arith.constant 0 : i32
      %parallel_loop3A_454 = arith.index_cast %parallel_loop3A_453 : i32 to index
      %parallel_loop3A_455 = arith.index_cast %parallel_loop3A_387 : i32 to index
      %parallel_loop3A_456 = arith.constant 112 : index
      %parallel_loop3A_457 = tpu.vector_load %arg13[%parallel_loop3A_454, %parallel_loop3A_455, %parallel_loop3A_456] {strides = array<i32>} : memref<3x40x128xf32, #tpu.memory_space<vmem>>, vector<1x1x16xf32>,
      %parallel_loop3A_458 = vector.shape_cast %parallel_loop3A_457 : vector<1x1x16xf32> to vector<16xf32>
      %parallel_loop3A_459 = vector.shape_cast %parallel_loop3A_452 : vector<16xf32> to vector<1x1x16xf32>
      tpu.vector_store %arg13[%parallel_loop3A_454, %parallel_loop3A_455, %parallel_loop3A_456], %parallel_loop3A_459 {strides = array<i32>} : memref<3x40x128xf32, #tpu.memory_space<vmem>>, vector<1x1x16xf32>,
    } {sc.loop_unroll_factor = 4 : i64, sc.parallel_access}
    %add3A_7 = arith.constant 0 : i32
    %add3A_8 = arith.addi %mul3A_0, %add3A_7 : i32
    %run_scoped3A = arith.constant 0 : i32
    "tpu.region"() ({
      %run_scoped3A_387 = tpu.sem_alloc : memref<!tpu.dma_semaphore, #tpu.memory_space<semaphore_mem>>
      %dma_start3A_388 = arith.constant 0 : i32
      %dma_start3A_389 = arith.constant 0 : i32
      %dma_start3A_390 = tpu.memref_slice %arg13[%run_scoped3A, %dma_start3A_388, %dma_start3A_389] : memref<3x40x128xf32, #tpu.memory_space<vmem>> -> memref<1x40x128xf32, #tpu.memory_space<vmem>>
      %dma_start3A_391 = tpu.memref_squeeze %dma_start3A_390 : memref<1x40x128xf32, #tpu.memory_space<vmem>> -> memref<40x128xf32, #tpu.memory_space<vmem>>
      %dma_start3A_392 = arith.constant 0 : i32
      %dma_start3A_393 = tpu.memref_slice %arg14[%add3A_8, %dma_start3A_392] : memref<10000x128xf32, #tpu.memory_space<vmem_shared>> -> memref<40x128xf32, #tpu.memory_space<vmem_shared>>
      %dma_start3A_394 = arith.constant 0 : i32
      %dma_start3A_395 = tpu.memref_slice %arg14[%add3A_8, %dma_start3A_394] : memref<10000x128xf32, #tpu.memory_space<vmem_shared>> -> memref<40x128xf32, #tpu.memory_space<vmem_shared>>
      %dma_start3A_396 = arith.constant 0 : i32
      %dma_start3A_397 = arith.constant 0 : i32
      %dma_start3A_398 = tpu.memref_slice %arg13[%run_scoped3A, %dma_start3A_396, %dma_start3A_397] : memref<3x40x128xf32, #tpu.memory_space<vmem>> -> memref<1x40x128xf32, #tpu.memory_space<vmem>>
      %dma_start3A_399 = tpu.memref_squeeze %dma_start3A_398 : memref<1x40x128xf32, #tpu.memory_space<vmem>> -> memref<40x128xf32, #tpu.memory_space<vmem>>
      tpu.enqueue_dma source(%dma_start3A_399 : memref<40x128xf32, #tpu.memory_space<vmem>>) target(%dma_start3A_395 : memref<40x128xf32, #tpu.memory_space<vmem_shared>>) target_semaphore(%run_scoped3A_387 : memref<!tpu.dma_semaphore, #tpu.memory_space<semaphore_mem>>)
      %dma_wait3A_400 = arith.constant 0 : i32
      %dma_wait3A_401 = arith.constant 0 : i32
      %dma_wait3A_402 = tpu.memref_slice %arg13[%run_scoped3A, %dma_wait3A_400, %dma_wait3A_401] : memref<3x40x128xf32, #tpu.memory_space<vmem>> -> memref<1x40x128xf32, #tpu.memory_space<vmem>>
      %dma_wait3A_403 = tpu.memref_squeeze %dma_wait3A_402 : memref<1x40x128xf32, #tpu.memory_space<vmem>> -> memref<40x128xf32, #tpu.memory_space<vmem>>
      %dma_wait3A_404 = arith.constant 0 : i32
      %dma_wait3A_405 = tpu.memref_slice %arg14[%add3A_8, %dma_wait3A_404] : memref<10000x128xf32, #tpu.memory_space<vmem_shared>> -> memref<40x128xf32, #tpu.memory_space<vmem_shared>>
      %dma_wait3A_406 = arith.constant 0 : i32
      %dma_wait3A_407 = tpu.memref_slice %arg14[%add3A_8, %dma_wait3A_406] : memref<10000x128xf32, #tpu.memory_space<vmem_shared>> -> memref<40x128xf32, #tpu.memory_space<vmem_shared>>
      %dma_wait3A_408 = arith.constant 0 : i32
      %dma_wait3A_409 = arith.constant 0 : i32
      %dma_wait3A_410 = tpu.memref_slice %arg13[%run_scoped3A, %dma_wait3A_408, %dma_wait3A_409] : memref<3x40x128xf32, #tpu.memory_space<vmem>> -> memref<1x40x128xf32, #tpu.memory_space<vmem>>
      %dma_wait3A_411 = tpu.memref_squeeze %dma_wait3A_410 : memref<1x40x128xf32, #tpu.memory_space<vmem>> -> memref<40x128xf32, #tpu.memory_space<vmem>>
      tpu.wait_dma2 semaphore(%run_scoped3A_387 : memref<!tpu.dma_semaphore, #tpu.memory_space<semaphore_mem>>) src(%dma_wait3A_411 : memref<40x128xf32, #tpu.memory_space<vmem>>) dst(%dma_wait3A_407 : memref<40x128xf32, #tpu.memory_space<vmem_shared>>)
      tpu.yield
    }) : () -> ()
    %add3A_9 = arith.constant 40 : i32
    %add3A_10 = arith.addi %mul3A_0, %add3A_9 : i32
    %run_scoped3A_11 = arith.constant 0 : i32
    "tpu.region"() ({
      %run_scoped3A_387 = tpu.sem_alloc : memref<!tpu.dma_semaphore, #tpu.memory_space<semaphore_mem>>
      %dma_start3A_388 = arith.constant 0 : i32
      %dma_start3A_389 = arith.constant 0 : i32
      %dma_start3A_390 = tpu.memref_slice %arg13[%run_scoped3A_11, %dma_start3A_388, %dma_start3A_389] : memref<3x40x128xf32, #tpu.memory_space<vmem>> -> memref<1x40x128xf32, #tpu.memory_space<vmem>>
      %dma_start3A_391 = tpu.memref_squeeze %dma_start3A_390 : memref<1x40x128xf32, #tpu.memory_space<vmem>> -> memref<40x128xf32, #tpu.memory_space<vmem>>
      %dma_start3A_392 = arith.constant 0 : i32
      %dma_start3A_393 = tpu.memref_slice %arg14[%add3A_10, %dma_start3A_392] : memref<10000x128xf32, #tpu.memory_space<vmem_shared>> -> memref<40x128xf32, #tpu.memory_space<vmem_shared>>
      %dma_start3A_394 = arith.constant 0 : i32
      %dma_start3A_395 = tpu.memref_slice %arg14[%add3A_10, %dma_start3A_394] : memref<10000x128xf32, #tpu.memory_space<vmem_shared>> -> memref<40x128xf32, #tpu.memory_space<vmem_shared>>
      %dma_start3A_396 = arith.constant 0 : i32
      %dma_start3A_397 = arith.constant 0 : i32
      %dma_start3A_398 = tpu.memref_slice %arg13[%run_scoped3A_11, %dma_start3A_396, %dma_start3A_397] : memref<3x40x128xf32, #tpu.memory_space<vmem>> -> memref<1x40x128xf32, #tpu.memory_space<vmem>>
      %dma_start3A_399 = tpu.memref_squeeze %dma_start3A_398 : memref<1x40x128xf32, #tpu.memory_space<vmem>> -> memref<40x128xf32, #tpu.memory_space<vmem>>
      tpu.enqueue_dma source(%dma_start3A_399 : memref<40x128xf32, #tpu.memory_space<vmem>>) target(%dma_start3A_395 : memref<40x128xf32, #tpu.memory_space<vmem_shared>>) target_semaphore(%run_scoped3A_387 : memref<!tpu.dma_semaphore, #tpu.memory_space<semaphore_mem>>)
      %dma_wait3A_400 = arith.constant 0 : i32
      %dma_wait3A_401 = arith.constant 0 : i32
      %dma_wait3A_402 = tpu.memref_slice %arg13[%run_scoped3A_11, %dma_wait3A_400, %dma_wait3A_401] : memref<3x40x128xf32, #tpu.memory_space<vmem>> -> memref<1x40x128xf32, #tpu.memory_space<vmem>>
      %dma_wait3A_403 = tpu.memref_squeeze %dma_wait3A_402 : memref<1x40x128xf32, #tpu.memory_space<vmem>> -> memref<40x128xf32, #tpu.memory_space<vmem>>
      %dma_wait3A_404 = arith.constant 0 : i32
      %dma_wait3A_405 = tpu.memref_slice %arg14[%add3A_10, %dma_wait3A_404] : memref<10000x128xf32, #tpu.memory_space<vmem_shared>> -> memref<40x128xf32, #tpu.memory_space<vmem_shared>>
      %dma_wait3A_406 = arith.constant 0 : i32
      %dma_wait3A_407 = tpu.memref_slice %arg14[%add3A_10, %dma_wait3A_406] : memref<10000x128xf32, #tpu.memory_space<vmem_shared>> -> memref<40x128xf32, #tpu.memory_space<vmem_shared>>
      %dma_wait3A_408 = arith.constant 0 : i32
      %dma_wait3A_409 = arith.constant 0 : i32
      %dma_wait3A_410 = tpu.memref_slice %arg13[%run_scoped3A_11, %dma_wait3A_408, %dma_wait3A_409] : memref<3x40x128xf32, #tpu.memory_space<vmem>> -> memref<1x40x128xf32, #tpu.memory_space<vmem>>
      %dma_wait3A_411 = tpu.memref_squeeze %dma_wait3A_410 : memref<1x40x128xf32, #tpu.memory_space<vmem>> -> memref<40x128xf32, #tpu.memory_space<vmem>>
      tpu.wait_dma2 semaphore(%run_scoped3A_387 : memref<!tpu.dma_semaphore, #tpu.memory_space<semaphore_mem>>) src(%dma_wait3A_411 : memref<40x128xf32, #tpu.memory_space<vmem>>) dst(%dma_wait3A_407 : memref<40x128xf32, #tpu.memory_space<vmem_shared>>)
      tpu.yield
    }) : () -> ()
    %add3A_12 = arith.constant 80 : i32
    %add3A_13 = arith.addi %mul3A_0, %add3A_12 : i32
    %run_scoped3A_14 = arith.constant 0 : i32
    "tpu.region"() ({
      %run_scoped3A_387 = tpu.sem_alloc : memref<!tpu.dma_semaphore, #tpu.memory_space<semaphore_mem>>
      %dma_start3A_388 = arith.constant 0 : i32
      %dma_start3A_389 = arith.constant 0 : i32
      %dma_start3A_390 = tpu.memref_slice %arg13[%run_scoped3A_14, %dma_start3A_388, %dma_start3A_389] : memref<3x40x128xf32, #tpu.memory_space<vmem>> -> memref<1x40x128xf32, #tpu.memory_space<vmem>>
      %dma_start3A_391 = tpu.memref_squeeze %dma_start3A_390 : memref<1x40x128xf32, #tpu.memory_space<vmem>> -> memref<40x128xf32, #tpu.memory_space<vmem>>
      %dma_start3A_392 = arith.constant 0 : i32
      %dma_start3A_393 = tpu.memref_slice %arg14[%add3A_13, %dma_start3A_392] : memref<10000x128xf32, #tpu.memory_space<vmem_shared>> -> memref<40x128xf32, #tpu.memory_space<vmem_shared>>
      %dma_start3A_394 = arith.constant 0 : i32
      %dma_start3A_395 = tpu.memref_slice %arg14[%add3A_13, %dma_start3A_394] : memref<10000x128xf32, #tpu.memory_space<vmem_shared>> -> memref<40x128xf32, #tpu.memory_space<vmem_shared>>
      %dma_start3A_396 = arith.constant 0 : i32
      %dma_start3A_397 = arith.constant 0 : i32
      %dma_start3A_398 = tpu.memref_slice %arg13[%run_scoped3A_14, %dma_start3A_396, %dma_start3A_397] : memref<3x40x128xf32, #tpu.memory_space<vmem>> -> memref<1x40x128xf32, #tpu.memory_space<vmem>>
      %dma_start3A_399 = tpu.memref_squeeze %dma_start3A_398 : memref<1x40x128xf32, #tpu.memory_space<vmem>> -> memref<40x128xf32, #tpu.memory_space<vmem>>
      tpu.enqueue_dma source(%dma_start3A_399 : memref<40x128xf32, #tpu.memory_space<vmem>>) target(%dma_start3A_395 : memref<40x128xf32, #tpu.memory_space<vmem_shared>>) target_semaphore(%run_scoped3A_387 : memref<!tpu.dma_semaphore, #tpu.memory_space<semaphore_mem>>)
      %dma_wait3A_400 = arith.constant 0 : i32
      %dma_wait3A_401 = arith.constant 0 : i32
      %dma_wait3A_402 = tpu.memref_slice %arg13[%run_scoped3A_14, %dma_wait3A_400, %dma_wait3A_401] : memref<3x40x128xf32, #tpu.memory_space<vmem>> -> memref<1x40x128xf32, #tpu.memory_space<vmem>>
      %dma_wait3A_403 = tpu.memref_squeeze %dma_wait3A_402 : memref<1x40x128xf32, #tpu.memory_space<vmem>> -> memref<40x128xf32, #tpu.memory_space<vmem>>
      %dma_wait3A_404 = arith.constant 0 : i32
      %dma_wait3A_405 = tpu.memref_slice %arg14[%add3A_13, %dma_wait3A_404] : memref<10000x128xf32, #tpu.memory_space<vmem_shared>> -> memref<40x128xf32, #tpu.memory_space<vmem_shared>>
      %dma_wait3A_406 = arith.constant 0 : i32
      %dma_wait3A_407 = tpu.memref_slice %arg14[%add3A_13, %dma_wait3A_406] : memref<10000x128xf32, #tpu.memory_space<vmem_shared>> -> memref<40x128xf32, #tpu.memory_space<vmem_shared>>
      %dma_wait3A_408 = arith.constant 0 : i32
      %dma_wait3A_409 = arith.constant 0 : i32
      %dma_wait3A_410 = tpu.memref_slice %arg13[%run_scoped3A_14, %dma_wait3A_408, %dma_wait3A_409] : memref<3x40x128xf32, #tpu.memory_space<vmem>> -> memref<1x40x128xf32, #tpu.memory_space<vmem>>
      %dma_wait3A_411 = tpu.memref_squeeze %dma_wait3A_410 : memref<1x40x128xf32, #tpu.memory_space<vmem>> -> memref<40x128xf32, #tpu.memory_space<vmem>>
      tpu.wait_dma2 semaphore(%run_scoped3A_387 : memref<!tpu.dma_semaphore, #tpu.memory_space<semaphore_mem>>) src(%dma_wait3A_411 : memref<40x128xf32, #tpu.memory_space<vmem>>) dst(%dma_wait3A_407 : memref<40x128xf32, #tpu.memory_space<vmem_shared>>)
      tpu.yield
    }) : () -> ()
    %add3A_15 = arith.constant 120 : i32
    %add3A_16 = arith.addi %mul3A_0, %add3A_15 : i32
    %run_scoped3A_17 = arith.constant 0 : i32
    "tpu.region"() ({
      %run_scoped3A_387 = tpu.sem_alloc : memref<!tpu.dma_semaphore, #tpu.memory_space<semaphore_mem>>
      %dma_start3A_388 = arith.constant 0 : i32
      %dma_start3A_389 = arith.constant 0 : i32
      %dma_start3A_390 = tpu.memref_slice %arg13[%run_scoped3A_17, %dma_start3A_388, %dma_start3A_389] : memref<3x40x128xf32, #tpu.memory_space<vmem>> -> memref<1x40x128xf32, #tpu.memory_space<vmem>>
      %dma_start3A_391 = tpu.memref_squeeze %dma_start3A_390 : memref<1x40x128xf32, #tpu.memory_space<vmem>> -> memref<40x128xf32, #tpu.memory_space<vmem>>
      %dma_start3A_392 = arith.constant 0 : i32
      %dma_start3A_393 = tpu.memref_slice %arg14[%add3A_16, %dma_start3A_392] : memref<10000x128xf32, #tpu.memory_space<vmem_shared>> -> memref<40x128xf32, #tpu.memory_space<vmem_shared>>
      %dma_start3A_394 = arith.constant 0 : i32
      %dma_start3A_395 = tpu.memref_slice %arg14[%add3A_16, %dma_start3A_394] : memref<10000x128xf32, #tpu.memory_space<vmem_shared>> -> memref<40x128xf32, #tpu.memory_space<vmem_shared>>
      %dma_start3A_396 = arith.constant 0 : i32
      %dma_start3A_397 = arith.constant 0 : i32
      %dma_start3A_398 = tpu.memref_slice %arg13[%run_scoped3A_17, %dma_start3A_396, %dma_start3A_397] : memref<3x40x128xf32, #tpu.memory_space<vmem>> -> memref<1x40x128xf32, #tpu.memory_space<vmem>>
      %dma_start3A_399 = tpu.memref_squeeze %dma_start3A_398 : memref<1x40x128xf32, #tpu.memory_space<vmem>> -> memref<40x128xf32, #tpu.memory_space<vmem>>
      tpu.enqueue_dma source(%dma_start3A_399 : memref<40x128xf32, #tpu.memory_space<vmem>>) target(%dma_start3A_395 : memref<40x128xf32, #tpu.memory_space<vmem_shared>>) target_semaphore(%run_scoped3A_387 : memref<!tpu.dma_semaphore, #tpu.memory_space<semaphore_mem>>)
      %dma_wait3A_400 = arith.constant 0 : i32
      %dma_wait3A_401 = arith.constant 0 : i32
      %dma_wait3A_402 = tpu.memref_slice %arg13[%run_scoped3A_17, %dma_wait3A_400, %dma_wait3A_401] : memref<3x40x128xf32, #tpu.memory_space<vmem>> -> memref<1x40x128xf32, #tpu.memory_space<vmem>>
      %dma_wait3A_403 = tpu.memref_squeeze %dma_wait3A_402 : memref<1x40x128xf32, #tpu.memory_space<vmem>> -> memref<40x128xf32, #tpu.memory_space<vmem>>
      %dma_wait3A_404 = arith.constant 0 : i32
      %dma_wait3A_405 = tpu.memref_slice %arg14[%add3A_16, %dma_wait3A_404] : memref<10000x128xf32, #tpu.memory_space<vmem_shared>> -> memref<40x128xf32, #tpu.memory_space<vmem_shared>>
      %dma_wait3A_406 = arith.constant 0 : i32
      %dma_wait3A_407 = tpu.memref_slice %arg14[%add3A_16, %dma_wait3A_406] : memref<10000x128xf32, #tpu.memory_space<vmem_shared>> -> memref<40x128xf32, #tpu.memory_space<vmem_shared>>
      %dma_wait3A_408 = arith.constant 0 : i32
      %dma_wait3A_409 = arith.constant 0 : i32
      %dma_wait3A_410 = tpu.memref_slice %arg13[%run_scoped3A_17, %dma_wait3A_408, %dma_wait3A_409] : memref<3x40x128xf32, #tpu.memory_space<vmem>> -> memref<1x40x128xf32, #tpu.memory_space<vmem>>
      %dma_wait3A_411 = tpu.memref_squeeze %dma_wait3A_410 : memref<1x40x128xf32, #tpu.memory_space<vmem>> -> memref<40x128xf32, #tpu.memory_space<vmem>>
      tpu.wait_dma2 semaphore(%run_scoped3A_387 : memref<!tpu.dma_semaphore, #tpu.memory_space<semaphore_mem>>) src(%dma_wait3A_411 : memref<40x128xf32, #tpu.memory_space<vmem>>) dst(%dma_wait3A_407 : memref<40x128xf32, #tpu.memory_space<vmem_shared>>)
      tpu.yield
    }) : () -> ()
    %add3A_18 = arith.constant 160 : i32
    %add3A_19 = arith.addi %mul3A_0, %add3A_18 : i32
    %run_scoped3A_20 = arith.constant 0 : i32
    "tpu.region"() ({
      %run_scoped3A_387 = tpu.sem_alloc : memref<!tpu.dma_semaphore, #tpu.memory_space<semaphore_mem>>
      %dma_start3A_388 = arith.constant 0 : i32
      %dma_start3A_389 = arith.constant 0 : i32
      %dma_start3A_390 = tpu.memref_slice %arg13[%run_scoped3A_20, %dma_start3A_388, %dma_start3A_389] : memref<3x40x128xf32, #tpu.memory_space<vmem>> -> memref<1x40x128xf32, #tpu.memory_space<vmem>>
      %dma_start3A_391 = tpu.memref_squeeze %dma_start3A_390 : memref<1x40x128xf32, #tpu.memory_space<vmem>> -> memref<40x128xf32, #tpu.memory_space<vmem>>
      %dma_start3A_392 = arith.constant 0 : i32
      %dma_start3A_393 = tpu.memref_slice %arg14[%add3A_19, %dma_start3A_392] : memref<10000x128xf32, #tpu.memory_space<vmem_shared>> -> memref<40x128xf32, #tpu.memory_space<vmem_shared>>
      %dma_start3A_394 = arith.constant 0 : i32
      %dma_start3A_395 = tpu.memref_slice %arg14[%add3A_19, %dma_start3A_394] : memref<10000x128xf32, #tpu.memory_space<vmem_shared>> -> memref<40x128xf32, #tpu.memory_space<vmem_shared>>
      %dma_start3A_396 = arith.constant 0 : i32
      %dma_start3A_397 = arith.constant 0 : i32
      %dma_start3A_398 = tpu.memref_slice %arg13[%run_scoped3A_20, %dma_start3A_396, %dma_start3A_397] : memref<3x40x128xf32, #tpu.memory_space<vmem>> -> memref<1x40x128xf32, #tpu.memory_space<vmem>>
      %dma_start3A_399 = tpu.memref_squeeze %dma_start3A_398 : memref<1x40x128xf32, #tpu.memory_space<vmem>> -> memref<40x128xf32, #tpu.memory_space<vmem>>
      tpu.enqueue_dma source(%dma_start3A_399 : memref<40x128xf32, #tpu.memory_space<vmem>>) target(%dma_start3A_395 : memref<40x128xf32, #tpu.memory_space<vmem_shared>>) target_semaphore(%run_scoped3A_387 : memref<!tpu.dma_semaphore, #tpu.memory_space<semaphore_mem>>)
      %dma_wait3A_400 = arith.constant 0 : i32
      %dma_wait3A_401 = arith.constant 0 : i32
      %dma_wait3A_402 = tpu.memref_slice %arg13[%run_scoped3A_20, %dma_wait3A_400, %dma_wait3A_401] : memref<3x40x128xf32, #tpu.memory_space<vmem>> -> memref<1x40x128xf32, #tpu.memory_space<vmem>>
      %dma_wait3A_403 = tpu.memref_squeeze %dma_wait3A_402 : memref<1x40x128xf32, #tpu.memory_space<vmem>> -> memref<40x128xf32, #tpu.memory_space<vmem>>
      %dma_wait3A_404 = arith.constant 0 : i32
      %dma_wait3A_405 = tpu.memref_slice %arg14[%add3A_19, %dma_wait3A_404] : memref<10000x128xf32, #tpu.memory_space<vmem_shared>> -> memref<40x128xf32, #tpu.memory_space<vmem_shared>>
      %dma_wait3A_406 = arith.constant 0 : i32
      %dma_wait3A_407 = tpu.memref_slice %arg14[%add3A_19, %dma_wait3A_406] : memref<10000x128xf32, #tpu.memory_space<vmem_shared>> -> memref<40x128xf32, #tpu.memory_space<vmem_shared>>
      %dma_wait3A_408 = arith.constant 0 : i32
      %dma_wait3A_409 = arith.constant 0 : i32
      %dma_wait3A_410 = tpu.memref_slice %arg13[%run_scoped3A_20, %dma_wait3A_408, %dma_wait3A_409] : memref<3x40x128xf32, #tpu.memory_space<vmem>> -> memref<1x40x128xf32, #tpu.memory_space<vmem>>
      %dma_wait3A_411 = tpu.memref_squeeze %dma_wait3A_410 : memref<1x40x128xf32, #tpu.memory_space<vmem>> -> memref<40x128xf32, #tpu.memory_space<vmem>>
      tpu.wait_dma2 semaphore(%run_scoped3A_387 : memref<!tpu.dma_semaphore, #tpu.memory_space<semaphore_mem>>) src(%dma_wait3A_411 : memref<40x128xf32, #tpu.memory_space<vmem>>) dst(%dma_wait3A_407 : memref<40x128xf32, #tpu.memory_space<vmem_shared>>)
      tpu.yield
    }) : () -> ()
    %add3A_21 = arith.constant 200 : i32
    %add3A_22 = arith.addi %mul3A_0, %add3A_21 : i32
    %run_scoped3A_23 = arith.constant 0 : i32
    "tpu.region"() ({
      %run_scoped3A_387 = tpu.sem_alloc : memref<!tpu.dma_semaphore, #tpu.memory_space<semaphore_mem>>
      %dma_start3A_388 = arith.constant 0 : i32
      %dma_start3A_389 = arith.constant 0 : i32
      %dma_start3A_390 = tpu.memref_slice %arg13[%run_scoped3A_23, %dma_start3A_388, %dma_start3A_389] : memref<3x40x128xf32, #tpu.memory_space<vmem>> -> memref<1x40x128xf32, #tpu.memory_space<vmem>>
      %dma_start3A_391 = tpu.memref_squeeze %dma_start3A_390 : memref<1x40x128xf32, #tpu.memory_space<vmem>> -> memref<40x128xf32, #tpu.memory_space<vmem>>
      %dma_start3A_392 = arith.constant 0 : i32
      %dma_start3A_393 = tpu.memref_slice %arg14[%add3A_22, %dma_start3A_392] : memref<10000x128xf32, #tpu.memory_space<vmem_shared>> -> memref<40x128xf32, #tpu.memory_space<vmem_shared>>
      %dma_start3A_394 = arith.constant 0 : i32
      %dma_start3A_395 = tpu.memref_slice %arg14[%add3A_22, %dma_start3A_394] : memref<10000x128xf32, #tpu.memory_space<vmem_shared>> -> memref<40x128xf32, #tpu.memory_space<vmem_shared>>
      %dma_start3A_396 = arith.constant 0 : i32
      %dma_start3A_397 = arith.constant 0 : i32
      %dma_start3A_398 = tpu.memref_slice %arg13[%run_scoped3A_23, %dma_start3A_396, %dma_start3A_397] : memref<3x40x128xf32, #tpu.memory_space<vmem>> -> memref<1x40x128xf32, #tpu.memory_space<vmem>>
      %dma_start3A_399 = tpu.memref_squeeze %dma_start3A_398 : memref<1x40x128xf32, #tpu.memory_space<vmem>> -> memref<40x128xf32, #tpu.memory_space<vmem>>
      tpu.enqueue_dma source(%dma_start3A_399 : memref<40x128xf32, #tpu.memory_space<vmem>>) target(%dma_start3A_395 : memref<40x128xf32, #tpu.memory_space<vmem_shared>>) target_semaphore(%run_scoped3A_387 : memref<!tpu.dma_semaphore, #tpu.memory_space<semaphore_mem>>)
      %dma_wait3A_400 = arith.constant 0 : i32
      %dma_wait3A_401 = arith.constant 0 : i32
      %dma_wait3A_402 = tpu.memref_slice %arg13[%run_scoped3A_23, %dma_wait3A_400, %dma_wait3A_401] : memref<3x40x128xf32, #tpu.memory_space<vmem>> -> memref<1x40x128xf32, #tpu.memory_space<vmem>>
      %dma_wait3A_403 = tpu.memref_squeeze %dma_wait3A_402 : memref<1x40x128xf32, #tpu.memory_space<vmem>> -> memref<40x128xf32, #tpu.memory_space<vmem>>
      %dma_wait3A_404 = arith.constant 0 : i32
      %dma_wait3A_405 = tpu.memref_slice %arg14[%add3A_22, %dma_wait3A_404] : memref<10000x128xf32, #tpu.memory_space<vmem_shared>> -> memref<40x128xf32, #tpu.memory_space<vmem_shared>>
      %dma_wait3A_406 = arith.constant 0 : i32
      %dma_wait3A_407 = tpu.memref_slice %arg14[%add3A_22, %dma_wait3A_406] : memref<10000x128xf32, #tpu.memory_space<vmem_shared>> -> memref<40x128xf32, #tpu.memory_space<vmem_shared>>
      %dma_wait3A_408 = arith.constant 0 : i32
      %dma_wait3A_409 = arith.constant 0 : i32
      %dma_wait3A_410 = tpu.memref_slice %arg13[%run_scoped3A_23, %dma_wait3A_408, %dma_wait3A_409] : memref<3x40x128xf32, #tpu.memory_space<vmem>> -> memref<1x40x128xf32, #tpu.memory_space<vmem>>
      %dma_wait3A_411 = tpu.memref_squeeze %dma_wait3A_410 : memref<1x40x128xf32, #tpu.memory_space<vmem>> -> memref<40x128xf32, #tpu.memory_space<vmem>>
      tpu.wait_dma2 semaphore(%run_scoped3A_387 : memref<!tpu.dma_semaphore, #tpu.memory_space<semaphore_mem>>) src(%dma_wait3A_411 : memref<40x128xf32, #tpu.memory_space<vmem>>) dst(%dma_wait3A_407 : memref<40x128xf32, #tpu.memory_space<vmem_shared>>)
      tpu.yield
    }) : () -> ()
    %add3A_24 = arith.constant 240 : i32
    %add3A_25 = arith.addi %mul3A_0, %add3A_24 : i32
    %run_scoped3A_26 = arith.constant 0 : i32
    "tpu.region"() ({
      %run_scoped3A_387 = tpu.sem_alloc : memref<!tpu.dma_semaphore, #tpu.memory_space<semaphore_mem>>
      %dma_start3A_388 = arith.constant 0 : i32
      %dma_start3A_389 = arith.constant 0 : i32
      %dma_start3A_390 = tpu.memref_slice %arg13[%run_scoped3A_26, %dma_start3A_388, %dma_start3A_389] : memref<3x40x128xf32, #tpu.memory_space<vmem>> -> memref<1x40x128xf32, #tpu.memory_space<vmem>>
      %dma_start3A_391 = tpu.memref_squeeze %dma_start3A_390 : memref<1x40x128xf32, #tpu.memory_space<vmem>> -> memref<40x128xf32, #tpu.memory_space<vmem>>
      %dma_start3A_392 = arith.constant 0 : i32
      %dma_start3A_393 = tpu.memref_slice %arg14[%add3A_25, %dma_start3A_392] : memref<10000x128xf32, #tpu.memory_space<vmem_shared>> -> memref<40x128xf32, #tpu.memory_space<vmem_shared>>
      %dma_start3A_394 = arith.constant 0 : i32
      %dma_start3A_395 = tpu.memref_slice %arg14[%add3A_25, %dma_start3A_394] : memref<10000x128xf32, #tpu.memory_space<vmem_shared>> -> memref<40x128xf32, #tpu.memory_space<vmem_shared>>
      %dma_start3A_396 = arith.constant 0 : i32
      %dma_start3A_397 = arith.constant 0 : i32
      %dma_start3A_398 = tpu.memref_slice %arg13[%run_scoped3A_26, %dma_start3A_396, %dma_start3A_397] : memref<3x40x128xf32, #tpu.memory_space<vmem>> -> memref<1x40x128xf32, #tpu.memory_space<vmem>>
      %dma_start3A_399 = tpu.memref_squeeze %dma_start3A_398 : memref<1x40x128xf32, #tpu.memory_space<vmem>> -> memref<40x128xf32, #tpu.memory_space<vmem>>
      tpu.enqueue_dma source(%dma_start3A_399 : memref<40x128xf32, #tpu.memory_space<vmem>>) target(%dma_start3A_395 : memref<40x128xf32, #tpu.memory_space<vmem_shared>>) target_semaphore(%run_scoped3A_387 : memref<!tpu.dma_semaphore, #tpu.memory_space<semaphore_mem>>)
      %dma_wait3A_400 = arith.constant 0 : i32
      %dma_wait3A_401 = arith.constant 0 : i32
      %dma_wait3A_402 = tpu.memref_slice %arg13[%run_scoped3A_26, %dma_wait3A_400, %dma_wait3A_401] : memref<3x40x128xf32, #tpu.memory_space<vmem>> -> memref<1x40x128xf32, #tpu.memory_space<vmem>>
      %dma_wait3A_403 = tpu.memref_squeeze %dma_wait3A_402 : memref<1x40x128xf32, #tpu.memory_space<vmem>> -> memref<40x128xf32, #tpu.memory_space<vmem>>
      %dma_wait3A_404 = arith.constant 0 : i32
      %dma_wait3A_405 = tpu.memref_slice %arg14[%add3A_25, %dma_wait3A_404] : memref<10000x128xf32, #tpu.memory_space<vmem_shared>> -> memref<40x128xf32, #tpu.memory_space<vmem_shared>>
      %dma_wait3A_406 = arith.constant 0 : i32
      %dma_wait3A_407 = tpu.memref_slice %arg14[%add3A_25, %dma_wait3A_406] : memref<10000x128xf32, #tpu.memory_space<vmem_shared>> -> memref<40x128xf32, #tpu.memory_space<vmem_shared>>
      %dma_wait3A_408 = arith.constant 0 : i32
      %dma_wait3A_409 = arith.constant 0 : i32
      %dma_wait3A_410 = tpu.memref_slice %arg13[%run_scoped3A_26, %dma_wait3A_408, %dma_wait3A_409] : memref<3x40x128xf32, #tpu.memory_space<vmem>> -> memref<1x40x128xf32, #tpu.memory_space<vmem>>
      %dma_wait3A_411 = tpu.memref_squeeze %dma_wait3A_410 : memref<1x40x128xf32, #tpu.memory_space<vmem>> -> memref<40x128xf32, #tpu.memory_space<vmem>>
      tpu.wait_dma2 semaphore(%run_scoped3A_387 : memref<!tpu.dma_semaphore, #tpu.memory_space<semaphore_mem>>) src(%dma_wait3A_411 : memref<40x128xf32, #tpu.memory_space<vmem>>) dst(%dma_wait3A_407 : memref<40x128xf32, #tpu.memory_space<vmem_shared>>)
      tpu.yield
    }) : () -> ()
    %add3A_27 = arith.constant 280 : i32
    %add3A_28 = arith.addi %mul3A_0, %add3A_27 : i32
    %run_scoped3A_29 = arith.constant 0 : i32
    "tpu.region"() ({
      %run_scoped3A_387 = tpu.sem_alloc : memref<!tpu.dma_semaphore, #tpu.memory_space<semaphore_mem>>
      %dma_start3A_388 = arith.constant 0 : i32
      %dma_start3A_389 = arith.constant 0 : i32
      %dma_start3A_390 = tpu.memref_slice %arg13[%run_scoped3A_29, %dma_start3A_388, %dma_start3A_389] : memref<3x40x128xf32, #tpu.memory_space<vmem>> -> memref<1x40x128xf32, #tpu.memory_space<vmem>>
      %dma_start3A_391 = tpu.memref_squeeze %dma_start3A_390 : memref<1x40x128xf32, #tpu.memory_space<vmem>> -> memref<40x128xf32, #tpu.memory_space<vmem>>
      %dma_start3A_392 = arith.constant 0 : i32
      %dma_start3A_393 = tpu.memref_slice %arg14[%add3A_28, %dma_start3A_392] : memref<10000x128xf32, #tpu.memory_space<vmem_shared>> -> memref<40x128xf32, #tpu.memory_space<vmem_shared>>
      %dma_start3A_394 = arith.constant 0 : i32
      %dma_start3A_395 = tpu.memref_slice %arg14[%add3A_28, %dma_start3A_394] : memref<10000x128xf32, #tpu.memory_space<vmem_shared>> -> memref<40x128xf32, #tpu.memory_space<vmem_shared>>
      %dma_start3A_396 = arith.constant 0 : i32
      %dma_start3A_397 = arith.constant 0 : i32
      %dma_start3A_398 = tpu.memref_slice %arg13[%run_scoped3A_29, %dma_start3A_396, %dma_start3A_397] : memref<3x40x128xf32, #tpu.memory_space<vmem>> -> memref<1x40x128xf32, #tpu.memory_space<vmem>>
      %dma_start3A_399 = tpu.memref_squeeze %dma_start3A_398 : memref<1x40x128xf32, #tpu.memory_space<vmem>> -> memref<40x128xf32, #tpu.memory_space<vmem>>
      tpu.enqueue_dma source(%dma_start3A_399 : memref<40x128xf32, #tpu.memory_space<vmem>>) target(%dma_start3A_395 : memref<40x128xf32, #tpu.memory_space<vmem_shared>>) target_semaphore(%run_scoped3A_387 : memref<!tpu.dma_semaphore, #tpu.memory_space<semaphore_mem>>)
      %dma_wait3A_400 = arith.constant 0 : i32
      %dma_wait3A_401 = arith.constant 0 : i32
      %dma_wait3A_402 = tpu.memref_slice %arg13[%run_scoped3A_29, %dma_wait3A_400, %dma_wait3A_401] : memref<3x40x128xf32, #tpu.memory_space<vmem>> -> memref<1x40x128xf32, #tpu.memory_space<vmem>>
      %dma_wait3A_403 = tpu.memref_squeeze %dma_wait3A_402 : memref<1x40x128xf32, #tpu.memory_space<vmem>> -> memref<40x128xf32, #tpu.memory_space<vmem>>
      %dma_wait3A_404 = arith.constant 0 : i32
      %dma_wait3A_405 = tpu.memref_slice %arg14[%add3A_28, %dma_wait3A_404] : memref<10000x128xf32, #tpu.memory_space<vmem_shared>> -> memref<40x128xf32, #tpu.memory_space<vmem_shared>>
      %dma_wait3A_406 = arith.constant 0 : i32
      %dma_wait3A_407 = tpu.memref_slice %arg14[%add3A_28, %dma_wait3A_406] : memref<10000x128xf32, #tpu.memory_space<vmem_shared>> -> memref<40x128xf32, #tpu.memory_space<vmem_shared>>
      %dma_wait3A_408 = arith.constant 0 : i32
      %dma_wait3A_409 = arith.constant 0 : i32
      %dma_wait3A_410 = tpu.memref_slice %arg13[%run_scoped3A_29, %dma_wait3A_408, %dma_wait3A_409] : memref<3x40x128xf32, #tpu.memory_space<vmem>> -> memref<1x40x128xf32, #tpu.memory_space<vmem>>
      %dma_wait3A_411 = tpu.memref_squeeze %dma_wait3A_410 : memref<1x40x128xf32, #tpu.memory_space<vmem>> -> memref<40x128xf32, #tpu.memory_space<vmem>>
      tpu.wait_dma2 semaphore(%run_scoped3A_387 : memref<!tpu.dma_semaphore, #tpu.memory_space<semaphore_mem>>) src(%dma_wait3A_411 : memref<40x128xf32, #tpu.memory_space<vmem>>) dst(%dma_wait3A_407 : memref<40x128xf32, #tpu.memory_space<vmem_shared>>)
      tpu.yield
    }) : () -> ()
    %add3A_30 = arith.constant 320 : i32
    %add3A_31 = arith.addi %mul3A_0, %add3A_30 : i32
    %run_scoped3A_32 = arith.constant 0 : i32
    "tpu.region"() ({
      %run_scoped3A_387 = tpu.sem_alloc : memref<!tpu.dma_semaphore, #tpu.memory_space<semaphore_mem>>
      %dma_start3A_388 = arith.constant 0 : i32
      %dma_start3A_389 = arith.constant 0 : i32
      %dma_start3A_390 = tpu.memref_slice %arg13[%run_scoped3A_32, %dma_start3A_388, %dma_start3A_389] : memref<3x40x128xf32, #tpu.memory_space<vmem>> -> memref<1x40x128xf32, #tpu.memory_space<vmem>>
      %dma_start3A_391 = tpu.memref_squeeze %dma_start3A_390 : memref<1x40x128xf32, #tpu.memory_space<vmem>> -> memref<40x128xf32, #tpu.memory_space<vmem>>
      %dma_start3A_392 = arith.constant 0 : i32
      %dma_start3A_393 = tpu.memref_slice %arg14[%add3A_31, %dma_start3A_392] : memref<10000x128xf32, #tpu.memory_space<vmem_shared>> -> memref<40x128xf32, #tpu.memory_space<vmem_shared>>
      %dma_start3A_394 = arith.constant 0 : i32
      %dma_start3A_395 = tpu.memref_slice %arg14[%add3A_31, %dma_start3A_394] : memref<10000x128xf32, #tpu.memory_space<vmem_shared>> -> memref<40x128xf32, #tpu.memory_space<vmem_shared>>
      %dma_start3A_396 = arith.constant 0 : i32
      %dma_start3A_397 = arith.constant 0 : i32
      %dma_start3A_398 = tpu.memref_slice %arg13[%run_scoped3A_32, %dma_start3A_396, %dma_start3A_397] : memref<3x40x128xf32, #tpu.memory_space<vmem>> -> memref<1x40x128xf32, #tpu.memory_space<vmem>>
      %dma_start3A_399 = tpu.memref_squeeze %dma_start3A_398 : memref<1x40x128xf32, #tpu.memory_space<vmem>> -> memref<40x128xf32, #tpu.memory_space<vmem>>
      tpu.enqueue_dma source(%dma_start3A_399 : memref<40x128xf32, #tpu.memory_space<vmem>>) target(%dma_start3A_395 : memref<40x128xf32, #tpu.memory_space<vmem_shared>>) target_semaphore(%run_scoped3A_387 : memref<!tpu.dma_semaphore, #tpu.memory_space<semaphore_mem>>)
      %dma_wait3A_400 = arith.constant 0 : i32
      %dma_wait3A_401 = arith.constant 0 : i32
      %dma_wait3A_402 = tpu.memref_slice %arg13[%run_scoped3A_32, %dma_wait3A_400, %dma_wait3A_401] : memref<3x40x128xf32, #tpu.memory_space<vmem>> -> memref<1x40x128xf32, #tpu.memory_space<vmem>>
      %dma_wait3A_403 = tpu.memref_squeeze %dma_wait3A_402 : memref<1x40x128xf32, #tpu.memory_space<vmem>> -> memref<40x128xf32, #tpu.memory_space<vmem>>
      %dma_wait3A_404 = arith.constant 0 : i32
      %dma_wait3A_405 = tpu.memref_slice %arg14[%add3A_31, %dma_wait3A_404] : memref<10000x128xf32, #tpu.memory_space<vmem_shared>> -> memref<40x128xf32, #tpu.memory_space<vmem_shared>>
      %dma_wait3A_406 = arith.constant 0 : i32
      %dma_wait3A_407 = tpu.memref_slice %arg14[%add3A_31, %dma_wait3A_406] : memref<10000x128xf32, #tpu.memory_space<vmem_shared>> -> memref<40x128xf32, #tpu.memory_space<vmem_shared>>
      %dma_wait3A_408 = arith.constant 0 : i32
      %dma_wait3A_409 = arith.constant 0 : i32
      %dma_wait3A_410 = tpu.memref_slice %arg13[%run_scoped3A_32, %dma_wait3A_408, %dma_wait3A_409] : memref<3x40x128xf32, #tpu.memory_space<vmem>> -> memref<1x40x128xf32, #tpu.memory_space<vmem>>
      %dma_wait3A_411 = tpu.memref_squeeze %dma_wait3A_410 : memref<1x40x128xf32, #tpu.memory_space<vmem>> -> memref<40x128xf32, #tpu.memory_space<vmem>>
      tpu.wait_dma2 semaphore(%run_scoped3A_387 : memref<!tpu.dma_semaphore, #tpu.memory_space<semaphore_mem>>) src(%dma_wait3A_411 : memref<40x128xf32, #tpu.memory_space<vmem>>) dst(%dma_wait3A_407 : memref<40x128xf32, #tpu.memory_space<vmem_shared>>)
      tpu.yield
    }) : () -> ()
    %add3A_33 = arith.constant 360 : i32
    %add3A_34 = arith.addi %mul3A_0, %add3A_33 : i32
    %run_scoped3A_35 = arith.constant 0 : i32
    "tpu.region"() ({
      %run_scoped3A_387 = tpu.sem_alloc : memref<!tpu.dma_semaphore, #tpu.memory_space<semaphore_mem>>
      %dma_start3A_388 = arith.constant 0 : i32
      %dma_start3A_389 = arith.constant 0 : i32
      %dma_start3A_390 = tpu.memref_slice %arg13[%run_scoped3A_35, %dma_start3A_388, %dma_start3A_389] : memref<3x40x128xf32, #tpu.memory_space<vmem>> -> memref<1x40x128xf32, #tpu.memory_space<vmem>>
      %dma_start3A_391 = tpu.memref_squeeze %dma_start3A_390 : memref<1x40x128xf32, #tpu.memory_space<vmem>> -> memref<40x128xf32, #tpu.memory_space<vmem>>
      %dma_start3A_392 = arith.constant 0 : i32
      %dma_start3A_393 = tpu.memref_slice %arg14[%add3A_34, %dma_start3A_392] : memref<10000x128xf32, #tpu.memory_space<vmem_shared>> -> memref<40x128xf32, #tpu.memory_space<vmem_shared>>
      %dma_start3A_394 = arith.constant 0 : i32
      %dma_start3A_395 = tpu.memref_slice %arg14[%add3A_34, %dma_start3A_394] : memref<10000x128xf32, #tpu.memory_space<vmem_shared>> -> memref<40x128xf32, #tpu.memory_space<vmem_shared>>
      %dma_start3A_396 = arith.constant 0 : i32
      %dma_start3A_397 = arith.constant 0 : i32
      %dma_start3A_398 = tpu.memref_slice %arg13[%run_scoped3A_35, %dma_start3A_396, %dma_start3A_397] : memref<3x40x128xf32, #tpu.memory_space<vmem>> -> memref<1x40x128xf32, #tpu.memory_space<vmem>>
      %dma_start3A_399 = tpu.memref_squeeze %dma_start3A_398 : memref<1x40x128xf32, #tpu.memory_space<vmem>> -> memref<40x128xf32, #tpu.memory_space<vmem>>
      tpu.enqueue_dma source(%dma_start3A_399 : memref<40x128xf32, #tpu.memory_space<vmem>>) target(%dma_start3A_395 : memref<40x128xf32, #tpu.memory_space<vmem_shared>>) target_semaphore(%run_scoped3A_387 : memref<!tpu.dma_semaphore, #tpu.memory_space<semaphore_mem>>)
      %dma_wait3A_400 = arith.constant 0 : i32
      %dma_wait3A_401 = arith.constant 0 : i32
      %dma_wait3A_402 = tpu.memref_slice %arg13[%run_scoped3A_35, %dma_wait3A_400, %dma_wait3A_401] : memref<3x40x128xf32, #tpu.memory_space<vmem>> -> memref<1x40x128xf32, #tpu.memory_space<vmem>>
      %dma_wait3A_403 = tpu.memref_squeeze %dma_wait3A_402 : memref<1x40x128xf32, #tpu.memory_space<vmem>> -> memref<40x128xf32, #tpu.memory_space<vmem>>
      %dma_wait3A_404 = arith.constant 0 : i32
      %dma_wait3A_405 = tpu.memref_slice %arg14[%add3A_34, %dma_wait3A_404] : memref<10000x128xf32, #tpu.memory_space<vmem_shared>> -> memref<40x128xf32, #tpu.memory_space<vmem_shared>>
      %dma_wait3A_406 = arith.constant 0 : i32
      %dma_wait3A_407 = tpu.memref_slice %arg14[%add3A_34, %dma_wait3A_406] : memref<10000x128xf32, #tpu.memory_space<vmem_shared>> -> memref<40x128xf32, #tpu.memory_space<vmem_shared>>
      %dma_wait3A_408 = arith.constant 0 : i32
      %dma_wait3A_409 = arith.constant 0 : i32
      %dma_wait3A_410 = tpu.memref_slice %arg13[%run_scoped3A_35, %dma_wait3A_408, %dma_wait3A_409] : memref<3x40x128xf32, #tpu.memory_space<vmem>> -> memref<1x40x128xf32, #tpu.memory_space<vmem>>
      %dma_wait3A_411 = tpu.memref_squeeze %dma_wait3A_410 : memref<1x40x128xf32, #tpu.memory_space<vmem>> -> memref<40x128xf32, #tpu.memory_space<vmem>>
      tpu.wait_dma2 semaphore(%run_scoped3A_387 : memref<!tpu.dma_semaphore, #tpu.memory_space<semaphore_mem>>) src(%dma_wait3A_411 : memref<40x128xf32, #tpu.memory_space<vmem>>) dst(%dma_wait3A_407 : memref<40x128xf32, #tpu.memory_space<vmem_shared>>)
      tpu.yield
    }) : () -> ()
    %add3A_36 = arith.constant 400 : i32
    %add3A_37 = arith.addi %mul3A_0, %add3A_36 : i32
    %run_scoped3A_38 = arith.constant 0 : i32
    "tpu.region"() ({
      %run_scoped3A_387 = tpu.sem_alloc : memref<!tpu.dma_semaphore, #tpu.memory_space<semaphore_mem>>
      %dma_start3A_388 = arith.constant 0 : i32
      %dma_start3A_389 = arith.constant 0 : i32
      %dma_start3A_390 = tpu.memref_slice %arg13[%run_scoped3A_38, %dma_start3A_388, %dma_start3A_389] : memref<3x40x128xf32, #tpu.memory_space<vmem>> -> memref<1x40x128xf32, #tpu.memory_space<vmem>>
      %dma_start3A_391 = tpu.memref_squeeze %dma_start3A_390 : memref<1x40x128xf32, #tpu.memory_space<vmem>> -> memref<40x128xf32, #tpu.memory_space<vmem>>
      %dma_start3A_392 = arith.constant 0 : i32
      %dma_start3A_393 = tpu.memref_slice %arg14[%add3A_37, %dma_start3A_392] : memref<10000x128xf32, #tpu.memory_space<vmem_shared>> -> memref<40x128xf32, #tpu.memory_space<vmem_shared>>
      %dma_start3A_394 = arith.constant 0 : i32
      %dma_start3A_395 = tpu.memref_slice %arg14[%add3A_37, %dma_start3A_394] : memref<10000x128xf32, #tpu.memory_space<vmem_shared>> -> memref<40x128xf32, #tpu.memory_space<vmem_shared>>
      %dma_start3A_396 = arith.constant 0 : i32
      %dma_start3A_397 = arith.constant 0 : i32
      %dma_start3A_398 = tpu.memref_slice %arg13[%run_scoped3A_38, %dma_start3A_396, %dma_start3A_397] : memref<3x40x128xf32, #tpu.memory_space<vmem>> -> memref<1x40x128xf32, #tpu.memory_space<vmem>>
      %dma_start3A_399 = tpu.memref_squeeze %dma_start3A_398 : memref<1x40x128xf32, #tpu.memory_space<vmem>> -> memref<40x128xf32, #tpu.memory_space<vmem>>
      tpu.enqueue_dma source(%dma_start3A_399 : memref<40x128xf32, #tpu.memory_space<vmem>>) target(%dma_start3A_395 : memref<40x128xf32, #tpu.memory_space<vmem_shared>>) target_semaphore(%run_scoped3A_387 : memref<!tpu.dma_semaphore, #tpu.memory_space<semaphore_mem>>)
      %dma_wait3A_400 = arith.constant 0 : i32
      %dma_wait3A_401 = arith.constant 0 : i32
      %dma_wait3A_402 = tpu.memref_slice %arg13[%run_scoped3A_38, %dma_wait3A_400, %dma_wait3A_401] : memref<3x40x128xf32, #tpu.memory_space<vmem>> -> memref<1x40x128xf32, #tpu.memory_space<vmem>>
      %dma_wait3A_403 = tpu.memref_squeeze %dma_wait3A_402 : memref<1x40x128xf32, #tpu.memory_space<vmem>> -> memref<40x128xf32, #tpu.memory_space<vmem>>
      %dma_wait3A_404 = arith.constant 0 : i32
      %dma_wait3A_405 = tpu.memref_slice %arg14[%add3A_37, %dma_wait3A_404] : memref<10000x128xf32, #tpu.memory_space<vmem_shared>> -> memref<40x128xf32, #tpu.memory_space<vmem_shared>>
      %dma_wait3A_406 = arith.constant 0 : i32
      %dma_wait3A_407 = tpu.memref_slice %arg14[%add3A_37, %dma_wait3A_406] : memref<10000x128xf32, #tpu.memory_space<vmem_shared>> -> memref<40x128xf32, #tpu.memory_space<vmem_shared>>
      %dma_wait3A_408 = arith.constant 0 : i32
      %dma_wait3A_409 = arith.constant 0 : i32
      %dma_wait3A_410 = tpu.memref_slice %arg13[%run_scoped3A_38, %dma_wait3A_408, %dma_wait3A_409] : memref<3x40x128xf32, #tpu.memory_space<vmem>> -> memref<1x40x128xf32, #tpu.memory_space<vmem>>
      %dma_wait3A_411 = tpu.memref_squeeze %dma_wait3A_410 : memref<1x40x128xf32, #tpu.memory_space<vmem>> -> memref<40x128xf32, #tpu.memory_space<vmem>>
      tpu.wait_dma2 semaphore(%run_scoped3A_387 : memref<!tpu.dma_semaphore, #tpu.memory_space<semaphore_mem>>) src(%dma_wait3A_411 : memref<40x128xf32, #tpu.memory_space<vmem>>) dst(%dma_wait3A_407 : memref<40x128xf32, #tpu.memory_space<vmem_shared>>)
      tpu.yield
    }) : () -> ()
    %add3A_39 = arith.constant 440 : i32
    %add3A_40 = arith.addi %mul3A_0, %add3A_39 : i32
    %run_scoped3A_41 = arith.constant 0 : i32
    "tpu.region"() ({
      %run_scoped3A_387 = tpu.sem_alloc : memref<!tpu.dma_semaphore, #tpu.memory_space<semaphore_mem>>
      %dma_start3A_388 = arith.constant 0 : i32
      %dma_start3A_389 = arith.constant 0 : i32
      %dma_start3A_390 = tpu.memref_slice %arg13[%run_scoped3A_41, %dma_start3A_388, %dma_start3A_389] : memref<3x40x128xf32, #tpu.memory_space<vmem>> -> memref<1x40x128xf32, #tpu.memory_space<vmem>>
      %dma_start3A_391 = tpu.memref_squeeze %dma_start3A_390 : memref<1x40x128xf32, #tpu.memory_space<vmem>> -> memref<40x128xf32, #tpu.memory_space<vmem>>
      %dma_start3A_392 = arith.constant 0 : i32
      %dma_start3A_393 = tpu.memref_slice %arg14[%add3A_40, %dma_start3A_392] : memref<10000x128xf32, #tpu.memory_space<vmem_shared>> -> memref<40x128xf32, #tpu.memory_space<vmem_shared>>
      %dma_start3A_394 = arith.constant 0 : i32
      %dma_start3A_395 = tpu.memref_slice %arg14[%add3A_40, %dma_start3A_394] : memref<10000x128xf32, #tpu.memory_space<vmem_shared>> -> memref<40x128xf32, #tpu.memory_space<vmem_shared>>
      %dma_start3A_396 = arith.constant 0 : i32
      %dma_start3A_397 = arith.constant 0 : i32
      %dma_start3A_398 = tpu.memref_slice %arg13[%run_scoped3A_41, %dma_start3A_396, %dma_start3A_397] : memref<3x40x128xf32, #tpu.memory_space<vmem>> -> memref<1x40x128xf32, #tpu.memory_space<vmem>>
      %dma_start3A_399 = tpu.memref_squeeze %dma_start3A_398 : memref<1x40x128xf32, #tpu.memory_space<vmem>> -> memref<40x128xf32, #tpu.memory_space<vmem>>
      tpu.enqueue_dma source(%dma_start3A_399 : memref<40x128xf32, #tpu.memory_space<vmem>>) target(%dma_start3A_395 : memref<40x128xf32, #tpu.memory_space<vmem_shared>>) target_semaphore(%run_scoped3A_387 : memref<!tpu.dma_semaphore, #tpu.memory_space<semaphore_mem>>)
      %dma_wait3A_400 = arith.constant 0 : i32
      %dma_wait3A_401 = arith.constant 0 : i32
      %dma_wait3A_402 = tpu.memref_slice %arg13[%run_scoped3A_41, %dma_wait3A_400, %dma_wait3A_401] : memref<3x40x128xf32, #tpu.memory_space<vmem>> -> memref<1x40x128xf32, #tpu.memory_space<vmem>>
      %dma_wait3A_403 = tpu.memref_squeeze %dma_wait3A_402 : memref<1x40x128xf32, #tpu.memory_space<vmem>> -> memref<40x128xf32, #tpu.memory_space<vmem>>
      %dma_wait3A_404 = arith.constant 0 : i32
      %dma_wait3A_405 = tpu.memref_slice %arg14[%add3A_40, %dma_wait3A_404] : memref<10000x128xf32, #tpu.memory_space<vmem_shared>> -> memref<40x128xf32, #tpu.memory_space<vmem_shared>>
      %dma_wait3A_406 = arith.constant 0 : i32
      %dma_wait3A_407 = tpu.memref_slice %arg14[%add3A_40, %dma_wait3A_406] : memref<10000x128xf32, #tpu.memory_space<vmem_shared>> -> memref<40x128xf32, #tpu.memory_space<vmem_shared>>
      %dma_wait3A_408 = arith.constant 0 : i32
      %dma_wait3A_409 = arith.constant 0 : i32
      %dma_wait3A_410 = tpu.memref_slice %arg13[%run_scoped3A_41, %dma_wait3A_408, %dma_wait3A_409] : memref<3x40x128xf32, #tpu.memory_space<vmem>> -> memref<1x40x128xf32, #tpu.memory_space<vmem>>
      %dma_wait3A_411 = tpu.memref_squeeze %dma_wait3A_410 : memref<1x40x128xf32, #tpu.memory_space<vmem>> -> memref<40x128xf32, #tpu.memory_space<vmem>>
      tpu.wait_dma2 semaphore(%run_scoped3A_387 : memref<!tpu.dma_semaphore, #tpu.memory_space<semaphore_mem>>) src(%dma_wait3A_411 : memref<40x128xf32, #tpu.memory_space<vmem>>) dst(%dma_wait3A_407 : memref<40x128xf32, #tpu.memory_space<vmem_shared>>)
      tpu.yield
    }) : () -> ()
    %add3A_42 = arith.constant 480 : i32
    %add3A_43 = arith.addi %mul3A_0, %add3A_42 : i32
    %run_scoped3A_44 = arith.constant 0 : i32
    "tpu.region"() ({
      %run_scoped3A_387 = tpu.sem_alloc : memref<!tpu.dma_semaphore, #tpu.memory_space<semaphore_mem>>
      %dma_start3A_388 = arith.constant 0 : i32
      %dma_start3A_389 = arith.constant 0 : i32
      %dma_start3A_390 = tpu.memref_slice %arg13[%run_scoped3A_44, %dma_start3A_388, %dma_start3A_389] : memref<3x40x128xf32, #tpu.memory_space<vmem>> -> memref<1x40x128xf32, #tpu.memory_space<vmem>>
      %dma_start3A_391 = tpu.memref_squeeze %dma_start3A_390 : memref<1x40x128xf32, #tpu.memory_space<vmem>> -> memref<40x128xf32, #tpu.memory_space<vmem>>
      %dma_start3A_392 = arith.constant 0 : i32
      %dma_start3A_393 = tpu.memref_slice %arg14[%add3A_43, %dma_start3A_392] : memref<10000x128xf32, #tpu.memory_space<vmem_shared>> -> memref<40x128xf32, #tpu.memory_space<vmem_shared>>
      %dma_start3A_394 = arith.constant 0 : i32
      %dma_start3A_395 = tpu.memref_slice %arg14[%add3A_43, %dma_start3A_394] : memref<10000x128xf32, #tpu.memory_space<vmem_shared>> -> memref<40x128xf32, #tpu.memory_space<vmem_shared>>
      %dma_start3A_396 = arith.constant 0 : i32
      %dma_start3A_397 = arith.constant 0 : i32
      %dma_start3A_398 = tpu.memref_slice %arg13[%run_scoped3A_44, %dma_start3A_396, %dma_start3A_397] : memref<3x40x128xf32, #tpu.memory_space<vmem>> -> memref<1x40x128xf32, #tpu.memory_space<vmem>>
      %dma_start3A_399 = tpu.memref_squeeze %dma_start3A_398 : memref<1x40x128xf32, #tpu.memory_space<vmem>> -> memref<40x128xf32, #tpu.memory_space<vmem>>
      tpu.enqueue_dma source(%dma_start3A_399 : memref<40x128xf32, #tpu.memory_space<vmem>>) target(%dma_start3A_395 : memref<40x128xf32, #tpu.memory_space<vmem_shared>>) target_semaphore(%run_scoped3A_387 : memref<!tpu.dma_semaphore, #tpu.memory_space<semaphore_mem>>)
      %dma_wait3A_400 = arith.constant 0 : i32
      %dma_wait3A_401 = arith.constant 0 : i32
      %dma_wait3A_402 = tpu.memref_slice %arg13[%run_scoped3A_44, %dma_wait3A_400, %dma_wait3A_401] : memref<3x40x128xf32, #tpu.memory_space<vmem>> -> memref<1x40x128xf32, #tpu.memory_space<vmem>>
      %dma_wait3A_403 = tpu.memref_squeeze %dma_wait3A_402 : memref<1x40x128xf32, #tpu.memory_space<vmem>> -> memref<40x128xf32, #tpu.memory_space<vmem>>
      %dma_wait3A_404 = arith.constant 0 : i32
      %dma_wait3A_405 = tpu.memref_slice %arg14[%add3A_43, %dma_wait3A_404] : memref<10000x128xf32, #tpu.memory_space<vmem_shared>> -> memref<40x128xf32, #tpu.memory_space<vmem_shared>>
      %dma_wait3A_406 = arith.constant 0 : i32
      %dma_wait3A_407 = tpu.memref_slice %arg14[%add3A_43, %dma_wait3A_406] : memref<10000x128xf32, #tpu.memory_space<vmem_shared>> -> memref<40x128xf32, #tpu.memory_space<vmem_shared>>
      %dma_wait3A_408 = arith.constant 0 : i32
      %dma_wait3A_409 = arith.constant 0 : i32
      %dma_wait3A_410 = tpu.memref_slice %arg13[%run_scoped3A_44, %dma_wait3A_408, %dma_wait3A_409] : memref<3x40x128xf32, #tpu.memory_space<vmem>> -> memref<1x40x128xf32, #tpu.memory_space<vmem>>
      %dma_wait3A_411 = tpu.memref_squeeze %dma_wait3A_410 : memref<1x40x128xf32, #tpu.memory_space<vmem>> -> memref<40x128xf32, #tpu.memory_space<vmem>>
      tpu.wait_dma2 semaphore(%run_scoped3A_387 : memref<!tpu.dma_semaphore, #tpu.memory_space<semaphore_mem>>) src(%dma_wait3A_411 : memref<40x128xf32, #tpu.memory_space<vmem>>) dst(%dma_wait3A_407 : memref<40x128xf32, #tpu.memory_space<vmem_shared>>)
      tpu.yield
    }) : () -> ()
    %add3A_45 = arith.constant 520 : i32
    %add3A_46 = arith.addi %mul3A_0, %add3A_45 : i32
    %run_scoped3A_47 = arith.constant 0 : i32
    "tpu.region"() ({
      %run_scoped3A_387 = tpu.sem_alloc : memref<!tpu.dma_semaphore, #tpu.memory_space<semaphore_mem>>
      %dma_start3A_388 = arith.constant 0 : i32
      %dma_start3A_389 = arith.constant 0 : i32
      %dma_start3A_390 = tpu.memref_slice %arg13[%run_scoped3A_47, %dma_start3A_388, %dma_start3A_389] : memref<3x40x128xf32, #tpu.memory_space<vmem>> -> memref<1x40x128xf32, #tpu.memory_space<vmem>>
      %dma_start3A_391 = tpu.memref_squeeze %dma_start3A_390 : memref<1x40x128xf32, #tpu.memory_space<vmem>> -> memref<40x128xf32, #tpu.memory_space<vmem>>
      %dma_start3A_392 = arith.constant 0 : i32
      %dma_start3A_393 = tpu.memref_slice %arg14[%add3A_46, %dma_start3A_392] : memref<10000x128xf32, #tpu.memory_space<vmem_shared>> -> memref<40x128xf32, #tpu.memory_space<vmem_shared>>
      %dma_start3A_394 = arith.constant 0 : i32
      %dma_start3A_395 = tpu.memref_slice %arg14[%add3A_46, %dma_start3A_394] : memref<10000x128xf32, #tpu.memory_space<vmem_shared>> -> memref<40x128xf32, #tpu.memory_space<vmem_shared>>
      %dma_start3A_396 = arith.constant 0 : i32
      %dma_start3A_397 = arith.constant 0 : i32
      %dma_start3A_398 = tpu.memref_slice %arg13[%run_scoped3A_47, %dma_start3A_396, %dma_start3A_397] : memref<3x40x128xf32, #tpu.memory_space<vmem>> -> memref<1x40x128xf32, #tpu.memory_space<vmem>>
      %dma_start3A_399 = tpu.memref_squeeze %dma_start3A_398 : memref<1x40x128xf32, #tpu.memory_space<vmem>> -> memref<40x128xf32, #tpu.memory_space<vmem>>
      tpu.enqueue_dma source(%dma_start3A_399 : memref<40x128xf32, #tpu.memory_space<vmem>>) target(%dma_start3A_395 : memref<40x128xf32, #tpu.memory_space<vmem_shared>>) target_semaphore(%run_scoped3A_387 : memref<!tpu.dma_semaphore, #tpu.memory_space<semaphore_mem>>)
      %dma_wait3A_400 = arith.constant 0 : i32
      %dma_wait3A_401 = arith.constant 0 : i32
      %dma_wait3A_402 = tpu.memref_slice %arg13[%run_scoped3A_47, %dma_wait3A_400, %dma_wait3A_401] : memref<3x40x128xf32, #tpu.memory_space<vmem>> -> memref<1x40x128xf32, #tpu.memory_space<vmem>>
      %dma_wait3A_403 = tpu.memref_squeeze %dma_wait3A_402 : memref<1x40x128xf32, #tpu.memory_space<vmem>> -> memref<40x128xf32, #tpu.memory_space<vmem>>
      %dma_wait3A_404 = arith.constant 0 : i32
      %dma_wait3A_405 = tpu.memref_slice %arg14[%add3A_46, %dma_wait3A_404] : memref<10000x128xf32, #tpu.memory_space<vmem_shared>> -> memref<40x128xf32, #tpu.memory_space<vmem_shared>>
      %dma_wait3A_406 = arith.constant 0 : i32
      %dma_wait3A_407 = tpu.memref_slice %arg14[%add3A_46, %dma_wait3A_406] : memref<10000x128xf32, #tpu.memory_space<vmem_shared>> -> memref<40x128xf32, #tpu.memory_space<vmem_shared>>
      %dma_wait3A_408 = arith.constant 0 : i32
      %dma_wait3A_409 = arith.constant 0 : i32
      %dma_wait3A_410 = tpu.memref_slice %arg13[%run_scoped3A_47, %dma_wait3A_408, %dma_wait3A_409] : memref<3x40x128xf32, #tpu.memory_space<vmem>> -> memref<1x40x128xf32, #tpu.memory_space<vmem>>
      %dma_wait3A_411 = tpu.memref_squeeze %dma_wait3A_410 : memref<1x40x128xf32, #tpu.memory_space<vmem>> -> memref<40x128xf32, #tpu.memory_space<vmem>>
      tpu.wait_dma2 semaphore(%run_scoped3A_387 : memref<!tpu.dma_semaphore, #tpu.memory_space<semaphore_mem>>) src(%dma_wait3A_411 : memref<40x128xf32, #tpu.memory_space<vmem>>) dst(%dma_wait3A_407 : memref<40x128xf32, #tpu.memory_space<vmem_shared>>)
      tpu.yield
    }) : () -> ()
    %add3A_48 = arith.constant 560 : i32
    %add3A_49 = arith.addi %mul3A_0, %add3A_48 : i32
    %run_scoped3A_50 = arith.constant 0 : i32
    "tpu.region"() ({
      %run_scoped3A_387 = tpu.sem_alloc : memref<!tpu.dma_semaphore, #tpu.memory_space<semaphore_mem>>
      %dma_start3A_388 = arith.constant 0 : i32
      %dma_start3A_389 = arith.constant 0 : i32
      %dma_start3A_390 = tpu.memref_slice %arg13[%run_scoped3A_50, %dma_start3A_388, %dma_start3A_389] : memref<3x40x128xf32, #tpu.memory_space<vmem>> -> memref<1x40x128xf32, #tpu.memory_space<vmem>>
      %dma_start3A_391 = tpu.memref_squeeze %dma_start3A_390 : memref<1x40x128xf32, #tpu.memory_space<vmem>> -> memref<40x128xf32, #tpu.memory_space<vmem>>
      %dma_start3A_392 = arith.constant 0 : i32
      %dma_start3A_393 = tpu.memref_slice %arg14[%add3A_49, %dma_start3A_392] : memref<10000x128xf32, #tpu.memory_space<vmem_shared>> -> memref<40x128xf32, #tpu.memory_space<vmem_shared>>
      %dma_start3A_394 = arith.constant 0 : i32
      %dma_start3A_395 = tpu.memref_slice %arg14[%add3A_49, %dma_start3A_394] : memref<10000x128xf32, #tpu.memory_space<vmem_shared>> -> memref<40x128xf32, #tpu.memory_space<vmem_shared>>
      %dma_start3A_396 = arith.constant 0 : i32
      %dma_start3A_397 = arith.constant 0 : i32
      %dma_start3A_398 = tpu.memref_slice %arg13[%run_scoped3A_50, %dma_start3A_396, %dma_start3A_397] : memref<3x40x128xf32, #tpu.memory_space<vmem>> -> memref<1x40x128xf32, #tpu.memory_space<vmem>>
      %dma_start3A_399 = tpu.memref_squeeze %dma_start3A_398 : memref<1x40x128xf32, #tpu.memory_space<vmem>> -> memref<40x128xf32, #tpu.memory_space<vmem>>
      tpu.enqueue_dma source(%dma_start3A_399 : memref<40x128xf32, #tpu.memory_space<vmem>>) target(%dma_start3A_395 : memref<40x128xf32, #tpu.memory_space<vmem_shared>>) target_semaphore(%run_scoped3A_387 : memref<!tpu.dma_semaphore, #tpu.memory_space<semaphore_mem>>)
      %dma_wait3A_400 = arith.constant 0 : i32
      %dma_wait3A_401 = arith.constant 0 : i32
      %dma_wait3A_402 = tpu.memref_slice %arg13[%run_scoped3A_50, %dma_wait3A_400, %dma_wait3A_401] : memref<3x40x128xf32, #tpu.memory_space<vmem>> -> memref<1x40x128xf32, #tpu.memory_space<vmem>>
      %dma_wait3A_403 = tpu.memref_squeeze %dma_wait3A_402 : memref<1x40x128xf32, #tpu.memory_space<vmem>> -> memref<40x128xf32, #tpu.memory_space<vmem>>
      %dma_wait3A_404 = arith.constant 0 : i32
      %dma_wait3A_405 = tpu.memref_slice %arg14[%add3A_49, %dma_wait3A_404] : memref<10000x128xf32, #tpu.memory_space<vmem_shared>> -> memref<40x128xf32, #tpu.memory_space<vmem_shared>>
      %dma_wait3A_406 = arith.constant 0 : i32
      %dma_wait3A_407 = tpu.memref_slice %arg14[%add3A_49, %dma_wait3A_406] : memref<10000x128xf32, #tpu.memory_space<vmem_shared>> -> memref<40x128xf32, #tpu.memory_space<vmem_shared>>
      %dma_wait3A_408 = arith.constant 0 : i32
      %dma_wait3A_409 = arith.constant 0 : i32
      %dma_wait3A_410 = tpu.memref_slice %arg13[%run_scoped3A_50, %dma_wait3A_408, %dma_wait3A_409] : memref<3x40x128xf32, #tpu.memory_space<vmem>> -> memref<1x40x128xf32, #tpu.memory_space<vmem>>
      %dma_wait3A_411 = tpu.memref_squeeze %dma_wait3A_410 : memref<1x40x128xf32, #tpu.memory_space<vmem>> -> memref<40x128xf32, #tpu.memory_space<vmem>>
      tpu.wait_dma2 semaphore(%run_scoped3A_387 : memref<!tpu.dma_semaphore, #tpu.memory_space<semaphore_mem>>) src(%dma_wait3A_411 : memref<40x128xf32, #tpu.memory_space<vmem>>) dst(%dma_wait3A_407 : memref<40x128xf32, #tpu.memory_space<vmem_shared>>)
      tpu.yield
    }) : () -> ()
    %add3A_51 = arith.constant 600 : i32
    %add3A_52 = arith.addi %mul3A_0, %add3A_51 : i32
    %run_scoped3A_53 = arith.constant 0 : i32
    "tpu.region"() ({
      %run_scoped3A_387 = tpu.sem_alloc : memref<!tpu.dma_semaphore, #tpu.memory_space<semaphore_mem>>
      %dma_start3A_388 = arith.constant 0 : i32
      %dma_start3A_389 = arith.constant 0 : i32
      %dma_start3A_390 = tpu.memref_slice %arg13[%run_scoped3A_53, %dma_start3A_388, %dma_start3A_389] : memref<3x40x128xf32, #tpu.memory_space<vmem>> -> memref<1x40x128xf32, #tpu.memory_space<vmem>>
      %dma_start3A_391 = tpu.memref_squeeze %dma_start3A_390 : memref<1x40x128xf32, #tpu.memory_space<vmem>> -> memref<40x128xf32, #tpu.memory_space<vmem>>
      %dma_start3A_392 = arith.constant 0 : i32
      %dma_start3A_393 = arith.constant 0 : i32
      %dma_start3A_394 = tpu.memref_slice %dma_start3A_391[%dma_start3A_392, %dma_start3A_393] : memref<40x128xf32, #tpu.memory_space<vmem>> -> memref<24x128xf32, #tpu.memory_space<vmem>>
      %dma_start3A_395 = arith.constant 0 : i32
      %dma_start3A_396 = tpu.memref_slice %arg14[%add3A_52, %dma_start3A_395] : memref<10000x128xf32, #tpu.memory_space<vmem_shared>> -> memref<24x128xf32, #tpu.memory_space<vmem_shared>>
      %dma_start3A_397 = arith.constant 0 : i32
      %dma_start3A_398 = tpu.memref_slice %arg14[%add3A_52, %dma_start3A_397] : memref<10000x128xf32, #tpu.memory_space<vmem_shared>> -> memref<24x128xf32, #tpu.memory_space<vmem_shared>>
      %dma_start3A_399 = arith.constant 0 : i32
      %dma_start3A_400 = arith.constant 0 : i32
      %dma_start3A_401 = tpu.memref_slice %arg13[%run_scoped3A_53, %dma_start3A_399, %dma_start3A_400] : memref<3x40x128xf32, #tpu.memory_space<vmem>> -> memref<1x40x128xf32, #tpu.memory_space<vmem>>
      %dma_start3A_402 = tpu.memref_squeeze %dma_start3A_401 : memref<1x40x128xf32, #tpu.memory_space<vmem>> -> memref<40x128xf32, #tpu.memory_space<vmem>>
      %dma_start3A_403 = arith.constant 0 : i32
      %dma_start3A_404 = arith.constant 0 : i32
      %dma_start3A_405 = tpu.memref_slice %dma_start3A_402[%dma_start3A_403, %dma_start3A_404] : memref<40x128xf32, #tpu.memory_space<vmem>> -> memref<24x128xf32, #tpu.memory_space<vmem>>
      tpu.enqueue_dma source(%dma_start3A_405 : memref<24x128xf32, #tpu.memory_space<vmem>>) target(%dma_start3A_398 : memref<24x128xf32, #tpu.memory_space<vmem_shared>>) target_semaphore(%run_scoped3A_387 : memref<!tpu.dma_semaphore, #tpu.memory_space<semaphore_mem>>)
      %dma_wait3A_406 = arith.constant 0 : i32
      %dma_wait3A_407 = arith.constant 0 : i32
      %dma_wait3A_408 = tpu.memref_slice %arg13[%run_scoped3A_53, %dma_wait3A_406, %dma_wait3A_407] : memref<3x40x128xf32, #tpu.memory_space<vmem>> -> memref<1x40x128xf32, #tpu.memory_space<vmem>>
      %dma_wait3A_409 = tpu.memref_squeeze %dma_wait3A_408 : memref<1x40x128xf32, #tpu.memory_space<vmem>> -> memref<40x128xf32, #tpu.memory_space<vmem>>
      %dma_wait3A_410 = arith.constant 0 : i32
      %dma_wait3A_411 = arith.constant 0 : i32
      %dma_wait3A_412 = tpu.memref_slice %dma_wait3A_409[%dma_wait3A_410, %dma_wait3A_411] : memref<40x128xf32, #tpu.memory_space<vmem>> -> memref<24x128xf32, #tpu.memory_space<vmem>>
      %dma_wait3A_413 = arith.constant 0 : i32
      %dma_wait3A_414 = tpu.memref_slice %arg14[%add3A_52, %dma_wait3A_413] : memref<10000x128xf32, #tpu.memory_space<vmem_shared>> -> memref<24x128xf32, #tpu.memory_space<vmem_shared>>
      %dma_wait3A_415 = arith.constant 0 : i32
      %dma_wait3A_416 = tpu.memref_slice %arg14[%add3A_52, %dma_wait3A_415] : memref<10000x128xf32, #tpu.memory_space<vmem_shared>> -> memref<24x128xf32, #tpu.memory_space<vmem_shared>>
      %dma_wait3A_417 = arith.constant 0 : i32
      %dma_wait3A_418 = arith.constant 0 : i32
      %dma_wait3A_419 = tpu.memref_slice %arg13[%run_scoped3A_53, %dma_wait3A_417, %dma_wait3A_418] : memref<3x40x128xf32, #tpu.memory_space<vmem>> -> memref<1x40x128xf32, #tpu.memory_space<vmem>>
      %dma_wait3A_420 = tpu.memref_squeeze %dma_wait3A_419 : memref<1x40x128xf32, #tpu.memory_space<vmem>> -> memref<40x128xf32, #tpu.memory_space<vmem>>
      %dma_wait3A_421 = arith.constant 0 : i32
      %dma_wait3A_422 = arith.constant 0 : i32
      %dma_wait3A_423 = tpu.memref_slice %dma_wait3A_420[%dma_wait3A_421, %dma_wait3A_422] : memref<40x128xf32, #tpu.memory_space<vmem>> -> memref<24x128xf32, #tpu.memory_space<vmem>>
      tpu.wait_dma2 semaphore(%run_scoped3A_387 : memref<!tpu.dma_semaphore, #tpu.memory_space<semaphore_mem>>) src(%dma_wait3A_423 : memref<24x128xf32, #tpu.memory_space<vmem>>) dst(%dma_wait3A_416 : memref<24x128xf32, #tpu.memory_space<vmem_shared>>)
      tpu.yield
    }) : () -> ()
    %eq3A = arith.constant 15 : i32
    %eq3A_54 = arith.cmpi eq, %arg1, %eq3A : i32
    %convert_element_type3A = arith.extui %eq3A_54 : i1 to i32
    %cond3A = arith.constant 0 : i32
    %cond3A_55 = arith.constant 0 : i32
    %cond3A_56 = arith.cmpi ne, %convert_element_type3A, %cond3A_55 : i32
    scf.if %cond3A_56 {
      "tpu.region"() ({
        %run_scoped3A_387 = tpu.sem_alloc : memref<!tpu.dma_semaphore, #tpu.memory_space<semaphore_mem>>
        %dma_start3A_388 = arith.constant 0 : i32
        %dma_start3A_389 = arith.constant 0 : i32
        %dma_start3A_390 = tpu.memref_slice %arg13[%cond3A, %dma_start3A_388, %dma_start3A_389] : memref<3x40x128xf32, #tpu.memory_space<vmem>> -> memref<1x40x128xf32, #tpu.memory_space<vmem>>
        %dma_start3A_391 = tpu.memref_squeeze %dma_start3A_390 : memref<1x40x128xf32, #tpu.memory_space<vmem>> -> memref<40x128xf32, #tpu.memory_space<vmem>>
        %dma_start3A_392 = arith.constant 0 : i32
        %dma_start3A_393 = arith.constant 0 : i32
        %dma_start3A_394 = tpu.memref_slice %dma_start3A_391[%dma_start3A_392, %dma_start3A_393] : memref<40x128xf32, #tpu.memory_space<vmem>> -> memref<16x128xf32, #tpu.memory_space<vmem>>
        %dma_start3A_395 = arith.constant 9984 : i32
        %dma_start3A_396 = arith.constant 0 : i32
        %dma_start3A_397 = tpu.memref_slice %arg14[%dma_start3A_395, %dma_start3A_396] : memref<10000x128xf32, #tpu.memory_space<vmem_shared>> -> memref<16x128xf32, #tpu.memory_space<vmem_shared>>
        %dma_start3A_398 = arith.constant 9984 : i32
        %dma_start3A_399 = arith.constant 0 : i32
        %dma_start3A_400 = tpu.memref_slice %arg14[%dma_start3A_398, %dma_start3A_399] : memref<10000x128xf32, #tpu.memory_space<vmem_shared>> -> memref<16x128xf32, #tpu.memory_space<vmem_shared>>
        %dma_start3A_401 = arith.constant 0 : i32
        %dma_start3A_402 = arith.constant 0 : i32
        %dma_start3A_403 = tpu.memref_slice %arg13[%cond3A, %dma_start3A_401, %dma_start3A_402] : memref<3x40x128xf32, #tpu.memory_space<vmem>> -> memref<1x40x128xf32, #tpu.memory_space<vmem>>
        %dma_start3A_404 = tpu.memref_squeeze %dma_start3A_403 : memref<1x40x128xf32, #tpu.memory_space<vmem>> -> memref<40x128xf32, #tpu.memory_space<vmem>>
        %dma_start3A_405 = arith.constant 0 : i32
        %dma_start3A_406 = arith.constant 0 : i32
        %dma_start3A_407 = tpu.memref_slice %dma_start3A_404[%dma_start3A_405, %dma_start3A_406] : memref<40x128xf32, #tpu.memory_space<vmem>> -> memref<16x128xf32, #tpu.memory_space<vmem>>
        tpu.enqueue_dma source(%dma_start3A_407 : memref<16x128xf32, #tpu.memory_space<vmem>>) target(%dma_start3A_400 : memref<16x128xf32, #tpu.memory_space<vmem_shared>>) target_semaphore(%run_scoped3A_387 : memref<!tpu.dma_semaphore, #tpu.memory_space<semaphore_mem>>)
        %dma_wait3A_408 = arith.constant 0 : i32
        %dma_wait3A_409 = arith.constant 0 : i32
        %dma_wait3A_410 = tpu.memref_slice %arg13[%cond3A, %dma_wait3A_408, %dma_wait3A_409] : memref<3x40x128xf32, #tpu.memory_space<vmem>> -> memref<1x40x128xf32, #tpu.memory_space<vmem>>
        %dma_wait3A_411 = tpu.memref_squeeze %dma_wait3A_410 : memref<1x40x128xf32, #tpu.memory_space<vmem>> -> memref<40x128xf32, #tpu.memory_space<vmem>>
        %dma_wait3A_412 = arith.constant 0 : i32
        %dma_wait3A_413 = arith.constant 0 : i32
        %dma_wait3A_414 = tpu.memref_slice %dma_wait3A_411[%dma_wait3A_412, %dma_wait3A_413] : memref<40x128xf32, #tpu.memory_space<vmem>> -> memref<16x128xf32, #tpu.memory_space<vmem>>
        %dma_wait3A_415 = arith.constant 9984 : i32
        %dma_wait3A_416 = arith.constant 0 : i32
        %dma_wait3A_417 = tpu.memref_slice %arg14[%dma_wait3A_415, %dma_wait3A_416] : memref<10000x128xf32, #tpu.memory_space<vmem_shared>> -> memref<16x128xf32, #tpu.memory_space<vmem_shared>>
        %dma_wait3A_418 = arith.constant 9984 : i32
        %dma_wait3A_419 = arith.constant 0 : i32
        %dma_wait3A_420 = tpu.memref_slice %arg14[%dma_wait3A_418, %dma_wait3A_419] : memref<10000x128xf32, #tpu.memory_space<vmem_shared>> -> memref<16x128xf32, #tpu.memory_space<vmem_shared>>
        %dma_wait3A_421 = arith.constant 0 : i32
        %dma_wait3A_422 = arith.constant 0 : i32
        %dma_wait3A_423 = tpu.memref_slice %arg13[%cond3A, %dma_wait3A_421, %dma_wait3A_422] : memref<3x40x128xf32, #tpu.memory_space<vmem>> -> memref<1x40x128xf32, #tpu.memory_space<vmem>>
        %dma_wait3A_424 = tpu.memref_squeeze %dma_wait3A_423 : memref<1x40x128xf32, #tpu.memory_space<vmem>> -> memref<40x128xf32, #tpu.memory_space<vmem>>
        %dma_wait3A_425 = arith.constant 0 : i32
        %dma_wait3A_426 = arith.constant 0 : i32
        %dma_wait3A_427 = tpu.memref_slice %dma_wait3A_424[%dma_wait3A_425, %dma_wait3A_426] : memref<40x128xf32, #tpu.memory_space<vmem>> -> memref<16x128xf32, #tpu.memory_space<vmem>>
        tpu.wait_dma2 semaphore(%run_scoped3A_387 : memref<!tpu.dma_semaphore, #tpu.memory_space<semaphore_mem>>) src(%dma_wait3A_427 : memref<16x128xf32, #tpu.memory_space<vmem>>) dst(%dma_wait3A_420 : memref<16x128xf32, #tpu.memory_space<vmem_shared>>)
        tpu.yield
      }) : () -> ()
    } else {
    }
    %barrier3A = arith.constant 0 : index
    tpu.barrier barrier_id(%barrier3A)
    %add3A_57 = arith.constant 0 : i32
    %add3A_58 = arith.addi %mul3A_4, %add3A_57 : i32
    %run_scoped3A_59 = arith.constant 0 : i32
    "tpu.region"() ({
      %run_scoped3A_387 = tpu.sem_alloc : memref<!tpu.dma_semaphore, #tpu.memory_space<semaphore_mem>>
      %dma_start3A_388 = arith.constant 0 : i32
      %dma_start3A_389 = tpu.memref_slice %arg9[%run_scoped3A_59, %dma_start3A_388] : memref<3x40xi32, #tpu.memory_space<vmem>> -> memref<1x40xi32, #tpu.memory_space<vmem>>
      %dma_start3A_390 = tpu.memref_squeeze %dma_start3A_389 : memref<1x40xi32, #tpu.memory_space<vmem>> -> memref<40xi32, #tpu.memory_space<vmem>>
      %dma_start3A_391 = tpu.memref_slice %arg2[%add3A_58] : memref<320000xi32, #tpu.memory_space<hbm>> -> memref<40xi32, #tpu.memory_space<hbm>>
      %dma_start3A_392 = arith.constant 0 : i32
      %dma_start3A_393 = tpu.memref_slice %arg9[%run_scoped3A_59, %dma_start3A_392] : memref<3x40xi32, #tpu.memory_space<vmem>> -> memref<1x40xi32, #tpu.memory_space<vmem>>
      %dma_start3A_394 = tpu.memref_squeeze %dma_start3A_393 : memref<1x40xi32, #tpu.memory_space<vmem>> -> memref<40xi32, #tpu.memory_space<vmem>>
      %dma_start3A_395 = tpu.memref_slice %arg2[%add3A_58] : memref<320000xi32, #tpu.memory_space<hbm>> -> memref<40xi32, #tpu.memory_space<hbm>>
      tpu.enqueue_dma source(%dma_start3A_395 : memref<40xi32, #tpu.memory_space<hbm>>) target(%dma_start3A_394 : memref<40xi32, #tpu.memory_space<vmem>>) target_semaphore(%run_scoped3A_387 : memref<!tpu.dma_semaphore, #tpu.memory_space<semaphore_mem>>)
      %dma_wait3A_396 = arith.constant 0 : i32
      %dma_wait3A_397 = tpu.memref_slice %arg9[%run_scoped3A_59, %dma_wait3A_396] : memref<3x40xi32, #tpu.memory_space<vmem>> -> memref<1x40xi32, #tpu.memory_space<vmem>>
      %dma_wait3A_398 = tpu.memref_squeeze %dma_wait3A_397 : memref<1x40xi32, #tpu.memory_space<vmem>> -> memref<40xi32, #tpu.memory_space<vmem>>
      %dma_wait3A_399 = tpu.memref_slice %arg2[%add3A_58] : memref<320000xi32, #tpu.memory_space<hbm>> -> memref<40xi32, #tpu.memory_space<hbm>>
      %dma_wait3A_400 = arith.constant 0 : i32
      %dma_wait3A_401 = tpu.memref_slice %arg9[%run_scoped3A_59, %dma_wait3A_400] : memref<3x40xi32, #tpu.memory_space<vmem>> -> memref<1x40xi32, #tpu.memory_space<vmem>>
      %dma_wait3A_402 = tpu.memref_squeeze %dma_wait3A_401 : memref<1x40xi32, #tpu.memory_space<vmem>> -> memref<40xi32, #tpu.memory_space<vmem>>
      %dma_wait3A_403 = tpu.memref_slice %arg2[%add3A_58] : memref<320000xi32, #tpu.memory_space<hbm>> -> memref<40xi32, #tpu.memory_space<hbm>>
      tpu.wait_dma2 semaphore(%run_scoped3A_387 : memref<!tpu.dma_semaphore, #tpu.memory_space<semaphore_mem>>) src(%dma_wait3A_403 : memref<40xi32, #tpu.memory_space<hbm>>) dst(%dma_wait3A_402 : memref<40xi32, #tpu.memory_space<vmem>>)
      tpu.yield
    }) : () -> ()
    %run_scoped3A_60 = arith.constant 0 : i32
    "tpu.region"() ({
      %run_scoped3A_387 = tpu.sem_alloc : memref<!tpu.dma_semaphore, #tpu.memory_space<semaphore_mem>>
      %dma_start3A_388 = arith.constant 0 : i32
      %dma_start3A_389 = tpu.memref_slice %arg10[%run_scoped3A_60, %dma_start3A_388] : memref<3x40xi32, #tpu.memory_space<vmem>> -> memref<1x40xi32, #tpu.memory_space<vmem>>
      %dma_start3A_390 = tpu.memref_squeeze %dma_start3A_389 : memref<1x40xi32, #tpu.memory_space<vmem>> -> memref<40xi32, #tpu.memory_space<vmem>>
      %dma_start3A_391 = tpu.memref_slice %arg3[%add3A_58] : memref<320000xi32, #tpu.memory_space<hbm>> -> memref<40xi32, #tpu.memory_space<hbm>>
      %dma_start3A_392 = arith.constant 0 : i32
      %dma_start3A_393 = tpu.memref_slice %arg10[%run_scoped3A_60, %dma_start3A_392] : memref<3x40xi32, #tpu.memory_space<vmem>> -> memref<1x40xi32, #tpu.memory_space<vmem>>
      %dma_start3A_394 = tpu.memref_squeeze %dma_start3A_393 : memref<1x40xi32, #tpu.memory_space<vmem>> -> memref<40xi32, #tpu.memory_space<vmem>>
      %dma_start3A_395 = tpu.memref_slice %arg3[%add3A_58] : memref<320000xi32, #tpu.memory_space<hbm>> -> memref<40xi32, #tpu.memory_space<hbm>>
      tpu.enqueue_dma source(%dma_start3A_395 : memref<40xi32, #tpu.memory_space<hbm>>) target(%dma_start3A_394 : memref<40xi32, #tpu.memory_space<vmem>>) target_semaphore(%run_scoped3A_387 : memref<!tpu.dma_semaphore, #tpu.memory_space<semaphore_mem>>)
      %dma_wait3A_396 = arith.constant 0 : i32
      %dma_wait3A_397 = tpu.memref_slice %arg10[%run_scoped3A_60, %dma_wait3A_396] : memref<3x40xi32, #tpu.memory_space<vmem>> -> memref<1x40xi32, #tpu.memory_space<vmem>>
      %dma_wait3A_398 = tpu.memref_squeeze %dma_wait3A_397 : memref<1x40xi32, #tpu.memory_space<vmem>> -> memref<40xi32, #tpu.memory_space<vmem>>
      %dma_wait3A_399 = tpu.memref_slice %arg3[%add3A_58] : memref<320000xi32, #tpu.memory_space<hbm>> -> memref<40xi32, #tpu.memory_space<hbm>>
      %dma_wait3A_400 = arith.constant 0 : i32
      %dma_wait3A_401 = tpu.memref_slice %arg10[%run_scoped3A_60, %dma_wait3A_400] : memref<3x40xi32, #tpu.memory_space<vmem>> -> memref<1x40xi32, #tpu.memory_space<vmem>>
      %dma_wait3A_402 = tpu.memref_squeeze %dma_wait3A_401 : memref<1x40xi32, #tpu.memory_space<vmem>> -> memref<40xi32, #tpu.memory_space<vmem>>
      %dma_wait3A_403 = tpu.memref_slice %arg3[%add3A_58] : memref<320000xi32, #tpu.memory_space<hbm>> -> memref<40xi32, #tpu.memory_space<hbm>>
      tpu.wait_dma2 semaphore(%run_scoped3A_387 : memref<!tpu.dma_semaphore, #tpu.memory_space<semaphore_mem>>) src(%dma_wait3A_403 : memref<40xi32, #tpu.memory_space<hbm>>) dst(%dma_wait3A_402 : memref<40xi32, #tpu.memory_space<vmem>>)
      tpu.yield
    }) : () -> ()
    %dma_start3A = arith.constant 0 : i32
    %dma_start3A_61 = arith.constant 0 : i32
    %dma_start3A_62 = arith.constant 0 : i32
    %dma_start3A_63 = arith.constant 0 : i32
    %dma_start3A_64 = arith.constant 0 : i32
    %dma_start3A_65 = tpu.memref_slice %arg11[%dma_start3A_61, %dma_start3A_63, %dma_start3A_64] : memref<3x40x128xf32, #tpu.memory_space<vmem>> -> memref<1x40x128xf32, #tpu.memory_space<vmem>>
    %dma_start3A_66 = tpu.memref_squeeze %dma_start3A_65 : memref<1x40x128xf32, #tpu.memory_space<vmem>> -> memref<40x128xf32, #tpu.memory_space<vmem>>
    %dma_start3A_67 = arith.constant 0 : i32
    %dma_start3A_68 = tpu.memref_slice %arg9[%dma_start3A, %dma_start3A_67] : memref<3x40xi32, #tpu.memory_space<vmem>> -> memref<1x40xi32, #tpu.memory_space<vmem>>
    %dma_start3A_69 = tpu.memref_squeeze %dma_start3A_68 : memref<1x40xi32, #tpu.memory_space<vmem>> -> memref<40xi32, #tpu.memory_space<vmem>>
    %dma_start3A_70 = arith.constant 0 : i32
    %dma_start3A_71 = arith.constant 0 : i32
    %dma_start3A_72 = tpu.memref_slice %arg4[%dma_start3A_70, %dma_start3A_71] : memref<10000x128xf32, #tpu.memory_space<hbm>> -> memref<10000x128xf32, #tpu.memory_space<hbm>>
    %dma_start3A_73 = tpu.memref_slice %arg15[%dma_start3A_62] : memref<2x!tpu.dma_semaphore, #tpu.memory_space<semaphore_mem>> -> memref<1x!tpu.dma_semaphore, #tpu.memory_space<semaphore_mem>>
    %dma_start3A_74 = tpu.memref_squeeze %dma_start3A_73 : memref<1x!tpu.dma_semaphore, #tpu.memory_space<semaphore_mem>> -> memref<!tpu.dma_semaphore, #tpu.memory_space<semaphore_mem>>
    tpu.enqueue_indirect_dma source(%dma_start3A_72 : memref<10000x128xf32, #tpu.memory_space<hbm>>) target(%dma_start3A_66 : memref<40x128xf32, #tpu.memory_space<vmem>>) offsets(%dma_start3A_69 : memref<40xi32, #tpu.memory_space<vmem>>) semaphore(%dma_start3A_74 : memref<!tpu.dma_semaphore, #tpu.memory_space<semaphore_mem>>)
    %dma_start3A_75 = arith.constant 0 : i32
    %dma_start3A_76 = arith.constant 0 : i32
    %dma_start3A_77 = arith.constant 0 : i32
    %dma_start3A_78 = arith.constant 0 : i32
    %dma_start3A_79 = arith.constant 0 : i32
    %dma_start3A_80 = tpu.memref_slice %arg12[%dma_start3A_76, %dma_start3A_78, %dma_start3A_79] : memref<3x40x128xf32, #tpu.memory_space<vmem>> -> memref<1x40x128xf32, #tpu.memory_space<vmem>>
    %dma_start3A_81 = tpu.memref_squeeze %dma_start3A_80 : memref<1x40x128xf32, #tpu.memory_space<vmem>> -> memref<40x128xf32, #tpu.memory_space<vmem>>
    %dma_start3A_82 = arith.constant 0 : i32
    %dma_start3A_83 = tpu.memref_slice %arg10[%dma_start3A_75, %dma_start3A_82] : memref<3x40xi32, #tpu.memory_space<vmem>> -> memref<1x40xi32, #tpu.memory_space<vmem>>
    %dma_start3A_84 = tpu.memref_squeeze %dma_start3A_83 : memref<1x40xi32, #tpu.memory_space<vmem>> -> memref<40xi32, #tpu.memory_space<vmem>>
    %dma_start3A_85 = arith.constant 0 : i32
    %dma_start3A_86 = arith.constant 0 : i32
    %dma_start3A_87 = tpu.memref_slice %arg5[%dma_start3A_85, %dma_start3A_86] : memref<10000x128xf32, #tpu.memory_space<hbm>> -> memref<10000x128xf32, #tpu.memory_space<hbm>>
    %dma_start3A_88 = tpu.memref_slice %arg15[%dma_start3A_77] : memref<2x!tpu.dma_semaphore, #tpu.memory_space<semaphore_mem>> -> memref<1x!tpu.dma_semaphore, #tpu.memory_space<semaphore_mem>>
    %dma_start3A_89 = tpu.memref_squeeze %dma_start3A_88 : memref<1x!tpu.dma_semaphore, #tpu.memory_space<semaphore_mem>> -> memref<!tpu.dma_semaphore, #tpu.memory_space<semaphore_mem>>
    tpu.enqueue_indirect_dma source(%dma_start3A_87 : memref<10000x128xf32, #tpu.memory_space<hbm>>) target(%dma_start3A_81 : memref<40x128xf32, #tpu.memory_space<vmem>>) offsets(%dma_start3A_84 : memref<40xi32, #tpu.memory_space<vmem>>) semaphore(%dma_start3A_89 : memref<!tpu.dma_semaphore, #tpu.memory_space<semaphore_mem>>)
    %dma_start3A_90 = arith.constant 0 : i32
    %dma_start3A_91 = arith.constant 0 : i32
    %dma_start3A_92 = arith.constant 0 : i32
    %dma_start3A_93 = arith.constant 0 : i32
    %dma_start3A_94 = tpu.memref_slice %arg13[%dma_start3A_90, %dma_start3A_92, %dma_start3A_93] : memref<3x40x128xf32, #tpu.memory_space<vmem>> -> memref<1x40x128xf32, #tpu.memory_space<vmem>>
    %dma_start3A_95 = tpu.memref_squeeze %dma_start3A_94 : memref<1x40x128xf32, #tpu.memory_space<vmem>> -> memref<40x128xf32, #tpu.memory_space<vmem>>
    %dma_start3A_96 = arith.constant 0 : i32
    %dma_start3A_97 = tpu.memref_slice %arg6[%add3A_58, %dma_start3A_96] : memref<320000x128xf32, #tpu.memory_space<hbm>> -> memref<40x128xf32, #tpu.memory_space<hbm>>
    %dma_start3A_98 = tpu.memref_slice %arg15[%dma_start3A_91] : memref<2x!tpu.dma_semaphore, #tpu.memory_space<semaphore_mem>> -> memref<1x!tpu.dma_semaphore, #tpu.memory_space<semaphore_mem>>
    %dma_start3A_99 = tpu.memref_squeeze %dma_start3A_98 : memref<1x!tpu.dma_semaphore, #tpu.memory_space<semaphore_mem>> -> memref<!tpu.dma_semaphore, #tpu.memory_space<semaphore_mem>>
    %dma_start3A_100 = arith.constant 0 : i32
    %dma_start3A_101 = arith.constant 0 : i32
    %dma_start3A_102 = tpu.memref_slice %arg13[%dma_start3A_90, %dma_start3A_100, %dma_start3A_101] : memref<3x40x128xf32, #tpu.memory_space<vmem>> -> memref<1x40x128xf32, #tpu.memory_space<vmem>>
    %dma_start3A_103 = tpu.memref_squeeze %dma_start3A_102 : memref<1x40x128xf32, #tpu.memory_space<vmem>> -> memref<40x128xf32, #tpu.memory_space<vmem>>
    %dma_start3A_104 = arith.constant 0 : i32
    %dma_start3A_105 = tpu.memref_slice %arg6[%add3A_58, %dma_start3A_104] : memref<320000x128xf32, #tpu.memory_space<hbm>> -> memref<40x128xf32, #tpu.memory_space<hbm>>
    tpu.enqueue_dma source(%dma_start3A_105 : memref<40x128xf32, #tpu.memory_space<hbm>>) target(%dma_start3A_103 : memref<40x128xf32, #tpu.memory_space<vmem>>) target_semaphore(%dma_start3A_99 : memref<!tpu.dma_semaphore, #tpu.memory_space<semaphore_mem>>)
    %add3A_106 = arith.constant 40 : i32
    %add3A_107 = arith.addi %mul3A_4, %add3A_106 : i32
    %run_scoped3A_108 = arith.constant 1 : i32
    "tpu.region"() ({
      %run_scoped3A_387 = tpu.sem_alloc : memref<!tpu.dma_semaphore, #tpu.memory_space<semaphore_mem>>
      %dma_start3A_388 = arith.constant 0 : i32
      %dma_start3A_389 = tpu.memref_slice %arg9[%run_scoped3A_108, %dma_start3A_388] : memref<3x40xi32, #tpu.memory_space<vmem>> -> memref<1x40xi32, #tpu.memory_space<vmem>>
      %dma_start3A_390 = tpu.memref_squeeze %dma_start3A_389 : memref<1x40xi32, #tpu.memory_space<vmem>> -> memref<40xi32, #tpu.memory_space<vmem>>
      %dma_start3A_391 = tpu.memref_slice %arg2[%add3A_107] : memref<320000xi32, #tpu.memory_space<hbm>> -> memref<40xi32, #tpu.memory_space<hbm>>
      %dma_start3A_392 = arith.constant 0 : i32
      %dma_start3A_393 = tpu.memref_slice %arg9[%run_scoped3A_108, %dma_start3A_392] : memref<3x40xi32, #tpu.memory_space<vmem>> -> memref<1x40xi32, #tpu.memory_space<vmem>>
      %dma_start3A_394 = tpu.memref_squeeze %dma_start3A_393 : memref<1x40xi32, #tpu.memory_space<vmem>> -> memref<40xi32, #tpu.memory_space<vmem>>
      %dma_start3A_395 = tpu.memref_slice %arg2[%add3A_107] : memref<320000xi32, #tpu.memory_space<hbm>> -> memref<40xi32, #tpu.memory_space<hbm>>
      tpu.enqueue_dma source(%dma_start3A_395 : memref<40xi32, #tpu.memory_space<hbm>>) target(%dma_start3A_394 : memref<40xi32, #tpu.memory_space<vmem>>) target_semaphore(%run_scoped3A_387 : memref<!tpu.dma_semaphore, #tpu.memory_space<semaphore_mem>>)
      %dma_wait3A_396 = arith.constant 0 : i32
      %dma_wait3A_397 = tpu.memref_slice %arg9[%run_scoped3A_108, %dma_wait3A_396] : memref<3x40xi32, #tpu.memory_space<vmem>> -> memref<1x40xi32, #tpu.memory_space<vmem>>
      %dma_wait3A_398 = tpu.memref_squeeze %dma_wait3A_397 : memref<1x40xi32, #tpu.memory_space<vmem>> -> memref<40xi32, #tpu.memory_space<vmem>>
      %dma_wait3A_399 = tpu.memref_slice %arg2[%add3A_107] : memref<320000xi32, #tpu.memory_space<hbm>> -> memref<40xi32, #tpu.memory_space<hbm>>
      %dma_wait3A_400 = arith.constant 0 : i32
      %dma_wait3A_401 = tpu.memref_slice %arg9[%run_scoped3A_108, %dma_wait3A_400] : memref<3x40xi32, #tpu.memory_space<vmem>> -> memref<1x40xi32, #tpu.memory_space<vmem>>
      %dma_wait3A_402 = tpu.memref_squeeze %dma_wait3A_401 : memref<1x40xi32, #tpu.memory_space<vmem>> -> memref<40xi32, #tpu.memory_space<vmem>>
      %dma_wait3A_403 = tpu.memref_slice %arg2[%add3A_107] : memref<320000xi32, #tpu.memory_space<hbm>> -> memref<40xi32, #tpu.memory_space<hbm>>
      tpu.wait_dma2 semaphore(%run_scoped3A_387 : memref<!tpu.dma_semaphore, #tpu.memory_space<semaphore_mem>>) src(%dma_wait3A_403 : memref<40xi32, #tpu.memory_space<hbm>>) dst(%dma_wait3A_402 : memref<40xi32, #tpu.memory_space<vmem>>)
      tpu.yield
    }) : () -> ()
    %run_scoped3A_109 = arith.constant 1 : i32
    "tpu.region"() ({
      %run_scoped3A_387 = tpu.sem_alloc : memref<!tpu.dma_semaphore, #tpu.memory_space<semaphore_mem>>
      %dma_start3A_388 = arith.constant 0 : i32
      %dma_start3A_389 = tpu.memref_slice %arg10[%run_scoped3A_109, %dma_start3A_388] : memref<3x40xi32, #tpu.memory_space<vmem>> -> memref<1x40xi32, #tpu.memory_space<vmem>>
      %dma_start3A_390 = tpu.memref_squeeze %dma_start3A_389 : memref<1x40xi32, #tpu.memory_space<vmem>> -> memref<40xi32, #tpu.memory_space<vmem>>
      %dma_start3A_391 = tpu.memref_slice %arg3[%add3A_107] : memref<320000xi32, #tpu.memory_space<hbm>> -> memref<40xi32, #tpu.memory_space<hbm>>
      %dma_start3A_392 = arith.constant 0 : i32
      %dma_start3A_393 = tpu.memref_slice %arg10[%run_scoped3A_109, %dma_start3A_392] : memref<3x40xi32, #tpu.memory_space<vmem>> -> memref<1x40xi32, #tpu.memory_space<vmem>>
      %dma_start3A_394 = tpu.memref_squeeze %dma_start3A_393 : memref<1x40xi32, #tpu.memory_space<vmem>> -> memref<40xi32, #tpu.memory_space<vmem>>
      %dma_start3A_395 = tpu.memref_slice %arg3[%add3A_107] : memref<320000xi32, #tpu.memory_space<hbm>> -> memref<40xi32, #tpu.memory_space<hbm>>
      tpu.enqueue_dma source(%dma_start3A_395 : memref<40xi32, #tpu.memory_space<hbm>>) target(%dma_start3A_394 : memref<40xi32, #tpu.memory_space<vmem>>) target_semaphore(%run_scoped3A_387 : memref<!tpu.dma_semaphore, #tpu.memory_space<semaphore_mem>>)
      %dma_wait3A_396 = arith.constant 0 : i32
      %dma_wait3A_397 = tpu.memref_slice %arg10[%run_scoped3A_109, %dma_wait3A_396] : memref<3x40xi32, #tpu.memory_space<vmem>> -> memref<1x40xi32, #tpu.memory_space<vmem>>
      %dma_wait3A_398 = tpu.memref_squeeze %dma_wait3A_397 : memref<1x40xi32, #tpu.memory_space<vmem>> -> memref<40xi32, #tpu.memory_space<vmem>>
      %dma_wait3A_399 = tpu.memref_slice %arg3[%add3A_107] : memref<320000xi32, #tpu.memory_space<hbm>> -> memref<40xi32, #tpu.memory_space<hbm>>
      %dma_wait3A_400 = arith.constant 0 : i32
      %dma_wait3A_401 = tpu.memref_slice %arg10[%run_scoped3A_109, %dma_wait3A_400] : memref<3x40xi32, #tpu.memory_space<vmem>> -> memref<1x40xi32, #tpu.memory_space<vmem>>
      %dma_wait3A_402 = tpu.memref_squeeze %dma_wait3A_401 : memref<1x40xi32, #tpu.memory_space<vmem>> -> memref<40xi32, #tpu.memory_space<vmem>>
      %dma_wait3A_403 = tpu.memref_slice %arg3[%add3A_107] : memref<320000xi32, #tpu.memory_space<hbm>> -> memref<40xi32, #tpu.memory_space<hbm>>
      tpu.wait_dma2 semaphore(%run_scoped3A_387 : memref<!tpu.dma_semaphore, #tpu.memory_space<semaphore_mem>>) src(%dma_wait3A_403 : memref<40xi32, #tpu.memory_space<hbm>>) dst(%dma_wait3A_402 : memref<40xi32, #tpu.memory_space<vmem>>)
      tpu.yield
    }) : () -> ()
    %dma_start3A_110 = arith.constant 1 : i32
    %dma_start3A_111 = arith.constant 1 : i32
    %dma_start3A_112 = arith.constant 0 : i32
    %dma_start3A_113 = arith.constant 0 : i32
    %dma_start3A_114 = arith.constant 0 : i32
    %dma_start3A_115 = tpu.memref_slice %arg11[%dma_start3A_111, %dma_start3A_113, %dma_start3A_114] : memref<3x40x128xf32, #tpu.memory_space<vmem>> -> memref<1x40x128xf32, #tpu.memory_space<vmem>>
    %dma_start3A_116 = tpu.memref_squeeze %dma_start3A_115 : memref<1x40x128xf32, #tpu.memory_space<vmem>> -> memref<40x128xf32, #tpu.memory_space<vmem>>
    %dma_start3A_117 = arith.constant 0 : i32
    %dma_start3A_118 = tpu.memref_slice %arg9[%dma_start3A_110, %dma_start3A_117] : memref<3x40xi32, #tpu.memory_space<vmem>> -> memref<1x40xi32, #tpu.memory_space<vmem>>
    %dma_start3A_119 = tpu.memref_squeeze %dma_start3A_118 : memref<1x40xi32, #tpu.memory_space<vmem>> -> memref<40xi32, #tpu.memory_space<vmem>>
    %dma_start3A_120 = arith.constant 0 : i32
    %dma_start3A_121 = arith.constant 0 : i32
    %dma_start3A_122 = tpu.memref_slice %arg4[%dma_start3A_120, %dma_start3A_121] : memref<10000x128xf32, #tpu.memory_space<hbm>> -> memref<10000x128xf32, #tpu.memory_space<hbm>>
    %dma_start3A_123 = tpu.memref_slice %arg15[%dma_start3A_112] : memref<2x!tpu.dma_semaphore, #tpu.memory_space<semaphore_mem>> -> memref<1x!tpu.dma_semaphore, #tpu.memory_space<semaphore_mem>>
    %dma_start3A_124 = tpu.memref_squeeze %dma_start3A_123 : memref<1x!tpu.dma_semaphore, #tpu.memory_space<semaphore_mem>> -> memref<!tpu.dma_semaphore, #tpu.memory_space<semaphore_mem>>
    tpu.enqueue_indirect_dma source(%dma_start3A_122 : memref<10000x128xf32, #tpu.memory_space<hbm>>) target(%dma_start3A_116 : memref<40x128xf32, #tpu.memory_space<vmem>>) offsets(%dma_start3A_119 : memref<40xi32, #tpu.memory_space<vmem>>) semaphore(%dma_start3A_124 : memref<!tpu.dma_semaphore, #tpu.memory_space<semaphore_mem>>)
    %dma_start3A_125 = arith.constant 1 : i32
    %dma_start3A_126 = arith.constant 1 : i32
    %dma_start3A_127 = arith.constant 0 : i32
    %dma_start3A_128 = arith.constant 0 : i32
    %dma_start3A_129 = arith.constant 0 : i32
    %dma_start3A_130 = tpu.memref_slice %arg12[%dma_start3A_126, %dma_start3A_128, %dma_start3A_129] : memref<3x40x128xf32, #tpu.memory_space<vmem>> -> memref<1x40x128xf32, #tpu.memory_space<vmem>>
    %dma_start3A_131 = tpu.memref_squeeze %dma_start3A_130 : memref<1x40x128xf32, #tpu.memory_space<vmem>> -> memref<40x128xf32, #tpu.memory_space<vmem>>
    %dma_start3A_132 = arith.constant 0 : i32
    %dma_start3A_133 = tpu.memref_slice %arg10[%dma_start3A_125, %dma_start3A_132] : memref<3x40xi32, #tpu.memory_space<vmem>> -> memref<1x40xi32, #tpu.memory_space<vmem>>
    %dma_start3A_134 = tpu.memref_squeeze %dma_start3A_133 : memref<1x40xi32, #tpu.memory_space<vmem>> -> memref<40xi32, #tpu.memory_space<vmem>>
    %dma_start3A_135 = arith.constant 0 : i32
    %dma_start3A_136 = arith.constant 0 : i32
    %dma_start3A_137 = tpu.memref_slice %arg5[%dma_start3A_135, %dma_start3A_136] : memref<10000x128xf32, #tpu.memory_space<hbm>> -> memref<10000x128xf32, #tpu.memory_space<hbm>>
    %dma_start3A_138 = tpu.memref_slice %arg15[%dma_start3A_127] : memref<2x!tpu.dma_semaphore, #tpu.memory_space<semaphore_mem>> -> memref<1x!tpu.dma_semaphore, #tpu.memory_space<semaphore_mem>>
    %dma_start3A_139 = tpu.memref_squeeze %dma_start3A_138 : memref<1x!tpu.dma_semaphore, #tpu.memory_space<semaphore_mem>> -> memref<!tpu.dma_semaphore, #tpu.memory_space<semaphore_mem>>
    tpu.enqueue_indirect_dma source(%dma_start3A_137 : memref<10000x128xf32, #tpu.memory_space<hbm>>) target(%dma_start3A_131 : memref<40x128xf32, #tpu.memory_space<vmem>>) offsets(%dma_start3A_134 : memref<40xi32, #tpu.memory_space<vmem>>) semaphore(%dma_start3A_139 : memref<!tpu.dma_semaphore, #tpu.memory_space<semaphore_mem>>)
    %dma_start3A_140 = arith.constant 1 : i32
    %dma_start3A_141 = arith.constant 0 : i32
    %dma_start3A_142 = arith.constant 0 : i32
    %dma_start3A_143 = arith.constant 0 : i32
    %dma_start3A_144 = tpu.memref_slice %arg13[%dma_start3A_140, %dma_start3A_142, %dma_start3A_143] : memref<3x40x128xf32, #tpu.memory_space<vmem>> -> memref<1x40x128xf32, #tpu.memory_space<vmem>>
    %dma_start3A_145 = tpu.memref_squeeze %dma_start3A_144 : memref<1x40x128xf32, #tpu.memory_space<vmem>> -> memref<40x128xf32, #tpu.memory_space<vmem>>
    %dma_start3A_146 = arith.constant 0 : i32
    %dma_start3A_147 = tpu.memref_slice %arg6[%add3A_107, %dma_start3A_146] : memref<320000x128xf32, #tpu.memory_space<hbm>> -> memref<40x128xf32, #tpu.memory_space<hbm>>
    %dma_start3A_148 = tpu.memref_slice %arg15[%dma_start3A_141] : memref<2x!tpu.dma_semaphore, #tpu.memory_space<semaphore_mem>> -> memref<1x!tpu.dma_semaphore, #tpu.memory_space<semaphore_mem>>
    %dma_start3A_149 = tpu.memref_squeeze %dma_start3A_148 : memref<1x!tpu.dma_semaphore, #tpu.memory_space<semaphore_mem>> -> memref<!tpu.dma_semaphore, #tpu.memory_space<semaphore_mem>>
    %dma_start3A_150 = arith.constant 0 : i32
    %dma_start3A_151 = arith.constant 0 : i32
    %dma_start3A_152 = tpu.memref_slice %arg13[%dma_start3A_140, %dma_start3A_150, %dma_start3A_151] : memref<3x40x128xf32, #tpu.memory_space<vmem>> -> memref<1x40x128xf32, #tpu.memory_space<vmem>>
    %dma_start3A_153 = tpu.memref_squeeze %dma_start3A_152 : memref<1x40x128xf32, #tpu.memory_space<vmem>> -> memref<40x128xf32, #tpu.memory_space<vmem>>
    %dma_start3A_154 = arith.constant 0 : i32
    %dma_start3A_155 = tpu.memref_slice %arg6[%add3A_107, %dma_start3A_154] : memref<320000x128xf32, #tpu.memory_space<hbm>> -> memref<40x128xf32, #tpu.memory_space<hbm>>
    tpu.enqueue_dma source(%dma_start3A_155 : memref<40x128xf32, #tpu.memory_space<hbm>>) target(%dma_start3A_153 : memref<40x128xf32, #tpu.memory_space<vmem>>) target_semaphore(%dma_start3A_149 : memref<!tpu.dma_semaphore, #tpu.memory_space<semaphore_mem>>)
    %scan3A = arith.constant 0 : i32
    %scan3A_156 = arith.constant 1 : i32
    %scan3A_157 = arith.constant 0 : i32
    %scan3A_158 = arith.constant 0 : i32
    %scan3A_159 = arith.constant 250 : i32
    %scan3A_160 = arith.addi %scan3A_158, %scan3A_159 : i32
    %scan3A_161 = arith.constant 1 : i32
    %scan3A_162 = scf.for %scan3A_387 = %scan3A_158 to %scan3A_160 step %scan3A_161 iter_args(%scan3A_388 = %scan3A_157) -> (i32)  : i32 {
      %rem3A = arith.constant 3 : i32
      %rem3A_389 = arith.remsi %scan3A_387, %rem3A : i32
      %add3A_390 = arith.constant 2 : i32
      %add3A_391 = arith.addi %scan3A_387, %add3A_390 : i32
      %rem3A_392 = arith.constant 3 : i32
      %rem3A_393 = arith.remsi %add3A_391, %rem3A_392 : i32
      %dma_wait3A_394 = arith.constant 0 : i32
      %dma_wait3A_395 = arith.constant 0 : i32
      %dma_wait3A_396 = tpu.memref_slice %arg11[%rem3A_389, %dma_wait3A_394, %dma_wait3A_395] : memref<3x40x128xf32, #tpu.memory_space<vmem>> -> memref<1x40x128xf32, #tpu.memory_space<vmem>>
      %dma_wait3A_397 = tpu.memref_squeeze %dma_wait3A_396 : memref<1x40x128xf32, #tpu.memory_space<vmem>> -> memref<40x128xf32, #tpu.memory_space<vmem>>
      %dma_wait3A_398 = arith.constant 0 : i32
      %dma_wait3A_399 = arith.constant 0 : i32
      %dma_wait3A_400 = tpu.memref_slice %arg4[%dma_wait3A_398, %dma_wait3A_399] : memref<10000x128xf32, #tpu.memory_space<hbm>> -> memref<40x128xf32, #tpu.memory_space<hbm>>
      %dma_wait3A_401 = tpu.memref_slice %arg15[%scan3A] : memref<2x!tpu.dma_semaphore, #tpu.memory_space<semaphore_mem>> -> memref<1x!tpu.dma_semaphore, #tpu.memory_space<semaphore_mem>>
      %dma_wait3A_402 = tpu.memref_squeeze %dma_wait3A_401 : memref<1x!tpu.dma_semaphore, #tpu.memory_space<semaphore_mem>> -> memref<!tpu.dma_semaphore, #tpu.memory_space<semaphore_mem>>
      %dma_wait3A_403 = arith.constant 0 : i32
      %dma_wait3A_404 = arith.constant 0 : i32
      %dma_wait3A_405 = tpu.memref_slice %arg11[%rem3A_389, %dma_wait3A_403, %dma_wait3A_404] : memref<3x40x128xf32, #tpu.memory_space<vmem>> -> memref<1x40x128xf32, #tpu.memory_space<vmem>>
      %dma_wait3A_406 = tpu.memref_squeeze %dma_wait3A_405 : memref<1x40x128xf32, #tpu.memory_space<vmem>> -> memref<40x128xf32, #tpu.memory_space<vmem>>
      %dma_wait3A_407 = arith.constant 0 : i32
      %dma_wait3A_408 = arith.constant 0 : i32
      %dma_wait3A_409 = tpu.memref_slice %arg4[%dma_wait3A_407, %dma_wait3A_408] : memref<10000x128xf32, #tpu.memory_space<hbm>> -> memref<40x128xf32, #tpu.memory_space<hbm>>
      tpu.wait_dma2 semaphore(%dma_wait3A_402 : memref<!tpu.dma_semaphore, #tpu.memory_space<semaphore_mem>>) src(%dma_wait3A_409 : memref<40x128xf32, #tpu.memory_space<hbm>>) dst(%dma_wait3A_406 : memref<40x128xf32, #tpu.memory_space<vmem>>)
      %dma_wait3A_410 = arith.constant 0 : i32
      %dma_wait3A_411 = arith.constant 0 : i32
      %dma_wait3A_412 = tpu.memref_slice %arg12[%rem3A_389, %dma_wait3A_410, %dma_wait3A_411] : memref<3x40x128xf32, #tpu.memory_space<vmem>> -> memref<1x40x128xf32, #tpu.memory_space<vmem>>
      %dma_wait3A_413 = tpu.memref_squeeze %dma_wait3A_412 : memref<1x40x128xf32, #tpu.memory_space<vmem>> -> memref<40x128xf32, #tpu.memory_space<vmem>>
      %dma_wait3A_414 = arith.constant 0 : i32
      %dma_wait3A_415 = arith.constant 0 : i32
      %dma_wait3A_416 = tpu.memref_slice %arg5[%dma_wait3A_414, %dma_wait3A_415] : memref<10000x128xf32, #tpu.memory_space<hbm>> -> memref<40x128xf32, #tpu.memory_space<hbm>>
      %dma_wait3A_417 = tpu.memref_slice %arg15[%scan3A] : memref<2x!tpu.dma_semaphore, #tpu.memory_space<semaphore_mem>> -> memref<1x!tpu.dma_semaphore, #tpu.memory_space<semaphore_mem>>
      %dma_wait3A_418 = tpu.memref_squeeze %dma_wait3A_417 : memref<1x!tpu.dma_semaphore, #tpu.memory_space<semaphore_mem>> -> memref<!tpu.dma_semaphore, #tpu.memory_space<semaphore_mem>>
      %dma_wait3A_419 = arith.constant 0 : i32
      %dma_wait3A_420 = arith.constant 0 : i32
      %dma_wait3A_421 = tpu.memref_slice %arg12[%rem3A_389, %dma_wait3A_419, %dma_wait3A_420] : memref<3x40x128xf32, #tpu.memory_space<vmem>> -> memref<1x40x128xf32, #tpu.memory_space<vmem>>
      %dma_wait3A_422 = tpu.memref_squeeze %dma_wait3A_421 : memref<1x40x128xf32, #tpu.memory_space<vmem>> -> memref<40x128xf32, #tpu.memory_space<vmem>>
      %dma_wait3A_423 = arith.constant 0 : i32
      %dma_wait3A_424 = arith.constant 0 : i32
      %dma_wait3A_425 = tpu.memref_slice %arg5[%dma_wait3A_423, %dma_wait3A_424] : memref<10000x128xf32, #tpu.memory_space<hbm>> -> memref<40x128xf32, #tpu.memory_space<hbm>>
      tpu.wait_dma2 semaphore(%dma_wait3A_418 : memref<!tpu.dma_semaphore, #tpu.memory_space<semaphore_mem>>) src(%dma_wait3A_425 : memref<40x128xf32, #tpu.memory_space<hbm>>) dst(%dma_wait3A_422 : memref<40x128xf32, #tpu.memory_space<vmem>>)
      %dma_wait3A_426 = arith.constant 0 : i32
      %dma_wait3A_427 = arith.constant 0 : i32
      %dma_wait3A_428 = tpu.memref_slice %arg13[%rem3A_389, %dma_wait3A_426, %dma_wait3A_427] : memref<3x40x128xf32, #tpu.memory_space<vmem>> -> memref<1x40x128xf32, #tpu.memory_space<vmem>>
      %dma_wait3A_429 = tpu.memref_squeeze %dma_wait3A_428 : memref<1x40x128xf32, #tpu.memory_space<vmem>> -> memref<40x128xf32, #tpu.memory_space<vmem>>
      %dma_wait3A_430 = arith.constant 0 : i32
      %dma_wait3A_431 = arith.constant 0 : i32
      %dma_wait3A_432 = tpu.memref_slice %arg6[%dma_wait3A_430, %dma_wait3A_431] : memref<320000x128xf32, #tpu.memory_space<hbm>> -> memref<40x128xf32, #tpu.memory_space<hbm>>
      %dma_wait3A_433 = tpu.memref_slice %arg15[%scan3A] : memref<2x!tpu.dma_semaphore, #tpu.memory_space<semaphore_mem>> -> memref<1x!tpu.dma_semaphore, #tpu.memory_space<semaphore_mem>>
      %dma_wait3A_434 = tpu.memref_squeeze %dma_wait3A_433 : memref<1x!tpu.dma_semaphore, #tpu.memory_space<semaphore_mem>> -> memref<!tpu.dma_semaphore, #tpu.memory_space<semaphore_mem>>
      %dma_wait3A_435 = arith.constant 0 : i32
      %dma_wait3A_436 = arith.constant 0 : i32
      %dma_wait3A_437 = tpu.memref_slice %arg13[%rem3A_389, %dma_wait3A_435, %dma_wait3A_436] : memref<3x40x128xf32, #tpu.memory_space<vmem>> -> memref<1x40x128xf32, #tpu.memory_space<vmem>>
      %dma_wait3A_438 = tpu.memref_squeeze %dma_wait3A_437 : memref<1x40x128xf32, #tpu.memory_space<vmem>> -> memref<40x128xf32, #tpu.memory_space<vmem>>
      %dma_wait3A_439 = arith.constant 0 : i32
      %dma_wait3A_440 = arith.constant 0 : i32
      %dma_wait3A_441 = tpu.memref_slice %arg6[%dma_wait3A_439, %dma_wait3A_440] : memref<320000x128xf32, #tpu.memory_space<hbm>> -> memref<40x128xf32, #tpu.memory_space<hbm>>
      tpu.wait_dma2 semaphore(%dma_wait3A_434 : memref<!tpu.dma_semaphore, #tpu.memory_space<semaphore_mem>>) src(%dma_wait3A_441 : memref<40x128xf32, #tpu.memory_space<hbm>>) dst(%dma_wait3A_438 : memref<40x128xf32, #tpu.memory_space<vmem>>)
      %parallel_loop3A_442 = arith.constant 0 : i32
      %parallel_loop3A_443 = arith.constant 40 : i32
      %parallel_loop3A_444 = arith.constant 1 : i32
      scf.for %parallel_loop3A_464 = %parallel_loop3A_442 to %parallel_loop3A_443 step %parallel_loop3A_444  : i32 {
        %parallel_loop3A_465 = arith.index_cast %rem3A_389 : i32 to index
        %parallel_loop3A_466 = arith.index_cast %parallel_loop3A_464 : i32 to index
        %parallel_loop3A_467 = arith.constant 0 : index
        %parallel_loop3A_468 = tpu.vector_load %arg11[%parallel_loop3A_465, %parallel_loop3A_466, %parallel_loop3A_467] {strides = array<i32>} : memref<3x40x128xf32, #tpu.memory_space<vmem>>, vector<1x1x16xf32>,
        %parallel_loop3A_469 = vector.shape_cast %parallel_loop3A_468 : vector<1x1x16xf32> to vector<16xf32>
        %parallel_loop3A_470 = arith.index_cast %rem3A_389 : i32 to index
        %parallel_loop3A_471 = arith.index_cast %parallel_loop3A_464 : i32 to index
        %parallel_loop3A_472 = arith.constant 0 : index
        %parallel_loop3A_473 = tpu.vector_load %arg12[%parallel_loop3A_470, %parallel_loop3A_471, %parallel_loop3A_472] {strides = array<i32>} : memref<3x40x128xf32, #tpu.memory_space<vmem>>, vector<1x1x16xf32>,
        %parallel_loop3A_474 = vector.shape_cast %parallel_loop3A_473 : vector<1x1x16xf32> to vector<16xf32>
        %parallel_loop3A_475 = arith.addf %parallel_loop3A_469, %parallel_loop3A_474 : vector<16xf32>
        %parallel_loop3A_476 = arith.index_cast %rem3A_389 : i32 to index
        %parallel_loop3A_477 = arith.index_cast %parallel_loop3A_464 : i32 to index
        %parallel_loop3A_478 = arith.constant 0 : index
        %parallel_loop3A_479 = tpu.vector_load %arg13[%parallel_loop3A_476, %parallel_loop3A_477, %parallel_loop3A_478] {strides = array<i32>} : memref<3x40x128xf32, #tpu.memory_space<vmem>>, vector<1x1x16xf32>,
        %parallel_loop3A_480 = vector.shape_cast %parallel_loop3A_479 : vector<1x1x16xf32> to vector<16xf32>
        %parallel_loop3A_481 = arith.addf %parallel_loop3A_475, %parallel_loop3A_480 : vector<16xf32>
        %parallel_loop3A_482 = arith.constant 0.000000e+00 : f32
        %parallel_loop3A_483 = vector.broadcast %parallel_loop3A_482 : f32 to vector<16xf32>
        %parallel_loop3A_484 = arith.maximumf %parallel_loop3A_481, %parallel_loop3A_483 : vector<16xf32>
        %parallel_loop3A_485 = arith.index_cast %rem3A_389 : i32 to index
        %parallel_loop3A_486 = arith.index_cast %parallel_loop3A_464 : i32 to index
        %parallel_loop3A_487 = arith.constant 0 : index
        %parallel_loop3A_488 = tpu.vector_load %arg11[%parallel_loop3A_485, %parallel_loop3A_486, %parallel_loop3A_487] {strides = array<i32>} : memref<3x40x128xf32, #tpu.memory_space<vmem>>, vector<1x1x16xf32>,
        %parallel_loop3A_489 = vector.shape_cast %parallel_loop3A_488 : vector<1x1x16xf32> to vector<16xf32>
        %parallel_loop3A_490 = vector.shape_cast %parallel_loop3A_484 : vector<16xf32> to vector<1x1x16xf32>
        tpu.vector_store %arg11[%parallel_loop3A_485, %parallel_loop3A_486, %parallel_loop3A_487], %parallel_loop3A_490 {strides = array<i32>} : memref<3x40x128xf32, #tpu.memory_space<vmem>>, vector<1x1x16xf32>,
        %parallel_loop3A_491 = arith.index_cast %rem3A_389 : i32 to index
        %parallel_loop3A_492 = arith.index_cast %parallel_loop3A_464 : i32 to index
        %parallel_loop3A_493 = arith.constant 16 : index
        %parallel_loop3A_494 = tpu.vector_load %arg11[%parallel_loop3A_491, %parallel_loop3A_492, %parallel_loop3A_493] {strides = array<i32>} : memref<3x40x128xf32, #tpu.memory_space<vmem>>, vector<1x1x16xf32>,
        %parallel_loop3A_495 = vector.shape_cast %parallel_loop3A_494 : vector<1x1x16xf32> to vector<16xf32>
        %parallel_loop3A_496 = arith.index_cast %rem3A_389 : i32 to index
        %parallel_loop3A_497 = arith.index_cast %parallel_loop3A_464 : i32 to index
        %parallel_loop3A_498 = arith.constant 16 : index
        %parallel_loop3A_499 = tpu.vector_load %arg12[%parallel_loop3A_496, %parallel_loop3A_497, %parallel_loop3A_498] {strides = array<i32>} : memref<3x40x128xf32, #tpu.memory_space<vmem>>, vector<1x1x16xf32>,
        %parallel_loop3A_500 = vector.shape_cast %parallel_loop3A_499 : vector<1x1x16xf32> to vector<16xf32>
        %parallel_loop3A_501 = arith.addf %parallel_loop3A_495, %parallel_loop3A_500 : vector<16xf32>
        %parallel_loop3A_502 = arith.index_cast %rem3A_389 : i32 to index
        %parallel_loop3A_503 = arith.index_cast %parallel_loop3A_464 : i32 to index
        %parallel_loop3A_504 = arith.constant 16 : index
        %parallel_loop3A_505 = tpu.vector_load %arg13[%parallel_loop3A_502, %parallel_loop3A_503, %parallel_loop3A_504] {strides = array<i32>} : memref<3x40x128xf32, #tpu.memory_space<vmem>>, vector<1x1x16xf32>,
        %parallel_loop3A_506 = vector.shape_cast %parallel_loop3A_505 : vector<1x1x16xf32> to vector<16xf32>
        %parallel_loop3A_507 = arith.addf %parallel_loop3A_501, %parallel_loop3A_506 : vector<16xf32>
        %parallel_loop3A_508 = arith.constant 0.000000e+00 : f32
        %parallel_loop3A_509 = vector.broadcast %parallel_loop3A_508 : f32 to vector<16xf32>
        %parallel_loop3A_510 = arith.maximumf %parallel_loop3A_507, %parallel_loop3A_509 : vector<16xf32>
        %parallel_loop3A_511 = arith.index_cast %rem3A_389 : i32 to index
        %parallel_loop3A_512 = arith.index_cast %parallel_loop3A_464 : i32 to index
        %parallel_loop3A_513 = arith.constant 16 : index
        %parallel_loop3A_514 = tpu.vector_load %arg11[%parallel_loop3A_511, %parallel_loop3A_512, %parallel_loop3A_513] {strides = array<i32>} : memref<3x40x128xf32, #tpu.memory_space<vmem>>, vector<1x1x16xf32>,
        %parallel_loop3A_515 = vector.shape_cast %parallel_loop3A_514 : vector<1x1x16xf32> to vector<16xf32>
        %parallel_loop3A_516 = vector.shape_cast %parallel_loop3A_510 : vector<16xf32> to vector<1x1x16xf32>
        tpu.vector_store %arg11[%parallel_loop3A_511, %parallel_loop3A_512, %parallel_loop3A_513], %parallel_loop3A_516 {strides = array<i32>} : memref<3x40x128xf32, #tpu.memory_space<vmem>>, vector<1x1x16xf32>,
        %parallel_loop3A_517 = arith.index_cast %rem3A_389 : i32 to index
        %parallel_loop3A_518 = arith.index_cast %parallel_loop3A_464 : i32 to index
        %parallel_loop3A_519 = arith.constant 32 : index
        %parallel_loop3A_520 = tpu.vector_load %arg11[%parallel_loop3A_517, %parallel_loop3A_518, %parallel_loop3A_519] {strides = array<i32>} : memref<3x40x128xf32, #tpu.memory_space<vmem>>, vector<1x1x16xf32>,
        %parallel_loop3A_521 = vector.shape_cast %parallel_loop3A_520 : vector<1x1x16xf32> to vector<16xf32>
        %parallel_loop3A_522 = arith.index_cast %rem3A_389 : i32 to index
        %parallel_loop3A_523 = arith.index_cast %parallel_loop3A_464 : i32 to index
        %parallel_loop3A_524 = arith.constant 32 : index
        %parallel_loop3A_525 = tpu.vector_load %arg12[%parallel_loop3A_522, %parallel_loop3A_523, %parallel_loop3A_524] {strides = array<i32>} : memref<3x40x128xf32, #tpu.memory_space<vmem>>, vector<1x1x16xf32>,
        %parallel_loop3A_526 = vector.shape_cast %parallel_loop3A_525 : vector<1x1x16xf32> to vector<16xf32>
        %parallel_loop3A_527 = arith.addf %parallel_loop3A_521, %parallel_loop3A_526 : vector<16xf32>
        %parallel_loop3A_528 = arith.index_cast %rem3A_389 : i32 to index
        %parallel_loop3A_529 = arith.index_cast %parallel_loop3A_464 : i32 to index
        %parallel_loop3A_530 = arith.constant 32 : index
        %parallel_loop3A_531 = tpu.vector_load %arg13[%parallel_loop3A_528, %parallel_loop3A_529, %parallel_loop3A_530] {strides = array<i32>} : memref<3x40x128xf32, #tpu.memory_space<vmem>>, vector<1x1x16xf32>,
        %parallel_loop3A_532 = vector.shape_cast %parallel_loop3A_531 : vector<1x1x16xf32> to vector<16xf32>
        %parallel_loop3A_533 = arith.addf %parallel_loop3A_527, %parallel_loop3A_532 : vector<16xf32>
        %parallel_loop3A_534 = arith.constant 0.000000e+00 : f32
        %parallel_loop3A_535 = vector.broadcast %parallel_loop3A_534 : f32 to vector<16xf32>
        %parallel_loop3A_536 = arith.maximumf %parallel_loop3A_533, %parallel_loop3A_535 : vector<16xf32>
        %parallel_loop3A_537 = arith.index_cast %rem3A_389 : i32 to index
        %parallel_loop3A_538 = arith.index_cast %parallel_loop3A_464 : i32 to index
        %parallel_loop3A_539 = arith.constant 32 : index
        %parallel_loop3A_540 = tpu.vector_load %arg11[%parallel_loop3A_537, %parallel_loop3A_538, %parallel_loop3A_539] {strides = array<i32>} : memref<3x40x128xf32, #tpu.memory_space<vmem>>, vector<1x1x16xf32>,
        %parallel_loop3A_541 = vector.shape_cast %parallel_loop3A_540 : vector<1x1x16xf32> to vector<16xf32>
        %parallel_loop3A_542 = vector.shape_cast %parallel_loop3A_536 : vector<16xf32> to vector<1x1x16xf32>
        tpu.vector_store %arg11[%parallel_loop3A_537, %parallel_loop3A_538, %parallel_loop3A_539], %parallel_loop3A_542 {strides = array<i32>} : memref<3x40x128xf32, #tpu.memory_space<vmem>>, vector<1x1x16xf32>,
        %parallel_loop3A_543 = arith.index_cast %rem3A_389 : i32 to index
        %parallel_loop3A_544 = arith.index_cast %parallel_loop3A_464 : i32 to index
        %parallel_loop3A_545 = arith.constant 48 : index
        %parallel_loop3A_546 = tpu.vector_load %arg11[%parallel_loop3A_543, %parallel_loop3A_544, %parallel_loop3A_545] {strides = array<i32>} : memref<3x40x128xf32, #tpu.memory_space<vmem>>, vector<1x1x16xf32>,
        %parallel_loop3A_547 = vector.shape_cast %parallel_loop3A_546 : vector<1x1x16xf32> to vector<16xf32>
        %parallel_loop3A_548 = arith.index_cast %rem3A_389 : i32 to index
        %parallel_loop3A_549 = arith.index_cast %parallel_loop3A_464 : i32 to index
        %parallel_loop3A_550 = arith.constant 48 : index
        %parallel_loop3A_551 = tpu.vector_load %arg12[%parallel_loop3A_548, %parallel_loop3A_549, %parallel_loop3A_550] {strides = array<i32>} : memref<3x40x128xf32, #tpu.memory_space<vmem>>, vector<1x1x16xf32>,
        %parallel_loop3A_552 = vector.shape_cast %parallel_loop3A_551 : vector<1x1x16xf32> to vector<16xf32>
        %parallel_loop3A_553 = arith.addf %parallel_loop3A_547, %parallel_loop3A_552 : vector<16xf32>
        %parallel_loop3A_554 = arith.index_cast %rem3A_389 : i32 to index
        %parallel_loop3A_555 = arith.index_cast %parallel_loop3A_464 : i32 to index
        %parallel_loop3A_556 = arith.constant 48 : index
        %parallel_loop3A_557 = tpu.vector_load %arg13[%parallel_loop3A_554, %parallel_loop3A_555, %parallel_loop3A_556] {strides = array<i32>} : memref<3x40x128xf32, #tpu.memory_space<vmem>>, vector<1x1x16xf32>,
        %parallel_loop3A_558 = vector.shape_cast %parallel_loop3A_557 : vector<1x1x16xf32> to vector<16xf32>
        %parallel_loop3A_559 = arith.addf %parallel_loop3A_553, %parallel_loop3A_558 : vector<16xf32>
        %parallel_loop3A_560 = arith.constant 0.000000e+00 : f32
        %parallel_loop3A_561 = vector.broadcast %parallel_loop3A_560 : f32 to vector<16xf32>
        %parallel_loop3A_562 = arith.maximumf %parallel_loop3A_559, %parallel_loop3A_561 : vector<16xf32>
        %parallel_loop3A_563 = arith.index_cast %rem3A_389 : i32 to index
        %parallel_loop3A_564 = arith.index_cast %parallel_loop3A_464 : i32 to index
        %parallel_loop3A_565 = arith.constant 48 : index
        %parallel_loop3A_566 = tpu.vector_load %arg11[%parallel_loop3A_563, %parallel_loop3A_564, %parallel_loop3A_565] {strides = array<i32>} : memref<3x40x128xf32, #tpu.memory_space<vmem>>, vector<1x1x16xf32>,
        %parallel_loop3A_567 = vector.shape_cast %parallel_loop3A_566 : vector<1x1x16xf32> to vector<16xf32>
        %parallel_loop3A_568 = vector.shape_cast %parallel_loop3A_562 : vector<16xf32> to vector<1x1x16xf32>
        tpu.vector_store %arg11[%parallel_loop3A_563, %parallel_loop3A_564, %parallel_loop3A_565], %parallel_loop3A_568 {strides = array<i32>} : memref<3x40x128xf32, #tpu.memory_space<vmem>>, vector<1x1x16xf32>,
        %parallel_loop3A_569 = arith.index_cast %rem3A_389 : i32 to index
        %parallel_loop3A_570 = arith.index_cast %parallel_loop3A_464 : i32 to index
        %parallel_loop3A_571 = arith.constant 64 : index
        %parallel_loop3A_572 = tpu.vector_load %arg11[%parallel_loop3A_569, %parallel_loop3A_570, %parallel_loop3A_571] {strides = array<i32>} : memref<3x40x128xf32, #tpu.memory_space<vmem>>, vector<1x1x16xf32>,
        %parallel_loop3A_573 = vector.shape_cast %parallel_loop3A_572 : vector<1x1x16xf32> to vector<16xf32>
        %parallel_loop3A_574 = arith.index_cast %rem3A_389 : i32 to index
        %parallel_loop3A_575 = arith.index_cast %parallel_loop3A_464 : i32 to index
        %parallel_loop3A_576 = arith.constant 64 : index
        %parallel_loop3A_577 = tpu.vector_load %arg12[%parallel_loop3A_574, %parallel_loop3A_575, %parallel_loop3A_576] {strides = array<i32>} : memref<3x40x128xf32, #tpu.memory_space<vmem>>, vector<1x1x16xf32>,
        %parallel_loop3A_578 = vector.shape_cast %parallel_loop3A_577 : vector<1x1x16xf32> to vector<16xf32>
        %parallel_loop3A_579 = arith.addf %parallel_loop3A_573, %parallel_loop3A_578 : vector<16xf32>
        %parallel_loop3A_580 = arith.index_cast %rem3A_389 : i32 to index
        %parallel_loop3A_581 = arith.index_cast %parallel_loop3A_464 : i32 to index
        %parallel_loop3A_582 = arith.constant 64 : index
        %parallel_loop3A_583 = tpu.vector_load %arg13[%parallel_loop3A_580, %parallel_loop3A_581, %parallel_loop3A_582] {strides = array<i32>} : memref<3x40x128xf32, #tpu.memory_space<vmem>>, vector<1x1x16xf32>,
        %parallel_loop3A_584 = vector.shape_cast %parallel_loop3A_583 : vector<1x1x16xf32> to vector<16xf32>
        %parallel_loop3A_585 = arith.addf %parallel_loop3A_579, %parallel_loop3A_584 : vector<16xf32>
        %parallel_loop3A_586 = arith.constant 0.000000e+00 : f32
        %parallel_loop3A_587 = vector.broadcast %parallel_loop3A_586 : f32 to vector<16xf32>
        %parallel_loop3A_588 = arith.maximumf %parallel_loop3A_585, %parallel_loop3A_587 : vector<16xf32>
        %parallel_loop3A_589 = arith.index_cast %rem3A_389 : i32 to index
        %parallel_loop3A_590 = arith.index_cast %parallel_loop3A_464 : i32 to index
        %parallel_loop3A_591 = arith.constant 64 : index
        %parallel_loop3A_592 = tpu.vector_load %arg11[%parallel_loop3A_589, %parallel_loop3A_590, %parallel_loop3A_591] {strides = array<i32>} : memref<3x40x128xf32, #tpu.memory_space<vmem>>, vector<1x1x16xf32>,
        %parallel_loop3A_593 = vector.shape_cast %parallel_loop3A_592 : vector<1x1x16xf32> to vector<16xf32>
        %parallel_loop3A_594 = vector.shape_cast %parallel_loop3A_588 : vector<16xf32> to vector<1x1x16xf32>
        tpu.vector_store %arg11[%parallel_loop3A_589, %parallel_loop3A_590, %parallel_loop3A_591], %parallel_loop3A_594 {strides = array<i32>} : memref<3x40x128xf32, #tpu.memory_space<vmem>>, vector<1x1x16xf32>,
        %parallel_loop3A_595 = arith.index_cast %rem3A_389 : i32 to index
        %parallel_loop3A_596 = arith.index_cast %parallel_loop3A_464 : i32 to index
        %parallel_loop3A_597 = arith.constant 80 : index
        %parallel_loop3A_598 = tpu.vector_load %arg11[%parallel_loop3A_595, %parallel_loop3A_596, %parallel_loop3A_597] {strides = array<i32>} : memref<3x40x128xf32, #tpu.memory_space<vmem>>, vector<1x1x16xf32>,
        %parallel_loop3A_599 = vector.shape_cast %parallel_loop3A_598 : vector<1x1x16xf32> to vector<16xf32>
        %parallel_loop3A_600 = arith.index_cast %rem3A_389 : i32 to index
        %parallel_loop3A_601 = arith.index_cast %parallel_loop3A_464 : i32 to index
        %parallel_loop3A_602 = arith.constant 80 : index
        %parallel_loop3A_603 = tpu.vector_load %arg12[%parallel_loop3A_600, %parallel_loop3A_601, %parallel_loop3A_602] {strides = array<i32>} : memref<3x40x128xf32, #tpu.memory_space<vmem>>, vector<1x1x16xf32>,
        %parallel_loop3A_604 = vector.shape_cast %parallel_loop3A_603 : vector<1x1x16xf32> to vector<16xf32>
        %parallel_loop3A_605 = arith.addf %parallel_loop3A_599, %parallel_loop3A_604 : vector<16xf32>
        %parallel_loop3A_606 = arith.index_cast %rem3A_389 : i32 to index
        %parallel_loop3A_607 = arith.index_cast %parallel_loop3A_464 : i32 to index
        %parallel_loop3A_608 = arith.constant 80 : index
        %parallel_loop3A_609 = tpu.vector_load %arg13[%parallel_loop3A_606, %parallel_loop3A_607, %parallel_loop3A_608] {strides = array<i32>} : memref<3x40x128xf32, #tpu.memory_space<vmem>>, vector<1x1x16xf32>,
        %parallel_loop3A_610 = vector.shape_cast %parallel_loop3A_609 : vector<1x1x16xf32> to vector<16xf32>
        %parallel_loop3A_611 = arith.addf %parallel_loop3A_605, %parallel_loop3A_610 : vector<16xf32>
        %parallel_loop3A_612 = arith.constant 0.000000e+00 : f32
        %parallel_loop3A_613 = vector.broadcast %parallel_loop3A_612 : f32 to vector<16xf32>
        %parallel_loop3A_614 = arith.maximumf %parallel_loop3A_611, %parallel_loop3A_613 : vector<16xf32>
        %parallel_loop3A_615 = arith.index_cast %rem3A_389 : i32 to index
        %parallel_loop3A_616 = arith.index_cast %parallel_loop3A_464 : i32 to index
        %parallel_loop3A_617 = arith.constant 80 : index
        %parallel_loop3A_618 = tpu.vector_load %arg11[%parallel_loop3A_615, %parallel_loop3A_616, %parallel_loop3A_617] {strides = array<i32>} : memref<3x40x128xf32, #tpu.memory_space<vmem>>, vector<1x1x16xf32>,
        %parallel_loop3A_619 = vector.shape_cast %parallel_loop3A_618 : vector<1x1x16xf32> to vector<16xf32>
        %parallel_loop3A_620 = vector.shape_cast %parallel_loop3A_614 : vector<16xf32> to vector<1x1x16xf32>
        tpu.vector_store %arg11[%parallel_loop3A_615, %parallel_loop3A_616, %parallel_loop3A_617], %parallel_loop3A_620 {strides = array<i32>} : memref<3x40x128xf32, #tpu.memory_space<vmem>>, vector<1x1x16xf32>,
        %parallel_loop3A_621 = arith.index_cast %rem3A_389 : i32 to index
        %parallel_loop3A_622 = arith.index_cast %parallel_loop3A_464 : i32 to index
        %parallel_loop3A_623 = arith.constant 96 : index
        %parallel_loop3A_624 = tpu.vector_load %arg11[%parallel_loop3A_621, %parallel_loop3A_622, %parallel_loop3A_623] {strides = array<i32>} : memref<3x40x128xf32, #tpu.memory_space<vmem>>, vector<1x1x16xf32>,
        %parallel_loop3A_625 = vector.shape_cast %parallel_loop3A_624 : vector<1x1x16xf32> to vector<16xf32>
        %parallel_loop3A_626 = arith.index_cast %rem3A_389 : i32 to index
        %parallel_loop3A_627 = arith.index_cast %parallel_loop3A_464 : i32 to index
        %parallel_loop3A_628 = arith.constant 96 : index
        %parallel_loop3A_629 = tpu.vector_load %arg12[%parallel_loop3A_626, %parallel_loop3A_627, %parallel_loop3A_628] {strides = array<i32>} : memref<3x40x128xf32, #tpu.memory_space<vmem>>, vector<1x1x16xf32>,
        %parallel_loop3A_630 = vector.shape_cast %parallel_loop3A_629 : vector<1x1x16xf32> to vector<16xf32>
        %parallel_loop3A_631 = arith.addf %parallel_loop3A_625, %parallel_loop3A_630 : vector<16xf32>
        %parallel_loop3A_632 = arith.index_cast %rem3A_389 : i32 to index
        %parallel_loop3A_633 = arith.index_cast %parallel_loop3A_464 : i32 to index
        %parallel_loop3A_634 = arith.constant 96 : index
        %parallel_loop3A_635 = tpu.vector_load %arg13[%parallel_loop3A_632, %parallel_loop3A_633, %parallel_loop3A_634] {strides = array<i32>} : memref<3x40x128xf32, #tpu.memory_space<vmem>>, vector<1x1x16xf32>,
        %parallel_loop3A_636 = vector.shape_cast %parallel_loop3A_635 : vector<1x1x16xf32> to vector<16xf32>
        %parallel_loop3A_637 = arith.addf %parallel_loop3A_631, %parallel_loop3A_636 : vector<16xf32>
        %parallel_loop3A_638 = arith.constant 0.000000e+00 : f32
        %parallel_loop3A_639 = vector.broadcast %parallel_loop3A_638 : f32 to vector<16xf32>
        %parallel_loop3A_640 = arith.maximumf %parallel_loop3A_637, %parallel_loop3A_639 : vector<16xf32>
        %parallel_loop3A_641 = arith.index_cast %rem3A_389 : i32 to index
        %parallel_loop3A_642 = arith.index_cast %parallel_loop3A_464 : i32 to index
        %parallel_loop3A_643 = arith.constant 96 : index
        %parallel_loop3A_644 = tpu.vector_load %arg11[%parallel_loop3A_641, %parallel_loop3A_642, %parallel_loop3A_643] {strides = array<i32>} : memref<3x40x128xf32, #tpu.memory_space<vmem>>, vector<1x1x16xf32>,
        %parallel_loop3A_645 = vector.shape_cast %parallel_loop3A_644 : vector<1x1x16xf32> to vector<16xf32>
        %parallel_loop3A_646 = vector.shape_cast %parallel_loop3A_640 : vector<16xf32> to vector<1x1x16xf32>
        tpu.vector_store %arg11[%parallel_loop3A_641, %parallel_loop3A_642, %parallel_loop3A_643], %parallel_loop3A_646 {strides = array<i32>} : memref<3x40x128xf32, #tpu.memory_space<vmem>>, vector<1x1x16xf32>,
        %parallel_loop3A_647 = arith.index_cast %rem3A_389 : i32 to index
        %parallel_loop3A_648 = arith.index_cast %parallel_loop3A_464 : i32 to index
        %parallel_loop3A_649 = arith.constant 112 : index
        %parallel_loop3A_650 = tpu.vector_load %arg11[%parallel_loop3A_647, %parallel_loop3A_648, %parallel_loop3A_649] {strides = array<i32>} : memref<3x40x128xf32, #tpu.memory_space<vmem>>, vector<1x1x16xf32>,
        %parallel_loop3A_651 = vector.shape_cast %parallel_loop3A_650 : vector<1x1x16xf32> to vector<16xf32>
        %parallel_loop3A_652 = arith.index_cast %rem3A_389 : i32 to index
        %parallel_loop3A_653 = arith.index_cast %parallel_loop3A_464 : i32 to index
        %parallel_loop3A_654 = arith.constant 112 : index
        %parallel_loop3A_655 = tpu.vector_load %arg12[%parallel_loop3A_652, %parallel_loop3A_653, %parallel_loop3A_654] {strides = array<i32>} : memref<3x40x128xf32, #tpu.memory_space<vmem>>, vector<1x1x16xf32>,
        %parallel_loop3A_656 = vector.shape_cast %parallel_loop3A_655 : vector<1x1x16xf32> to vector<16xf32>
        %parallel_loop3A_657 = arith.addf %parallel_loop3A_651, %parallel_loop3A_656 : vector<16xf32>
        %parallel_loop3A_658 = arith.index_cast %rem3A_389 : i32 to index
        %parallel_loop3A_659 = arith.index_cast %parallel_loop3A_464 : i32 to index
        %parallel_loop3A_660 = arith.constant 112 : index
        %parallel_loop3A_661 = tpu.vector_load %arg13[%parallel_loop3A_658, %parallel_loop3A_659, %parallel_loop3A_660] {strides = array<i32>} : memref<3x40x128xf32, #tpu.memory_space<vmem>>, vector<1x1x16xf32>,
        %parallel_loop3A_662 = vector.shape_cast %parallel_loop3A_661 : vector<1x1x16xf32> to vector<16xf32>
        %parallel_loop3A_663 = arith.addf %parallel_loop3A_657, %parallel_loop3A_662 : vector<16xf32>
        %parallel_loop3A_664 = arith.constant 0.000000e+00 : f32
        %parallel_loop3A_665 = vector.broadcast %parallel_loop3A_664 : f32 to vector<16xf32>
        %parallel_loop3A_666 = arith.maximumf %parallel_loop3A_663, %parallel_loop3A_665 : vector<16xf32>
        %parallel_loop3A_667 = arith.index_cast %rem3A_389 : i32 to index
        %parallel_loop3A_668 = arith.index_cast %parallel_loop3A_464 : i32 to index
        %parallel_loop3A_669 = arith.constant 112 : index
        %parallel_loop3A_670 = tpu.vector_load %arg11[%parallel_loop3A_667, %parallel_loop3A_668, %parallel_loop3A_669] {strides = array<i32>} : memref<3x40x128xf32, #tpu.memory_space<vmem>>, vector<1x1x16xf32>,
        %parallel_loop3A_671 = vector.shape_cast %parallel_loop3A_670 : vector<1x1x16xf32> to vector<16xf32>
        %parallel_loop3A_672 = vector.shape_cast %parallel_loop3A_666 : vector<16xf32> to vector<1x1x16xf32>
        tpu.vector_store %arg11[%parallel_loop3A_667, %parallel_loop3A_668, %parallel_loop3A_669], %parallel_loop3A_672 {strides = array<i32>} : memref<3x40x128xf32, #tpu.memory_space<vmem>>, vector<1x1x16xf32>,
      } {sc.loop_unroll_factor = 4 : i64, sc.parallel_access}
      %dma_start3A_445 = arith.constant 0 : i32
      %dma_start3A_446 = arith.constant 0 : i32
      %dma_start3A_447 = tpu.memref_slice %arg11[%rem3A_389, %dma_start3A_445, %dma_start3A_446] : memref<3x40x128xf32, #tpu.memory_space<vmem>> -> memref<1x40x128xf32, #tpu.memory_space<vmem>>
      %dma_start3A_448 = tpu.memref_squeeze %dma_start3A_447 : memref<1x40x128xf32, #tpu.memory_space<vmem>> -> memref<40x128xf32, #tpu.memory_space<vmem>>
      %dma_start3A_449 = arith.constant 0 : i32
      %dma_start3A_450 = tpu.memref_slice %arg10[%rem3A_389, %dma_start3A_449] : memref<3x40xi32, #tpu.memory_space<vmem>> -> memref<1x40xi32, #tpu.memory_space<vmem>>
      %dma_start3A_451 = tpu.memref_squeeze %dma_start3A_450 : memref<1x40xi32, #tpu.memory_space<vmem>> -> memref<40xi32, #tpu.memory_space<vmem>>
      %dma_start3A_452 = arith.constant 0 : i32
      %dma_start3A_453 = arith.constant 0 : i32
      %dma_start3A_454 = tpu.memref_slice %arg14[%dma_start3A_452, %dma_start3A_453] : memref<10000x128xf32, #tpu.memory_space<vmem_shared>> -> memref<10000x128xf32, #tpu.memory_space<vmem_shared>>
      %dma_start3A_455 = tpu.memref_slice %arg15[%scan3A_156] : memref<2x!tpu.dma_semaphore, #tpu.memory_space<semaphore_mem>> -> memref<1x!tpu.dma_semaphore, #tpu.memory_space<semaphore_mem>>
      %dma_start3A_456 = tpu.memref_squeeze %dma_start3A_455 : memref<1x!tpu.dma_semaphore, #tpu.memory_space<semaphore_mem>> -> memref<!tpu.dma_semaphore, #tpu.memory_space<semaphore_mem>>
      tpu.enqueue_indirect_dma source(%dma_start3A_448 : memref<40x128xf32, #tpu.memory_space<vmem>>) target(%dma_start3A_454 : memref<10000x128xf32, #tpu.memory_space<vmem_shared>>) offsets(%dma_start3A_451 : memref<40xi32, #tpu.memory_space<vmem>>) semaphore(%dma_start3A_456 : memref<!tpu.dma_semaphore, #tpu.memory_space<semaphore_mem>>) {add = true}
      %add3A_457 = arith.constant 2 : i32
      %add3A_458 = arith.addi %scan3A_387, %add3A_457 : i32
      %lt3A = arith.constant 250 : i32
      %lt3A_459 = arith.cmpi slt, %add3A_458, %lt3A : i32
      %convert_element_type3A_460 = arith.extui %lt3A_459 : i1 to i32
      %cond3A_461 = arith.constant 0 : i32
      %cond3A_462 = arith.cmpi ne, %convert_element_type3A_460, %cond3A_461 : i32
      scf.if %cond3A_462 {
        %ge3A = arith.constant 1 : i32
        %ge3A_464 = arith.cmpi sge, %scan3A_387, %ge3A : i32
        %convert_element_type3A_465 = arith.extui %ge3A_464 : i1 to i32
        %cond3A_466 = arith.constant 0 : i32
        %cond3A_467 = arith.cmpi ne, %convert_element_type3A_465, %cond3A_466 : i32
        scf.if %cond3A_467 {
          %dma_wait3A_511 = arith.constant 0 : i32
          %dma_wait3A_512 = arith.constant 0 : i32
          %dma_wait3A_513 = tpu.memref_slice %arg11[%rem3A_393, %dma_wait3A_511, %dma_wait3A_512] : memref<3x40x128xf32, #tpu.memory_space<vmem>> -> memref<1x40x128xf32, #tpu.memory_space<vmem>>
          %dma_wait3A_514 = tpu.memref_squeeze %dma_wait3A_513 : memref<1x40x128xf32, #tpu.memory_space<vmem>> -> memref<40x128xf32, #tpu.memory_space<vmem>>
          %dma_wait3A_515 = arith.constant 0 : i32
          %dma_wait3A_516 = arith.constant 0 : i32
          %dma_wait3A_517 = tpu.memref_slice %arg4[%dma_wait3A_515, %dma_wait3A_516] : memref<10000x128xf32, #tpu.memory_space<hbm>> -> memref<40x128xf32, #tpu.memory_space<hbm>>
          %dma_wait3A_518 = tpu.memref_slice %arg15[%scan3A_156] : memref<2x!tpu.dma_semaphore, #tpu.memory_space<semaphore_mem>> -> memref<1x!tpu.dma_semaphore, #tpu.memory_space<semaphore_mem>>
          %dma_wait3A_519 = tpu.memref_squeeze %dma_wait3A_518 : memref<1x!tpu.dma_semaphore, #tpu.memory_space<semaphore_mem>> -> memref<!tpu.dma_semaphore, #tpu.memory_space<semaphore_mem>>
          %dma_wait3A_520 = arith.constant 0 : i32
          %dma_wait3A_521 = arith.constant 0 : i32
          %dma_wait3A_522 = tpu.memref_slice %arg11[%rem3A_393, %dma_wait3A_520, %dma_wait3A_521] : memref<3x40x128xf32, #tpu.memory_space<vmem>> -> memref<1x40x128xf32, #tpu.memory_space<vmem>>
          %dma_wait3A_523 = tpu.memref_squeeze %dma_wait3A_522 : memref<1x40x128xf32, #tpu.memory_space<vmem>> -> memref<40x128xf32, #tpu.memory_space<vmem>>
          %dma_wait3A_524 = arith.constant 0 : i32
          %dma_wait3A_525 = arith.constant 0 : i32
          %dma_wait3A_526 = tpu.memref_slice %arg4[%dma_wait3A_524, %dma_wait3A_525] : memref<10000x128xf32, #tpu.memory_space<hbm>> -> memref<40x128xf32, #tpu.memory_space<hbm>>
          tpu.wait_dma2 semaphore(%dma_wait3A_519 : memref<!tpu.dma_semaphore, #tpu.memory_space<semaphore_mem>>) src(%dma_wait3A_526 : memref<40x128xf32, #tpu.memory_space<hbm>>) dst(%dma_wait3A_523 : memref<40x128xf32, #tpu.memory_space<vmem>>)
        } else {
        }
        %add3A_468 = arith.constant 2 : i32
        %add3A_469 = arith.addi %scan3A_387, %add3A_468 : i32
        %mul3A_470 = arith.constant 40 : i32
        %mul3A_471 = arith.muli %add3A_469, %mul3A_470 : i32
        %add3A_472 = arith.addi %mul3A_4, %mul3A_471 : i32
        "tpu.region"() ({
          %run_scoped3A_511 = tpu.sem_alloc : memref<!tpu.dma_semaphore, #tpu.memory_space<semaphore_mem>>
          %dma_start3A_512 = arith.constant 0 : i32
          %dma_start3A_513 = tpu.memref_slice %arg9[%rem3A_393, %dma_start3A_512] : memref<3x40xi32, #tpu.memory_space<vmem>> -> memref<1x40xi32, #tpu.memory_space<vmem>>
          %dma_start3A_514 = tpu.memref_squeeze %dma_start3A_513 : memref<1x40xi32, #tpu.memory_space<vmem>> -> memref<40xi32, #tpu.memory_space<vmem>>
          %dma_start3A_515 = tpu.memref_slice %arg2[%add3A_472] : memref<320000xi32, #tpu.memory_space<hbm>> -> memref<40xi32, #tpu.memory_space<hbm>>
          %dma_start3A_516 = arith.constant 0 : i32
          %dma_start3A_517 = tpu.memref_slice %arg9[%rem3A_393, %dma_start3A_516] : memref<3x40xi32, #tpu.memory_space<vmem>> -> memref<1x40xi32, #tpu.memory_space<vmem>>
          %dma_start3A_518 = tpu.memref_squeeze %dma_start3A_517 : memref<1x40xi32, #tpu.memory_space<vmem>> -> memref<40xi32, #tpu.memory_space<vmem>>
          %dma_start3A_519 = tpu.memref_slice %arg2[%add3A_472] : memref<320000xi32, #tpu.memory_space<hbm>> -> memref<40xi32, #tpu.memory_space<hbm>>
          tpu.enqueue_dma source(%dma_start3A_519 : memref<40xi32, #tpu.memory_space<hbm>>) target(%dma_start3A_518 : memref<40xi32, #tpu.memory_space<vmem>>) target_semaphore(%run_scoped3A_511 : memref<!tpu.dma_semaphore, #tpu.memory_space<semaphore_mem>>)
          %dma_wait3A_520 = arith.constant 0 : i32
          %dma_wait3A_521 = tpu.memref_slice %arg9[%rem3A_393, %dma_wait3A_520] : memref<3x40xi32, #tpu.memory_space<vmem>> -> memref<1x40xi32, #tpu.memory_space<vmem>>
          %dma_wait3A_522 = tpu.memref_squeeze %dma_wait3A_521 : memref<1x40xi32, #tpu.memory_space<vmem>> -> memref<40xi32, #tpu.memory_space<vmem>>
          %dma_wait3A_523 = tpu.memref_slice %arg2[%add3A_472] : memref<320000xi32, #tpu.memory_space<hbm>> -> memref<40xi32, #tpu.memory_space<hbm>>
          %dma_wait3A_524 = arith.constant 0 : i32
          %dma_wait3A_525 = tpu.memref_slice %arg9[%rem3A_393, %dma_wait3A_524] : memref<3x40xi32, #tpu.memory_space<vmem>> -> memref<1x40xi32, #tpu.memory_space<vmem>>
          %dma_wait3A_526 = tpu.memref_squeeze %dma_wait3A_525 : memref<1x40xi32, #tpu.memory_space<vmem>> -> memref<40xi32, #tpu.memory_space<vmem>>
          %dma_wait3A_527 = tpu.memref_slice %arg2[%add3A_472] : memref<320000xi32, #tpu.memory_space<hbm>> -> memref<40xi32, #tpu.memory_space<hbm>>
          tpu.wait_dma2 semaphore(%run_scoped3A_511 : memref<!tpu.dma_semaphore, #tpu.memory_space<semaphore_mem>>) src(%dma_wait3A_527 : memref<40xi32, #tpu.memory_space<hbm>>) dst(%dma_wait3A_526 : memref<40xi32, #tpu.memory_space<vmem>>)
          tpu.yield
        }) : () -> ()
        "tpu.region"() ({
          %run_scoped3A_511 = tpu.sem_alloc : memref<!tpu.dma_semaphore, #tpu.memory_space<semaphore_mem>>
          %dma_start3A_512 = arith.constant 0 : i32
          %dma_start3A_513 = tpu.memref_slice %arg10[%rem3A_393, %dma_start3A_512] : memref<3x40xi32, #tpu.memory_space<vmem>> -> memref<1x40xi32, #tpu.memory_space<vmem>>
          %dma_start3A_514 = tpu.memref_squeeze %dma_start3A_513 : memref<1x40xi32, #tpu.memory_space<vmem>> -> memref<40xi32, #tpu.memory_space<vmem>>
          %dma_start3A_515 = tpu.memref_slice %arg3[%add3A_472] : memref<320000xi32, #tpu.memory_space<hbm>> -> memref<40xi32, #tpu.memory_space<hbm>>
          %dma_start3A_516 = arith.constant 0 : i32
          %dma_start3A_517 = tpu.memref_slice %arg10[%rem3A_393, %dma_start3A_516] : memref<3x40xi32, #tpu.memory_space<vmem>> -> memref<1x40xi32, #tpu.memory_space<vmem>>
          %dma_start3A_518 = tpu.memref_squeeze %dma_start3A_517 : memref<1x40xi32, #tpu.memory_space<vmem>> -> memref<40xi32, #tpu.memory_space<vmem>>
          %dma_start3A_519 = tpu.memref_slice %arg3[%add3A_472] : memref<320000xi32, #tpu.memory_space<hbm>> -> memref<40xi32, #tpu.memory_space<hbm>>
          tpu.enqueue_dma source(%dma_start3A_519 : memref<40xi32, #tpu.memory_space<hbm>>) target(%dma_start3A_518 : memref<40xi32, #tpu.memory_space<vmem>>) target_semaphore(%run_scoped3A_511 : memref<!tpu.dma_semaphore, #tpu.memory_space<semaphore_mem>>)
          %dma_wait3A_520 = arith.constant 0 : i32
          %dma_wait3A_521 = tpu.memref_slice %arg10[%rem3A_393, %dma_wait3A_520] : memref<3x40xi32, #tpu.memory_space<vmem>> -> memref<1x40xi32, #tpu.memory_space<vmem>>
          %dma_wait3A_522 = tpu.memref_squeeze %dma_wait3A_521 : memref<1x40xi32, #tpu.memory_space<vmem>> -> memref<40xi32, #tpu.memory_space<vmem>>
          %dma_wait3A_523 = tpu.memref_slice %arg3[%add3A_472] : memref<320000xi32, #tpu.memory_space<hbm>> -> memref<40xi32, #tpu.memory_space<hbm>>
          %dma_wait3A_524 = arith.constant 0 : i32
          %dma_wait3A_525 = tpu.memref_slice %arg10[%rem3A_393, %dma_wait3A_524] : memref<3x40xi32, #tpu.memory_space<vmem>> -> memref<1x40xi32, #tpu.memory_space<vmem>>
          %dma_wait3A_526 = tpu.memref_squeeze %dma_wait3A_525 : memref<1x40xi32, #tpu.memory_space<vmem>> -> memref<40xi32, #tpu.memory_space<vmem>>
          %dma_wait3A_527 = tpu.memref_slice %arg3[%add3A_472] : memref<320000xi32, #tpu.memory_space<hbm>> -> memref<40xi32, #tpu.memory_space<hbm>>
          tpu.wait_dma2 semaphore(%run_scoped3A_511 : memref<!tpu.dma_semaphore, #tpu.memory_space<semaphore_mem>>) src(%dma_wait3A_527 : memref<40xi32, #tpu.memory_space<hbm>>) dst(%dma_wait3A_526 : memref<40xi32, #tpu.memory_space<vmem>>)
          tpu.yield
        }) : () -> ()
        %dma_start3A_473 = arith.constant 0 : i32
        %dma_start3A_474 = arith.constant 0 : i32
        %dma_start3A_475 = tpu.memref_slice %arg11[%rem3A_393, %dma_start3A_473, %dma_start3A_474] : memref<3x40x128xf32, #tpu.memory_space<vmem>> -> memref<1x40x128xf32, #tpu.memory_space<vmem>>
        %dma_start3A_476 = tpu.memref_squeeze %dma_start3A_475 : memref<1x40x128xf32, #tpu.memory_space<vmem>> -> memref<40x128xf32, #tpu.memory_space<vmem>>
        %dma_start3A_477 = arith.constant 0 : i32
        %dma_start3A_478 = tpu.memref_slice %arg9[%rem3A_393, %dma_start3A_477] : memref<3x40xi32, #tpu.memory_space<vmem>> -> memref<1x40xi32, #tpu.memory_space<vmem>>
        %dma_start3A_479 = tpu.memref_squeeze %dma_start3A_478 : memref<1x40xi32, #tpu.memory_space<vmem>> -> memref<40xi32, #tpu.memory_space<vmem>>
        %dma_start3A_480 = arith.constant 0 : i32
        %dma_start3A_481 = arith.constant 0 : i32
        %dma_start3A_482 = tpu.memref_slice %arg4[%dma_start3A_480, %dma_start3A_481] : memref<10000x128xf32, #tpu.memory_space<hbm>> -> memref<10000x128xf32, #tpu.memory_space<hbm>>
        %dma_start3A_483 = tpu.memref_slice %arg15[%scan3A] : memref<2x!tpu.dma_semaphore, #tpu.memory_space<semaphore_mem>> -> memref<1x!tpu.dma_semaphore, #tpu.memory_space<semaphore_mem>>
        %dma_start3A_484 = tpu.memref_squeeze %dma_start3A_483 : memref<1x!tpu.dma_semaphore, #tpu.memory_space<semaphore_mem>> -> memref<!tpu.dma_semaphore, #tpu.memory_space<semaphore_mem>>
        tpu.enqueue_indirect_dma source(%dma_start3A_482 : memref<10000x128xf32, #tpu.memory_space<hbm>>) target(%dma_start3A_476 : memref<40x128xf32, #tpu.memory_space<vmem>>) offsets(%dma_start3A_479 : memref<40xi32, #tpu.memory_space<vmem>>) semaphore(%dma_start3A_484 : memref<!tpu.dma_semaphore, #tpu.memory_space<semaphore_mem>>)
        %dma_start3A_485 = arith.constant 0 : i32
        %dma_start3A_486 = arith.constant 0 : i32
        %dma_start3A_487 = tpu.memref_slice %arg12[%rem3A_393, %dma_start3A_485, %dma_start3A_486] : memref<3x40x128xf32, #tpu.memory_space<vmem>> -> memref<1x40x128xf32, #tpu.memory_space<vmem>>
        %dma_start3A_488 = tpu.memref_squeeze %dma_start3A_487 : memref<1x40x128xf32, #tpu.memory_space<vmem>> -> memref<40x128xf32, #tpu.memory_space<vmem>>
        %dma_start3A_489 = arith.constant 0 : i32
        %dma_start3A_490 = tpu.memref_slice %arg10[%rem3A_393, %dma_start3A_489] : memref<3x40xi32, #tpu.memory_space<vmem>> -> memref<1x40xi32, #tpu.memory_space<vmem>>
        %dma_start3A_491 = tpu.memref_squeeze %dma_start3A_490 : memref<1x40xi32, #tpu.memory_space<vmem>> -> memref<40xi32, #tpu.memory_space<vmem>>
        %dma_start3A_492 = arith.constant 0 : i32
        %dma_start3A_493 = arith.constant 0 : i32
        %dma_start3A_494 = tpu.memref_slice %arg5[%dma_start3A_492, %dma_start3A_493] : memref<10000x128xf32, #tpu.memory_space<hbm>> -> memref<10000x128xf32, #tpu.memory_space<hbm>>
        %dma_start3A_495 = tpu.memref_slice %arg15[%scan3A] : memref<2x!tpu.dma_semaphore, #tpu.memory_space<semaphore_mem>> -> memref<1x!tpu.dma_semaphore, #tpu.memory_space<semaphore_mem>>
        %dma_start3A_496 = tpu.memref_squeeze %dma_start3A_495 : memref<1x!tpu.dma_semaphore, #tpu.memory_space<semaphore_mem>> -> memref<!tpu.dma_semaphore, #tpu.memory_space<semaphore_mem>>
        tpu.enqueue_indirect_dma source(%dma_start3A_494 : memref<10000x128xf32, #tpu.memory_space<hbm>>) target(%dma_start3A_488 : memref<40x128xf32, #tpu.memory_space<vmem>>) offsets(%dma_start3A_491 : memref<40xi32, #tpu.memory_space<vmem>>) semaphore(%dma_start3A_496 : memref<!tpu.dma_semaphore, #tpu.memory_space<semaphore_mem>>)
        %dma_start3A_497 = arith.constant 0 : i32
        %dma_start3A_498 = arith.constant 0 : i32
        %dma_start3A_499 = tpu.memref_slice %arg13[%rem3A_393, %dma_start3A_497, %dma_start3A_498] : memref<3x40x128xf32, #tpu.memory_space<vmem>> -> memref<1x40x128xf32, #tpu.memory_space<vmem>>
        %dma_start3A_500 = tpu.memref_squeeze %dma_start3A_499 : memref<1x40x128xf32, #tpu.memory_space<vmem>> -> memref<40x128xf32, #tpu.memory_space<vmem>>
        %dma_start3A_501 = arith.constant 0 : i32
        %dma_start3A_502 = tpu.memref_slice %arg6[%add3A_472, %dma_start3A_501] : memref<320000x128xf32, #tpu.memory_space<hbm>> -> memref<40x128xf32, #tpu.memory_space<hbm>>
        %dma_start3A_503 = tpu.memref_slice %arg15[%scan3A] : memref<2x!tpu.dma_semaphore, #tpu.memory_space<semaphore_mem>> -> memref<1x!tpu.dma_semaphore, #tpu.memory_space<semaphore_mem>>
        %dma_start3A_504 = tpu.memref_squeeze %dma_start3A_503 : memref<1x!tpu.dma_semaphore, #tpu.memory_space<semaphore_mem>> -> memref<!tpu.dma_semaphore, #tpu.memory_space<semaphore_mem>>
        %dma_start3A_505 = arith.constant 0 : i32
        %dma_start3A_506 = arith.constant 0 : i32
        %dma_start3A_507 = tpu.memref_slice %arg13[%rem3A_393, %dma_start3A_505, %dma_start3A_506] : memref<3x40x128xf32, #tpu.memory_space<vmem>> -> memref<1x40x128xf32, #tpu.memory_space<vmem>>
        %dma_start3A_508 = tpu.memref_squeeze %dma_start3A_507 : memref<1x40x128xf32, #tpu.memory_space<vmem>> -> memref<40x128xf32, #tpu.memory_space<vmem>>
        %dma_start3A_509 = arith.constant 0 : i32
        %dma_start3A_510 = tpu.memref_slice %arg6[%add3A_472, %dma_start3A_509] : memref<320000x128xf32, #tpu.memory_space<hbm>> -> memref<40x128xf32, #tpu.memory_space<hbm>>
        tpu.enqueue_dma source(%dma_start3A_510 : memref<40x128xf32, #tpu.memory_space<hbm>>) target(%dma_start3A_508 : memref<40x128xf32, #tpu.memory_space<vmem>>) target_semaphore(%dma_start3A_504 : memref<!tpu.dma_semaphore, #tpu.memory_space<semaphore_mem>>)
      } else {
      }
      %scan3A_463 = arith.constant 0 : i32
      scf.yield %scan3A_463 : i32
    }
    %scan3A_163 = arith.constant 250 : i32
    %dma_wait3A = arith.constant 0 : i32
    %dma_wait3A_164 = arith.constant 1 : i32
    %dma_wait3A_165 = arith.constant 0 : i32
    %dma_wait3A_166 = arith.constant 0 : i32
    %dma_wait3A_167 = tpu.memref_slice %arg11[%dma_wait3A, %dma_wait3A_165, %dma_wait3A_166] : memref<3x40x128xf32, #tpu.memory_space<vmem>> -> memref<1x40x128xf32, #tpu.memory_space<vmem>>
    %dma_wait3A_168 = tpu.memref_squeeze %dma_wait3A_167 : memref<1x40x128xf32, #tpu.memory_space<vmem>> -> memref<40x128xf32, #tpu.memory_space<vmem>>
    %dma_wait3A_169 = arith.constant 0 : i32
    %dma_wait3A_170 = arith.constant 0 : i32
    %dma_wait3A_171 = tpu.memref_slice %arg4[%dma_wait3A_169, %dma_wait3A_170] : memref<10000x128xf32, #tpu.memory_space<hbm>> -> memref<40x128xf32, #tpu.memory_space<hbm>>
    %dma_wait3A_172 = tpu.memref_slice %arg15[%dma_wait3A_164] : memref<2x!tpu.dma_semaphore, #tpu.memory_space<semaphore_mem>> -> memref<1x!tpu.dma_semaphore, #tpu.memory_space<semaphore_mem>>
    %dma_wait3A_173 = tpu.memref_squeeze %dma_wait3A_172 : memref<1x!tpu.dma_semaphore, #tpu.memory_space<semaphore_mem>> -> memref<!tpu.dma_semaphore, #tpu.memory_space<semaphore_mem>>
    %dma_wait3A_174 = arith.constant 0 : i32
    %dma_wait3A_175 = arith.constant 0 : i32
    %dma_wait3A_176 = tpu.memref_slice %arg11[%dma_wait3A, %dma_wait3A_174, %dma_wait3A_175] : memref<3x40x128xf32, #tpu.memory_space<vmem>> -> memref<1x40x128xf32, #tpu.memory_space<vmem>>
    %dma_wait3A_177 = tpu.memref_squeeze %dma_wait3A_176 : memref<1x40x128xf32, #tpu.memory_space<vmem>> -> memref<40x128xf32, #tpu.memory_space<vmem>>
    %dma_wait3A_178 = arith.constant 0 : i32
    %dma_wait3A_179 = arith.constant 0 : i32
    %dma_wait3A_180 = tpu.memref_slice %arg4[%dma_wait3A_178, %dma_wait3A_179] : memref<10000x128xf32, #tpu.memory_space<hbm>> -> memref<40x128xf32, #tpu.memory_space<hbm>>
    tpu.wait_dma2 semaphore(%dma_wait3A_173 : memref<!tpu.dma_semaphore, #tpu.memory_space<semaphore_mem>>) src(%dma_wait3A_180 : memref<40x128xf32, #tpu.memory_space<hbm>>) dst(%dma_wait3A_177 : memref<40x128xf32, #tpu.memory_space<vmem>>)
    %dma_wait3A_181 = arith.constant 0 : i32
    %dma_wait3A_182 = arith.constant 1 : i32
    %dma_wait3A_183 = arith.constant 0 : i32
    %dma_wait3A_184 = arith.constant 0 : i32
    %dma_wait3A_185 = tpu.memref_slice %arg11[%dma_wait3A_181, %dma_wait3A_183, %dma_wait3A_184] : memref<3x40x128xf32, #tpu.memory_space<vmem>> -> memref<1x40x128xf32, #tpu.memory_space<vmem>>
    %dma_wait3A_186 = tpu.memref_squeeze %dma_wait3A_185 : memref<1x40x128xf32, #tpu.memory_space<vmem>> -> memref<40x128xf32, #tpu.memory_space<vmem>>
    %dma_wait3A_187 = arith.constant 0 : i32
    %dma_wait3A_188 = arith.constant 0 : i32
    %dma_wait3A_189 = tpu.memref_slice %arg4[%dma_wait3A_187, %dma_wait3A_188] : memref<10000x128xf32, #tpu.memory_space<hbm>> -> memref<40x128xf32, #tpu.memory_space<hbm>>
    %dma_wait3A_190 = tpu.memref_slice %arg15[%dma_wait3A_182] : memref<2x!tpu.dma_semaphore, #tpu.memory_space<semaphore_mem>> -> memref<1x!tpu.dma_semaphore, #tpu.memory_space<semaphore_mem>>
    %dma_wait3A_191 = tpu.memref_squeeze %dma_wait3A_190 : memref<1x!tpu.dma_semaphore, #tpu.memory_space<semaphore_mem>> -> memref<!tpu.dma_semaphore, #tpu.memory_space<semaphore_mem>>
    %dma_wait3A_192 = arith.constant 0 : i32
    %dma_wait3A_193 = arith.constant 0 : i32
    %dma_wait3A_194 = tpu.memref_slice %arg11[%dma_wait3A_181, %dma_wait3A_192, %dma_wait3A_193] : memref<3x40x128xf32, #tpu.memory_space<vmem>> -> memref<1x40x128xf32, #tpu.memory_space<vmem>>
    %dma_wait3A_195 = tpu.memref_squeeze %dma_wait3A_194 : memref<1x40x128xf32, #tpu.memory_space<vmem>> -> memref<40x128xf32, #tpu.memory_space<vmem>>
    %dma_wait3A_196 = arith.constant 0 : i32
    %dma_wait3A_197 = arith.constant 0 : i32
    %dma_wait3A_198 = tpu.memref_slice %arg4[%dma_wait3A_196, %dma_wait3A_197] : memref<10000x128xf32, #tpu.memory_space<hbm>> -> memref<40x128xf32, #tpu.memory_space<hbm>>
    tpu.wait_dma2 semaphore(%dma_wait3A_191 : memref<!tpu.dma_semaphore, #tpu.memory_space<semaphore_mem>>) src(%dma_wait3A_198 : memref<40x128xf32, #tpu.memory_space<hbm>>) dst(%dma_wait3A_195 : memref<40x128xf32, #tpu.memory_space<vmem>>)
    %dma_wait3A_199 = arith.constant 0 : i32
    %dma_wait3A_200 = arith.constant 1 : i32
    %dma_wait3A_201 = arith.constant 0 : i32
    %dma_wait3A_202 = arith.constant 0 : i32
    %dma_wait3A_203 = tpu.memref_slice %arg11[%dma_wait3A_199, %dma_wait3A_201, %dma_wait3A_202] : memref<3x40x128xf32, #tpu.memory_space<vmem>> -> memref<1x40x128xf32, #tpu.memory_space<vmem>>
    %dma_wait3A_204 = tpu.memref_squeeze %dma_wait3A_203 : memref<1x40x128xf32, #tpu.memory_space<vmem>> -> memref<40x128xf32, #tpu.memory_space<vmem>>
    %dma_wait3A_205 = arith.constant 0 : i32
    %dma_wait3A_206 = arith.constant 0 : i32
    %dma_wait3A_207 = tpu.memref_slice %arg4[%dma_wait3A_205, %dma_wait3A_206] : memref<10000x128xf32, #tpu.memory_space<hbm>> -> memref<40x128xf32, #tpu.memory_space<hbm>>
    %dma_wait3A_208 = tpu.memref_slice %arg15[%dma_wait3A_200] : memref<2x!tpu.dma_semaphore, #tpu.memory_space<semaphore_mem>> -> memref<1x!tpu.dma_semaphore, #tpu.memory_space<semaphore_mem>>
    %dma_wait3A_209 = tpu.memref_squeeze %dma_wait3A_208 : memref<1x!tpu.dma_semaphore, #tpu.memory_space<semaphore_mem>> -> memref<!tpu.dma_semaphore, #tpu.memory_space<semaphore_mem>>
    %dma_wait3A_210 = arith.constant 0 : i32
    %dma_wait3A_211 = arith.constant 0 : i32
    %dma_wait3A_212 = tpu.memref_slice %arg11[%dma_wait3A_199, %dma_wait3A_210, %dma_wait3A_211] : memref<3x40x128xf32, #tpu.memory_space<vmem>> -> memref<1x40x128xf32, #tpu.memory_space<vmem>>
    %dma_wait3A_213 = tpu.memref_squeeze %dma_wait3A_212 : memref<1x40x128xf32, #tpu.memory_space<vmem>> -> memref<40x128xf32, #tpu.memory_space<vmem>>
    %dma_wait3A_214 = arith.constant 0 : i32
    %dma_wait3A_215 = arith.constant 0 : i32
    %dma_wait3A_216 = tpu.memref_slice %arg4[%dma_wait3A_214, %dma_wait3A_215] : memref<10000x128xf32, #tpu.memory_space<hbm>> -> memref<40x128xf32, #tpu.memory_space<hbm>>
    tpu.wait_dma2 semaphore(%dma_wait3A_209 : memref<!tpu.dma_semaphore, #tpu.memory_space<semaphore_mem>>) src(%dma_wait3A_216 : memref<40x128xf32, #tpu.memory_space<hbm>>) dst(%dma_wait3A_213 : memref<40x128xf32, #tpu.memory_space<vmem>>)
    %barrier3A_217 = arith.constant 0 : index
    tpu.barrier barrier_id(%barrier3A_217)
    %mul3A_218 = arith.constant 10000 : i32
    %mul3A_219 = arith.muli %arg0, %mul3A_218 : i32
    %add3A_220 = arith.addi %mul3A_219, %mul3A_0 : i32
    "tpu.region"() ({
      %run_scoped3A_387 = tpu.sem_alloc : memref<!tpu.dma_semaphore, #tpu.memory_space<semaphore_mem>>
      %dma_start3A_388 = arith.constant 0 : i32
      %dma_start3A_389 = tpu.memref_slice %arg7[%add3A_220, %dma_start3A_388] : memref<20000x128xf32, #tpu.memory_space<hbm>> -> memref<624x128xf32, #tpu.memory_space<hbm>>
      %dma_start3A_390 = arith.constant 0 : i32
      %dma_start3A_391 = tpu.memref_slice %arg14[%mul3A_0, %dma_start3A_390] : memref<10000x128xf32, #tpu.memory_space<vmem_shared>> -> memref<624x128xf32, #tpu.memory_space<vmem_shared>>
      tpu.enqueue_dma source(%dma_start3A_391 : memref<624x128xf32, #tpu.memory_space<vmem_shared>>) target(%dma_start3A_389 : memref<624x128xf32, #tpu.memory_space<hbm>>) target_semaphore(%run_scoped3A_387 : memref<!tpu.dma_semaphore, #tpu.memory_space<semaphore_mem>>)
      %dma_wait3A_392 = arith.constant 0 : i32
      %dma_wait3A_393 = tpu.memref_slice %arg7[%add3A_220, %dma_wait3A_392] : memref<20000x128xf32, #tpu.memory_space<hbm>> -> memref<624x128xf32, #tpu.memory_space<hbm>>
      %dma_wait3A_394 = arith.constant 0 : i32
      %dma_wait3A_395 = tpu.memref_slice %arg14[%mul3A_0, %dma_wait3A_394] : memref<10000x128xf32, #tpu.memory_space<vmem_shared>> -> memref<624x128xf32, #tpu.memory_space<vmem_shared>>
      tpu.wait_dma2 semaphore(%run_scoped3A_387 : memref<!tpu.dma_semaphore, #tpu.memory_space<semaphore_mem>>) src(%dma_wait3A_395 : memref<624x128xf32, #tpu.memory_space<vmem_shared>>) dst(%dma_wait3A_393 : memref<624x128xf32, #tpu.memory_space<hbm>>)
      tpu.yield
    }) : () -> ()
    %eq3A_221 = arith.constant 15 : i32
    %eq3A_222 = arith.cmpi eq, %arg1, %eq3A_221 : i32
    %convert_element_type3A_223 = arith.extui %eq3A_222 : i1 to i32
    %cond3A_224 = arith.constant 0 : i32
    %cond3A_225 = arith.cmpi ne, %convert_element_type3A_223, %cond3A_224 : i32
    scf.if %cond3A_225 {
      %mul3A_387 = arith.constant 10000 : i32
      %mul3A_388 = arith.muli %arg0, %mul3A_387 : i32
      %add3A_389 = arith.constant 9984 : i32
      %add3A_390 = arith.addi %mul3A_388, %add3A_389 : i32
      "tpu.region"() ({
        %run_scoped3A_391 = tpu.sem_alloc : memref<!tpu.dma_semaphore, #tpu.memory_space<semaphore_mem>>
        %dma_start3A_392 = arith.constant 0 : i32
        %dma_start3A_393 = tpu.memref_slice %arg7[%add3A_390, %dma_start3A_392] : memref<20000x128xf32, #tpu.memory_space<hbm>> -> memref<16x128xf32, #tpu.memory_space<hbm>>
        %dma_start3A_394 = arith.constant 9984 : i32
        %dma_start3A_395 = arith.constant 0 : i32
        %dma_start3A_396 = tpu.memref_slice %arg14[%dma_start3A_394, %dma_start3A_395] : memref<10000x128xf32, #tpu.memory_space<vmem_shared>> -> memref<16x128xf32, #tpu.memory_space<vmem_shared>>
        tpu.enqueue_dma source(%dma_start3A_396 : memref<16x128xf32, #tpu.memory_space<vmem_shared>>) target(%dma_start3A_393 : memref<16x128xf32, #tpu.memory_space<hbm>>) target_semaphore(%run_scoped3A_391 : memref<!tpu.dma_semaphore, #tpu.memory_space<semaphore_mem>>)
        %dma_wait3A_397 = arith.constant 0 : i32
        %dma_wait3A_398 = tpu.memref_slice %arg7[%add3A_390, %dma_wait3A_397] : memref<20000x128xf32, #tpu.memory_space<hbm>> -> memref<16x128xf32, #tpu.memory_space<hbm>>
        %dma_wait3A_399 = arith.constant 9984 : i32
        %dma_wait3A_400 = arith.constant 0 : i32
        %dma_wait3A_401 = tpu.memref_slice %arg14[%dma_wait3A_399, %dma_wait3A_400] : memref<10000x128xf32, #tpu.memory_space<vmem_shared>> -> memref<16x128xf32, #tpu.memory_space<vmem_shared>>
        tpu.wait_dma2 semaphore(%run_scoped3A_391 : memref<!tpu.dma_semaphore, #tpu.memory_space<semaphore_mem>>) src(%dma_wait3A_401 : memref<16x128xf32, #tpu.memory_space<vmem_shared>>) dst(%dma_wait3A_398 : memref<16x128xf32, #tpu.memory_space<hbm>>)
        tpu.yield
      }) : () -> ()
    } else {
    }
    %parallel_loop3A_226 = arith.constant 0 : i32
    %parallel_loop3A_227 = arith.constant 40 : i32
    %parallel_loop3A_228 = arith.constant 1 : i32
    scf.for %parallel_loop3A_387 = %parallel_loop3A_226 to %parallel_loop3A_227 step %parallel_loop3A_228  : i32 {
      %parallel_loop3A_388 = arith.constant 0.000000e+00 : f32
      %parallel_loop3A_389 = vector.broadcast %parallel_loop3A_388 : f32 to vector<16xf32>
      %parallel_loop3A_390 = arith.constant 0 : i32
      %parallel_loop3A_391 = arith.index_cast %parallel_loop3A_390 : i32 to index
      %parallel_loop3A_392 = arith.index_cast %parallel_loop3A_387 : i32 to index
      %parallel_loop3A_393 = arith.constant 0 : index
      %parallel_loop3A_394 = tpu.vector_load %arg13[%parallel_loop3A_391, %parallel_loop3A_392, %parallel_loop3A_393] {strides = array<i32>} : memref<3x40x128xf32, #tpu.memory_space<vmem>>, vector<1x1x16xf32>,
      %parallel_loop3A_395 = vector.shape_cast %parallel_loop3A_394 : vector<1x1x16xf32> to vector<16xf32>
      %parallel_loop3A_396 = vector.shape_cast %parallel_loop3A_389 : vector<16xf32> to vector<1x1x16xf32>
      tpu.vector_store %arg13[%parallel_loop3A_391, %parallel_loop3A_392, %parallel_loop3A_393], %parallel_loop3A_396 {strides = array<i32>} : memref<3x40x128xf32, #tpu.memory_space<vmem>>, vector<1x1x16xf32>,
      %parallel_loop3A_397 = arith.constant 0.000000e+00 : f32
      %parallel_loop3A_398 = vector.broadcast %parallel_loop3A_397 : f32 to vector<16xf32>
      %parallel_loop3A_399 = arith.constant 0 : i32
      %parallel_loop3A_400 = arith.index_cast %parallel_loop3A_399 : i32 to index
      %parallel_loop3A_401 = arith.index_cast %parallel_loop3A_387 : i32 to index
      %parallel_loop3A_402 = arith.constant 16 : index
      %parallel_loop3A_403 = tpu.vector_load %arg13[%parallel_loop3A_400, %parallel_loop3A_401, %parallel_loop3A_402] {strides = array<i32>} : memref<3x40x128xf32, #tpu.memory_space<vmem>>, vector<1x1x16xf32>,
      %parallel_loop3A_404 = vector.shape_cast %parallel_loop3A_403 : vector<1x1x16xf32> to vector<16xf32>
      %parallel_loop3A_405 = vector.shape_cast %parallel_loop3A_398 : vector<16xf32> to vector<1x1x16xf32>
      tpu.vector_store %arg13[%parallel_loop3A_400, %parallel_loop3A_401, %parallel_loop3A_402], %parallel_loop3A_405 {strides = array<i32>} : memref<3x40x128xf32, #tpu.memory_space<vmem>>, vector<1x1x16xf32>,
      %parallel_loop3A_406 = arith.constant 0.000000e+00 : f32
      %parallel_loop3A_407 = vector.broadcast %parallel_loop3A_406 : f32 to vector<16xf32>
      %parallel_loop3A_408 = arith.constant 0 : i32
      %parallel_loop3A_409 = arith.index_cast %parallel_loop3A_408 : i32 to index
      %parallel_loop3A_410 = arith.index_cast %parallel_loop3A_387 : i32 to index
      %parallel_loop3A_411 = arith.constant 32 : index
      %parallel_loop3A_412 = tpu.vector_load %arg13[%parallel_loop3A_409, %parallel_loop3A_410, %parallel_loop3A_411] {strides = array<i32>} : memref<3x40x128xf32, #tpu.memory_space<vmem>>, vector<1x1x16xf32>,
      %parallel_loop3A_413 = vector.shape_cast %parallel_loop3A_412 : vector<1x1x16xf32> to vector<16xf32>
      %parallel_loop3A_414 = vector.shape_cast %parallel_loop3A_407 : vector<16xf32> to vector<1x1x16xf32>
      tpu.vector_store %arg13[%parallel_loop3A_409, %parallel_loop3A_410, %parallel_loop3A_411], %parallel_loop3A_414 {strides = array<i32>} : memref<3x40x128xf32, #tpu.memory_space<vmem>>, vector<1x1x16xf32>,
      %parallel_loop3A_415 = arith.constant 0.000000e+00 : f32
      %parallel_loop3A_416 = vector.broadcast %parallel_loop3A_415 : f32 to vector<16xf32>
      %parallel_loop3A_417 = arith.constant 0 : i32
      %parallel_loop3A_418 = arith.index_cast %parallel_loop3A_417 : i32 to index
      %parallel_loop3A_419 = arith.index_cast %parallel_loop3A_387 : i32 to index
      %parallel_loop3A_420 = arith.constant 48 : index
      %parallel_loop3A_421 = tpu.vector_load %arg13[%parallel_loop3A_418, %parallel_loop3A_419, %parallel_loop3A_420] {strides = array<i32>} : memref<3x40x128xf32, #tpu.memory_space<vmem>>, vector<1x1x16xf32>,
      %parallel_loop3A_422 = vector.shape_cast %parallel_loop3A_421 : vector<1x1x16xf32> to vector<16xf32>
      %parallel_loop3A_423 = vector.shape_cast %parallel_loop3A_416 : vector<16xf32> to vector<1x1x16xf32>
      tpu.vector_store %arg13[%parallel_loop3A_418, %parallel_loop3A_419, %parallel_loop3A_420], %parallel_loop3A_423 {strides = array<i32>} : memref<3x40x128xf32, #tpu.memory_space<vmem>>, vector<1x1x16xf32>,
      %parallel_loop3A_424 = arith.constant 0.000000e+00 : f32
      %parallel_loop3A_425 = vector.broadcast %parallel_loop3A_424 : f32 to vector<16xf32>
      %parallel_loop3A_426 = arith.constant 0 : i32
      %parallel_loop3A_427 = arith.index_cast %parallel_loop3A_426 : i32 to index
      %parallel_loop3A_428 = arith.index_cast %parallel_loop3A_387 : i32 to index
      %parallel_loop3A_429 = arith.constant 64 : index
      %parallel_loop3A_430 = tpu.vector_load %arg13[%parallel_loop3A_427, %parallel_loop3A_428, %parallel_loop3A_429] {strides = array<i32>} : memref<3x40x128xf32, #tpu.memory_space<vmem>>, vector<1x1x16xf32>,
      %parallel_loop3A_431 = vector.shape_cast %parallel_loop3A_430 : vector<1x1x16xf32> to vector<16xf32>
      %parallel_loop3A_432 = vector.shape_cast %parallel_loop3A_425 : vector<16xf32> to vector<1x1x16xf32>
      tpu.vector_store %arg13[%parallel_loop3A_427, %parallel_loop3A_428, %parallel_loop3A_429], %parallel_loop3A_432 {strides = array<i32>} : memref<3x40x128xf32, #tpu.memory_space<vmem>>, vector<1x1x16xf32>,
      %parallel_loop3A_433 = arith.constant 0.000000e+00 : f32
      %parallel_loop3A_434 = vector.broadcast %parallel_loop3A_433 : f32 to vector<16xf32>
      %parallel_loop3A_435 = arith.constant 0 : i32
      %parallel_loop3A_436 = arith.index_cast %parallel_loop3A_435 : i32 to index
      %parallel_loop3A_437 = arith.index_cast %parallel_loop3A_387 : i32 to index
      %parallel_loop3A_438 = arith.constant 80 : index
      %parallel_loop3A_439 = tpu.vector_load %arg13[%parallel_loop3A_436, %parallel_loop3A_437, %parallel_loop3A_438] {strides = array<i32>} : memref<3x40x128xf32, #tpu.memory_space<vmem>>, vector<1x1x16xf32>,
      %parallel_loop3A_440 = vector.shape_cast %parallel_loop3A_439 : vector<1x1x16xf32> to vector<16xf32>
      %parallel_loop3A_441 = vector.shape_cast %parallel_loop3A_434 : vector<16xf32> to vector<1x1x16xf32>
      tpu.vector_store %arg13[%parallel_loop3A_436, %parallel_loop3A_437, %parallel_loop3A_438], %parallel_loop3A_441 {strides = array<i32>} : memref<3x40x128xf32, #tpu.memory_space<vmem>>, vector<1x1x16xf32>,
      %parallel_loop3A_442 = arith.constant 0.000000e+00 : f32
      %parallel_loop3A_443 = vector.broadcast %parallel_loop3A_442 : f32 to vector<16xf32>
      %parallel_loop3A_444 = arith.constant 0 : i32
      %parallel_loop3A_445 = arith.index_cast %parallel_loop3A_444 : i32 to index
      %parallel_loop3A_446 = arith.index_cast %parallel_loop3A_387 : i32 to index
      %parallel_loop3A_447 = arith.constant 96 : index
      %parallel_loop3A_448 = tpu.vector_load %arg13[%parallel_loop3A_445, %parallel_loop3A_446, %parallel_loop3A_447] {strides = array<i32>} : memref<3x40x128xf32, #tpu.memory_space<vmem>>, vector<1x1x16xf32>,
      %parallel_loop3A_449 = vector.shape_cast %parallel_loop3A_448 : vector<1x1x16xf32> to vector<16xf32>
      %parallel_loop3A_450 = vector.shape_cast %parallel_loop3A_443 : vector<16xf32> to vector<1x1x16xf32>
      tpu.vector_store %arg13[%parallel_loop3A_445, %parallel_loop3A_446, %parallel_loop3A_447], %parallel_loop3A_450 {strides = array<i32>} : memref<3x40x128xf32, #tpu.memory_space<vmem>>, vector<1x1x16xf32>,
      %parallel_loop3A_451 = arith.constant 0.000000e+00 : f32
      %parallel_loop3A_452 = vector.broadcast %parallel_loop3A_451 : f32 to vector<16xf32>
      %parallel_loop3A_453 = arith.constant 0 : i32
      %parallel_loop3A_454 = arith.index_cast %parallel_loop3A_453 : i32 to index
      %parallel_loop3A_455 = arith.index_cast %parallel_loop3A_387 : i32 to index
      %parallel_loop3A_456 = arith.constant 112 : index
      %parallel_loop3A_457 = tpu.vector_load %arg13[%parallel_loop3A_454, %parallel_loop3A_455, %parallel_loop3A_456] {strides = array<i32>} : memref<3x40x128xf32, #tpu.memory_space<vmem>>, vector<1x1x16xf32>,
      %parallel_loop3A_458 = vector.shape_cast %parallel_loop3A_457 : vector<1x1x16xf32> to vector<16xf32>
      %parallel_loop3A_459 = vector.shape_cast %parallel_loop3A_452 : vector<16xf32> to vector<1x1x16xf32>
      tpu.vector_store %arg13[%parallel_loop3A_454, %parallel_loop3A_455, %parallel_loop3A_456], %parallel_loop3A_459 {strides = array<i32>} : memref<3x40x128xf32, #tpu.memory_space<vmem>>, vector<1x1x16xf32>,
    } {sc.loop_unroll_factor = 4 : i64, sc.parallel_access}
    %add3A_229 = arith.constant 0 : i32
    %add3A_230 = arith.addi %mul3A_0, %add3A_229 : i32
    %run_scoped3A_231 = arith.constant 0 : i32
    "tpu.region"() ({
      %run_scoped3A_387 = tpu.sem_alloc : memref<!tpu.dma_semaphore, #tpu.memory_space<semaphore_mem>>
      %dma_start3A_388 = arith.constant 0 : i32
      %dma_start3A_389 = arith.constant 0 : i32
      %dma_start3A_390 = tpu.memref_slice %arg13[%run_scoped3A_231, %dma_start3A_388, %dma_start3A_389] : memref<3x40x128xf32, #tpu.memory_space<vmem>> -> memref<1x40x128xf32, #tpu.memory_space<vmem>>
      %dma_start3A_391 = tpu.memref_squeeze %dma_start3A_390 : memref<1x40x128xf32, #tpu.memory_space<vmem>> -> memref<40x128xf32, #tpu.memory_space<vmem>>
      %dma_start3A_392 = arith.constant 0 : i32
      %dma_start3A_393 = tpu.memref_slice %arg14[%add3A_230, %dma_start3A_392] : memref<10000x128xf32, #tpu.memory_space<vmem_shared>> -> memref<40x128xf32, #tpu.memory_space<vmem_shared>>
      %dma_start3A_394 = arith.constant 0 : i32
      %dma_start3A_395 = tpu.memref_slice %arg14[%add3A_230, %dma_start3A_394] : memref<10000x128xf32, #tpu.memory_space<vmem_shared>> -> memref<40x128xf32, #tpu.memory_space<vmem_shared>>
      %dma_start3A_396 = arith.constant 0 : i32
      %dma_start3A_397 = arith.constant 0 : i32
      %dma_start3A_398 = tpu.memref_slice %arg13[%run_scoped3A_231, %dma_start3A_396, %dma_start3A_397] : memref<3x40x128xf32, #tpu.memory_space<vmem>> -> memref<1x40x128xf32, #tpu.memory_space<vmem>>
      %dma_start3A_399 = tpu.memref_squeeze %dma_start3A_398 : memref<1x40x128xf32, #tpu.memory_space<vmem>> -> memref<40x128xf32, #tpu.memory_space<vmem>>
      tpu.enqueue_dma source(%dma_start3A_399 : memref<40x128xf32, #tpu.memory_space<vmem>>) target(%dma_start3A_395 : memref<40x128xf32, #tpu.memory_space<vmem_shared>>) target_semaphore(%run_scoped3A_387 : memref<!tpu.dma_semaphore, #tpu.memory_space<semaphore_mem>>)
      %dma_wait3A_400 = arith.constant 0 : i32
      %dma_wait3A_401 = arith.constant 0 : i32
      %dma_wait3A_402 = tpu.memref_slice %arg13[%run_scoped3A_231, %dma_wait3A_400, %dma_wait3A_401] : memref<3x40x128xf32, #tpu.memory_space<vmem>> -> memref<1x40x128xf32, #tpu.memory_space<vmem>>
      %dma_wait3A_403 = tpu.memref_squeeze %dma_wait3A_402 : memref<1x40x128xf32, #tpu.memory_space<vmem>> -> memref<40x128xf32, #tpu.memory_space<vmem>>
      %dma_wait3A_404 = arith.constant 0 : i32
      %dma_wait3A_405 = tpu.memref_slice %arg14[%add3A_230, %dma_wait3A_404] : memref<10000x128xf32, #tpu.memory_space<vmem_shared>> -> memref<40x128xf32, #tpu.memory_space<vmem_shared>>
      %dma_wait3A_406 = arith.constant 0 : i32
      %dma_wait3A_407 = tpu.memref_slice %arg14[%add3A_230, %dma_wait3A_406] : memref<10000x128xf32, #tpu.memory_space<vmem_shared>> -> memref<40x128xf32, #tpu.memory_space<vmem_shared>>
      %dma_wait3A_408 = arith.constant 0 : i32
      %dma_wait3A_409 = arith.constant 0 : i32
      %dma_wait3A_410 = tpu.memref_slice %arg13[%run_scoped3A_231, %dma_wait3A_408, %dma_wait3A_409] : memref<3x40x128xf32, #tpu.memory_space<vmem>> -> memref<1x40x128xf32, #tpu.memory_space<vmem>>
      %dma_wait3A_411 = tpu.memref_squeeze %dma_wait3A_410 : memref<1x40x128xf32, #tpu.memory_space<vmem>> -> memref<40x128xf32, #tpu.memory_space<vmem>>
      tpu.wait_dma2 semaphore(%run_scoped3A_387 : memref<!tpu.dma_semaphore, #tpu.memory_space<semaphore_mem>>) src(%dma_wait3A_411 : memref<40x128xf32, #tpu.memory_space<vmem>>) dst(%dma_wait3A_407 : memref<40x128xf32, #tpu.memory_space<vmem_shared>>)
      tpu.yield
    }) : () -> ()
    %add3A_232 = arith.constant 40 : i32
    %add3A_233 = arith.addi %mul3A_0, %add3A_232 : i32
    %run_scoped3A_234 = arith.constant 0 : i32
    "tpu.region"() ({
      %run_scoped3A_387 = tpu.sem_alloc : memref<!tpu.dma_semaphore, #tpu.memory_space<semaphore_mem>>
      %dma_start3A_388 = arith.constant 0 : i32
      %dma_start3A_389 = arith.constant 0 : i32
      %dma_start3A_390 = tpu.memref_slice %arg13[%run_scoped3A_234, %dma_start3A_388, %dma_start3A_389] : memref<3x40x128xf32, #tpu.memory_space<vmem>> -> memref<1x40x128xf32, #tpu.memory_space<vmem>>
      %dma_start3A_391 = tpu.memref_squeeze %dma_start3A_390 : memref<1x40x128xf32, #tpu.memory_space<vmem>> -> memref<40x128xf32, #tpu.memory_space<vmem>>
      %dma_start3A_392 = arith.constant 0 : i32
      %dma_start3A_393 = tpu.memref_slice %arg14[%add3A_233, %dma_start3A_392] : memref<10000x128xf32, #tpu.memory_space<vmem_shared>> -> memref<40x128xf32, #tpu.memory_space<vmem_shared>>
      %dma_start3A_394 = arith.constant 0 : i32
      %dma_start3A_395 = tpu.memref_slice %arg14[%add3A_233, %dma_start3A_394] : memref<10000x128xf32, #tpu.memory_space<vmem_shared>> -> memref<40x128xf32, #tpu.memory_space<vmem_shared>>
      %dma_start3A_396 = arith.constant 0 : i32
      %dma_start3A_397 = arith.constant 0 : i32
      %dma_start3A_398 = tpu.memref_slice %arg13[%run_scoped3A_234, %dma_start3A_396, %dma_start3A_397] : memref<3x40x128xf32, #tpu.memory_space<vmem>> -> memref<1x40x128xf32, #tpu.memory_space<vmem>>
      %dma_start3A_399 = tpu.memref_squeeze %dma_start3A_398 : memref<1x40x128xf32, #tpu.memory_space<vmem>> -> memref<40x128xf32, #tpu.memory_space<vmem>>
      tpu.enqueue_dma source(%dma_start3A_399 : memref<40x128xf32, #tpu.memory_space<vmem>>) target(%dma_start3A_395 : memref<40x128xf32, #tpu.memory_space<vmem_shared>>) target_semaphore(%run_scoped3A_387 : memref<!tpu.dma_semaphore, #tpu.memory_space<semaphore_mem>>)
      %dma_wait3A_400 = arith.constant 0 : i32
      %dma_wait3A_401 = arith.constant 0 : i32
      %dma_wait3A_402 = tpu.memref_slice %arg13[%run_scoped3A_234, %dma_wait3A_400, %dma_wait3A_401] : memref<3x40x128xf32, #tpu.memory_space<vmem>> -> memref<1x40x128xf32, #tpu.memory_space<vmem>>
      %dma_wait3A_403 = tpu.memref_squeeze %dma_wait3A_402 : memref<1x40x128xf32, #tpu.memory_space<vmem>> -> memref<40x128xf32, #tpu.memory_space<vmem>>
      %dma_wait3A_404 = arith.constant 0 : i32
      %dma_wait3A_405 = tpu.memref_slice %arg14[%add3A_233, %dma_wait3A_404] : memref<10000x128xf32, #tpu.memory_space<vmem_shared>> -> memref<40x128xf32, #tpu.memory_space<vmem_shared>>
      %dma_wait3A_406 = arith.constant 0 : i32
      %dma_wait3A_407 = tpu.memref_slice %arg14[%add3A_233, %dma_wait3A_406] : memref<10000x128xf32, #tpu.memory_space<vmem_shared>> -> memref<40x128xf32, #tpu.memory_space<vmem_shared>>
      %dma_wait3A_408 = arith.constant 0 : i32
      %dma_wait3A_409 = arith.constant 0 : i32
      %dma_wait3A_410 = tpu.memref_slice %arg13[%run_scoped3A_234, %dma_wait3A_408, %dma_wait3A_409] : memref<3x40x128xf32, #tpu.memory_space<vmem>> -> memref<1x40x128xf32, #tpu.memory_space<vmem>>
      %dma_wait3A_411 = tpu.memref_squeeze %dma_wait3A_410 : memref<1x40x128xf32, #tpu.memory_space<vmem>> -> memref<40x128xf32, #tpu.memory_space<vmem>>
      tpu.wait_dma2 semaphore(%run_scoped3A_387 : memref<!tpu.dma_semaphore, #tpu.memory_space<semaphore_mem>>) src(%dma_wait3A_411 : memref<40x128xf32, #tpu.memory_space<vmem>>) dst(%dma_wait3A_407 : memref<40x128xf32, #tpu.memory_space<vmem_shared>>)
      tpu.yield
    }) : () -> ()
    %add3A_235 = arith.constant 80 : i32
    %add3A_236 = arith.addi %mul3A_0, %add3A_235 : i32
    %run_scoped3A_237 = arith.constant 0 : i32
    "tpu.region"() ({
      %run_scoped3A_387 = tpu.sem_alloc : memref<!tpu.dma_semaphore, #tpu.memory_space<semaphore_mem>>
      %dma_start3A_388 = arith.constant 0 : i32
      %dma_start3A_389 = arith.constant 0 : i32
      %dma_start3A_390 = tpu.memref_slice %arg13[%run_scoped3A_237, %dma_start3A_388, %dma_start3A_389] : memref<3x40x128xf32, #tpu.memory_space<vmem>> -> memref<1x40x128xf32, #tpu.memory_space<vmem>>
      %dma_start3A_391 = tpu.memref_squeeze %dma_start3A_390 : memref<1x40x128xf32, #tpu.memory_space<vmem>> -> memref<40x128xf32, #tpu.memory_space<vmem>>
      %dma_start3A_392 = arith.constant 0 : i32
      %dma_start3A_393 = tpu.memref_slice %arg14[%add3A_236, %dma_start3A_392] : memref<10000x128xf32, #tpu.memory_space<vmem_shared>> -> memref<40x128xf32, #tpu.memory_space<vmem_shared>>
      %dma_start3A_394 = arith.constant 0 : i32
      %dma_start3A_395 = tpu.memref_slice %arg14[%add3A_236, %dma_start3A_394] : memref<10000x128xf32, #tpu.memory_space<vmem_shared>> -> memref<40x128xf32, #tpu.memory_space<vmem_shared>>
      %dma_start3A_396 = arith.constant 0 : i32
      %dma_start3A_397 = arith.constant 0 : i32
      %dma_start3A_398 = tpu.memref_slice %arg13[%run_scoped3A_237, %dma_start3A_396, %dma_start3A_397] : memref<3x40x128xf32, #tpu.memory_space<vmem>> -> memref<1x40x128xf32, #tpu.memory_space<vmem>>
      %dma_start3A_399 = tpu.memref_squeeze %dma_start3A_398 : memref<1x40x128xf32, #tpu.memory_space<vmem>> -> memref<40x128xf32, #tpu.memory_space<vmem>>
      tpu.enqueue_dma source(%dma_start3A_399 : memref<40x128xf32, #tpu.memory_space<vmem>>) target(%dma_start3A_395 : memref<40x128xf32, #tpu.memory_space<vmem_shared>>) target_semaphore(%run_scoped3A_387 : memref<!tpu.dma_semaphore, #tpu.memory_space<semaphore_mem>>)
      %dma_wait3A_400 = arith.constant 0 : i32
      %dma_wait3A_401 = arith.constant 0 : i32
      %dma_wait3A_402 = tpu.memref_slice %arg13[%run_scoped3A_237, %dma_wait3A_400, %dma_wait3A_401] : memref<3x40x128xf32, #tpu.memory_space<vmem>> -> memref<1x40x128xf32, #tpu.memory_space<vmem>>
      %dma_wait3A_403 = tpu.memref_squeeze %dma_wait3A_402 : memref<1x40x128xf32, #tpu.memory_space<vmem>> -> memref<40x128xf32, #tpu.memory_space<vmem>>
      %dma_wait3A_404 = arith.constant 0 : i32
      %dma_wait3A_405 = tpu.memref_slice %arg14[%add3A_236, %dma_wait3A_404] : memref<10000x128xf32, #tpu.memory_space<vmem_shared>> -> memref<40x128xf32, #tpu.memory_space<vmem_shared>>
      %dma_wait3A_406 = arith.constant 0 : i32
      %dma_wait3A_407 = tpu.memref_slice %arg14[%add3A_236, %dma_wait3A_406] : memref<10000x128xf32, #tpu.memory_space<vmem_shared>> -> memref<40x128xf32, #tpu.memory_space<vmem_shared>>
      %dma_wait3A_408 = arith.constant 0 : i32
      %dma_wait3A_409 = arith.constant 0 : i32
      %dma_wait3A_410 = tpu.memref_slice %arg13[%run_scoped3A_237, %dma_wait3A_408, %dma_wait3A_409] : memref<3x40x128xf32, #tpu.memory_space<vmem>> -> memref<1x40x128xf32, #tpu.memory_space<vmem>>
      %dma_wait3A_411 = tpu.memref_squeeze %dma_wait3A_410 : memref<1x40x128xf32, #tpu.memory_space<vmem>> -> memref<40x128xf32, #tpu.memory_space<vmem>>
      tpu.wait_dma2 semaphore(%run_scoped3A_387 : memref<!tpu.dma_semaphore, #tpu.memory_space<semaphore_mem>>) src(%dma_wait3A_411 : memref<40x128xf32, #tpu.memory_space<vmem>>) dst(%dma_wait3A_407 : memref<40x128xf32, #tpu.memory_space<vmem_shared>>)
      tpu.yield
    }) : () -> ()
    %add3A_238 = arith.constant 120 : i32
    %add3A_239 = arith.addi %mul3A_0, %add3A_238 : i32
    %run_scoped3A_240 = arith.constant 0 : i32
    "tpu.region"() ({
      %run_scoped3A_387 = tpu.sem_alloc : memref<!tpu.dma_semaphore, #tpu.memory_space<semaphore_mem>>
      %dma_start3A_388 = arith.constant 0 : i32
      %dma_start3A_389 = arith.constant 0 : i32
      %dma_start3A_390 = tpu.memref_slice %arg13[%run_scoped3A_240, %dma_start3A_388, %dma_start3A_389] : memref<3x40x128xf32, #tpu.memory_space<vmem>> -> memref<1x40x128xf32, #tpu.memory_space<vmem>>
      %dma_start3A_391 = tpu.memref_squeeze %dma_start3A_390 : memref<1x40x128xf32, #tpu.memory_space<vmem>> -> memref<40x128xf32, #tpu.memory_space<vmem>>
      %dma_start3A_392 = arith.constant 0 : i32
      %dma_start3A_393 = tpu.memref_slice %arg14[%add3A_239, %dma_start3A_392] : memref<10000x128xf32, #tpu.memory_space<vmem_shared>> -> memref<40x128xf32, #tpu.memory_space<vmem_shared>>
      %dma_start3A_394 = arith.constant 0 : i32
      %dma_start3A_395 = tpu.memref_slice %arg14[%add3A_239, %dma_start3A_394] : memref<10000x128xf32, #tpu.memory_space<vmem_shared>> -> memref<40x128xf32, #tpu.memory_space<vmem_shared>>
      %dma_start3A_396 = arith.constant 0 : i32
      %dma_start3A_397 = arith.constant 0 : i32
      %dma_start3A_398 = tpu.memref_slice %arg13[%run_scoped3A_240, %dma_start3A_396, %dma_start3A_397] : memref<3x40x128xf32, #tpu.memory_space<vmem>> -> memref<1x40x128xf32, #tpu.memory_space<vmem>>
      %dma_start3A_399 = tpu.memref_squeeze %dma_start3A_398 : memref<1x40x128xf32, #tpu.memory_space<vmem>> -> memref<40x128xf32, #tpu.memory_space<vmem>>
      tpu.enqueue_dma source(%dma_start3A_399 : memref<40x128xf32, #tpu.memory_space<vmem>>) target(%dma_start3A_395 : memref<40x128xf32, #tpu.memory_space<vmem_shared>>) target_semaphore(%run_scoped3A_387 : memref<!tpu.dma_semaphore, #tpu.memory_space<semaphore_mem>>)
      %dma_wait3A_400 = arith.constant 0 : i32
      %dma_wait3A_401 = arith.constant 0 : i32
      %dma_wait3A_402 = tpu.memref_slice %arg13[%run_scoped3A_240, %dma_wait3A_400, %dma_wait3A_401] : memref<3x40x128xf32, #tpu.memory_space<vmem>> -> memref<1x40x128xf32, #tpu.memory_space<vmem>>
      %dma_wait3A_403 = tpu.memref_squeeze %dma_wait3A_402 : memref<1x40x128xf32, #tpu.memory_space<vmem>> -> memref<40x128xf32, #tpu.memory_space<vmem>>
      %dma_wait3A_404 = arith.constant 0 : i32
      %dma_wait3A_405 = tpu.memref_slice %arg14[%add3A_239, %dma_wait3A_404] : memref<10000x128xf32, #tpu.memory_space<vmem_shared>> -> memref<40x128xf32, #tpu.memory_space<vmem_shared>>
      %dma_wait3A_406 = arith.constant 0 : i32
      %dma_wait3A_407 = tpu.memref_slice %arg14[%add3A_239, %dma_wait3A_406] : memref<10000x128xf32, #tpu.memory_space<vmem_shared>> -> memref<40x128xf32, #tpu.memory_space<vmem_shared>>
      %dma_wait3A_408 = arith.constant 0 : i32
      %dma_wait3A_409 = arith.constant 0 : i32
      %dma_wait3A_410 = tpu.memref_slice %arg13[%run_scoped3A_240, %dma_wait3A_408, %dma_wait3A_409] : memref<3x40x128xf32, #tpu.memory_space<vmem>> -> memref<1x40x128xf32, #tpu.memory_space<vmem>>
      %dma_wait3A_411 = tpu.memref_squeeze %dma_wait3A_410 : memref<1x40x128xf32, #tpu.memory_space<vmem>> -> memref<40x128xf32, #tpu.memory_space<vmem>>
      tpu.wait_dma2 semaphore(%run_scoped3A_387 : memref<!tpu.dma_semaphore, #tpu.memory_space<semaphore_mem>>) src(%dma_wait3A_411 : memref<40x128xf32, #tpu.memory_space<vmem>>) dst(%dma_wait3A_407 : memref<40x128xf32, #tpu.memory_space<vmem_shared>>)
      tpu.yield
    }) : () -> ()
    %add3A_241 = arith.constant 160 : i32
    %add3A_242 = arith.addi %mul3A_0, %add3A_241 : i32
    %run_scoped3A_243 = arith.constant 0 : i32
    "tpu.region"() ({
      %run_scoped3A_387 = tpu.sem_alloc : memref<!tpu.dma_semaphore, #tpu.memory_space<semaphore_mem>>
      %dma_start3A_388 = arith.constant 0 : i32
      %dma_start3A_389 = arith.constant 0 : i32
      %dma_start3A_390 = tpu.memref_slice %arg13[%run_scoped3A_243, %dma_start3A_388, %dma_start3A_389] : memref<3x40x128xf32, #tpu.memory_space<vmem>> -> memref<1x40x128xf32, #tpu.memory_space<vmem>>
      %dma_start3A_391 = tpu.memref_squeeze %dma_start3A_390 : memref<1x40x128xf32, #tpu.memory_space<vmem>> -> memref<40x128xf32, #tpu.memory_space<vmem>>
      %dma_start3A_392 = arith.constant 0 : i32
      %dma_start3A_393 = tpu.memref_slice %arg14[%add3A_242, %dma_start3A_392] : memref<10000x128xf32, #tpu.memory_space<vmem_shared>> -> memref<40x128xf32, #tpu.memory_space<vmem_shared>>
      %dma_start3A_394 = arith.constant 0 : i32
      %dma_start3A_395 = tpu.memref_slice %arg14[%add3A_242, %dma_start3A_394] : memref<10000x128xf32, #tpu.memory_space<vmem_shared>> -> memref<40x128xf32, #tpu.memory_space<vmem_shared>>
      %dma_start3A_396 = arith.constant 0 : i32
      %dma_start3A_397 = arith.constant 0 : i32
      %dma_start3A_398 = tpu.memref_slice %arg13[%run_scoped3A_243, %dma_start3A_396, %dma_start3A_397] : memref<3x40x128xf32, #tpu.memory_space<vmem>> -> memref<1x40x128xf32, #tpu.memory_space<vmem>>
      %dma_start3A_399 = tpu.memref_squeeze %dma_start3A_398 : memref<1x40x128xf32, #tpu.memory_space<vmem>> -> memref<40x128xf32, #tpu.memory_space<vmem>>
      tpu.enqueue_dma source(%dma_start3A_399 : memref<40x128xf32, #tpu.memory_space<vmem>>) target(%dma_start3A_395 : memref<40x128xf32, #tpu.memory_space<vmem_shared>>) target_semaphore(%run_scoped3A_387 : memref<!tpu.dma_semaphore, #tpu.memory_space<semaphore_mem>>)
      %dma_wait3A_400 = arith.constant 0 : i32
      %dma_wait3A_401 = arith.constant 0 : i32
      %dma_wait3A_402 = tpu.memref_slice %arg13[%run_scoped3A_243, %dma_wait3A_400, %dma_wait3A_401] : memref<3x40x128xf32, #tpu.memory_space<vmem>> -> memref<1x40x128xf32, #tpu.memory_space<vmem>>
      %dma_wait3A_403 = tpu.memref_squeeze %dma_wait3A_402 : memref<1x40x128xf32, #tpu.memory_space<vmem>> -> memref<40x128xf32, #tpu.memory_space<vmem>>
      %dma_wait3A_404 = arith.constant 0 : i32
      %dma_wait3A_405 = tpu.memref_slice %arg14[%add3A_242, %dma_wait3A_404] : memref<10000x128xf32, #tpu.memory_space<vmem_shared>> -> memref<40x128xf32, #tpu.memory_space<vmem_shared>>
      %dma_wait3A_406 = arith.constant 0 : i32
      %dma_wait3A_407 = tpu.memref_slice %arg14[%add3A_242, %dma_wait3A_406] : memref<10000x128xf32, #tpu.memory_space<vmem_shared>> -> memref<40x128xf32, #tpu.memory_space<vmem_shared>>
      %dma_wait3A_408 = arith.constant 0 : i32
      %dma_wait3A_409 = arith.constant 0 : i32
      %dma_wait3A_410 = tpu.memref_slice %arg13[%run_scoped3A_243, %dma_wait3A_408, %dma_wait3A_409] : memref<3x40x128xf32, #tpu.memory_space<vmem>> -> memref<1x40x128xf32, #tpu.memory_space<vmem>>
      %dma_wait3A_411 = tpu.memref_squeeze %dma_wait3A_410 : memref<1x40x128xf32, #tpu.memory_space<vmem>> -> memref<40x128xf32, #tpu.memory_space<vmem>>
      tpu.wait_dma2 semaphore(%run_scoped3A_387 : memref<!tpu.dma_semaphore, #tpu.memory_space<semaphore_mem>>) src(%dma_wait3A_411 : memref<40x128xf32, #tpu.memory_space<vmem>>) dst(%dma_wait3A_407 : memref<40x128xf32, #tpu.memory_space<vmem_shared>>)
      tpu.yield
    }) : () -> ()
    %add3A_244 = arith.constant 200 : i32
    %add3A_245 = arith.addi %mul3A_0, %add3A_244 : i32
    %run_scoped3A_246 = arith.constant 0 : i32
    "tpu.region"() ({
      %run_scoped3A_387 = tpu.sem_alloc : memref<!tpu.dma_semaphore, #tpu.memory_space<semaphore_mem>>
      %dma_start3A_388 = arith.constant 0 : i32
      %dma_start3A_389 = arith.constant 0 : i32
      %dma_start3A_390 = tpu.memref_slice %arg13[%run_scoped3A_246, %dma_start3A_388, %dma_start3A_389] : memref<3x40x128xf32, #tpu.memory_space<vmem>> -> memref<1x40x128xf32, #tpu.memory_space<vmem>>
      %dma_start3A_391 = tpu.memref_squeeze %dma_start3A_390 : memref<1x40x128xf32, #tpu.memory_space<vmem>> -> memref<40x128xf32, #tpu.memory_space<vmem>>
      %dma_start3A_392 = arith.constant 0 : i32
      %dma_start3A_393 = tpu.memref_slice %arg14[%add3A_245, %dma_start3A_392] : memref<10000x128xf32, #tpu.memory_space<vmem_shared>> -> memref<40x128xf32, #tpu.memory_space<vmem_shared>>
      %dma_start3A_394 = arith.constant 0 : i32
      %dma_start3A_395 = tpu.memref_slice %arg14[%add3A_245, %dma_start3A_394] : memref<10000x128xf32, #tpu.memory_space<vmem_shared>> -> memref<40x128xf32, #tpu.memory_space<vmem_shared>>
      %dma_start3A_396 = arith.constant 0 : i32
      %dma_start3A_397 = arith.constant 0 : i32
      %dma_start3A_398 = tpu.memref_slice %arg13[%run_scoped3A_246, %dma_start3A_396, %dma_start3A_397] : memref<3x40x128xf32, #tpu.memory_space<vmem>> -> memref<1x40x128xf32, #tpu.memory_space<vmem>>
      %dma_start3A_399 = tpu.memref_squeeze %dma_start3A_398 : memref<1x40x128xf32, #tpu.memory_space<vmem>> -> memref<40x128xf32, #tpu.memory_space<vmem>>
      tpu.enqueue_dma source(%dma_start3A_399 : memref<40x128xf32, #tpu.memory_space<vmem>>) target(%dma_start3A_395 : memref<40x128xf32, #tpu.memory_space<vmem_shared>>) target_semaphore(%run_scoped3A_387 : memref<!tpu.dma_semaphore, #tpu.memory_space<semaphore_mem>>)
      %dma_wait3A_400 = arith.constant 0 : i32
      %dma_wait3A_401 = arith.constant 0 : i32
      %dma_wait3A_402 = tpu.memref_slice %arg13[%run_scoped3A_246, %dma_wait3A_400, %dma_wait3A_401] : memref<3x40x128xf32, #tpu.memory_space<vmem>> -> memref<1x40x128xf32, #tpu.memory_space<vmem>>
      %dma_wait3A_403 = tpu.memref_squeeze %dma_wait3A_402 : memref<1x40x128xf32, #tpu.memory_space<vmem>> -> memref<40x128xf32, #tpu.memory_space<vmem>>
      %dma_wait3A_404 = arith.constant 0 : i32
      %dma_wait3A_405 = tpu.memref_slice %arg14[%add3A_245, %dma_wait3A_404] : memref<10000x128xf32, #tpu.memory_space<vmem_shared>> -> memref<40x128xf32, #tpu.memory_space<vmem_shared>>
      %dma_wait3A_406 = arith.constant 0 : i32
      %dma_wait3A_407 = tpu.memref_slice %arg14[%add3A_245, %dma_wait3A_406] : memref<10000x128xf32, #tpu.memory_space<vmem_shared>> -> memref<40x128xf32, #tpu.memory_space<vmem_shared>>
      %dma_wait3A_408 = arith.constant 0 : i32
      %dma_wait3A_409 = arith.constant 0 : i32
      %dma_wait3A_410 = tpu.memref_slice %arg13[%run_scoped3A_246, %dma_wait3A_408, %dma_wait3A_409] : memref<3x40x128xf32, #tpu.memory_space<vmem>> -> memref<1x40x128xf32, #tpu.memory_space<vmem>>
      %dma_wait3A_411 = tpu.memref_squeeze %dma_wait3A_410 : memref<1x40x128xf32, #tpu.memory_space<vmem>> -> memref<40x128xf32, #tpu.memory_space<vmem>>
      tpu.wait_dma2 semaphore(%run_scoped3A_387 : memref<!tpu.dma_semaphore, #tpu.memory_space<semaphore_mem>>) src(%dma_wait3A_411 : memref<40x128xf32, #tpu.memory_space<vmem>>) dst(%dma_wait3A_407 : memref<40x128xf32, #tpu.memory_space<vmem_shared>>)
      tpu.yield
    }) : () -> ()
    %add3A_247 = arith.constant 240 : i32
    %add3A_248 = arith.addi %mul3A_0, %add3A_247 : i32
    %run_scoped3A_249 = arith.constant 0 : i32
    "tpu.region"() ({
      %run_scoped3A_387 = tpu.sem_alloc : memref<!tpu.dma_semaphore, #tpu.memory_space<semaphore_mem>>
      %dma_start3A_388 = arith.constant 0 : i32
      %dma_start3A_389 = arith.constant 0 : i32
      %dma_start3A_390 = tpu.memref_slice %arg13[%run_scoped3A_249, %dma_start3A_388, %dma_start3A_389] : memref<3x40x128xf32, #tpu.memory_space<vmem>> -> memref<1x40x128xf32, #tpu.memory_space<vmem>>
      %dma_start3A_391 = tpu.memref_squeeze %dma_start3A_390 : memref<1x40x128xf32, #tpu.memory_space<vmem>> -> memref<40x128xf32, #tpu.memory_space<vmem>>
      %dma_start3A_392 = arith.constant 0 : i32
      %dma_start3A_393 = tpu.memref_slice %arg14[%add3A_248, %dma_start3A_392] : memref<10000x128xf32, #tpu.memory_space<vmem_shared>> -> memref<40x128xf32, #tpu.memory_space<vmem_shared>>
      %dma_start3A_394 = arith.constant 0 : i32
      %dma_start3A_395 = tpu.memref_slice %arg14[%add3A_248, %dma_start3A_394] : memref<10000x128xf32, #tpu.memory_space<vmem_shared>> -> memref<40x128xf32, #tpu.memory_space<vmem_shared>>
      %dma_start3A_396 = arith.constant 0 : i32
      %dma_start3A_397 = arith.constant 0 : i32
      %dma_start3A_398 = tpu.memref_slice %arg13[%run_scoped3A_249, %dma_start3A_396, %dma_start3A_397] : memref<3x40x128xf32, #tpu.memory_space<vmem>> -> memref<1x40x128xf32, #tpu.memory_space<vmem>>
      %dma_start3A_399 = tpu.memref_squeeze %dma_start3A_398 : memref<1x40x128xf32, #tpu.memory_space<vmem>> -> memref<40x128xf32, #tpu.memory_space<vmem>>
      tpu.enqueue_dma source(%dma_start3A_399 : memref<40x128xf32, #tpu.memory_space<vmem>>) target(%dma_start3A_395 : memref<40x128xf32, #tpu.memory_space<vmem_shared>>) target_semaphore(%run_scoped3A_387 : memref<!tpu.dma_semaphore, #tpu.memory_space<semaphore_mem>>)
      %dma_wait3A_400 = arith.constant 0 : i32
      %dma_wait3A_401 = arith.constant 0 : i32
      %dma_wait3A_402 = tpu.memref_slice %arg13[%run_scoped3A_249, %dma_wait3A_400, %dma_wait3A_401] : memref<3x40x128xf32, #tpu.memory_space<vmem>> -> memref<1x40x128xf32, #tpu.memory_space<vmem>>
      %dma_wait3A_403 = tpu.memref_squeeze %dma_wait3A_402 : memref<1x40x128xf32, #tpu.memory_space<vmem>> -> memref<40x128xf32, #tpu.memory_space<vmem>>
      %dma_wait3A_404 = arith.constant 0 : i32
      %dma_wait3A_405 = tpu.memref_slice %arg14[%add3A_248, %dma_wait3A_404] : memref<10000x128xf32, #tpu.memory_space<vmem_shared>> -> memref<40x128xf32, #tpu.memory_space<vmem_shared>>
      %dma_wait3A_406 = arith.constant 0 : i32
      %dma_wait3A_407 = tpu.memref_slice %arg14[%add3A_248, %dma_wait3A_406] : memref<10000x128xf32, #tpu.memory_space<vmem_shared>> -> memref<40x128xf32, #tpu.memory_space<vmem_shared>>
      %dma_wait3A_408 = arith.constant 0 : i32
      %dma_wait3A_409 = arith.constant 0 : i32
      %dma_wait3A_410 = tpu.memref_slice %arg13[%run_scoped3A_249, %dma_wait3A_408, %dma_wait3A_409] : memref<3x40x128xf32, #tpu.memory_space<vmem>> -> memref<1x40x128xf32, #tpu.memory_space<vmem>>
      %dma_wait3A_411 = tpu.memref_squeeze %dma_wait3A_410 : memref<1x40x128xf32, #tpu.memory_space<vmem>> -> memref<40x128xf32, #tpu.memory_space<vmem>>
      tpu.wait_dma2 semaphore(%run_scoped3A_387 : memref<!tpu.dma_semaphore, #tpu.memory_space<semaphore_mem>>) src(%dma_wait3A_411 : memref<40x128xf32, #tpu.memory_space<vmem>>) dst(%dma_wait3A_407 : memref<40x128xf32, #tpu.memory_space<vmem_shared>>)
      tpu.yield
    }) : () -> ()
    %add3A_250 = arith.constant 280 : i32
    %add3A_251 = arith.addi %mul3A_0, %add3A_250 : i32
    %run_scoped3A_252 = arith.constant 0 : i32
    "tpu.region"() ({
      %run_scoped3A_387 = tpu.sem_alloc : memref<!tpu.dma_semaphore, #tpu.memory_space<semaphore_mem>>
      %dma_start3A_388 = arith.constant 0 : i32
      %dma_start3A_389 = arith.constant 0 : i32
      %dma_start3A_390 = tpu.memref_slice %arg13[%run_scoped3A_252, %dma_start3A_388, %dma_start3A_389] : memref<3x40x128xf32, #tpu.memory_space<vmem>> -> memref<1x40x128xf32, #tpu.memory_space<vmem>>
      %dma_start3A_391 = tpu.memref_squeeze %dma_start3A_390 : memref<1x40x128xf32, #tpu.memory_space<vmem>> -> memref<40x128xf32, #tpu.memory_space<vmem>>
      %dma_start3A_392 = arith.constant 0 : i32
      %dma_start3A_393 = tpu.memref_slice %arg14[%add3A_251, %dma_start3A_392] : memref<10000x128xf32, #tpu.memory_space<vmem_shared>> -> memref<40x128xf32, #tpu.memory_space<vmem_shared>>
      %dma_start3A_394 = arith.constant 0 : i32
      %dma_start3A_395 = tpu.memref_slice %arg14[%add3A_251, %dma_start3A_394] : memref<10000x128xf32, #tpu.memory_space<vmem_shared>> -> memref<40x128xf32, #tpu.memory_space<vmem_shared>>
      %dma_start3A_396 = arith.constant 0 : i32
      %dma_start3A_397 = arith.constant 0 : i32
      %dma_start3A_398 = tpu.memref_slice %arg13[%run_scoped3A_252, %dma_start3A_396, %dma_start3A_397] : memref<3x40x128xf32, #tpu.memory_space<vmem>> -> memref<1x40x128xf32, #tpu.memory_space<vmem>>
      %dma_start3A_399 = tpu.memref_squeeze %dma_start3A_398 : memref<1x40x128xf32, #tpu.memory_space<vmem>> -> memref<40x128xf32, #tpu.memory_space<vmem>>
      tpu.enqueue_dma source(%dma_start3A_399 : memref<40x128xf32, #tpu.memory_space<vmem>>) target(%dma_start3A_395 : memref<40x128xf32, #tpu.memory_space<vmem_shared>>) target_semaphore(%run_scoped3A_387 : memref<!tpu.dma_semaphore, #tpu.memory_space<semaphore_mem>>)
      %dma_wait3A_400 = arith.constant 0 : i32
      %dma_wait3A_401 = arith.constant 0 : i32
      %dma_wait3A_402 = tpu.memref_slice %arg13[%run_scoped3A_252, %dma_wait3A_400, %dma_wait3A_401] : memref<3x40x128xf32, #tpu.memory_space<vmem>> -> memref<1x40x128xf32, #tpu.memory_space<vmem>>
      %dma_wait3A_403 = tpu.memref_squeeze %dma_wait3A_402 : memref<1x40x128xf32, #tpu.memory_space<vmem>> -> memref<40x128xf32, #tpu.memory_space<vmem>>
      %dma_wait3A_404 = arith.constant 0 : i32
      %dma_wait3A_405 = tpu.memref_slice %arg14[%add3A_251, %dma_wait3A_404] : memref<10000x128xf32, #tpu.memory_space<vmem_shared>> -> memref<40x128xf32, #tpu.memory_space<vmem_shared>>
      %dma_wait3A_406 = arith.constant 0 : i32
      %dma_wait3A_407 = tpu.memref_slice %arg14[%add3A_251, %dma_wait3A_406] : memref<10000x128xf32, #tpu.memory_space<vmem_shared>> -> memref<40x128xf32, #tpu.memory_space<vmem_shared>>
      %dma_wait3A_408 = arith.constant 0 : i32
      %dma_wait3A_409 = arith.constant 0 : i32
      %dma_wait3A_410 = tpu.memref_slice %arg13[%run_scoped3A_252, %dma_wait3A_408, %dma_wait3A_409] : memref<3x40x128xf32, #tpu.memory_space<vmem>> -> memref<1x40x128xf32, #tpu.memory_space<vmem>>
      %dma_wait3A_411 = tpu.memref_squeeze %dma_wait3A_410 : memref<1x40x128xf32, #tpu.memory_space<vmem>> -> memref<40x128xf32, #tpu.memory_space<vmem>>
      tpu.wait_dma2 semaphore(%run_scoped3A_387 : memref<!tpu.dma_semaphore, #tpu.memory_space<semaphore_mem>>) src(%dma_wait3A_411 : memref<40x128xf32, #tpu.memory_space<vmem>>) dst(%dma_wait3A_407 : memref<40x128xf32, #tpu.memory_space<vmem_shared>>)
      tpu.yield
    }) : () -> ()
    %add3A_253 = arith.constant 320 : i32
    %add3A_254 = arith.addi %mul3A_0, %add3A_253 : i32
    %run_scoped3A_255 = arith.constant 0 : i32
    "tpu.region"() ({
      %run_scoped3A_387 = tpu.sem_alloc : memref<!tpu.dma_semaphore, #tpu.memory_space<semaphore_mem>>
      %dma_start3A_388 = arith.constant 0 : i32
      %dma_start3A_389 = arith.constant 0 : i32
      %dma_start3A_390 = tpu.memref_slice %arg13[%run_scoped3A_255, %dma_start3A_388, %dma_start3A_389] : memref<3x40x128xf32, #tpu.memory_space<vmem>> -> memref<1x40x128xf32, #tpu.memory_space<vmem>>
      %dma_start3A_391 = tpu.memref_squeeze %dma_start3A_390 : memref<1x40x128xf32, #tpu.memory_space<vmem>> -> memref<40x128xf32, #tpu.memory_space<vmem>>
      %dma_start3A_392 = arith.constant 0 : i32
      %dma_start3A_393 = tpu.memref_slice %arg14[%add3A_254, %dma_start3A_392] : memref<10000x128xf32, #tpu.memory_space<vmem_shared>> -> memref<40x128xf32, #tpu.memory_space<vmem_shared>>
      %dma_start3A_394 = arith.constant 0 : i32
      %dma_start3A_395 = tpu.memref_slice %arg14[%add3A_254, %dma_start3A_394] : memref<10000x128xf32, #tpu.memory_space<vmem_shared>> -> memref<40x128xf32, #tpu.memory_space<vmem_shared>>
      %dma_start3A_396 = arith.constant 0 : i32
      %dma_start3A_397 = arith.constant 0 : i32
      %dma_start3A_398 = tpu.memref_slice %arg13[%run_scoped3A_255, %dma_start3A_396, %dma_start3A_397] : memref<3x40x128xf32, #tpu.memory_space<vmem>> -> memref<1x40x128xf32, #tpu.memory_space<vmem>>
      %dma_start3A_399 = tpu.memref_squeeze %dma_start3A_398 : memref<1x40x128xf32, #tpu.memory_space<vmem>> -> memref<40x128xf32, #tpu.memory_space<vmem>>
      tpu.enqueue_dma source(%dma_start3A_399 : memref<40x128xf32, #tpu.memory_space<vmem>>) target(%dma_start3A_395 : memref<40x128xf32, #tpu.memory_space<vmem_shared>>) target_semaphore(%run_scoped3A_387 : memref<!tpu.dma_semaphore, #tpu.memory_space<semaphore_mem>>)
      %dma_wait3A_400 = arith.constant 0 : i32
      %dma_wait3A_401 = arith.constant 0 : i32
      %dma_wait3A_402 = tpu.memref_slice %arg13[%run_scoped3A_255, %dma_wait3A_400, %dma_wait3A_401] : memref<3x40x128xf32, #tpu.memory_space<vmem>> -> memref<1x40x128xf32, #tpu.memory_space<vmem>>
      %dma_wait3A_403 = tpu.memref_squeeze %dma_wait3A_402 : memref<1x40x128xf32, #tpu.memory_space<vmem>> -> memref<40x128xf32, #tpu.memory_space<vmem>>
      %dma_wait3A_404 = arith.constant 0 : i32
      %dma_wait3A_405 = tpu.memref_slice %arg14[%add3A_254, %dma_wait3A_404] : memref<10000x128xf32, #tpu.memory_space<vmem_shared>> -> memref<40x128xf32, #tpu.memory_space<vmem_shared>>
      %dma_wait3A_406 = arith.constant 0 : i32
      %dma_wait3A_407 = tpu.memref_slice %arg14[%add3A_254, %dma_wait3A_406] : memref<10000x128xf32, #tpu.memory_space<vmem_shared>> -> memref<40x128xf32, #tpu.memory_space<vmem_shared>>
      %dma_wait3A_408 = arith.constant 0 : i32
      %dma_wait3A_409 = arith.constant 0 : i32
      %dma_wait3A_410 = tpu.memref_slice %arg13[%run_scoped3A_255, %dma_wait3A_408, %dma_wait3A_409] : memref<3x40x128xf32, #tpu.memory_space<vmem>> -> memref<1x40x128xf32, #tpu.memory_space<vmem>>
      %dma_wait3A_411 = tpu.memref_squeeze %dma_wait3A_410 : memref<1x40x128xf32, #tpu.memory_space<vmem>> -> memref<40x128xf32, #tpu.memory_space<vmem>>
      tpu.wait_dma2 semaphore(%run_scoped3A_387 : memref<!tpu.dma_semaphore, #tpu.memory_space<semaphore_mem>>) src(%dma_wait3A_411 : memref<40x128xf32, #tpu.memory_space<vmem>>) dst(%dma_wait3A_407 : memref<40x128xf32, #tpu.memory_space<vmem_shared>>)
      tpu.yield
    }) : () -> ()
    %add3A_256 = arith.constant 360 : i32
    %add3A_257 = arith.addi %mul3A_0, %add3A_256 : i32
    %run_scoped3A_258 = arith.constant 0 : i32
    "tpu.region"() ({
      %run_scoped3A_387 = tpu.sem_alloc : memref<!tpu.dma_semaphore, #tpu.memory_space<semaphore_mem>>
      %dma_start3A_388 = arith.constant 0 : i32
      %dma_start3A_389 = arith.constant 0 : i32
      %dma_start3A_390 = tpu.memref_slice %arg13[%run_scoped3A_258, %dma_start3A_388, %dma_start3A_389] : memref<3x40x128xf32, #tpu.memory_space<vmem>> -> memref<1x40x128xf32, #tpu.memory_space<vmem>>
      %dma_start3A_391 = tpu.memref_squeeze %dma_start3A_390 : memref<1x40x128xf32, #tpu.memory_space<vmem>> -> memref<40x128xf32, #tpu.memory_space<vmem>>
      %dma_start3A_392 = arith.constant 0 : i32
      %dma_start3A_393 = tpu.memref_slice %arg14[%add3A_257, %dma_start3A_392] : memref<10000x128xf32, #tpu.memory_space<vmem_shared>> -> memref<40x128xf32, #tpu.memory_space<vmem_shared>>
      %dma_start3A_394 = arith.constant 0 : i32
      %dma_start3A_395 = tpu.memref_slice %arg14[%add3A_257, %dma_start3A_394] : memref<10000x128xf32, #tpu.memory_space<vmem_shared>> -> memref<40x128xf32, #tpu.memory_space<vmem_shared>>
      %dma_start3A_396 = arith.constant 0 : i32
      %dma_start3A_397 = arith.constant 0 : i32
      %dma_start3A_398 = tpu.memref_slice %arg13[%run_scoped3A_258, %dma_start3A_396, %dma_start3A_397] : memref<3x40x128xf32, #tpu.memory_space<vmem>> -> memref<1x40x128xf32, #tpu.memory_space<vmem>>
      %dma_start3A_399 = tpu.memref_squeeze %dma_start3A_398 : memref<1x40x128xf32, #tpu.memory_space<vmem>> -> memref<40x128xf32, #tpu.memory_space<vmem>>
      tpu.enqueue_dma source(%dma_start3A_399 : memref<40x128xf32, #tpu.memory_space<vmem>>) target(%dma_start3A_395 : memref<40x128xf32, #tpu.memory_space<vmem_shared>>) target_semaphore(%run_scoped3A_387 : memref<!tpu.dma_semaphore, #tpu.memory_space<semaphore_mem>>)
      %dma_wait3A_400 = arith.constant 0 : i32
      %dma_wait3A_401 = arith.constant 0 : i32
      %dma_wait3A_402 = tpu.memref_slice %arg13[%run_scoped3A_258, %dma_wait3A_400, %dma_wait3A_401] : memref<3x40x128xf32, #tpu.memory_space<vmem>> -> memref<1x40x128xf32, #tpu.memory_space<vmem>>
      %dma_wait3A_403 = tpu.memref_squeeze %dma_wait3A_402 : memref<1x40x128xf32, #tpu.memory_space<vmem>> -> memref<40x128xf32, #tpu.memory_space<vmem>>
      %dma_wait3A_404 = arith.constant 0 : i32
      %dma_wait3A_405 = tpu.memref_slice %arg14[%add3A_257, %dma_wait3A_404] : memref<10000x128xf32, #tpu.memory_space<vmem_shared>> -> memref<40x128xf32, #tpu.memory_space<vmem_shared>>
      %dma_wait3A_406 = arith.constant 0 : i32
      %dma_wait3A_407 = tpu.memref_slice %arg14[%add3A_257, %dma_wait3A_406] : memref<10000x128xf32, #tpu.memory_space<vmem_shared>> -> memref<40x128xf32, #tpu.memory_space<vmem_shared>>
      %dma_wait3A_408 = arith.constant 0 : i32
      %dma_wait3A_409 = arith.constant 0 : i32
      %dma_wait3A_410 = tpu.memref_slice %arg13[%run_scoped3A_258, %dma_wait3A_408, %dma_wait3A_409] : memref<3x40x128xf32, #tpu.memory_space<vmem>> -> memref<1x40x128xf32, #tpu.memory_space<vmem>>
      %dma_wait3A_411 = tpu.memref_squeeze %dma_wait3A_410 : memref<1x40x128xf32, #tpu.memory_space<vmem>> -> memref<40x128xf32, #tpu.memory_space<vmem>>
      tpu.wait_dma2 semaphore(%run_scoped3A_387 : memref<!tpu.dma_semaphore, #tpu.memory_space<semaphore_mem>>) src(%dma_wait3A_411 : memref<40x128xf32, #tpu.memory_space<vmem>>) dst(%dma_wait3A_407 : memref<40x128xf32, #tpu.memory_space<vmem_shared>>)
      tpu.yield
    }) : () -> ()
    %add3A_259 = arith.constant 400 : i32
    %add3A_260 = arith.addi %mul3A_0, %add3A_259 : i32
    %run_scoped3A_261 = arith.constant 0 : i32
    "tpu.region"() ({
      %run_scoped3A_387 = tpu.sem_alloc : memref<!tpu.dma_semaphore, #tpu.memory_space<semaphore_mem>>
      %dma_start3A_388 = arith.constant 0 : i32
      %dma_start3A_389 = arith.constant 0 : i32
      %dma_start3A_390 = tpu.memref_slice %arg13[%run_scoped3A_261, %dma_start3A_388, %dma_start3A_389] : memref<3x40x128xf32, #tpu.memory_space<vmem>> -> memref<1x40x128xf32, #tpu.memory_space<vmem>>
      %dma_start3A_391 = tpu.memref_squeeze %dma_start3A_390 : memref<1x40x128xf32, #tpu.memory_space<vmem>> -> memref<40x128xf32, #tpu.memory_space<vmem>>
      %dma_start3A_392 = arith.constant 0 : i32
      %dma_start3A_393 = tpu.memref_slice %arg14[%add3A_260, %dma_start3A_392] : memref<10000x128xf32, #tpu.memory_space<vmem_shared>> -> memref<40x128xf32, #tpu.memory_space<vmem_shared>>
      %dma_start3A_394 = arith.constant 0 : i32
      %dma_start3A_395 = tpu.memref_slice %arg14[%add3A_260, %dma_start3A_394] : memref<10000x128xf32, #tpu.memory_space<vmem_shared>> -> memref<40x128xf32, #tpu.memory_space<vmem_shared>>
      %dma_start3A_396 = arith.constant 0 : i32
      %dma_start3A_397 = arith.constant 0 : i32
      %dma_start3A_398 = tpu.memref_slice %arg13[%run_scoped3A_261, %dma_start3A_396, %dma_start3A_397] : memref<3x40x128xf32, #tpu.memory_space<vmem>> -> memref<1x40x128xf32, #tpu.memory_space<vmem>>
      %dma_start3A_399 = tpu.memref_squeeze %dma_start3A_398 : memref<1x40x128xf32, #tpu.memory_space<vmem>> -> memref<40x128xf32, #tpu.memory_space<vmem>>
      tpu.enqueue_dma source(%dma_start3A_399 : memref<40x128xf32, #tpu.memory_space<vmem>>) target(%dma_start3A_395 : memref<40x128xf32, #tpu.memory_space<vmem_shared>>) target_semaphore(%run_scoped3A_387 : memref<!tpu.dma_semaphore, #tpu.memory_space<semaphore_mem>>)
      %dma_wait3A_400 = arith.constant 0 : i32
      %dma_wait3A_401 = arith.constant 0 : i32
      %dma_wait3A_402 = tpu.memref_slice %arg13[%run_scoped3A_261, %dma_wait3A_400, %dma_wait3A_401] : memref<3x40x128xf32, #tpu.memory_space<vmem>> -> memref<1x40x128xf32, #tpu.memory_space<vmem>>
      %dma_wait3A_403 = tpu.memref_squeeze %dma_wait3A_402 : memref<1x40x128xf32, #tpu.memory_space<vmem>> -> memref<40x128xf32, #tpu.memory_space<vmem>>
      %dma_wait3A_404 = arith.constant 0 : i32
      %dma_wait3A_405 = tpu.memref_slice %arg14[%add3A_260, %dma_wait3A_404] : memref<10000x128xf32, #tpu.memory_space<vmem_shared>> -> memref<40x128xf32, #tpu.memory_space<vmem_shared>>
      %dma_wait3A_406 = arith.constant 0 : i32
      %dma_wait3A_407 = tpu.memref_slice %arg14[%add3A_260, %dma_wait3A_406] : memref<10000x128xf32, #tpu.memory_space<vmem_shared>> -> memref<40x128xf32, #tpu.memory_space<vmem_shared>>
      %dma_wait3A_408 = arith.constant 0 : i32
      %dma_wait3A_409 = arith.constant 0 : i32
      %dma_wait3A_410 = tpu.memref_slice %arg13[%run_scoped3A_261, %dma_wait3A_408, %dma_wait3A_409] : memref<3x40x128xf32, #tpu.memory_space<vmem>> -> memref<1x40x128xf32, #tpu.memory_space<vmem>>
      %dma_wait3A_411 = tpu.memref_squeeze %dma_wait3A_410 : memref<1x40x128xf32, #tpu.memory_space<vmem>> -> memref<40x128xf32, #tpu.memory_space<vmem>>
      tpu.wait_dma2 semaphore(%run_scoped3A_387 : memref<!tpu.dma_semaphore, #tpu.memory_space<semaphore_mem>>) src(%dma_wait3A_411 : memref<40x128xf32, #tpu.memory_space<vmem>>) dst(%dma_wait3A_407 : memref<40x128xf32, #tpu.memory_space<vmem_shared>>)
      tpu.yield
    }) : () -> ()
    %add3A_262 = arith.constant 440 : i32
    %add3A_263 = arith.addi %mul3A_0, %add3A_262 : i32
    %run_scoped3A_264 = arith.constant 0 : i32
    "tpu.region"() ({
      %run_scoped3A_387 = tpu.sem_alloc : memref<!tpu.dma_semaphore, #tpu.memory_space<semaphore_mem>>
      %dma_start3A_388 = arith.constant 0 : i32
      %dma_start3A_389 = arith.constant 0 : i32
      %dma_start3A_390 = tpu.memref_slice %arg13[%run_scoped3A_264, %dma_start3A_388, %dma_start3A_389] : memref<3x40x128xf32, #tpu.memory_space<vmem>> -> memref<1x40x128xf32, #tpu.memory_space<vmem>>
      %dma_start3A_391 = tpu.memref_squeeze %dma_start3A_390 : memref<1x40x128xf32, #tpu.memory_space<vmem>> -> memref<40x128xf32, #tpu.memory_space<vmem>>
      %dma_start3A_392 = arith.constant 0 : i32
      %dma_start3A_393 = tpu.memref_slice %arg14[%add3A_263, %dma_start3A_392] : memref<10000x128xf32, #tpu.memory_space<vmem_shared>> -> memref<40x128xf32, #tpu.memory_space<vmem_shared>>
      %dma_start3A_394 = arith.constant 0 : i32
      %dma_start3A_395 = tpu.memref_slice %arg14[%add3A_263, %dma_start3A_394] : memref<10000x128xf32, #tpu.memory_space<vmem_shared>> -> memref<40x128xf32, #tpu.memory_space<vmem_shared>>
      %dma_start3A_396 = arith.constant 0 : i32
      %dma_start3A_397 = arith.constant 0 : i32
      %dma_start3A_398 = tpu.memref_slice %arg13[%run_scoped3A_264, %dma_start3A_396, %dma_start3A_397] : memref<3x40x128xf32, #tpu.memory_space<vmem>> -> memref<1x40x128xf32, #tpu.memory_space<vmem>>
      %dma_start3A_399 = tpu.memref_squeeze %dma_start3A_398 : memref<1x40x128xf32, #tpu.memory_space<vmem>> -> memref<40x128xf32, #tpu.memory_space<vmem>>
      tpu.enqueue_dma source(%dma_start3A_399 : memref<40x128xf32, #tpu.memory_space<vmem>>) target(%dma_start3A_395 : memref<40x128xf32, #tpu.memory_space<vmem_shared>>) target_semaphore(%run_scoped3A_387 : memref<!tpu.dma_semaphore, #tpu.memory_space<semaphore_mem>>)
      %dma_wait3A_400 = arith.constant 0 : i32
      %dma_wait3A_401 = arith.constant 0 : i32
      %dma_wait3A_402 = tpu.memref_slice %arg13[%run_scoped3A_264, %dma_wait3A_400, %dma_wait3A_401] : memref<3x40x128xf32, #tpu.memory_space<vmem>> -> memref<1x40x128xf32, #tpu.memory_space<vmem>>
      %dma_wait3A_403 = tpu.memref_squeeze %dma_wait3A_402 : memref<1x40x128xf32, #tpu.memory_space<vmem>> -> memref<40x128xf32, #tpu.memory_space<vmem>>
      %dma_wait3A_404 = arith.constant 0 : i32
      %dma_wait3A_405 = tpu.memref_slice %arg14[%add3A_263, %dma_wait3A_404] : memref<10000x128xf32, #tpu.memory_space<vmem_shared>> -> memref<40x128xf32, #tpu.memory_space<vmem_shared>>
      %dma_wait3A_406 = arith.constant 0 : i32
      %dma_wait3A_407 = tpu.memref_slice %arg14[%add3A_263, %dma_wait3A_406] : memref<10000x128xf32, #tpu.memory_space<vmem_shared>> -> memref<40x128xf32, #tpu.memory_space<vmem_shared>>
      %dma_wait3A_408 = arith.constant 0 : i32
      %dma_wait3A_409 = arith.constant 0 : i32
      %dma_wait3A_410 = tpu.memref_slice %arg13[%run_scoped3A_264, %dma_wait3A_408, %dma_wait3A_409] : memref<3x40x128xf32, #tpu.memory_space<vmem>> -> memref<1x40x128xf32, #tpu.memory_space<vmem>>
      %dma_wait3A_411 = tpu.memref_squeeze %dma_wait3A_410 : memref<1x40x128xf32, #tpu.memory_space<vmem>> -> memref<40x128xf32, #tpu.memory_space<vmem>>
      tpu.wait_dma2 semaphore(%run_scoped3A_387 : memref<!tpu.dma_semaphore, #tpu.memory_space<semaphore_mem>>) src(%dma_wait3A_411 : memref<40x128xf32, #tpu.memory_space<vmem>>) dst(%dma_wait3A_407 : memref<40x128xf32, #tpu.memory_space<vmem_shared>>)
      tpu.yield
    }) : () -> ()
    %add3A_265 = arith.constant 480 : i32
    %add3A_266 = arith.addi %mul3A_0, %add3A_265 : i32
    %run_scoped3A_267 = arith.constant 0 : i32
    "tpu.region"() ({
      %run_scoped3A_387 = tpu.sem_alloc : memref<!tpu.dma_semaphore, #tpu.memory_space<semaphore_mem>>
      %dma_start3A_388 = arith.constant 0 : i32
      %dma_start3A_389 = arith.constant 0 : i32
      %dma_start3A_390 = tpu.memref_slice %arg13[%run_scoped3A_267, %dma_start3A_388, %dma_start3A_389] : memref<3x40x128xf32, #tpu.memory_space<vmem>> -> memref<1x40x128xf32, #tpu.memory_space<vmem>>
      %dma_start3A_391 = tpu.memref_squeeze %dma_start3A_390 : memref<1x40x128xf32, #tpu.memory_space<vmem>> -> memref<40x128xf32, #tpu.memory_space<vmem>>
      %dma_start3A_392 = arith.constant 0 : i32
      %dma_start3A_393 = tpu.memref_slice %arg14[%add3A_266, %dma_start3A_392] : memref<10000x128xf32, #tpu.memory_space<vmem_shared>> -> memref<40x128xf32, #tpu.memory_space<vmem_shared>>
      %dma_start3A_394 = arith.constant 0 : i32
      %dma_start3A_395 = tpu.memref_slice %arg14[%add3A_266, %dma_start3A_394] : memref<10000x128xf32, #tpu.memory_space<vmem_shared>> -> memref<40x128xf32, #tpu.memory_space<vmem_shared>>
      %dma_start3A_396 = arith.constant 0 : i32
      %dma_start3A_397 = arith.constant 0 : i32
      %dma_start3A_398 = tpu.memref_slice %arg13[%run_scoped3A_267, %dma_start3A_396, %dma_start3A_397] : memref<3x40x128xf32, #tpu.memory_space<vmem>> -> memref<1x40x128xf32, #tpu.memory_space<vmem>>
      %dma_start3A_399 = tpu.memref_squeeze %dma_start3A_398 : memref<1x40x128xf32, #tpu.memory_space<vmem>> -> memref<40x128xf32, #tpu.memory_space<vmem>>
      tpu.enqueue_dma source(%dma_start3A_399 : memref<40x128xf32, #tpu.memory_space<vmem>>) target(%dma_start3A_395 : memref<40x128xf32, #tpu.memory_space<vmem_shared>>) target_semaphore(%run_scoped3A_387 : memref<!tpu.dma_semaphore, #tpu.memory_space<semaphore_mem>>)
      %dma_wait3A_400 = arith.constant 0 : i32
      %dma_wait3A_401 = arith.constant 0 : i32
      %dma_wait3A_402 = tpu.memref_slice %arg13[%run_scoped3A_267, %dma_wait3A_400, %dma_wait3A_401] : memref<3x40x128xf32, #tpu.memory_space<vmem>> -> memref<1x40x128xf32, #tpu.memory_space<vmem>>
      %dma_wait3A_403 = tpu.memref_squeeze %dma_wait3A_402 : memref<1x40x128xf32, #tpu.memory_space<vmem>> -> memref<40x128xf32, #tpu.memory_space<vmem>>
      %dma_wait3A_404 = arith.constant 0 : i32
      %dma_wait3A_405 = tpu.memref_slice %arg14[%add3A_266, %dma_wait3A_404] : memref<10000x128xf32, #tpu.memory_space<vmem_shared>> -> memref<40x128xf32, #tpu.memory_space<vmem_shared>>
      %dma_wait3A_406 = arith.constant 0 : i32
      %dma_wait3A_407 = tpu.memref_slice %arg14[%add3A_266, %dma_wait3A_406] : memref<10000x128xf32, #tpu.memory_space<vmem_shared>> -> memref<40x128xf32, #tpu.memory_space<vmem_shared>>
      %dma_wait3A_408 = arith.constant 0 : i32
      %dma_wait3A_409 = arith.constant 0 : i32
      %dma_wait3A_410 = tpu.memref_slice %arg13[%run_scoped3A_267, %dma_wait3A_408, %dma_wait3A_409] : memref<3x40x128xf32, #tpu.memory_space<vmem>> -> memref<1x40x128xf32, #tpu.memory_space<vmem>>
      %dma_wait3A_411 = tpu.memref_squeeze %dma_wait3A_410 : memref<1x40x128xf32, #tpu.memory_space<vmem>> -> memref<40x128xf32, #tpu.memory_space<vmem>>
      tpu.wait_dma2 semaphore(%run_scoped3A_387 : memref<!tpu.dma_semaphore, #tpu.memory_space<semaphore_mem>>) src(%dma_wait3A_411 : memref<40x128xf32, #tpu.memory_space<vmem>>) dst(%dma_wait3A_407 : memref<40x128xf32, #tpu.memory_space<vmem_shared>>)
      tpu.yield
    }) : () -> ()
    %add3A_268 = arith.constant 520 : i32
    %add3A_269 = arith.addi %mul3A_0, %add3A_268 : i32
    %run_scoped3A_270 = arith.constant 0 : i32
    "tpu.region"() ({
      %run_scoped3A_387 = tpu.sem_alloc : memref<!tpu.dma_semaphore, #tpu.memory_space<semaphore_mem>>
      %dma_start3A_388 = arith.constant 0 : i32
      %dma_start3A_389 = arith.constant 0 : i32
      %dma_start3A_390 = tpu.memref_slice %arg13[%run_scoped3A_270, %dma_start3A_388, %dma_start3A_389] : memref<3x40x128xf32, #tpu.memory_space<vmem>> -> memref<1x40x128xf32, #tpu.memory_space<vmem>>
      %dma_start3A_391 = tpu.memref_squeeze %dma_start3A_390 : memref<1x40x128xf32, #tpu.memory_space<vmem>> -> memref<40x128xf32, #tpu.memory_space<vmem>>
      %dma_start3A_392 = arith.constant 0 : i32
      %dma_start3A_393 = tpu.memref_slice %arg14[%add3A_269, %dma_start3A_392] : memref<10000x128xf32, #tpu.memory_space<vmem_shared>> -> memref<40x128xf32, #tpu.memory_space<vmem_shared>>
      %dma_start3A_394 = arith.constant 0 : i32
      %dma_start3A_395 = tpu.memref_slice %arg14[%add3A_269, %dma_start3A_394] : memref<10000x128xf32, #tpu.memory_space<vmem_shared>> -> memref<40x128xf32, #tpu.memory_space<vmem_shared>>
      %dma_start3A_396 = arith.constant 0 : i32
      %dma_start3A_397 = arith.constant 0 : i32
      %dma_start3A_398 = tpu.memref_slice %arg13[%run_scoped3A_270, %dma_start3A_396, %dma_start3A_397] : memref<3x40x128xf32, #tpu.memory_space<vmem>> -> memref<1x40x128xf32, #tpu.memory_space<vmem>>
      %dma_start3A_399 = tpu.memref_squeeze %dma_start3A_398 : memref<1x40x128xf32, #tpu.memory_space<vmem>> -> memref<40x128xf32, #tpu.memory_space<vmem>>
      tpu.enqueue_dma source(%dma_start3A_399 : memref<40x128xf32, #tpu.memory_space<vmem>>) target(%dma_start3A_395 : memref<40x128xf32, #tpu.memory_space<vmem_shared>>) target_semaphore(%run_scoped3A_387 : memref<!tpu.dma_semaphore, #tpu.memory_space<semaphore_mem>>)
      %dma_wait3A_400 = arith.constant 0 : i32
      %dma_wait3A_401 = arith.constant 0 : i32
      %dma_wait3A_402 = tpu.memref_slice %arg13[%run_scoped3A_270, %dma_wait3A_400, %dma_wait3A_401] : memref<3x40x128xf32, #tpu.memory_space<vmem>> -> memref<1x40x128xf32, #tpu.memory_space<vmem>>
      %dma_wait3A_403 = tpu.memref_squeeze %dma_wait3A_402 : memref<1x40x128xf32, #tpu.memory_space<vmem>> -> memref<40x128xf32, #tpu.memory_space<vmem>>
      %dma_wait3A_404 = arith.constant 0 : i32
      %dma_wait3A_405 = tpu.memref_slice %arg14[%add3A_269, %dma_wait3A_404] : memref<10000x128xf32, #tpu.memory_space<vmem_shared>> -> memref<40x128xf32, #tpu.memory_space<vmem_shared>>
      %dma_wait3A_406 = arith.constant 0 : i32
      %dma_wait3A_407 = tpu.memref_slice %arg14[%add3A_269, %dma_wait3A_406] : memref<10000x128xf32, #tpu.memory_space<vmem_shared>> -> memref<40x128xf32, #tpu.memory_space<vmem_shared>>
      %dma_wait3A_408 = arith.constant 0 : i32
      %dma_wait3A_409 = arith.constant 0 : i32
      %dma_wait3A_410 = tpu.memref_slice %arg13[%run_scoped3A_270, %dma_wait3A_408, %dma_wait3A_409] : memref<3x40x128xf32, #tpu.memory_space<vmem>> -> memref<1x40x128xf32, #tpu.memory_space<vmem>>
      %dma_wait3A_411 = tpu.memref_squeeze %dma_wait3A_410 : memref<1x40x128xf32, #tpu.memory_space<vmem>> -> memref<40x128xf32, #tpu.memory_space<vmem>>
      tpu.wait_dma2 semaphore(%run_scoped3A_387 : memref<!tpu.dma_semaphore, #tpu.memory_space<semaphore_mem>>) src(%dma_wait3A_411 : memref<40x128xf32, #tpu.memory_space<vmem>>) dst(%dma_wait3A_407 : memref<40x128xf32, #tpu.memory_space<vmem_shared>>)
      tpu.yield
    }) : () -> ()
    %add3A_271 = arith.constant 560 : i32
    %add3A_272 = arith.addi %mul3A_0, %add3A_271 : i32
    %run_scoped3A_273 = arith.constant 0 : i32
    "tpu.region"() ({
      %run_scoped3A_387 = tpu.sem_alloc : memref<!tpu.dma_semaphore, #tpu.memory_space<semaphore_mem>>
      %dma_start3A_388 = arith.constant 0 : i32
      %dma_start3A_389 = arith.constant 0 : i32
      %dma_start3A_390 = tpu.memref_slice %arg13[%run_scoped3A_273, %dma_start3A_388, %dma_start3A_389] : memref<3x40x128xf32, #tpu.memory_space<vmem>> -> memref<1x40x128xf32, #tpu.memory_space<vmem>>
      %dma_start3A_391 = tpu.memref_squeeze %dma_start3A_390 : memref<1x40x128xf32, #tpu.memory_space<vmem>> -> memref<40x128xf32, #tpu.memory_space<vmem>>
      %dma_start3A_392 = arith.constant 0 : i32
      %dma_start3A_393 = tpu.memref_slice %arg14[%add3A_272, %dma_start3A_392] : memref<10000x128xf32, #tpu.memory_space<vmem_shared>> -> memref<40x128xf32, #tpu.memory_space<vmem_shared>>
      %dma_start3A_394 = arith.constant 0 : i32
      %dma_start3A_395 = tpu.memref_slice %arg14[%add3A_272, %dma_start3A_394] : memref<10000x128xf32, #tpu.memory_space<vmem_shared>> -> memref<40x128xf32, #tpu.memory_space<vmem_shared>>
      %dma_start3A_396 = arith.constant 0 : i32
      %dma_start3A_397 = arith.constant 0 : i32
      %dma_start3A_398 = tpu.memref_slice %arg13[%run_scoped3A_273, %dma_start3A_396, %dma_start3A_397] : memref<3x40x128xf32, #tpu.memory_space<vmem>> -> memref<1x40x128xf32, #tpu.memory_space<vmem>>
      %dma_start3A_399 = tpu.memref_squeeze %dma_start3A_398 : memref<1x40x128xf32, #tpu.memory_space<vmem>> -> memref<40x128xf32, #tpu.memory_space<vmem>>
      tpu.enqueue_dma source(%dma_start3A_399 : memref<40x128xf32, #tpu.memory_space<vmem>>) target(%dma_start3A_395 : memref<40x128xf32, #tpu.memory_space<vmem_shared>>) target_semaphore(%run_scoped3A_387 : memref<!tpu.dma_semaphore, #tpu.memory_space<semaphore_mem>>)
      %dma_wait3A_400 = arith.constant 0 : i32
      %dma_wait3A_401 = arith.constant 0 : i32
      %dma_wait3A_402 = tpu.memref_slice %arg13[%run_scoped3A_273, %dma_wait3A_400, %dma_wait3A_401] : memref<3x40x128xf32, #tpu.memory_space<vmem>> -> memref<1x40x128xf32, #tpu.memory_space<vmem>>
      %dma_wait3A_403 = tpu.memref_squeeze %dma_wait3A_402 : memref<1x40x128xf32, #tpu.memory_space<vmem>> -> memref<40x128xf32, #tpu.memory_space<vmem>>
      %dma_wait3A_404 = arith.constant 0 : i32
      %dma_wait3A_405 = tpu.memref_slice %arg14[%add3A_272, %dma_wait3A_404] : memref<10000x128xf32, #tpu.memory_space<vmem_shared>> -> memref<40x128xf32, #tpu.memory_space<vmem_shared>>
      %dma_wait3A_406 = arith.constant 0 : i32
      %dma_wait3A_407 = tpu.memref_slice %arg14[%add3A_272, %dma_wait3A_406] : memref<10000x128xf32, #tpu.memory_space<vmem_shared>> -> memref<40x128xf32, #tpu.memory_space<vmem_shared>>
      %dma_wait3A_408 = arith.constant 0 : i32
      %dma_wait3A_409 = arith.constant 0 : i32
      %dma_wait3A_410 = tpu.memref_slice %arg13[%run_scoped3A_273, %dma_wait3A_408, %dma_wait3A_409] : memref<3x40x128xf32, #tpu.memory_space<vmem>> -> memref<1x40x128xf32, #tpu.memory_space<vmem>>
      %dma_wait3A_411 = tpu.memref_squeeze %dma_wait3A_410 : memref<1x40x128xf32, #tpu.memory_space<vmem>> -> memref<40x128xf32, #tpu.memory_space<vmem>>
      tpu.wait_dma2 semaphore(%run_scoped3A_387 : memref<!tpu.dma_semaphore, #tpu.memory_space<semaphore_mem>>) src(%dma_wait3A_411 : memref<40x128xf32, #tpu.memory_space<vmem>>) dst(%dma_wait3A_407 : memref<40x128xf32, #tpu.memory_space<vmem_shared>>)
      tpu.yield
    }) : () -> ()
    %add3A_274 = arith.constant 600 : i32
    %add3A_275 = arith.addi %mul3A_0, %add3A_274 : i32
    %run_scoped3A_276 = arith.constant 0 : i32
    "tpu.region"() ({
      %run_scoped3A_387 = tpu.sem_alloc : memref<!tpu.dma_semaphore, #tpu.memory_space<semaphore_mem>>
      %dma_start3A_388 = arith.constant 0 : i32
      %dma_start3A_389 = arith.constant 0 : i32
      %dma_start3A_390 = tpu.memref_slice %arg13[%run_scoped3A_276, %dma_start3A_388, %dma_start3A_389] : memref<3x40x128xf32, #tpu.memory_space<vmem>> -> memref<1x40x128xf32, #tpu.memory_space<vmem>>
      %dma_start3A_391 = tpu.memref_squeeze %dma_start3A_390 : memref<1x40x128xf32, #tpu.memory_space<vmem>> -> memref<40x128xf32, #tpu.memory_space<vmem>>
      %dma_start3A_392 = arith.constant 0 : i32
      %dma_start3A_393 = arith.constant 0 : i32
      %dma_start3A_394 = tpu.memref_slice %dma_start3A_391[%dma_start3A_392, %dma_start3A_393] : memref<40x128xf32, #tpu.memory_space<vmem>> -> memref<24x128xf32, #tpu.memory_space<vmem>>
      %dma_start3A_395 = arith.constant 0 : i32
      %dma_start3A_396 = tpu.memref_slice %arg14[%add3A_275, %dma_start3A_395] : memref<10000x128xf32, #tpu.memory_space<vmem_shared>> -> memref<24x128xf32, #tpu.memory_space<vmem_shared>>
      %dma_start3A_397 = arith.constant 0 : i32
      %dma_start3A_398 = tpu.memref_slice %arg14[%add3A_275, %dma_start3A_397] : memref<10000x128xf32, #tpu.memory_space<vmem_shared>> -> memref<24x128xf32, #tpu.memory_space<vmem_shared>>
      %dma_start3A_399 = arith.constant 0 : i32
      %dma_start3A_400 = arith.constant 0 : i32
      %dma_start3A_401 = tpu.memref_slice %arg13[%run_scoped3A_276, %dma_start3A_399, %dma_start3A_400] : memref<3x40x128xf32, #tpu.memory_space<vmem>> -> memref<1x40x128xf32, #tpu.memory_space<vmem>>
      %dma_start3A_402 = tpu.memref_squeeze %dma_start3A_401 : memref<1x40x128xf32, #tpu.memory_space<vmem>> -> memref<40x128xf32, #tpu.memory_space<vmem>>
      %dma_start3A_403 = arith.constant 0 : i32
      %dma_start3A_404 = arith.constant 0 : i32
      %dma_start3A_405 = tpu.memref_slice %dma_start3A_402[%dma_start3A_403, %dma_start3A_404] : memref<40x128xf32, #tpu.memory_space<vmem>> -> memref<24x128xf32, #tpu.memory_space<vmem>>
      tpu.enqueue_dma source(%dma_start3A_405 : memref<24x128xf32, #tpu.memory_space<vmem>>) target(%dma_start3A_398 : memref<24x128xf32, #tpu.memory_space<vmem_shared>>) target_semaphore(%run_scoped3A_387 : memref<!tpu.dma_semaphore, #tpu.memory_space<semaphore_mem>>)
      %dma_wait3A_406 = arith.constant 0 : i32
      %dma_wait3A_407 = arith.constant 0 : i32
      %dma_wait3A_408 = tpu.memref_slice %arg13[%run_scoped3A_276, %dma_wait3A_406, %dma_wait3A_407] : memref<3x40x128xf32, #tpu.memory_space<vmem>> -> memref<1x40x128xf32, #tpu.memory_space<vmem>>
      %dma_wait3A_409 = tpu.memref_squeeze %dma_wait3A_408 : memref<1x40x128xf32, #tpu.memory_space<vmem>> -> memref<40x128xf32, #tpu.memory_space<vmem>>
      %dma_wait3A_410 = arith.constant 0 : i32
      %dma_wait3A_411 = arith.constant 0 : i32
      %dma_wait3A_412 = tpu.memref_slice %dma_wait3A_409[%dma_wait3A_410, %dma_wait3A_411] : memref<40x128xf32, #tpu.memory_space<vmem>> -> memref<24x128xf32, #tpu.memory_space<vmem>>
      %dma_wait3A_413 = arith.constant 0 : i32
      %dma_wait3A_414 = tpu.memref_slice %arg14[%add3A_275, %dma_wait3A_413] : memref<10000x128xf32, #tpu.memory_space<vmem_shared>> -> memref<24x128xf32, #tpu.memory_space<vmem_shared>>
      %dma_wait3A_415 = arith.constant 0 : i32
      %dma_wait3A_416 = tpu.memref_slice %arg14[%add3A_275, %dma_wait3A_415] : memref<10000x128xf32, #tpu.memory_space<vmem_shared>> -> memref<24x128xf32, #tpu.memory_space<vmem_shared>>
      %dma_wait3A_417 = arith.constant 0 : i32
      %dma_wait3A_418 = arith.constant 0 : i32
      %dma_wait3A_419 = tpu.memref_slice %arg13[%run_scoped3A_276, %dma_wait3A_417, %dma_wait3A_418] : memref<3x40x128xf32, #tpu.memory_space<vmem>> -> memref<1x40x128xf32, #tpu.memory_space<vmem>>
      %dma_wait3A_420 = tpu.memref_squeeze %dma_wait3A_419 : memref<1x40x128xf32, #tpu.memory_space<vmem>> -> memref<40x128xf32, #tpu.memory_space<vmem>>
      %dma_wait3A_421 = arith.constant 0 : i32
      %dma_wait3A_422 = arith.constant 0 : i32
      %dma_wait3A_423 = tpu.memref_slice %dma_wait3A_420[%dma_wait3A_421, %dma_wait3A_422] : memref<40x128xf32, #tpu.memory_space<vmem>> -> memref<24x128xf32, #tpu.memory_space<vmem>>
      tpu.wait_dma2 semaphore(%run_scoped3A_387 : memref<!tpu.dma_semaphore, #tpu.memory_space<semaphore_mem>>) src(%dma_wait3A_423 : memref<24x128xf32, #tpu.memory_space<vmem>>) dst(%dma_wait3A_416 : memref<24x128xf32, #tpu.memory_space<vmem_shared>>)
      tpu.yield
    }) : () -> ()
    %eq3A_277 = arith.constant 15 : i32
    %eq3A_278 = arith.cmpi eq, %arg1, %eq3A_277 : i32
    %convert_element_type3A_279 = arith.extui %eq3A_278 : i1 to i32
    %cond3A_280 = arith.constant 0 : i32
    %cond3A_281 = arith.constant 0 : i32
    %cond3A_282 = arith.cmpi ne, %convert_element_type3A_279, %cond3A_281 : i32
    scf.if %cond3A_282 {
      "tpu.region"() ({
        %run_scoped3A_387 = tpu.sem_alloc : memref<!tpu.dma_semaphore, #tpu.memory_space<semaphore_mem>>
        %dma_start3A_388 = arith.constant 0 : i32
        %dma_start3A_389 = arith.constant 0 : i32
        %dma_start3A_390 = tpu.memref_slice %arg13[%cond3A_280, %dma_start3A_388, %dma_start3A_389] : memref<3x40x128xf32, #tpu.memory_space<vmem>> -> memref<1x40x128xf32, #tpu.memory_space<vmem>>
        %dma_start3A_391 = tpu.memref_squeeze %dma_start3A_390 : memref<1x40x128xf32, #tpu.memory_space<vmem>> -> memref<40x128xf32, #tpu.memory_space<vmem>>
        %dma_start3A_392 = arith.constant 0 : i32
        %dma_start3A_393 = arith.constant 0 : i32
        %dma_start3A_394 = tpu.memref_slice %dma_start3A_391[%dma_start3A_392, %dma_start3A_393] : memref<40x128xf32, #tpu.memory_space<vmem>> -> memref<16x128xf32, #tpu.memory_space<vmem>>
        %dma_start3A_395 = arith.constant 9984 : i32
        %dma_start3A_396 = arith.constant 0 : i32
        %dma_start3A_397 = tpu.memref_slice %arg14[%dma_start3A_395, %dma_start3A_396] : memref<10000x128xf32, #tpu.memory_space<vmem_shared>> -> memref<16x128xf32, #tpu.memory_space<vmem_shared>>
        %dma_start3A_398 = arith.constant 9984 : i32
        %dma_start3A_399 = arith.constant 0 : i32
        %dma_start3A_400 = tpu.memref_slice %arg14[%dma_start3A_398, %dma_start3A_399] : memref<10000x128xf32, #tpu.memory_space<vmem_shared>> -> memref<16x128xf32, #tpu.memory_space<vmem_shared>>
        %dma_start3A_401 = arith.constant 0 : i32
        %dma_start3A_402 = arith.constant 0 : i32
        %dma_start3A_403 = tpu.memref_slice %arg13[%cond3A_280, %dma_start3A_401, %dma_start3A_402] : memref<3x40x128xf32, #tpu.memory_space<vmem>> -> memref<1x40x128xf32, #tpu.memory_space<vmem>>
        %dma_start3A_404 = tpu.memref_squeeze %dma_start3A_403 : memref<1x40x128xf32, #tpu.memory_space<vmem>> -> memref<40x128xf32, #tpu.memory_space<vmem>>
        %dma_start3A_405 = arith.constant 0 : i32
        %dma_start3A_406 = arith.constant 0 : i32
        %dma_start3A_407 = tpu.memref_slice %dma_start3A_404[%dma_start3A_405, %dma_start3A_406] : memref<40x128xf32, #tpu.memory_space<vmem>> -> memref<16x128xf32, #tpu.memory_space<vmem>>
        tpu.enqueue_dma source(%dma_start3A_407 : memref<16x128xf32, #tpu.memory_space<vmem>>) target(%dma_start3A_400 : memref<16x128xf32, #tpu.memory_space<vmem_shared>>) target_semaphore(%run_scoped3A_387 : memref<!tpu.dma_semaphore, #tpu.memory_space<semaphore_mem>>)
        %dma_wait3A_408 = arith.constant 0 : i32
        %dma_wait3A_409 = arith.constant 0 : i32
        %dma_wait3A_410 = tpu.memref_slice %arg13[%cond3A_280, %dma_wait3A_408, %dma_wait3A_409] : memref<3x40x128xf32, #tpu.memory_space<vmem>> -> memref<1x40x128xf32, #tpu.memory_space<vmem>>
        %dma_wait3A_411 = tpu.memref_squeeze %dma_wait3A_410 : memref<1x40x128xf32, #tpu.memory_space<vmem>> -> memref<40x128xf32, #tpu.memory_space<vmem>>
        %dma_wait3A_412 = arith.constant 0 : i32
        %dma_wait3A_413 = arith.constant 0 : i32
        %dma_wait3A_414 = tpu.memref_slice %dma_wait3A_411[%dma_wait3A_412, %dma_wait3A_413] : memref<40x128xf32, #tpu.memory_space<vmem>> -> memref<16x128xf32, #tpu.memory_space<vmem>>
        %dma_wait3A_415 = arith.constant 9984 : i32
        %dma_wait3A_416 = arith.constant 0 : i32
        %dma_wait3A_417 = tpu.memref_slice %arg14[%dma_wait3A_415, %dma_wait3A_416] : memref<10000x128xf32, #tpu.memory_space<vmem_shared>> -> memref<16x128xf32, #tpu.memory_space<vmem_shared>>
        %dma_wait3A_418 = arith.constant 9984 : i32
        %dma_wait3A_419 = arith.constant 0 : i32
        %dma_wait3A_420 = tpu.memref_slice %arg14[%dma_wait3A_418, %dma_wait3A_419] : memref<10000x128xf32, #tpu.memory_space<vmem_shared>> -> memref<16x128xf32, #tpu.memory_space<vmem_shared>>
        %dma_wait3A_421 = arith.constant 0 : i32
        %dma_wait3A_422 = arith.constant 0 : i32
        %dma_wait3A_423 = tpu.memref_slice %arg13[%cond3A_280, %dma_wait3A_421, %dma_wait3A_422] : memref<3x40x128xf32, #tpu.memory_space<vmem>> -> memref<1x40x128xf32, #tpu.memory_space<vmem>>
        %dma_wait3A_424 = tpu.memref_squeeze %dma_wait3A_423 : memref<1x40x128xf32, #tpu.memory_space<vmem>> -> memref<40x128xf32, #tpu.memory_space<vmem>>
        %dma_wait3A_425 = arith.constant 0 : i32
        %dma_wait3A_426 = arith.constant 0 : i32
        %dma_wait3A_427 = tpu.memref_slice %dma_wait3A_424[%dma_wait3A_425, %dma_wait3A_426] : memref<40x128xf32, #tpu.memory_space<vmem>> -> memref<16x128xf32, #tpu.memory_space<vmem>>
        tpu.wait_dma2 semaphore(%run_scoped3A_387 : memref<!tpu.dma_semaphore, #tpu.memory_space<semaphore_mem>>) src(%dma_wait3A_427 : memref<16x128xf32, #tpu.memory_space<vmem>>) dst(%dma_wait3A_420 : memref<16x128xf32, #tpu.memory_space<vmem_shared>>)
        tpu.yield
      }) : () -> ()
    } else {
    }
    %parallel_loop3A_283 = arith.constant 0 : i32
    %parallel_loop3A_284 = arith.constant 40 : i32
    %parallel_loop3A_285 = arith.constant 1 : i32
    scf.for %parallel_loop3A_387 = %parallel_loop3A_283 to %parallel_loop3A_284 step %parallel_loop3A_285  : i32 {
      %parallel_loop3A_388 = arith.constant 1.000000e+00 : f32
      %parallel_loop3A_389 = vector.broadcast %parallel_loop3A_388 : f32 to vector<16xf32>
      %parallel_loop3A_390 = arith.constant 0 : i32
      %parallel_loop3A_391 = arith.index_cast %parallel_loop3A_390 : i32 to index
      %parallel_loop3A_392 = arith.index_cast %parallel_loop3A_387 : i32 to index
      %parallel_loop3A_393 = arith.constant 0 : index
      %parallel_loop3A_394 = tpu.vector_load %arg11[%parallel_loop3A_391, %parallel_loop3A_392, %parallel_loop3A_393] {strides = array<i32>} : memref<3x40x128xf32, #tpu.memory_space<vmem>>, vector<1x1x16xf32>,
      %parallel_loop3A_395 = vector.shape_cast %parallel_loop3A_394 : vector<1x1x16xf32> to vector<16xf32>
      %parallel_loop3A_396 = vector.shape_cast %parallel_loop3A_389 : vector<16xf32> to vector<1x1x16xf32>
      tpu.vector_store %arg11[%parallel_loop3A_391, %parallel_loop3A_392, %parallel_loop3A_393], %parallel_loop3A_396 {strides = array<i32>} : memref<3x40x128xf32, #tpu.memory_space<vmem>>, vector<1x1x16xf32>,
      %parallel_loop3A_397 = arith.constant 1.000000e+00 : f32
      %parallel_loop3A_398 = vector.broadcast %parallel_loop3A_397 : f32 to vector<16xf32>
      %parallel_loop3A_399 = arith.constant 0 : i32
      %parallel_loop3A_400 = arith.index_cast %parallel_loop3A_399 : i32 to index
      %parallel_loop3A_401 = arith.index_cast %parallel_loop3A_387 : i32 to index
      %parallel_loop3A_402 = arith.constant 16 : index
      %parallel_loop3A_403 = tpu.vector_load %arg11[%parallel_loop3A_400, %parallel_loop3A_401, %parallel_loop3A_402] {strides = array<i32>} : memref<3x40x128xf32, #tpu.memory_space<vmem>>, vector<1x1x16xf32>,
      %parallel_loop3A_404 = vector.shape_cast %parallel_loop3A_403 : vector<1x1x16xf32> to vector<16xf32>
      %parallel_loop3A_405 = vector.shape_cast %parallel_loop3A_398 : vector<16xf32> to vector<1x1x16xf32>
      tpu.vector_store %arg11[%parallel_loop3A_400, %parallel_loop3A_401, %parallel_loop3A_402], %parallel_loop3A_405 {strides = array<i32>} : memref<3x40x128xf32, #tpu.memory_space<vmem>>, vector<1x1x16xf32>,
      %parallel_loop3A_406 = arith.constant 1.000000e+00 : f32
      %parallel_loop3A_407 = vector.broadcast %parallel_loop3A_406 : f32 to vector<16xf32>
      %parallel_loop3A_408 = arith.constant 0 : i32
      %parallel_loop3A_409 = arith.index_cast %parallel_loop3A_408 : i32 to index
      %parallel_loop3A_410 = arith.index_cast %parallel_loop3A_387 : i32 to index
      %parallel_loop3A_411 = arith.constant 32 : index
      %parallel_loop3A_412 = tpu.vector_load %arg11[%parallel_loop3A_409, %parallel_loop3A_410, %parallel_loop3A_411] {strides = array<i32>} : memref<3x40x128xf32, #tpu.memory_space<vmem>>, vector<1x1x16xf32>,
      %parallel_loop3A_413 = vector.shape_cast %parallel_loop3A_412 : vector<1x1x16xf32> to vector<16xf32>
      %parallel_loop3A_414 = vector.shape_cast %parallel_loop3A_407 : vector<16xf32> to vector<1x1x16xf32>
      tpu.vector_store %arg11[%parallel_loop3A_409, %parallel_loop3A_410, %parallel_loop3A_411], %parallel_loop3A_414 {strides = array<i32>} : memref<3x40x128xf32, #tpu.memory_space<vmem>>, vector<1x1x16xf32>,
      %parallel_loop3A_415 = arith.constant 1.000000e+00 : f32
      %parallel_loop3A_416 = vector.broadcast %parallel_loop3A_415 : f32 to vector<16xf32>
      %parallel_loop3A_417 = arith.constant 0 : i32
      %parallel_loop3A_418 = arith.index_cast %parallel_loop3A_417 : i32 to index
      %parallel_loop3A_419 = arith.index_cast %parallel_loop3A_387 : i32 to index
      %parallel_loop3A_420 = arith.constant 48 : index
      %parallel_loop3A_421 = tpu.vector_load %arg11[%parallel_loop3A_418, %parallel_loop3A_419, %parallel_loop3A_420] {strides = array<i32>} : memref<3x40x128xf32, #tpu.memory_space<vmem>>, vector<1x1x16xf32>,
      %parallel_loop3A_422 = vector.shape_cast %parallel_loop3A_421 : vector<1x1x16xf32> to vector<16xf32>
      %parallel_loop3A_423 = vector.shape_cast %parallel_loop3A_416 : vector<16xf32> to vector<1x1x16xf32>
      tpu.vector_store %arg11[%parallel_loop3A_418, %parallel_loop3A_419, %parallel_loop3A_420], %parallel_loop3A_423 {strides = array<i32>} : memref<3x40x128xf32, #tpu.memory_space<vmem>>, vector<1x1x16xf32>,
      %parallel_loop3A_424 = arith.constant 1.000000e+00 : f32
      %parallel_loop3A_425 = vector.broadcast %parallel_loop3A_424 : f32 to vector<16xf32>
      %parallel_loop3A_426 = arith.constant 0 : i32
      %parallel_loop3A_427 = arith.index_cast %parallel_loop3A_426 : i32 to index
      %parallel_loop3A_428 = arith.index_cast %parallel_loop3A_387 : i32 to index
      %parallel_loop3A_429 = arith.constant 64 : index
      %parallel_loop3A_430 = tpu.vector_load %arg11[%parallel_loop3A_427, %parallel_loop3A_428, %parallel_loop3A_429] {strides = array<i32>} : memref<3x40x128xf32, #tpu.memory_space<vmem>>, vector<1x1x16xf32>,
      %parallel_loop3A_431 = vector.shape_cast %parallel_loop3A_430 : vector<1x1x16xf32> to vector<16xf32>
      %parallel_loop3A_432 = vector.shape_cast %parallel_loop3A_425 : vector<16xf32> to vector<1x1x16xf32>
      tpu.vector_store %arg11[%parallel_loop3A_427, %parallel_loop3A_428, %parallel_loop3A_429], %parallel_loop3A_432 {strides = array<i32>} : memref<3x40x128xf32, #tpu.memory_space<vmem>>, vector<1x1x16xf32>,
      %parallel_loop3A_433 = arith.constant 1.000000e+00 : f32
      %parallel_loop3A_434 = vector.broadcast %parallel_loop3A_433 : f32 to vector<16xf32>
      %parallel_loop3A_435 = arith.constant 0 : i32
      %parallel_loop3A_436 = arith.index_cast %parallel_loop3A_435 : i32 to index
      %parallel_loop3A_437 = arith.index_cast %parallel_loop3A_387 : i32 to index
      %parallel_loop3A_438 = arith.constant 80 : index
      %parallel_loop3A_439 = tpu.vector_load %arg11[%parallel_loop3A_436, %parallel_loop3A_437, %parallel_loop3A_438] {strides = array<i32>} : memref<3x40x128xf32, #tpu.memory_space<vmem>>, vector<1x1x16xf32>,
      %parallel_loop3A_440 = vector.shape_cast %parallel_loop3A_439 : vector<1x1x16xf32> to vector<16xf32>
      %parallel_loop3A_441 = vector.shape_cast %parallel_loop3A_434 : vector<16xf32> to vector<1x1x16xf32>
      tpu.vector_store %arg11[%parallel_loop3A_436, %parallel_loop3A_437, %parallel_loop3A_438], %parallel_loop3A_441 {strides = array<i32>} : memref<3x40x128xf32, #tpu.memory_space<vmem>>, vector<1x1x16xf32>,
      %parallel_loop3A_442 = arith.constant 1.000000e+00 : f32
      %parallel_loop3A_443 = vector.broadcast %parallel_loop3A_442 : f32 to vector<16xf32>
      %parallel_loop3A_444 = arith.constant 0 : i32
      %parallel_loop3A_445 = arith.index_cast %parallel_loop3A_444 : i32 to index
      %parallel_loop3A_446 = arith.index_cast %parallel_loop3A_387 : i32 to index
      %parallel_loop3A_447 = arith.constant 96 : index
      %parallel_loop3A_448 = tpu.vector_load %arg11[%parallel_loop3A_445, %parallel_loop3A_446, %parallel_loop3A_447] {strides = array<i32>} : memref<3x40x128xf32, #tpu.memory_space<vmem>>, vector<1x1x16xf32>,
      %parallel_loop3A_449 = vector.shape_cast %parallel_loop3A_448 : vector<1x1x16xf32> to vector<16xf32>
      %parallel_loop3A_450 = vector.shape_cast %parallel_loop3A_443 : vector<16xf32> to vector<1x1x16xf32>
      tpu.vector_store %arg11[%parallel_loop3A_445, %parallel_loop3A_446, %parallel_loop3A_447], %parallel_loop3A_450 {strides = array<i32>} : memref<3x40x128xf32, #tpu.memory_space<vmem>>, vector<1x1x16xf32>,
      %parallel_loop3A_451 = arith.constant 1.000000e+00 : f32
      %parallel_loop3A_452 = vector.broadcast %parallel_loop3A_451 : f32 to vector<16xf32>
      %parallel_loop3A_453 = arith.constant 0 : i32
      %parallel_loop3A_454 = arith.index_cast %parallel_loop3A_453 : i32 to index
      %parallel_loop3A_455 = arith.index_cast %parallel_loop3A_387 : i32 to index
      %parallel_loop3A_456 = arith.constant 112 : index
      %parallel_loop3A_457 = tpu.vector_load %arg11[%parallel_loop3A_454, %parallel_loop3A_455, %parallel_loop3A_456] {strides = array<i32>} : memref<3x40x128xf32, #tpu.memory_space<vmem>>, vector<1x1x16xf32>,
      %parallel_loop3A_458 = vector.shape_cast %parallel_loop3A_457 : vector<1x1x16xf32> to vector<16xf32>
      %parallel_loop3A_459 = vector.shape_cast %parallel_loop3A_452 : vector<16xf32> to vector<1x1x16xf32>
      tpu.vector_store %arg11[%parallel_loop3A_454, %parallel_loop3A_455, %parallel_loop3A_456], %parallel_loop3A_459 {strides = array<i32>} : memref<3x40x128xf32, #tpu.memory_space<vmem>>, vector<1x1x16xf32>,
    } {sc.loop_unroll_factor = 4 : i64, sc.parallel_access}
    %barrier3A_286 = arith.constant 0 : index
    tpu.barrier barrier_id(%barrier3A_286)
    %add3A_287 = arith.constant 0 : i32
    %add3A_288 = arith.addi %mul3A_4, %add3A_287 : i32
    %dma_start3A_289 = arith.constant 0 : i32
    %dma_start3A_290 = arith.constant 0 : i32
    %dma_start3A_291 = arith.constant 0 : i32
    %dma_start3A_292 = tpu.memref_slice %arg10[%dma_start3A_289, %dma_start3A_291] : memref<3x40xi32, #tpu.memory_space<vmem>> -> memref<1x40xi32, #tpu.memory_space<vmem>>
    %dma_start3A_293 = tpu.memref_squeeze %dma_start3A_292 : memref<1x40xi32, #tpu.memory_space<vmem>> -> memref<40xi32, #tpu.memory_space<vmem>>
    %dma_start3A_294 = tpu.memref_slice %arg3[%add3A_288] : memref<320000xi32, #tpu.memory_space<hbm>> -> memref<40xi32, #tpu.memory_space<hbm>>
    %dma_start3A_295 = tpu.memref_slice %arg15[%dma_start3A_290] : memref<2x!tpu.dma_semaphore, #tpu.memory_space<semaphore_mem>> -> memref<1x!tpu.dma_semaphore, #tpu.memory_space<semaphore_mem>>
    %dma_start3A_296 = tpu.memref_squeeze %dma_start3A_295 : memref<1x!tpu.dma_semaphore, #tpu.memory_space<semaphore_mem>> -> memref<!tpu.dma_semaphore, #tpu.memory_space<semaphore_mem>>
    %dma_start3A_297 = arith.constant 0 : i32
    %dma_start3A_298 = tpu.memref_slice %arg10[%dma_start3A_289, %dma_start3A_297] : memref<3x40xi32, #tpu.memory_space<vmem>> -> memref<1x40xi32, #tpu.memory_space<vmem>>
    %dma_start3A_299 = tpu.memref_squeeze %dma_start3A_298 : memref<1x40xi32, #tpu.memory_space<vmem>> -> memref<40xi32, #tpu.memory_space<vmem>>
    %dma_start3A_300 = tpu.memref_slice %arg3[%add3A_288] : memref<320000xi32, #tpu.memory_space<hbm>> -> memref<40xi32, #tpu.memory_space<hbm>>
    tpu.enqueue_dma source(%dma_start3A_300 : memref<40xi32, #tpu.memory_space<hbm>>) target(%dma_start3A_299 : memref<40xi32, #tpu.memory_space<vmem>>) target_semaphore(%dma_start3A_296 : memref<!tpu.dma_semaphore, #tpu.memory_space<semaphore_mem>>)
    %add3A_301 = arith.constant 40 : i32
    %add3A_302 = arith.addi %mul3A_4, %add3A_301 : i32
    %dma_start3A_303 = arith.constant 1 : i32
    %dma_start3A_304 = arith.constant 0 : i32
    %dma_start3A_305 = arith.constant 0 : i32
    %dma_start3A_306 = tpu.memref_slice %arg10[%dma_start3A_303, %dma_start3A_305] : memref<3x40xi32, #tpu.memory_space<vmem>> -> memref<1x40xi32, #tpu.memory_space<vmem>>
    %dma_start3A_307 = tpu.memref_squeeze %dma_start3A_306 : memref<1x40xi32, #tpu.memory_space<vmem>> -> memref<40xi32, #tpu.memory_space<vmem>>
    %dma_start3A_308 = tpu.memref_slice %arg3[%add3A_302] : memref<320000xi32, #tpu.memory_space<hbm>> -> memref<40xi32, #tpu.memory_space<hbm>>
    %dma_start3A_309 = tpu.memref_slice %arg15[%dma_start3A_304] : memref<2x!tpu.dma_semaphore, #tpu.memory_space<semaphore_mem>> -> memref<1x!tpu.dma_semaphore, #tpu.memory_space<semaphore_mem>>
    %dma_start3A_310 = tpu.memref_squeeze %dma_start3A_309 : memref<1x!tpu.dma_semaphore, #tpu.memory_space<semaphore_mem>> -> memref<!tpu.dma_semaphore, #tpu.memory_space<semaphore_mem>>
    %dma_start3A_311 = arith.constant 0 : i32
    %dma_start3A_312 = tpu.memref_slice %arg10[%dma_start3A_303, %dma_start3A_311] : memref<3x40xi32, #tpu.memory_space<vmem>> -> memref<1x40xi32, #tpu.memory_space<vmem>>
    %dma_start3A_313 = tpu.memref_squeeze %dma_start3A_312 : memref<1x40xi32, #tpu.memory_space<vmem>> -> memref<40xi32, #tpu.memory_space<vmem>>
    %dma_start3A_314 = tpu.memref_slice %arg3[%add3A_302] : memref<320000xi32, #tpu.memory_space<hbm>> -> memref<40xi32, #tpu.memory_space<hbm>>
    tpu.enqueue_dma source(%dma_start3A_314 : memref<40xi32, #tpu.memory_space<hbm>>) target(%dma_start3A_313 : memref<40xi32, #tpu.memory_space<vmem>>) target_semaphore(%dma_start3A_310 : memref<!tpu.dma_semaphore, #tpu.memory_space<semaphore_mem>>)
    %scan3A_315 = arith.constant 0 : i32
    %scan3A_316 = arith.constant 1 : i32
    %scan3A_317 = arith.constant 0 : i32
    %scan3A_318 = arith.constant 0 : i32
    %scan3A_319 = arith.constant 250 : i32
    %scan3A_320 = arith.addi %scan3A_318, %scan3A_319 : i32
    %scan3A_321 = arith.constant 1 : i32
    %scan3A_322 = scf.for %scan3A_387 = %scan3A_318 to %scan3A_320 step %scan3A_321 iter_args(%scan3A_388 = %scan3A_317) -> (i32)  : i32 {
      %rem3A = arith.constant 3 : i32
      %rem3A_389 = arith.remsi %scan3A_387, %rem3A : i32
      %add3A_390 = arith.constant 2 : i32
      %add3A_391 = arith.addi %scan3A_387, %add3A_390 : i32
      %rem3A_392 = arith.constant 3 : i32
      %rem3A_393 = arith.remsi %add3A_391, %rem3A_392 : i32
      %dma_wait3A_394 = arith.constant 0 : i32
      %dma_wait3A_395 = tpu.memref_slice %arg10[%rem3A_389, %dma_wait3A_394] : memref<3x40xi32, #tpu.memory_space<vmem>> -> memref<1x40xi32, #tpu.memory_space<vmem>>
      %dma_wait3A_396 = tpu.memref_squeeze %dma_wait3A_395 : memref<1x40xi32, #tpu.memory_space<vmem>> -> memref<40xi32, #tpu.memory_space<vmem>>
      %dma_wait3A_397 = arith.constant 0 : i32
      %dma_wait3A_398 = tpu.memref_slice %arg3[%dma_wait3A_397] : memref<320000xi32, #tpu.memory_space<hbm>> -> memref<40xi32, #tpu.memory_space<hbm>>
      %dma_wait3A_399 = tpu.memref_slice %arg15[%scan3A_315] : memref<2x!tpu.dma_semaphore, #tpu.memory_space<semaphore_mem>> -> memref<1x!tpu.dma_semaphore, #tpu.memory_space<semaphore_mem>>
      %dma_wait3A_400 = tpu.memref_squeeze %dma_wait3A_399 : memref<1x!tpu.dma_semaphore, #tpu.memory_space<semaphore_mem>> -> memref<!tpu.dma_semaphore, #tpu.memory_space<semaphore_mem>>
      %dma_wait3A_401 = arith.constant 0 : i32
      %dma_wait3A_402 = tpu.memref_slice %arg10[%rem3A_389, %dma_wait3A_401] : memref<3x40xi32, #tpu.memory_space<vmem>> -> memref<1x40xi32, #tpu.memory_space<vmem>>
      %dma_wait3A_403 = tpu.memref_squeeze %dma_wait3A_402 : memref<1x40xi32, #tpu.memory_space<vmem>> -> memref<40xi32, #tpu.memory_space<vmem>>
      %dma_wait3A_404 = arith.constant 0 : i32
      %dma_wait3A_405 = tpu.memref_slice %arg3[%dma_wait3A_404] : memref<320000xi32, #tpu.memory_space<hbm>> -> memref<40xi32, #tpu.memory_space<hbm>>
      tpu.wait_dma2 semaphore(%dma_wait3A_400 : memref<!tpu.dma_semaphore, #tpu.memory_space<semaphore_mem>>) src(%dma_wait3A_405 : memref<40xi32, #tpu.memory_space<hbm>>) dst(%dma_wait3A_403 : memref<40xi32, #tpu.memory_space<vmem>>)
      %dma_start3A_406 = arith.constant 0 : i32
      %dma_start3A_407 = arith.constant 0 : i32
      %dma_start3A_408 = arith.constant 0 : i32
      %dma_start3A_409 = tpu.memref_slice %arg11[%dma_start3A_406, %dma_start3A_407, %dma_start3A_408] : memref<3x40x128xf32, #tpu.memory_space<vmem>> -> memref<1x40x128xf32, #tpu.memory_space<vmem>>
      %dma_start3A_410 = tpu.memref_squeeze %dma_start3A_409 : memref<1x40x128xf32, #tpu.memory_space<vmem>> -> memref<40x128xf32, #tpu.memory_space<vmem>>
      %dma_start3A_411 = arith.constant 0 : i32
      %dma_start3A_412 = tpu.memref_slice %arg10[%rem3A_389, %dma_start3A_411] : memref<3x40xi32, #tpu.memory_space<vmem>> -> memref<1x40xi32, #tpu.memory_space<vmem>>
      %dma_start3A_413 = tpu.memref_squeeze %dma_start3A_412 : memref<1x40xi32, #tpu.memory_space<vmem>> -> memref<40xi32, #tpu.memory_space<vmem>>
      %dma_start3A_414 = arith.constant 0 : i32
      %dma_start3A_415 = arith.constant 0 : i32
      %dma_start3A_416 = tpu.memref_slice %arg14[%dma_start3A_414, %dma_start3A_415] : memref<10000x128xf32, #tpu.memory_space<vmem_shared>> -> memref<10000x128xf32, #tpu.memory_space<vmem_shared>>
      %dma_start3A_417 = tpu.memref_slice %arg15[%scan3A_316] : memref<2x!tpu.dma_semaphore, #tpu.memory_space<semaphore_mem>> -> memref<1x!tpu.dma_semaphore, #tpu.memory_space<semaphore_mem>>
      %dma_start3A_418 = tpu.memref_squeeze %dma_start3A_417 : memref<1x!tpu.dma_semaphore, #tpu.memory_space<semaphore_mem>> -> memref<!tpu.dma_semaphore, #tpu.memory_space<semaphore_mem>>
      tpu.enqueue_indirect_dma source(%dma_start3A_410 : memref<40x128xf32, #tpu.memory_space<vmem>>) target(%dma_start3A_416 : memref<10000x128xf32, #tpu.memory_space<vmem_shared>>) offsets(%dma_start3A_413 : memref<40xi32, #tpu.memory_space<vmem>>) semaphore(%dma_start3A_418 : memref<!tpu.dma_semaphore, #tpu.memory_space<semaphore_mem>>) {add = true}
      %add3A_419 = arith.constant 2 : i32
      %add3A_420 = arith.addi %scan3A_387, %add3A_419 : i32
      %lt3A = arith.constant 250 : i32
      %lt3A_421 = arith.cmpi slt, %add3A_420, %lt3A : i32
      %convert_element_type3A_422 = arith.extui %lt3A_421 : i1 to i32
      %cond3A_423 = arith.constant 0 : i32
      %cond3A_424 = arith.cmpi ne, %convert_element_type3A_422, %cond3A_423 : i32
      scf.if %cond3A_424 {
        %ge3A = arith.constant 1 : i32
        %ge3A_426 = arith.cmpi sge, %scan3A_387, %ge3A : i32
        %convert_element_type3A_427 = arith.extui %ge3A_426 : i1 to i32
        %cond3A_428 = arith.constant 0 : i32
        %cond3A_429 = arith.cmpi ne, %convert_element_type3A_427, %cond3A_428 : i32
        scf.if %cond3A_429 {
          %dma_wait3A_445 = arith.constant 0 : i32
          %dma_wait3A_446 = arith.constant 0 : i32
          %dma_wait3A_447 = tpu.memref_slice %arg11[%rem3A_393, %dma_wait3A_445, %dma_wait3A_446] : memref<3x40x128xf32, #tpu.memory_space<vmem>> -> memref<1x40x128xf32, #tpu.memory_space<vmem>>
          %dma_wait3A_448 = tpu.memref_squeeze %dma_wait3A_447 : memref<1x40x128xf32, #tpu.memory_space<vmem>> -> memref<40x128xf32, #tpu.memory_space<vmem>>
          %dma_wait3A_449 = arith.constant 0 : i32
          %dma_wait3A_450 = arith.constant 0 : i32
          %dma_wait3A_451 = tpu.memref_slice %arg4[%dma_wait3A_449, %dma_wait3A_450] : memref<10000x128xf32, #tpu.memory_space<hbm>> -> memref<40x128xf32, #tpu.memory_space<hbm>>
          %dma_wait3A_452 = tpu.memref_slice %arg15[%scan3A_316] : memref<2x!tpu.dma_semaphore, #tpu.memory_space<semaphore_mem>> -> memref<1x!tpu.dma_semaphore, #tpu.memory_space<semaphore_mem>>
          %dma_wait3A_453 = tpu.memref_squeeze %dma_wait3A_452 : memref<1x!tpu.dma_semaphore, #tpu.memory_space<semaphore_mem>> -> memref<!tpu.dma_semaphore, #tpu.memory_space<semaphore_mem>>
          %dma_wait3A_454 = arith.constant 0 : i32
          %dma_wait3A_455 = arith.constant 0 : i32
          %dma_wait3A_456 = tpu.memref_slice %arg11[%rem3A_393, %dma_wait3A_454, %dma_wait3A_455] : memref<3x40x128xf32, #tpu.memory_space<vmem>> -> memref<1x40x128xf32, #tpu.memory_space<vmem>>
          %dma_wait3A_457 = tpu.memref_squeeze %dma_wait3A_456 : memref<1x40x128xf32, #tpu.memory_space<vmem>> -> memref<40x128xf32, #tpu.memory_space<vmem>>
          %dma_wait3A_458 = arith.constant 0 : i32
          %dma_wait3A_459 = arith.constant 0 : i32
          %dma_wait3A_460 = tpu.memref_slice %arg4[%dma_wait3A_458, %dma_wait3A_459] : memref<10000x128xf32, #tpu.memory_space<hbm>> -> memref<40x128xf32, #tpu.memory_space<hbm>>
          tpu.wait_dma2 semaphore(%dma_wait3A_453 : memref<!tpu.dma_semaphore, #tpu.memory_space<semaphore_mem>>) src(%dma_wait3A_460 : memref<40x128xf32, #tpu.memory_space<hbm>>) dst(%dma_wait3A_457 : memref<40x128xf32, #tpu.memory_space<vmem>>)
        } else {
        }
        %add3A_430 = arith.constant 2 : i32
        %add3A_431 = arith.addi %scan3A_387, %add3A_430 : i32
        %mul3A_432 = arith.constant 40 : i32
        %mul3A_433 = arith.muli %add3A_431, %mul3A_432 : i32
        %add3A_434 = arith.addi %mul3A_4, %mul3A_433 : i32
        %dma_start3A_435 = arith.constant 0 : i32
        %dma_start3A_436 = tpu.memref_slice %arg10[%rem3A_393, %dma_start3A_435] : memref<3x40xi32, #tpu.memory_space<vmem>> -> memref<1x40xi32, #tpu.memory_space<vmem>>
        %dma_start3A_437 = tpu.memref_squeeze %dma_start3A_436 : memref<1x40xi32, #tpu.memory_space<vmem>> -> memref<40xi32, #tpu.memory_space<vmem>>
        %dma_start3A_438 = tpu.memref_slice %arg3[%add3A_434] : memref<320000xi32, #tpu.memory_space<hbm>> -> memref<40xi32, #tpu.memory_space<hbm>>
        %dma_start3A_439 = tpu.memref_slice %arg15[%scan3A_315] : memref<2x!tpu.dma_semaphore, #tpu.memory_space<semaphore_mem>> -> memref<1x!tpu.dma_semaphore, #tpu.memory_space<semaphore_mem>>
        %dma_start3A_440 = tpu.memref_squeeze %dma_start3A_439 : memref<1x!tpu.dma_semaphore, #tpu.memory_space<semaphore_mem>> -> memref<!tpu.dma_semaphore, #tpu.memory_space<semaphore_mem>>
        %dma_start3A_441 = arith.constant 0 : i32
        %dma_start3A_442 = tpu.memref_slice %arg10[%rem3A_393, %dma_start3A_441] : memref<3x40xi32, #tpu.memory_space<vmem>> -> memref<1x40xi32, #tpu.memory_space<vmem>>
        %dma_start3A_443 = tpu.memref_squeeze %dma_start3A_442 : memref<1x40xi32, #tpu.memory_space<vmem>> -> memref<40xi32, #tpu.memory_space<vmem>>
        %dma_start3A_444 = tpu.memref_slice %arg3[%add3A_434] : memref<320000xi32, #tpu.memory_space<hbm>> -> memref<40xi32, #tpu.memory_space<hbm>>
        tpu.enqueue_dma source(%dma_start3A_444 : memref<40xi32, #tpu.memory_space<hbm>>) target(%dma_start3A_443 : memref<40xi32, #tpu.memory_space<vmem>>) target_semaphore(%dma_start3A_440 : memref<!tpu.dma_semaphore, #tpu.memory_space<semaphore_mem>>)
      } else {
      }
      %scan3A_425 = arith.constant 0 : i32
      scf.yield %scan3A_425 : i32
    }
    %scan3A_323 = arith.constant 250 : i32
    %dma_wait3A_324 = arith.constant 0 : i32
    %dma_wait3A_325 = arith.constant 1 : i32
    %dma_wait3A_326 = arith.constant 0 : i32
    %dma_wait3A_327 = arith.constant 0 : i32
    %dma_wait3A_328 = tpu.memref_slice %arg11[%dma_wait3A_324, %dma_wait3A_326, %dma_wait3A_327] : memref<3x40x128xf32, #tpu.memory_space<vmem>> -> memref<1x40x128xf32, #tpu.memory_space<vmem>>
    %dma_wait3A_329 = tpu.memref_squeeze %dma_wait3A_328 : memref<1x40x128xf32, #tpu.memory_space<vmem>> -> memref<40x128xf32, #tpu.memory_space<vmem>>
    %dma_wait3A_330 = arith.constant 0 : i32
    %dma_wait3A_331 = arith.constant 0 : i32
    %dma_wait3A_332 = tpu.memref_slice %arg4[%dma_wait3A_330, %dma_wait3A_331] : memref<10000x128xf32, #tpu.memory_space<hbm>> -> memref<40x128xf32, #tpu.memory_space<hbm>>
    %dma_wait3A_333 = tpu.memref_slice %arg15[%dma_wait3A_325] : memref<2x!tpu.dma_semaphore, #tpu.memory_space<semaphore_mem>> -> memref<1x!tpu.dma_semaphore, #tpu.memory_space<semaphore_mem>>
    %dma_wait3A_334 = tpu.memref_squeeze %dma_wait3A_333 : memref<1x!tpu.dma_semaphore, #tpu.memory_space<semaphore_mem>> -> memref<!tpu.dma_semaphore, #tpu.memory_space<semaphore_mem>>
    %dma_wait3A_335 = arith.constant 0 : i32
    %dma_wait3A_336 = arith.constant 0 : i32
    %dma_wait3A_337 = tpu.memref_slice %arg11[%dma_wait3A_324, %dma_wait3A_335, %dma_wait3A_336] : memref<3x40x128xf32, #tpu.memory_space<vmem>> -> memref<1x40x128xf32, #tpu.memory_space<vmem>>
    %dma_wait3A_338 = tpu.memref_squeeze %dma_wait3A_337 : memref<1x40x128xf32, #tpu.memory_space<vmem>> -> memref<40x128xf32, #tpu.memory_space<vmem>>
    %dma_wait3A_339 = arith.constant 0 : i32
    %dma_wait3A_340 = arith.constant 0 : i32
    %dma_wait3A_341 = tpu.memref_slice %arg4[%dma_wait3A_339, %dma_wait3A_340] : memref<10000x128xf32, #tpu.memory_space<hbm>> -> memref<40x128xf32, #tpu.memory_space<hbm>>
    tpu.wait_dma2 semaphore(%dma_wait3A_334 : memref<!tpu.dma_semaphore, #tpu.memory_space<semaphore_mem>>) src(%dma_wait3A_341 : memref<40x128xf32, #tpu.memory_space<hbm>>) dst(%dma_wait3A_338 : memref<40x128xf32, #tpu.memory_space<vmem>>)
    %dma_wait3A_342 = arith.constant 0 : i32
    %dma_wait3A_343 = arith.constant 1 : i32
    %dma_wait3A_344 = arith.constant 0 : i32
    %dma_wait3A_345 = arith.constant 0 : i32
    %dma_wait3A_346 = tpu.memref_slice %arg11[%dma_wait3A_342, %dma_wait3A_344, %dma_wait3A_345] : memref<3x40x128xf32, #tpu.memory_space<vmem>> -> memref<1x40x128xf32, #tpu.memory_space<vmem>>
    %dma_wait3A_347 = tpu.memref_squeeze %dma_wait3A_346 : memref<1x40x128xf32, #tpu.memory_space<vmem>> -> memref<40x128xf32, #tpu.memory_space<vmem>>
    %dma_wait3A_348 = arith.constant 0 : i32
    %dma_wait3A_349 = arith.constant 0 : i32
    %dma_wait3A_350 = tpu.memref_slice %arg4[%dma_wait3A_348, %dma_wait3A_349] : memref<10000x128xf32, #tpu.memory_space<hbm>> -> memref<40x128xf32, #tpu.memory_space<hbm>>
    %dma_wait3A_351 = tpu.memref_slice %arg15[%dma_wait3A_343] : memref<2x!tpu.dma_semaphore, #tpu.memory_space<semaphore_mem>> -> memref<1x!tpu.dma_semaphore, #tpu.memory_space<semaphore_mem>>
    %dma_wait3A_352 = tpu.memref_squeeze %dma_wait3A_351 : memref<1x!tpu.dma_semaphore, #tpu.memory_space<semaphore_mem>> -> memref<!tpu.dma_semaphore, #tpu.memory_space<semaphore_mem>>
    %dma_wait3A_353 = arith.constant 0 : i32
    %dma_wait3A_354 = arith.constant 0 : i32
    %dma_wait3A_355 = tpu.memref_slice %arg11[%dma_wait3A_342, %dma_wait3A_353, %dma_wait3A_354] : memref<3x40x128xf32, #tpu.memory_space<vmem>> -> memref<1x40x128xf32, #tpu.memory_space<vmem>>
    %dma_wait3A_356 = tpu.memref_squeeze %dma_wait3A_355 : memref<1x40x128xf32, #tpu.memory_space<vmem>> -> memref<40x128xf32, #tpu.memory_space<vmem>>
    %dma_wait3A_357 = arith.constant 0 : i32
    %dma_wait3A_358 = arith.constant 0 : i32
    %dma_wait3A_359 = tpu.memref_slice %arg4[%dma_wait3A_357, %dma_wait3A_358] : memref<10000x128xf32, #tpu.memory_space<hbm>> -> memref<40x128xf32, #tpu.memory_space<hbm>>
    tpu.wait_dma2 semaphore(%dma_wait3A_352 : memref<!tpu.dma_semaphore, #tpu.memory_space<semaphore_mem>>) src(%dma_wait3A_359 : memref<40x128xf32, #tpu.memory_space<hbm>>) dst(%dma_wait3A_356 : memref<40x128xf32, #tpu.memory_space<vmem>>)
    %dma_wait3A_360 = arith.constant 0 : i32
    %dma_wait3A_361 = arith.constant 1 : i32
    %dma_wait3A_362 = arith.constant 0 : i32
    %dma_wait3A_363 = arith.constant 0 : i32
    %dma_wait3A_364 = tpu.memref_slice %arg11[%dma_wait3A_360, %dma_wait3A_362, %dma_wait3A_363] : memref<3x40x128xf32, #tpu.memory_space<vmem>> -> memref<1x40x128xf32, #tpu.memory_space<vmem>>
    %dma_wait3A_365 = tpu.memref_squeeze %dma_wait3A_364 : memref<1x40x128xf32, #tpu.memory_space<vmem>> -> memref<40x128xf32, #tpu.memory_space<vmem>>
    %dma_wait3A_366 = arith.constant 0 : i32
    %dma_wait3A_367 = arith.constant 0 : i32
    %dma_wait3A_368 = tpu.memref_slice %arg4[%dma_wait3A_366, %dma_wait3A_367] : memref<10000x128xf32, #tpu.memory_space<hbm>> -> memref<40x128xf32, #tpu.memory_space<hbm>>
    %dma_wait3A_369 = tpu.memref_slice %arg15[%dma_wait3A_361] : memref<2x!tpu.dma_semaphore, #tpu.memory_space<semaphore_mem>> -> memref<1x!tpu.dma_semaphore, #tpu.memory_space<semaphore_mem>>
    %dma_wait3A_370 = tpu.memref_squeeze %dma_wait3A_369 : memref<1x!tpu.dma_semaphore, #tpu.memory_space<semaphore_mem>> -> memref<!tpu.dma_semaphore, #tpu.memory_space<semaphore_mem>>
    %dma_wait3A_371 = arith.constant 0 : i32
    %dma_wait3A_372 = arith.constant 0 : i32
    %dma_wait3A_373 = tpu.memref_slice %arg11[%dma_wait3A_360, %dma_wait3A_371, %dma_wait3A_372] : memref<3x40x128xf32, #tpu.memory_space<vmem>> -> memref<1x40x128xf32, #tpu.memory_space<vmem>>
    %dma_wait3A_374 = tpu.memref_squeeze %dma_wait3A_373 : memref<1x40x128xf32, #tpu.memory_space<vmem>> -> memref<40x128xf32, #tpu.memory_space<vmem>>
    %dma_wait3A_375 = arith.constant 0 : i32
    %dma_wait3A_376 = arith.constant 0 : i32
    %dma_wait3A_377 = tpu.memref_slice %arg4[%dma_wait3A_375, %dma_wait3A_376] : memref<10000x128xf32, #tpu.memory_space<hbm>> -> memref<40x128xf32, #tpu.memory_space<hbm>>
    tpu.wait_dma2 semaphore(%dma_wait3A_370 : memref<!tpu.dma_semaphore, #tpu.memory_space<semaphore_mem>>) src(%dma_wait3A_377 : memref<40x128xf32, #tpu.memory_space<hbm>>) dst(%dma_wait3A_374 : memref<40x128xf32, #tpu.memory_space<vmem>>)
    %barrier3A_378 = arith.constant 0 : index
    tpu.barrier barrier_id(%barrier3A_378)
    %mul3A_379 = arith.constant 10000 : i32
    %mul3A_380 = arith.muli %arg0, %mul3A_379 : i32
    %add3A_381 = arith.addi %mul3A_380, %mul3A_0 : i32
    "tpu.region"() ({
      %run_scoped3A_387 = tpu.sem_alloc : memref<!tpu.dma_semaphore, #tpu.memory_space<semaphore_mem>>
      %dma_start3A_388 = arith.constant 0 : i32
      %dma_start3A_389 = tpu.memref_slice %arg8[%add3A_381, %dma_start3A_388] : memref<20000x128xf32, #tpu.memory_space<hbm>> -> memref<624x128xf32, #tpu.memory_space<hbm>>
      %dma_start3A_390 = arith.constant 0 : i32
      %dma_start3A_391 = tpu.memref_slice %arg14[%mul3A_0, %dma_start3A_390] : memref<10000x128xf32, #tpu.memory_space<vmem_shared>> -> memref<624x128xf32, #tpu.memory_space<vmem_shared>>
      tpu.enqueue_dma source(%dma_start3A_391 : memref<624x128xf32, #tpu.memory_space<vmem_shared>>) target(%dma_start3A_389 : memref<624x128xf32, #tpu.memory_space<hbm>>) target_semaphore(%run_scoped3A_387 : memref<!tpu.dma_semaphore, #tpu.memory_space<semaphore_mem>>)
      %dma_wait3A_392 = arith.constant 0 : i32
      %dma_wait3A_393 = tpu.memref_slice %arg8[%add3A_381, %dma_wait3A_392] : memref<20000x128xf32, #tpu.memory_space<hbm>> -> memref<624x128xf32, #tpu.memory_space<hbm>>
      %dma_wait3A_394 = arith.constant 0 : i32
      %dma_wait3A_395 = tpu.memref_slice %arg14[%mul3A_0, %dma_wait3A_394] : memref<10000x128xf32, #tpu.memory_space<vmem_shared>> -> memref<624x128xf32, #tpu.memory_space<vmem_shared>>
      tpu.wait_dma2 semaphore(%run_scoped3A_387 : memref<!tpu.dma_semaphore, #tpu.memory_space<semaphore_mem>>) src(%dma_wait3A_395 : memref<624x128xf32, #tpu.memory_space<vmem_shared>>) dst(%dma_wait3A_393 : memref<624x128xf32, #tpu.memory_space<hbm>>)
      tpu.yield
    }) : () -> ()
    %eq3A_382 = arith.constant 15 : i32
    %eq3A_383 = arith.cmpi eq, %arg1, %eq3A_382 : i32
    %convert_element_type3A_384 = arith.extui %eq3A_383 : i1 to i32
    %cond3A_385 = arith.constant 0 : i32
    %cond3A_386 = arith.cmpi ne, %convert_element_type3A_384, %cond3A_385 : i32
    scf.if %cond3A_386 {
      %mul3A_387 = arith.constant 10000 : i32
      %mul3A_388 = arith.muli %arg0, %mul3A_387 : i32
      %add3A_389 = arith.constant 9984 : i32
      %add3A_390 = arith.addi %mul3A_388, %add3A_389 : i32
      "tpu.region"() ({
        %run_scoped3A_391 = tpu.sem_alloc : memref<!tpu.dma_semaphore, #tpu.memory_space<semaphore_mem>>
        %dma_start3A_392 = arith.constant 0 : i32
        %dma_start3A_393 = tpu.memref_slice %arg8[%add3A_390, %dma_start3A_392] : memref<20000x128xf32, #tpu.memory_space<hbm>> -> memref<16x128xf32, #tpu.memory_space<hbm>>
        %dma_start3A_394 = arith.constant 9984 : i32
        %dma_start3A_395 = arith.constant 0 : i32
        %dma_start3A_396 = tpu.memref_slice %arg14[%dma_start3A_394, %dma_start3A_395] : memref<10000x128xf32, #tpu.memory_space<vmem_shared>> -> memref<16x128xf32, #tpu.memory_space<vmem_shared>>
        tpu.enqueue_dma source(%dma_start3A_396 : memref<16x128xf32, #tpu.memory_space<vmem_shared>>) target(%dma_start3A_393 : memref<16x128xf32, #tpu.memory_space<hbm>>) target_semaphore(%run_scoped3A_391 : memref<!tpu.dma_semaphore, #tpu.memory_space<semaphore_mem>>)
        %dma_wait3A_397 = arith.constant 0 : i32
        %dma_wait3A_398 = tpu.memref_slice %arg8[%add3A_390, %dma_wait3A_397] : memref<20000x128xf32, #tpu.memory_space<hbm>> -> memref<16x128xf32, #tpu.memory_space<hbm>>
        %dma_wait3A_399 = arith.constant 9984 : i32
        %dma_wait3A_400 = arith.constant 0 : i32
        %dma_wait3A_401 = tpu.memref_slice %arg14[%dma_wait3A_399, %dma_wait3A_400] : memref<10000x128xf32, #tpu.memory_space<vmem_shared>> -> memref<16x128xf32, #tpu.memory_space<vmem_shared>>
        tpu.wait_dma2 semaphore(%run_scoped3A_391 : memref<!tpu.dma_semaphore, #tpu.memory_space<semaphore_mem>>) src(%dma_wait3A_401 : memref<16x128xf32, #tpu.memory_space<vmem_shared>>) dst(%dma_wait3A_398 : memref<16x128xf32, #tpu.memory_space<hbm>>)
        tpu.yield
      }) : () -> ()
    } else {
    }
    return
  }
}

module attributes {stable_mosaic.version = 14 : i64} {
  func.func @_pq_body(%arg0: i32, %arg1: memref<2000x128xf32, #tpu.memory_space<vmem>>, %arg2: memref<128x128xf32, #tpu.memory_space<vmem>>, %arg3: memref<128x128xf32, #tpu.memory_space<vmem>>, %arg4: memref<128xf32, #tpu.memory_space<vmem>>, %arg5: memref<2000x128xf32, #tpu.memory_space<vmem>>, %arg6: memref<2000x128xf32, #tpu.memory_space<vmem>>) attributes {dimension_semantics = [#tpu.dimension_semantics<arbitrary>], iteration_bounds = array<i64: 5>, scalar_prefetch = 0 : i64, scratch_operands = 0 : i64, tpu.core_type = #tpu.core_type<tc>, window_params = [{transform_indices = @transform_0, window_bounds = array<i64: 2000, 128>}, {pipeline_mode = #tpu.pipeline_mode<synchronous>, transform_indices = @transform_1, window_bounds = array<i64: 128, 128>}, {pipeline_mode = #tpu.pipeline_mode<synchronous>, transform_indices = @transform_2, window_bounds = array<i64: 128, 128>}, {pipeline_mode = #tpu.pipeline_mode<synchronous>, transform_indices = @transform_3, window_bounds = array<i64: 128>}, {transform_indices = @transform_4, window_bounds = array<i64: 2000, 128>}, {transform_indices = @transform_5, window_bounds = array<i64: 2000, 128>}]} {
    %get3A = arith.constant 0 : index
    %get3A_0 = arith.constant 0 : index
    %get3A_1 = vector.load %arg1[%get3A, %get3A_0] : memref<2000x128xf32, #tpu.memory_space<vmem>>, vector<2000x128xf32>
    %get3A_2 = arith.constant 0 : index
    %get3A_3 = arith.constant 0 : index
    %get3A_4 = vector.load %arg2[%get3A_2, %get3A_3] : memref<128x128xf32, #tpu.memory_space<vmem>>, vector<128x128xf32>
    %dot_general3A = arith.constant dense<0.000000e+00> : vector<2000x128xf32>
    %dot_general3A_5 = tpu.matmul %get3A_1, %get3A_4, %dot_general3A {dimension_numbers = #tpu.dot_dimension_numbers<[1], [0], [0], [1], [0, 0, 1, 1], [], []>, transpose_lhs_hint = false} : vector<2000x128xf32>, vector<128x128xf32>, vector<2000x128xf32> -> vector<2000x128xf32>
    %swap3A = arith.constant 0 : index
    %swap3A_6 = arith.constant 0 : index
    %swap3A_7 = vector.load %arg5[%swap3A, %swap3A_6] : memref<2000x128xf32, #tpu.memory_space<vmem>>, vector<2000x128xf32>
    tpu.vector_store %arg5[%swap3A, %swap3A_6], %dot_general3A_5 {strides = array<i32>} : memref<2000x128xf32, #tpu.memory_space<vmem>>, vector<2000x128xf32>,
    %get3A_8 = arith.constant 0 : index
    %get3A_9 = arith.constant 0 : index
    %get3A_10 = vector.load %arg3[%get3A_8, %get3A_9] : memref<128x128xf32, #tpu.memory_space<vmem>>, vector<128x128xf32>
    %dot_general3A_11 = arith.constant dense<0.000000e+00> : vector<2000x128xf32>
    %dot_general3A_12 = tpu.matmul %get3A_1, %get3A_10, %dot_general3A_11 {dimension_numbers = #tpu.dot_dimension_numbers<[1], [0], [0], [1], [0, 0, 1, 1], [], []>, transpose_lhs_hint = false} : vector<2000x128xf32>, vector<128x128xf32>, vector<2000x128xf32> -> vector<2000x128xf32>
    %get3A_13 = arith.constant 0 : index
    %get3A_14 = vector.load %arg4[%get3A_13] : memref<128xf32, #tpu.memory_space<vmem>>, vector<128xf32>
    %broadcast_in_dim3A = vector.shape_cast %get3A_14 : vector<128xf32> to vector<1x128xf32>
    %add3A = vector.broadcast %broadcast_in_dim3A : vector<1x128xf32> to vector<2000x128xf32>
    %add3A_15 = arith.addf %dot_general3A_12, %add3A : vector<2000x128xf32>
    %swap3A_16 = arith.constant 0 : index
    %swap3A_17 = arith.constant 0 : index
    %swap3A_18 = vector.load %arg6[%swap3A_16, %swap3A_17] : memref<2000x128xf32, #tpu.memory_space<vmem>>, vector<2000x128xf32>
    tpu.vector_store %arg6[%swap3A_16, %swap3A_17], %add3A_15 {strides = array<i32>} : memref<2000x128xf32, #tpu.memory_space<vmem>>, vector<2000x128xf32>,
    return
  }
  func.func @transform_0(%arg0: i32) -> (i32, i32) {
    %c0_i32 = arith.constant 0 : i32
    %c0_i32_0 = arith.constant 0 : i32
    return %arg0, %c0_i32 : i32, i32
  }
  func.func @transform_1(%arg0: i32) -> (i32, i32) {
    %c0_i32 = arith.constant 0 : i32
    %c0_i32_0 = arith.constant 0 : i32
    %c0_i32_1 = arith.constant 0 : i32
    return %c0_i32, %c0_i32_0 : i32, i32
  }
  func.func @transform_2(%arg0: i32) -> (i32, i32) {
    %c0_i32 = arith.constant 0 : i32
    %c0_i32_0 = arith.constant 0 : i32
    %c0_i32_1 = arith.constant 0 : i32
    return %c0_i32, %c0_i32_0 : i32, i32
  }
  func.func @transform_3(%arg0: i32) -> i32 {
    %c0_i32 = arith.constant 0 : i32
    %c0_i32_0 = arith.constant 0 : i32
    return %c0_i32 : i32
  }
  func.func @transform_4(%arg0: i32) -> (i32, i32) {
    %c0_i32 = arith.constant 0 : i32
    %c0_i32_0 = arith.constant 0 : i32
    return %arg0, %c0_i32 : i32, i32
  }
  func.func @transform_5(%arg0: i32) -> (i32, i32) {
    %c0_i32 = arith.constant 0 : i32
    %c0_i32_0 = arith.constant 0 : i32
    return %arg0, %c0_i32 : i32, i32
  }
}

module attributes {stable_mosaic.version = 14 : i64} {
  func.func @_e_body(%arg0: i32, %arg1: memref<8000x16xf32, #tpu.memory_space<vmem>>, %arg2: memref<16x128xf32, #tpu.memory_space<vmem>>, %arg3: memref<8000x128xf32, #tpu.memory_space<vmem>>) attributes {dimension_semantics = [#tpu.dimension_semantics<arbitrary>], iteration_bounds = array<i64: 40>, scalar_prefetch = 0 : i64, scratch_operands = 0 : i64, tpu.core_type = #tpu.core_type<tc>, window_params = [{transform_indices = @transform_0, window_bounds = array<i64: 8000, 16>}, {pipeline_mode = #tpu.pipeline_mode<synchronous>, transform_indices = @transform_1, window_bounds = array<i64: 16, 128>}, {transform_indices = @transform_2, window_bounds = array<i64: 8000, 128>}]} {
    %get3A = arith.constant 0 : index
    %get3A_0 = arith.constant 0 : index
    %get3A_1 = vector.load %arg1[%get3A, %get3A_0] : memref<8000x16xf32, #tpu.memory_space<vmem>>, vector<8000x16xf32>
    %get3A_2 = arith.constant 0 : index
    %get3A_3 = arith.constant 0 : index
    %get3A_4 = vector.load %arg2[%get3A_2, %get3A_3] : memref<16x128xf32, #tpu.memory_space<vmem>>, vector<16x128xf32>
    %dot_general3A = arith.constant dense<0.000000e+00> : vector<8000x128xf32>
    %dot_general3A_5 = tpu.matmul %get3A_1, %get3A_4, %dot_general3A {dimension_numbers = #tpu.dot_dimension_numbers<[1], [0], [0], [1], [0, 0, 1, 1], [], []>, transpose_lhs_hint = false} : vector<8000x16xf32>, vector<16x128xf32>, vector<8000x128xf32> -> vector<8000x128xf32>
    %swap3A = arith.constant 0 : index
    %swap3A_6 = arith.constant 0 : index
    %swap3A_7 = vector.load %arg3[%swap3A, %swap3A_6] : memref<8000x128xf32, #tpu.memory_space<vmem>>, vector<8000x128xf32>
    tpu.vector_store %arg3[%swap3A, %swap3A_6], %dot_general3A_5 {strides = array<i32>} : memref<8000x128xf32, #tpu.memory_space<vmem>>, vector<8000x128xf32>,
    return
  }
  func.func @transform_0(%arg0: i32) -> (i32, i32) {
    %c0_i32 = arith.constant 0 : i32
    %c0_i32_0 = arith.constant 0 : i32
    return %arg0, %c0_i32 : i32, i32
  }
  func.func @transform_1(%arg0: i32) -> (i32, i32) {
    %c0_i32 = arith.constant 0 : i32
    %c0_i32_0 = arith.constant 0 : i32
    %c0_i32_1 = arith.constant 0 : i32
    return %c0_i32, %c0_i32_0 : i32, i32
  }
  func.func @transform_2(%arg0: i32) -> (i32, i32) {
    %c0_i32 = arith.constant 0 : i32
    %c0_i32_0 = arith.constant 0 : i32
    return %arg0, %c0_i32 : i32, i32
  }
}

module attributes {stable_mosaic.version = 14 : i64} {
  func.func @_final_body(%arg0: i32, %arg1: memref<2000x128xf32, #tpu.memory_space<vmem>>, %arg2: memref<2000x128xf32, #tpu.memory_space<vmem>>, %arg3: memref<2000x128xf32, #tpu.memory_space<vmem>>, %arg4: memref<2000x128xf32, #tpu.memory_space<vmem>>, %arg5: memref<128x128xf32, #tpu.memory_space<vmem>>, %arg6: memref<128xf32, #tpu.memory_space<vmem>>, %arg7: memref<2000x128xf32, #tpu.memory_space<vmem>>) attributes {dimension_semantics = [#tpu.dimension_semantics<arbitrary>], iteration_bounds = array<i64: 5>, scalar_prefetch = 0 : i64, scratch_operands = 0 : i64, tpu.core_type = #tpu.core_type<tc>, window_params = [{transform_indices = @transform_0, window_bounds = array<i64: 2000, 128>}, {transform_indices = @transform_1, window_bounds = array<i64: 2000, 128>}, {transform_indices = @transform_2, window_bounds = array<i64: 2000, 128>}, {transform_indices = @transform_3, window_bounds = array<i64: 2000, 128>}, {pipeline_mode = #tpu.pipeline_mode<synchronous>, transform_indices = @transform_4, window_bounds = array<i64: 128, 128>}, {pipeline_mode = #tpu.pipeline_mode<synchronous>, transform_indices = @transform_5, window_bounds = array<i64: 128>}, {transform_indices = @transform_6, window_bounds = array<i64: 2000, 128>}]} {
    %get3A = arith.constant 0 : index
    %get3A_0 = arith.constant 0 : index
    %get3A_1 = vector.load %arg1[%get3A, %get3A_0] : memref<2000x128xf32, #tpu.memory_space<vmem>>, vector<2000x128xf32>
    %get3A_2 = arith.constant 0 : index
    %get3A_3 = arith.constant 0 : index
    %get3A_4 = vector.load %arg2[%get3A_2, %get3A_3] : memref<2000x128xf32, #tpu.memory_space<vmem>>, vector<2000x128xf32>
    %add3A = arith.addf %get3A_1, %get3A_4 : vector<2000x128xf32>
    %get3A_5 = arith.constant 0 : index
    %get3A_6 = arith.constant 0 : index
    %get3A_7 = vector.load %arg3[%get3A_5, %get3A_6] : memref<2000x128xf32, #tpu.memory_space<vmem>>, vector<2000x1xf32>
    %get3A_8 = vector.shape_cast %get3A_7 : vector<2000x1xf32> to vector<2000xf32>
    %get3A_9 = arith.constant 0 : index
    %get3A_10 = arith.constant 0 : index
    %get3A_11 = vector.load %arg4[%get3A_9, %get3A_10] : memref<2000x128xf32, #tpu.memory_space<vmem>>, vector<2000x1xf32>
    %get3A_12 = vector.shape_cast %get3A_11 : vector<2000x1xf32> to vector<2000xf32>
    %add3A_13 = arith.addf %get3A_8, %get3A_12 : vector<2000xf32>
    %max3A = arith.constant 1.000000e+00 : f32
    %max3A_14 = vector.broadcast %max3A : f32 to vector<2000xf32>
    %max3A_15 = arith.maximumf %add3A_13, %max3A_14 : vector<2000xf32>
    %broadcast_in_dim3A = vector.shape_cast %max3A_15 : vector<2000xf32> to vector<2000x1xf32>
    %div3A = vector.broadcast %broadcast_in_dim3A : vector<2000x1xf32> to vector<2000x128xf32>
    %div3A_16 = arith.divf %add3A, %div3A : vector<2000x128xf32>
    %get3A_17 = arith.constant 0 : index
    %get3A_18 = arith.constant 0 : index
    %get3A_19 = vector.load %arg5[%get3A_17, %get3A_18] : memref<128x128xf32, #tpu.memory_space<vmem>>, vector<128x128xf32>
    %dot_general3A = arith.constant dense<0.000000e+00> : vector<2000x128xf32>
    %dot_general3A_20 = tpu.matmul %div3A_16, %get3A_19, %dot_general3A {dimension_numbers = #tpu.dot_dimension_numbers<[1], [0], [0], [1], [0, 0, 1, 1], [], []>, transpose_lhs_hint = false} : vector<2000x128xf32>, vector<128x128xf32>, vector<2000x128xf32> -> vector<2000x128xf32>
    %gt3A = arith.constant 0.000000e+00 : f32
    %gt3A_21 = vector.broadcast %gt3A : f32 to vector<2000xf32>
    %gt3A_22 = arith.cmpf ogt, %add3A_13, %gt3A_21 : vector<2000xf32>
    %jit3A = arith.constant 1.000000e+00 : f32
    %jit3A_23 = arith.constant 0.000000e+00 : f32
    %broadcast_in_dim3A_24 = vector.broadcast %jit3A : f32 to vector<2000xf32>
    %broadcast_in_dim3A_25 = vector.broadcast %jit3A_23 : f32 to vector<2000xf32>
    %select_n3A = arith.select %gt3A_22, %broadcast_in_dim3A_24, %broadcast_in_dim3A_25 : vector<2000xi1>, vector<2000xf32>
    %broadcast_in_dim3A_26 = vector.shape_cast %select_n3A : vector<2000xf32> to vector<2000x1xf32>
    %get3A_27 = arith.constant 0 : index
    %get3A_28 = vector.load %arg6[%get3A_27] : memref<128xf32, #tpu.memory_space<vmem>>, vector<128xf32>
    %broadcast_in_dim3A_29 = vector.shape_cast %get3A_28 : vector<128xf32> to vector<1x128xf32>
    %mul3A = vector.broadcast %broadcast_in_dim3A_26 : vector<2000x1xf32> to vector<2000x128xf32>
    %mul3A_30 = vector.broadcast %broadcast_in_dim3A_29 : vector<1x128xf32> to vector<2000x128xf32>
    %mul3A_31 = arith.mulf %mul3A, %mul3A_30 : vector<2000x128xf32>
    %add3A_32 = arith.addf %dot_general3A_20, %mul3A_31 : vector<2000x128xf32>
    %swap3A = arith.constant 0 : index
    %swap3A_33 = arith.constant 0 : index
    %swap3A_34 = vector.load %arg7[%swap3A, %swap3A_33] : memref<2000x128xf32, #tpu.memory_space<vmem>>, vector<2000x128xf32>
    tpu.vector_store %arg7[%swap3A, %swap3A_33], %add3A_32 {strides = array<i32>} : memref<2000x128xf32, #tpu.memory_space<vmem>>, vector<2000x128xf32>,
    return
  }
  func.func @transform_0(%arg0: i32) -> (i32, i32) {
    %c0_i32 = arith.constant 0 : i32
    %c0_i32_0 = arith.constant 0 : i32
    return %arg0, %c0_i32 : i32, i32
  }
  func.func @transform_1(%arg0: i32) -> (i32, i32) {
    %c0_i32 = arith.constant 0 : i32
    %c0_i32_0 = arith.constant 0 : i32
    return %arg0, %c0_i32 : i32, i32
  }
  func.func @transform_2(%arg0: i32) -> (i32, i32) {
    %c0_i32 = arith.constant 0 : i32
    %c0_i32_0 = arith.constant 0 : i32
    return %arg0, %c0_i32 : i32, i32
  }
  func.func @transform_3(%arg0: i32) -> (i32, i32) {
    %c0_i32 = arith.constant 0 : i32
    %c0_i32_0 = arith.constant 0 : i32
    return %arg0, %c0_i32 : i32, i32
  }
  func.func @transform_4(%arg0: i32) -> (i32, i32) {
    %c0_i32 = arith.constant 0 : i32
    %c0_i32_0 = arith.constant 0 : i32
    %c0_i32_1 = arith.constant 0 : i32
    return %c0_i32, %c0_i32_0 : i32, i32
  }
  func.func @transform_5(%arg0: i32) -> i32 {
    %c0_i32 = arith.constant 0 : i32
    %c0_i32_0 = arith.constant 0 : i32
    return %c0_i32 : i32
  }
  func.func @transform_6(%arg0: i32) -> (i32, i32) {
    %c0_i32 = arith.constant 0 : i32
    %c0_i32_0 = arith.constant 0 : i32
    return %arg0, %c0_i32 : i32, i32
  }
}

</mosaic_0001>

<sc_bundles>
// kernel: kernel.6.cloned.1.call-start
scs
__scs_entry_jumppad:
0x0: {  	(pc) =	sbr.rel $0x88, $3  }
0x1: {  	(tag) =	ssettag $0x0;
	lr =	simm.s32 $0x1  }
0x2: {  	[smem:$0x3F99] =	sst lr;
	_ =	strace $0xD0000000  }
0x3: {  	_ = 	snop  }
0x4: {  	_ = 	snop  }
0x5: {  	_ = 	snop  }
0x6: {  	_ = 	snop  }
0x7: {  	_ = 	snop  }
__scs_overlays_trampoline_lowered:
0x8: {  	[smem:$0x3FA8] =	sst s0  }
0x9: {  	[smem:$0x3FA9] =	sst s1  }
0xa: {  	[smem:$0x3FAA] =	sst s2  }
0xb: {  	[smem:$0x3FAB] =	sst s3  }
0xc: {  	[smem:$0x3FAC] =	sst s4  }
0xd: {  	[smem:$0x3FAD] =	sst s5  }
0xe: {  	[smem:$0x3FAE] =	sst s6  }
0xf: {  	[smem:$0x3FAF] =	sst s7  }
0x10: {  	[smem:$0x3FB0] =	sst s8  }
0x11: {  	[smem:$0x3FB1] =	sst s9;
	s0 =	simm.s32 @!p0 $0x0  }
0x12: {  	s1 =	sld [smem:$0x3F97];
	s0 =	simm.s32 @p0 $0x1  }
0x13: {  	[smem:$0x3FB2] =	sst s0;
	s0 =	simm.s32 @!p1 $0x0  }
0x14: {  	s2 =	sld [smem:$0x3F96];
	s0 =	simm.s32 @p1 $0x1  }
0x15: {  	[smem:$0x3FB3] =	sst s0;
	s0 =	simm.s32 @!p2 $0x0  }
0x16: {  	s3 =	sld [smem:$0x3FDB];
	s0 =	simm.s32 @p2 $0x1  }
0x17: {  	s4 =	simm.s32 $0x1BF5;
	[smem:$0x3FB5] =	sst s0  }
0x18: {  	s0 =	sld [smem:$0x3F98];
	_ =	swait.ge [sflag:s4], $0x0  }
0x19: {  	s7 =	sld [smem:$0x3F99]  }
0x1a: {  	s8 =	sadd.s32 $0xFFFFE003, lr  }
0x1b: {  	s9 =	sadd.s32 $0xFFFFFEF7, lr;
	s5 =	simm.s32 $0xFFFFFFFF;
	p2 =	slt.u32 s8, $0xFFFFF086  }
0x1c: {  	p1 =	slt.u32 s9, $0xF7A;
	s5 =	simm.s32 @!p2 $0x0  }
0x1d: {  	s5 =	simm.s32 @p1 $0x1;
	p0 =	seq.s32 s7, s2  }
0x1e: {  	s7 =	smul.u32 @!p0 $0xF7A, s2;
	p2 =	seq.s32 @!p0 s5, $0x0  }
0x1f: {  	s9 =	smul.u32 $0xF7A, s1;
	s8 =	simm.s32 @!p0 $0x1BF5;
	p2 =	por !p2, p0  }
0x20: {  	[sflag:s8] =	ssyncset.s32 @!p0 $0xFFFFF086;
	s6 =	sadd.s32 @!p0 s3, s7;
	s7 =	simm.s32 @!p0 $0x108  }
0x21: {  	s3 =	sadd.s32 s3, s9;
	s6 =	sadd.s32 @!p0 $0x88, s6;
	s7 =	simm.s32 @p2 $0x1082  }
0x22: {  	[simem:s7], [sflag:s8] =	dma.local @!p0 [hbm:s6], $0xF7A  }
0x23: {  	s9 =	sor.u32 $0xD0000000, s2;
	s6 =	simm.s32 $0x108;
	_ =	swait.ge @!p0 [sflag:s8], $0x0  }
0x24: {  	s3 =	sadd.s32 $0x88, s3;
	s6 =	simm.s32 @!p1 $0x1082;
	[sflag:s4] =	ssyncset.s32 $0xFFFFF086  }
0x25: {  	[simem:s6], [sflag:s4] =	dma.local [hbm:s3], $0xF7A  }
0x26: {  	[smem:$0x3F99] =	sst s1;
	(tag) =	ssettag s2;
	_ =	strace s9  }
0x27: {  	s1 =	sld [smem:$0x3FA9]  }
0x28: {  	s2 =	sld [smem:$0x3FAA]  }
0x29: {  	s4 =	sld [smem:$0x3FAC]  }
0x2a: {  	p0 =	seq.s32 s5, $0x0;
	s5 =	sld [smem:$0x3FAD]  }
0x2b: {  	s6 =	sld [smem:$0x3FAE]  }
0x2c: {  	s7 =	sld [smem:$0x3FAF]  }
0x2d: {  	s3 =	simm.s32 $0x108;
	s8 =	sld [smem:$0x3FB0]  }
0x2e: {  	s3 =	simm.s32 @!p0 $0x1082;
	s9 =	sld [smem:$0x3FB1]  }
0x2f: {  	lr =	sadd.s32 s0, s3;
	s0 =	sld [smem:$0x3FA8]  }
0x30: {  	s3 =	sld [smem:$0x3FAB]  }
0x31: {  	[smem:$0x3FB4] =	sst s10  }
0x32: {  	s10 =	sld [smem:$0x3FB2];
	_ =	sdelay $0x3  }
0x33: {  	p0 =	seq.s32 s10, $0x1;
	s10 =	sld [smem:$0x3FB4];
	_ =	sdelay $0x3  }
0x34: {  	[smem:$0x3FB4] =	sst s10  }
0x35: {  	s10 =	sld [smem:$0x3FB3];
	_ =	sdelay $0x3  }
0x36: {  	p1 =	seq.s32 s10, $0x1;
	s10 =	sld [smem:$0x3FB4];
	_ =	sdelay $0x3  }
0x37: {  	[smem:$0x3FB4] =	sst s10  }
0x38: {  	s10 =	sld [smem:$0x3FB5]  }
0x39: {  	_ = 	snop;
	(pc) =	sbr.ind lr, $3  }
0x3a: {  	_ = 	snop  }
0x3b: {  	_ = 	snop  }
0x3c: {  	p2 =	seq.s32 s10, $0x1;
	s10 =	sld [smem:$0x3FB4]  }
0x3d: {  	_ =	shalt  }
0x3e: {  	_ =	shalt  }
0x3f: {  	_ =	shalt  }
0x40: {  	_ =	shalt  }
0x41: {  	_ =	shalt  }
0x42: {  	_ =	shalt  }
0x43: {  	_ =	shalt  }
0x44: {  	_ =	shalt  }
0x45: {  	_ =	shalt  }
0x46: {  	_ =	shalt  }
0x47: {  	_ =	shalt  }
0x48: {  	_ =	shalt  }
0x49: {  	_ =	shalt  }
0x4a: {  	_ =	shalt  }
0x4b: {  	_ =	shalt  }
0x4c: {  	_ =	shalt  }
0x4d: {  	_ =	shalt  }
0x4e: {  	_ =	shalt  }
0x4f: {  	_ =	shalt  }
0x50: {  	_ =	shalt  }
0x51: {  	_ =	shalt  }
0x52: {  	_ =	shalt  }
0x53: {  	_ =	shalt  }
0x54: {  	_ =	shalt  }
0x55: {  	_ =	shalt  }
0x56: {  	_ =	shalt  }
0x57: {  	_ =	shalt  }
0x58: {  	_ =	shalt  }
0x59: {  	_ =	shalt  }
0x5a: {  	_ =	shalt  }
0x5b: {  	_ =	shalt  }
0x5c: {  	_ =	shalt  }
0x5d: {  	_ =	shalt  }
0x5e: {  	_ =	shalt  }
0x5f: {  	_ =	shalt  }
0x60: {  	_ =	shalt  }
0x61: {  	_ =	shalt  }
0x62: {  	_ =	shalt  }
0x63: {  	_ =	shalt  }
0x64: {  	_ =	shalt  }
0x65: {  	_ =	shalt  }
0x66: {  	_ =	shalt  }
0x67: {  	_ =	shalt  }
0x68: {  	_ =	shalt  }
0x69: {  	_ =	shalt  }
0x6a: {  	_ =	shalt  }
0x6b: {  	_ =	shalt  }
0x6c: {  	_ =	shalt  }
0x6d: {  	_ =	shalt  }
0x6e: {  	_ =	shalt  }
0x6f: {  	_ =	shalt  }
0x70: {  	_ =	shalt  }
0x71: {  	_ =	shalt  }
0x72: {  	_ =	shalt  }
0x73: {  	_ =	shalt  }
0x74: {  	_ =	shalt  }
0x75: {  	_ =	shalt  }
0x76: {  	_ =	shalt  }
0x77: {  	_ =	shalt  }
0x78: {  	_ =	shalt  }
0x79: {  	_ =	shalt  }
0x7a: {  	_ =	shalt  }
0x7b: {  	_ =	shalt  }
0x7c: {  	_ =	shalt  }
0x7d: {  	_ =	shalt  }
0x7e: {  	_ =	shalt  }
0x7f: {  	_ =	shalt  }
0x80: {  	_ =	shalt  }
0x81: {  	_ =	shalt  }
0x82: {  	_ =	shalt  }
0x83: {  	_ =	shalt  }
0x84: {  	_ =	shalt  }
0x85: {  	_ =	shalt  }
0x86: {  	_ =	shalt  }
0x87: {  	_ =	shalt  }
.Lfunc_end0:
.L_simem_size_0:
called_computation_lowered:
.L_overlay_start_0:
0x88: {  	s2 =	sld [smem:$0x3FD9]  }
0x89: {  	s3 =	sld [smem:$0x3FFE];
	_ =	sdelay $0x1  }
0x8a: {  	s1 =	srdreg.scid  }
0x8b: {  	s0 =	sand.u32 $0x1, s1  }
0x8c: {  	s17 =	sshll.u32 s0, $0xA;
	s2 =	sadd.s32 s3, s2  }
0x8d: {  	s2 =	sadd.s32 s2, s17  }
0x8e: {  	[smem:$0x3FC0] =	sst s2  }
0x8f: {  	_ = 	snop  }
0x90: {  	s2 =	sld [smem:$0x3FC9]  }
0x91: {  	s18 =	sld [smem:$0x3FC8]  }
0x92: {  	s4 =	sld [smem:$0x3FD0];
	(tm) =	ssettm $0x1  }
0x93: {  	s5 =	sld [smem:$0x3FFB];
	_ =	sdelay $0x3  }
0x94: {  	_ =	strace s5  }
0x95: {  	s5 =	sld [smem:$0x3FFC];
	_ =	sdelay $0x3  }
0x96: {  	_ =	strace s5  }
0x97: {  	s5 =	sld [smem:$0x3FFD];
	_ =	sdelay $0x3  }
0x98: {  	_ =	strace s5  }
0x99: {  	_ =	strace $0x8FFFFFFF  }
0x9a: {  	s19 =	sld [smem:$0x3FDB];
	_ =	sdelay $0x1  }
0x9b: {  	s6 =	simm.s32 $_scs_section_size  }
0x9c: {  	s7 =	simm.s32 $_size__tile_overlayer_lowered;
	s8 =	simm.s32 $_tile_overlayer_lowered  }
0x9d: {  	s22 =	simm.s32 $0x1BFF;
	s21 =	sshll.u32 s8, $0x1;
	s5 =	sadd.s32 s6, s19  }
0x9e: {  	s9 =	simm.s32 $0x0;
	s20 =	sshll.u32 s7, $0x1;
	s7 =	sadd.s32 s21, s5  }
0x9f: {  	[timem:s9], [sflag:s22] =	dma.local [hbm:s7], s20  }
0xa0: {  	_ =	swait.ge [sflag:s22], s20  }
0xa1: {  	s6 =	ssub.s32 $0x0, s20;
	[sflag:s22] =	ssyncset.done $0x0  }
0xa2: {  	[sflag:s22] =	ssyncadd.s32 s6;
	_ =	sdelay $0x1  }
0xa3: {  	s23 =	simm.s32 $0x1B8B  }
0xa4: {  	_ =	swait.ge [sflag:s23], $0x1  }
0xa5: {  	[sflag:s23] =	ssyncset.done $0x0  }
0xa6: {  	s25 =	simm.s32 $0x1B8E;
	s24 =	sld [smem:$0x3FFE];
	[sflag:s23] =	ssyncadd.s32 $0xFFFFFFFF  }
0xa7: {  	s26 =	simm.s32 $execute0_lowered;
	[smem:$0x3FD2] =	sst s25  }
0xa8: {  	s7 =	sshll.u32 s26, $0x1;
	_ =	strace $0x80000046;
	[dreg:$0x1] =	wrdreg $0xFFFFFFFF  }
0xa9: {  	s28 =	simm.s32 $_size_execute0_lowered;
	s5 =	sadd.s32 s5, s7;
	[dreg:$0x0] =	wrdreg $0x0  }
0xaa: {  	s7 =	sshll.u32 s28, $0x1;
	[dreg:$0x2] =	wrdreg s5  }
0xab: {  	[dreg:$0x3] =	wrdreg s7  }
0xac: {  	[dreg:$0x4] =	wrdreg $0xC0  }
0xad: {  	_ =	task [dreg:s9], $0x5FFFF  }
0xae: {  	[dreg:$0x1] =	wrdreg $0xFFFFFFFF  }
0xaf: {  	[dreg:$0x0] =	wrdreg $0x60  }
0xb0: {  	[dreg:$0x2] =	wrdreg s2  }
0xb1: {  	[dreg:$0x3] =	wrdreg s18  }
0xb2: {  	[dreg:$0x4] =	wrdreg s4  }
0xb3: {  	[dreg:$0x5] =	wrdreg s24  }
0xb4: {  	[dreg:$0x6] =	wrdreg $0xB8000  }
0xb5: {  	[dreg:$0x7] =	wrdreg $0x9  }
0xb6: {  	_ =	task.clear_ibuf [dreg:s9], $0x8FFFF;
	_ =	strace $0x90000046  }
0xb7: {  	s29 =	simm.s32 $0x9;
	_ =	strace $0x80000048  }
0xb8: {  	_ =	swait.ge [sflag:s29], $0x1  }
0xb9: {  	[sflag:s29] =	ssyncadd.s32 $0xFFFFFFFF  }
0xba: {  	_ =	strace $0x90000048  }
0xbb: {  	_ =	sfence  }
0xbc: {  	s30 =	sld [smem:$0x0];
	_ =	sdelay $0x2  }
0xbd: {  	s31 =	sshll.u32 s1, $0xD;
	s1 =	sshrl.u32 s1, $0x2  }
0xbe: {  	s3 =	sand.u32 $0x4000, s31;
	s1 =	sadd.s32 s1, s30  }
0xbf: {  	s0 =	sor.u32 s3, s0;
	s1 =	sshll.u32 s1, $0x11  }
0xc0: {  	s0 =	sor.u32 s1, s0  }
0xc1: {  	s0 =	sadd.s32 $0x8F2B, s0  }
0xc2: {  	[sflag:s0] =	ssyncadd.remote.s32 $0x1  }
0xc3: {  	_ =	sfence.sel $0xFFFF  }
0xc4: {  	[dreg:$0x0] =	wrdreg $0xFFFFFFFF;
	(pc) =	sbr.abs _section_cstart, $3  }
0xc5: {  	[dreg:$0x1] =	wrdreg $0xFFFFFFFF  }
0xc6: {  	_ =	task.clear_ibuf [dreg:s9], $0x2FFFF;
	_ =	strace $0x9FFFFFFF  }
0xc7: {  	(tm) =	ssettm $0x7FFFFFFF  }
tec
execute0_lowered:
.L_overlay_start_1:
0x0: {  	(tag) =	ssettag $0x1  }
0x1: {  	s1 =	rddreg [dreg:$0x0]  }
0x2: {  	s2 =	rddreg [dreg:$0x1]  }
0x3: {  	s3 =	rddreg [dreg:$0x2]  }
0x4: {  	s0 =	rddreg [dreg:$0x3]  }
0x5: {  	s4 =	rddreg [dreg:$0x4];
	s5 =	simm.s32 $0x0;
	s6 =	srdreg.scid  }
0x6: {  	s18 =	stileid.u32;
	[smem:$0x7FF] =	sst s5;
	s7 =	sadd.s32 $0x2000, s0  }
0x7: {  	s8 =	sadd.s32 $0x4E4000, s0;
	s6 =	sand.u32 $0x1, s6;
	s10 =	smul.u32 $0x4E000, s18  }
0x8: {  	s11 =	sadd.s32 $0x29200, s0;
	s0 =	sadd.s32 $0x77400, s0;
	s14 =	smul.u32 $0x270, s18  }
0x9: {  	s28 =	smul.u32 $0x2710, s18;
	p0 =	sne.s32 s18, $0xF;
	s10 =	sshrl.u32 s10, $0x2  }
0xa: {  	_ =	strace $0x80000047;
	s17 =	smul.u32 $0x138800, s6;
	s10 =	sadd.s32 s10, s4  }
0xb: {  	s9 =	ssub.s32 $0x2, s6;
	s13 =	sshll.u32 s6, $0x4;
	s16 =	sadd.s32 $0x3C00, s10  }
0xc: {  	s25 =	sshrl.u32 s17, $0x3;
	s17 =	sadd.s32 $0x5000, s10;
	[dreg:$0x8] =	wrdreg s16  }
0xd: {  	s13 =	sor.u32 s18, s13;
	s18 =	sadd.s32 $0x6400, s10;
	[dreg:$0x15] =	wrdreg s17  }
0xe: {  	s15 =	smul.u32 $0x2710, s6;
	s20 =	sadd.s32 $0x8C00, s10;
	[dreg:$0x16] =	wrdreg s18  }
0xf: {  	s6 =	smul.u32 $0x27100, s6;
	s21 =	sadd.s32 $0xA000, s10;
	[dreg:$0x18] =	wrdreg s20  }
0x10: {  	s14 =	sadd.s32 s14, s15;
	s22 =	sadd.s32 $0xB400, s10;
	[dreg:$0x19] =	wrdreg s21  }
0x11: {  	s15 =	sadd.s32 $0x27000, s25;
	s25 =	sadd.s32 $0xF000, s10;
	[dreg:$0x1a] =	wrdreg s22  }
0x12: {  	s6 =	sadd.s32 s28, s6;
	s28 =	sadd.s32 $0x11800, s10;
	[dreg:$0x1d] =	wrdreg s25  }
0x13: {  	s12 =	sshrl.u32 s9, $0x1;
	s30 =	sadd.s32 $0x1400, s10;
	[dreg:$0x1f] =	wrdreg s28  }
0x14: {  	s31 =	sadd.s32 $0x2800, s10;
	s14 =	sshll.u32 s14, $0x4;
	[dreg:$0x6] =	wrdreg s30  }
0x15: {  	s12 =	ssub.s32 s9, s12;
	s26 =	sadd.s32 s11, s14;
	[dreg:$0x7] =	wrdreg s31  }
0x16: {  	s9 =	smul.u32 $0x2710, s13;
	s11 =	sadd.s32 s11, s15;
	[dreg:$0xb] =	wrdreg s26  }
0x17: {  	s13 =	smul.u32 $0x27100, s13;
	s14 =	sadd.s32 s0, s14;
	[dreg:$0xc] =	wrdreg s11  }
0x18: {  	s0 =	sadd.s32 s0, s15;
	[dreg:$0xd] =	wrdreg s14  }
0x19: {  	s13 =	sadd.s32 s8, s13;
	[dreg:$0xe] =	wrdreg s0  }
0x1a: {  	s23 =	sshrl.u32 s9, $0x3;
	s15 =	smax.u32 s12, $0x1;
	[dreg:$0xf] =	wrdreg s13  }
0x1b: {  	s19 =	sadd.s32 s1, s23;
	[dreg:$0x13] =	wrdreg s15  }
0x1c: {  	s24 =	sadd.s32 $0x28, s9;
	s16 =	sadd.s32 s2, s23;
	[dreg:$0x9] =	wrdreg s19  }
0x1d: {  	s29 =	sshrl.u32 s24, $0x3;
	s23 =	sadd.s32 $0xC800, s10;
	[dreg:$0xa] =	wrdreg s16  }
0x1e: {  	s14 =	sshll.u32 s24, $0x4;
	s24 =	sadd.s32 $0xDC00, s10;
	[dreg:$0x1b] =	wrdreg s23  }
0x1f: {  	s6 =	sadd.s32 $0x50, s6;
	s26 =	sadd.s32 $0x10400, s10;
	[dreg:$0x1c] =	wrdreg s24  }
0x20: {  	s20 =	sadd.s32 $0x138000, s4;
	s13 =	sadd.s32 s1, s29;
	[dreg:$0x1e] =	wrdreg s26  }
0x21: {  	s21 =	simm.s32 $0x7C00;
	s0 =	sadd.s32 s2, s29;
	[dreg:$0x10] =	wrdreg s13  }
0x22: {  	s12 =	simm.s32 $0x1;
	s19 =	sadd.s32 $0x7800, s10;
	[dreg:$0x11] =	wrdreg s0  }
0x23: {  	s11 =	simm.s32 $0x400;
	s29 =	sadd.s32 $0x12C00, s10;
	[dreg:$0x17] =	wrdreg s19  }
0x24: {  	s16 =	sshrl.u32 s6, $0x3;
	s0 =	sadd.s32 s8, s14;
	[smem:$0x7FD] =	sst s29  }
0x25: {  	s23 =	simm.s32 $0x3;
	[dreg:$0x12] =	wrdreg s0;
	s0 =	sadd.s32 s16, s2  }
0x26: {  	v0 =	vimm.f32 $0.0e+00;
	v1 =	vimm.f32 $1.000000000e+00;
	s24 =	simm.s32 $0x28;
	s13 =	simm.s32 $0x2;
	[dreg:$0x14] =	wrdreg s0  }
.LBB2_1:
0x27: {  	s0 =	simm.s32 $0x7D00  }
0x28: {  	[tilespmem:s0+$0xFFFFFF00] =	vst v0  }
0x29: {  	[tilespmem:s0+$0xF0] =	vst v0  }
0x2a: {  	[tilespmem:s0+$0xE0] =	vst v0  }
0x2b: {  	[tilespmem:s0+$0xD0] =	vst v0  }
0x2c: {  	[tilespmem:s0+$0xC0] =	vst v0  }
0x2d: {  	[tilespmem:s0+$0xB0] =	vst v0  }
0x2e: {  	[tilespmem:s0+$0xA0] =	vst v0  }
0x2f: {  	[tilespmem:s0+$0x90] =	vst v0  }
0x30: {  	[tilespmem:s0+$0x80] =	vst v0  }
0x31: {  	[tilespmem:s0+$0x70] =	vst v0  }
0x32: {  	[tilespmem:s0+$0x60] =	vst v0  }
0x33: {  	[tilespmem:s0+$0x50] =	vst v0  }
0x34: {  	[tilespmem:s0+$0x40] =	vst v0  }
0x35: {  	[tilespmem:s0+$0x30] =	vst v0  }
0x36: {  	[tilespmem:s0+$0x20] =	vst v0  }
0x37: {  	[tilespmem:s0+$0x10] =	vst v0  }
0x38: {  	[tilespmem:s0+$0x0] =	vst v0  }
0x39: {  	[tilespmem:s0+$0xFFFFFFF0] =	vst v0  }
0x3a: {  	[tilespmem:s0+$0xFFFFFFE0] =	vst v0  }
0x3b: {  	[tilespmem:s0+$0xFFFFFFD0] =	vst v0  }
0x3c: {  	[tilespmem:s0+$0xFFFFFFC0] =	vst v0  }
0x3d: {  	[tilespmem:s0+$0xFFFFFFB0] =	vst v0  }
0x3e: {  	[tilespmem:s0+$0xFFFFFFA0] =	vst v0  }
0x3f: {  	[tilespmem:s0+$0xFFFFFF90] =	vst v0  }
0x40: {  	[tilespmem:s0+$0xFFFFFF80] =	vst v0  }
0x41: {  	[tilespmem:s0+$0xFFFFFF70] =	vst v0  }
0x42: {  	[tilespmem:s0+$0xFFFFFF60] =	vst v0  }
0x43: {  	[tilespmem:s0+$0xFFFFFF50] =	vst v0  }
0x44: {  	[tilespmem:s0+$0xFFFFFF40] =	vst v0  }
0x45: {  	[tilespmem:s0+$0xFFFFFF30] =	vst v0  }
0x46: {  	s6 =	simm.s32 $0x0;
	[tilespmem:s0+$0xFFFFFF20] =	vst v0  }
.LBB2_2:
0x47: {  	s6 =	sadd.s32 $0x4, s6;
	[tilespmem:s0+$0xFFFFFF10] =	vst v0;
	s0 =	sadd.s32 $0x200, s0  }
0x48: {  	[tilespmem:s0+$0xFFFFFF00] =	vst v0;
	p1 =	slt.u32 s6, $0x24  }
0x49: {  	[tilespmem:s0+$0xF0] =	vst v0  }
0x4a: {  	[tilespmem:s0+$0xE0] =	vst v0  }
0x4b: {  	[tilespmem:s0+$0xD0] =	vst v0  }
0x4c: {  	[tilespmem:s0+$0xC0] =	vst v0  }
0x4d: {  	[tilespmem:s0+$0xB0] =	vst v0  }
0x4e: {  	[tilespmem:s0+$0xA0] =	vst v0  }
0x4f: {  	[tilespmem:s0+$0x90] =	vst v0  }
0x50: {  	[tilespmem:s0+$0x80] =	vst v0  }
0x51: {  	[tilespmem:s0+$0x70] =	vst v0  }
0x52: {  	[tilespmem:s0+$0x60] =	vst v0  }
0x53: {  	[tilespmem:s0+$0x50] =	vst v0  }
0x54: {  	[tilespmem:s0+$0x40] =	vst v0  }
0x55: {  	[tilespmem:s0+$0x30] =	vst v0  }
0x56: {  	[tilespmem:s0+$0x20] =	vst v0  }
0x57: {  	[tilespmem:s0+$0x10] =	vst v0  }
0x58: {  	[tilespmem:s0+$0x0] =	vst v0  }
0x59: {  	[tilespmem:s0+$0xFFFFFFF0] =	vst v0  }
0x5a: {  	[tilespmem:s0+$0xFFFFFFE0] =	vst v0  }
0x5b: {  	[tilespmem:s0+$0xFFFFFFD0] =	vst v0  }
0x5c: {  	[tilespmem:s0+$0xFFFFFFC0] =	vst v0  }
0x5d: {  	[tilespmem:s0+$0xFFFFFFB0] =	vst v0  }
0x5e: {  	[tilespmem:s0+$0xFFFFFFA0] =	vst v0  }
0x5f: {  	[tilespmem:s0+$0xFFFFFF90] =	vst v0  }
0x60: {  	[tilespmem:s0+$0xFFFFFF80] =	vst v0  }
0x61: {  	[tilespmem:s0+$0xFFFFFF70] =	vst v0  }
.Ltmp0:
0x62: {  	[tilespmem:s0+$0xFFFFFF60] =	vst v0;
	(pc) =	sbr.rel @p1 .LBB2_2-.Ltmp0, $4  }
0x63: {  	[tilespmem:s0+$0xFFFFFF50] =	vst v0  }
0x64: {  	[tilespmem:s0+$0xFFFFFF40] =	vst v0  }
0x65: {  	[tilespmem:s0+$0xFFFFFF30] =	vst v0  }
0x66: {  	[tilespmem:s0+$0xFFFFFF20] =	vst v0  }
0x67: {  	[tilespmem:s0+$0xFFFFFF10] =	vst v0  }
0x68: {  	[spmem:s10] =	stream.linear.scatter [tilespmem:s21], [sflag:$0x3], $0x1400, $0x38;
	[tilespmem:$0x1F080] =	vst v63  }
0x69: {  	_ =	swait.ge [sflag:s23], $0x1400  }
0x6a: {  	[sflag:s23] =	ssyncset.done $0x0  }
0x6b: {  	[sflag:s23] =	ssyncadd.s32 $0xFFFFEC00  }
0x6c: {  	[spmem:s30] =	stream.linear.scatter [tilespmem:s21], [sflag:$0x3], $0x1400, $0x38;
	[tilespmem:$0x1F080] =	vst v63  }
0x6d: {  	_ =	swait.ge [sflag:s23], $0x1400  }
0x6e: {  	[sflag:s23] =	ssyncset.done $0x0  }
0x6f: {  	[sflag:s23] =	ssyncadd.s32 $0xFFFFEC00  }
0x70: {  	[spmem:s31] =	stream.linear.scatter [tilespmem:s21], [sflag:$0x3], $0x1400, $0x38;
	[tilespmem:$0x1F080] =	vst v63  }
0x71: {  	_ =	swait.ge [sflag:s23], $0x1400  }
0x72: {  	[sflag:s23] =	ssyncset.done $0x0  }
0x73: {  	s15 =	rddreg [dreg:$0x8];
	[sflag:s23] =	ssyncadd.s32 $0xFFFFEC00  }
0x74: {  	[spmem:s15] =	stream.linear.scatter [tilespmem:s21], [sflag:$0x3], $0x1400, $0x38;
	[tilespmem:$0x1F080] =	vst v63  }
0x75: {  	_ =	swait.ge [sflag:s23], $0x1400  }
0x76: {  	[sflag:s23] =	ssyncset.done $0x0  }
0x77: {  	s16 =	rddreg [dreg:$0x15];
	[sflag:s23] =	ssyncadd.s32 $0xFFFFEC00  }
0x78: {  	[spmem:s16] =	stream.linear.scatter [tilespmem:s21], [sflag:$0x3], $0x1400, $0x38;
	[tilespmem:$0x1F080] =	vst v63  }
0x79: {  	_ =	swait.ge [sflag:s23], $0x1400  }
0x7a: {  	[sflag:s23] =	ssyncset.done $0x0  }
0x7b: {  	s17 =	rddreg [dreg:$0x16];
	[sflag:s23] =	ssyncadd.s32 $0xFFFFEC00  }
0x7c: {  	[spmem:s17] =	stream.linear.scatter [tilespmem:s21], [sflag:$0x3], $0x1400, $0x38;
	[tilespmem:$0x1F080] =	vst v63  }
0x7d: {  	_ =	swait.ge [sflag:s23], $0x1400  }
0x7e: {  	[sflag:s23] =	ssyncset.done $0x0  }
0x7f: {  	s18 =	rddreg [dreg:$0x17];
	[sflag:s23] =	ssyncadd.s32 $0xFFFFEC00  }
0x80: {  	[spmem:s18] =	stream.linear.scatter [tilespmem:s21], [sflag:$0x3], $0x1400, $0x38;
	[tilespmem:$0x1F080] =	vst v63  }
0x81: {  	_ =	swait.ge [sflag:s23], $0x1400  }
0x82: {  	[sflag:s23] =	ssyncset.done $0x0  }
0x83: {  	s19 =	rddreg [dreg:$0x18];
	[sflag:s23] =	ssyncadd.s32 $0xFFFFEC00  }
0x84: {  	[spmem:s19] =	stream.linear.scatter [tilespmem:s21], [sflag:$0x3], $0x1400, $0x38;
	[tilespmem:$0x1F080] =	vst v63  }
0x85: {  	_ =	swait.ge [sflag:s23], $0x1400  }
0x86: {  	[sflag:s23] =	ssyncset.done $0x0  }
0x87: {  	s22 =	rddreg [dreg:$0x19];
	[sflag:s23] =	ssyncadd.s32 $0xFFFFEC00  }
0x88: {  	[spmem:s22] =	stream.linear.scatter [tilespmem:s21], [sflag:$0x3], $0x1400, $0x38;
	[tilespmem:$0x1F080] =	vst v63  }
0x89: {  	_ =	swait.ge [sflag:s23], $0x1400  }
0x8a: {  	[sflag:s23] =	ssyncset.done $0x0  }
0x8b: {  	s25 =	rddreg [dreg:$0x1a];
	[sflag:s23] =	ssyncadd.s32 $0xFFFFEC00  }
0x8c: {  	[spmem:s25] =	stream.linear.scatter [tilespmem:s21], [sflag:$0x3], $0x1400, $0x38;
	[tilespmem:$0x1F080] =	vst v63  }
0x8d: {  	_ =	swait.ge [sflag:s23], $0x1400  }
0x8e: {  	[sflag:s23] =	ssyncset.done $0x0  }
0x8f: {  	s26 =	rddreg [dreg:$0x1b];
	[sflag:s23] =	ssyncadd.s32 $0xFFFFEC00  }
0x90: {  	[spmem:s26] =	stream.linear.scatter [tilespmem:s21], [sflag:$0x3], $0x1400, $0x38;
	[tilespmem:$0x1F080] =	vst v63  }
0x91: {  	_ =	swait.ge [sflag:s23], $0x1400  }
0x92: {  	[sflag:s23] =	ssyncset.done $0x0  }
0x93: {  	s28 =	rddreg [dreg:$0x1c];
	[sflag:s23] =	ssyncadd.s32 $0xFFFFEC00  }
0x94: {  	[spmem:s28] =	stream.linear.scatter [tilespmem:s21], [sflag:$0x3], $0x1400, $0x38;
	[tilespmem:$0x1F080] =	vst v63  }
0x95: {  	_ =	swait.ge [sflag:s23], $0x1400  }
0x96: {  	[sflag:s23] =	ssyncset.done $0x0  }
0x97: {  	s29 =	rddreg [dreg:$0x1d];
	[sflag:s23] =	ssyncadd.s32 $0xFFFFEC00  }
0x98: {  	[spmem:s29] =	stream.linear.scatter [tilespmem:s21], [sflag:$0x3], $0x1400, $0x38;
	[tilespmem:$0x1F080] =	vst v63  }
0x99: {  	_ =	swait.ge [sflag:s23], $0x1400  }
0x9a: {  	[sflag:s23] =	ssyncset.done $0x0  }
0x9b: {  	s30 =	rddreg [dreg:$0x1e];
	[sflag:s23] =	ssyncadd.s32 $0xFFFFEC00  }
0x9c: {  	[spmem:s30] =	stream.linear.scatter [tilespmem:s21], [sflag:$0x3], $0x1400, $0x38;
	[tilespmem:$0x1F080] =	vst v63  }
0x9d: {  	_ =	swait.ge [sflag:s23], $0x1400  }
0x9e: {  	[sflag:s23] =	ssyncset.done $0x0  }
0x9f: {  	s31 =	rddreg [dreg:$0x1f];
	[sflag:s23] =	ssyncadd.s32 $0xFFFFEC00  }
0xa0: {  	[spmem:s31] =	stream.linear.scatter [tilespmem:s21], [sflag:$0x3], $0x1400, $0x38;
	[tilespmem:$0x1F080] =	vst v63  }
0xa1: {  	_ =	swait.ge [sflag:s23], $0x1400  }
0xa2: {  	s6 =	sld [smem:$0x7FD]  }
0xa3: {  	[sflag:s23] =	ssyncset.done $0x0  }
0xa4: {  	[sflag:s23] =	ssyncadd.s32 $0xFFFFEC00  }
0xa5: {  	[spmem:s6] =	stream.linear.scatter [tilespmem:s21], [sflag:$0x3], $0xC00, $0x38;
	[tilespmem:$0x1F080] =	vst v63  }
0xa6: {  	_ =	swait.ge [sflag:s23], $0xC00  }
0xa7: {  	[sflag:s23] =	ssyncset.done $0x0  }
0xa8: {  	s0 =	simm.s32 @!p0 $0x7C00;
	[sflag:s23] =	ssyncadd.s32 $0xFFFFF400  }
0xa9: {  	[spmem:s20] =	stream.linear.scatter @!p0 [tilespmem:s0], [sflag:$0x3], $0x800, $0x38;
	[tilespmem:$0x1F080] =	vst v63  }
0xaa: {  	s0 =	simm.s32 @!p0 $0x3  }
0xab: {  	_ =	swait.ge @!p0 [sflag:s0], $0x800  }
0xac: {  	[sflag:s0] =	ssyncset.done @!p0 $0x0  }
0xad: {  	[sflag:s0] =	ssyncadd.s32 @!p0 $0xFFFFF800  }
0xae: {  	[bflag:$0x0] =	sbarrier.arrive $0xFFFF  }
0xaf: {  	s15 =	simm.s32 $0x0;
	s14 =	rddreg [dreg:$0x9]  }
0xb0: {  	[tilespmem:s15], [sflag:$0x3] =	stream.linear.gather [hbm4b:s14+s15], $0x28, $0x38;
	[tilespmem:$0x1F080] =	vst v63  }
0xb1: {  	_ =	swait.ge [sflag:s23], $0x28  }
0xb2: {  	[sflag:s23] =	ssyncset.done $0x0  }
0xb3: {  	s6 =	simm.s32 $0x200;
	s16 =	rddreg [dreg:$0xa];
	[sflag:s23] =	ssyncadd.s32 $0xFFFFFFD8  }
0xb4: {  	[tilespmem:s6], [sflag:$0x3] =	stream.linear.gather [hbm4b:s16+s15], $0x28, $0x38;
	[tilespmem:$0x1F080] =	vst v63  }
0xb5: {  	_ =	swait.ge [sflag:s23], $0x28  }
0xb6: {  	[sflag:s23] =	ssyncset.done $0x0  }
0xb7: {  	[sflag:s23] =	ssyncadd.s32 $0xFFFFFFD8  }
0xb8: {  	[tilespmem:s11], [sflag:$0x1] =	stream.indirect.gather [hbm4b:s3+s24], $0x80, s15, s24, $0xb8;
	[tilespmem:$0x1F080] =	vst v63  }
0xb9: {  	s22 =	simm.s32 $0x4000  }
0xba: {  	[tilespmem:s22], [sflag:$0x1] =	stream.indirect.gather [hbm4b:s7+s24], $0x80, s6, s24, $0xb8;
	[tilespmem:$0x1F080] =	vst v63  }
0xbb: {  	s18 =	simm.s32 $0x7C00;
	s17 =	rddreg [dreg:$0xf]  }
0xbc: {  	[tilespmem:s18], [sflag:$0x1] =	stream.linear.gather [hbm4b:s17+s15], $0x1400, $0x38;
	[tilespmem:$0x1F080] =	vst v63  }
0xbd: {  	s25 =	simm.s32 $0x80;
	s19 =	rddreg [dreg:$0x10]  }
0xbe: {  	[tilespmem:s25], [sflag:$0x3] =	stream.linear.gather [hbm4b:s19+s15], $0x28, $0x38;
	[tilespmem:$0x1F080] =	vst v63  }
0xbf: {  	_ =	swait.ge [sflag:s23], $0x28  }
0xc0: {  	[sflag:s23] =	ssyncset.done $0x0  }
0xc1: {  	s14 =	simm.s32 $0x280;
	s26 =	rddreg [dreg:$0x11];
	[sflag:s23] =	ssyncadd.s32 $0xFFFFFFD8  }
0xc2: {  	[tilespmem:s14], [sflag:$0x3] =	stream.linear.gather [hbm4b:s26+s15], $0x28, $0x38;
	[tilespmem:$0x1F080] =	vst v63  }
0xc3: {  	_ =	swait.ge [sflag:s23], $0x28  }
0xc4: {  	[sflag:s23] =	ssyncset.done $0x0  }
0xc5: {  	s28 =	simm.s32 $0x1800;
	[sflag:s23] =	ssyncadd.s32 $0xFFFFFFD8  }
0xc6: {  	[tilespmem:s28], [sflag:$0x1] =	stream.indirect.gather [hbm4b:s3+s24], $0x80, s25, s24, $0xb8;
	[tilespmem:$0x1F080] =	vst v63  }
0xc7: {  	s29 =	simm.s32 $0x5400  }
0xc8: {  	[tilespmem:s29], [sflag:$0x1] =	stream.indirect.gather [hbm4b:s7+s24], $0x80, s14, s24, $0xb8;
	[tilespmem:$0x1F080] =	vst v63  }
0xc9: {  	s31 =	simm.s32 $0x9000;
	s30 =	rddreg [dreg:$0x12];
	s14 =	simm.s32 $0x5F0  }
0xca: {  	[tilespmem:s31], [sflag:$0x1] =	stream.linear.gather [hbm4b:s30+s15], $0x1400, $0x38;
	[tilespmem:$0x1F080] =	vst v63  }
.LBB2_4:
0xcb: {  	s0 =	smulhi.u32 $0xAAAAAAAB, s15;
	_ =	sdelay $0x1  }
0xcc: {  	_ =	swait.ge [sflag:s12], $0x1400;
	s0 =	sshrl.u32 s0, $0x1  }
0xcd: {  	[sflag:s12] =	ssyncset.done $0x0;
	s0 =	smul.u32 $0xFFFF1000, s0  }
0xce: {  	[sflag:s12] =	ssyncadd.s32 $0xFFFFEC00  }
0xcf: {  	_ =	swait.ge [sflag:s12], $0x1400;
	s0 =	sshra.s32 s0, $0x2  }
0xd0: {  	[sflag:s12] =	ssyncset.done $0x0;
	v2 =	vmov s0  }
0xd1: {  	[sflag:s12] =	ssyncadd.s32 $0xFFFFEC00  }
0xd2: {  	_ =	swait.ge [sflag:s12], $0x1400  }
0xd3: {  	[sflag:s12] =	ssyncset.done $0x0  }
0xd4: {  	[sflag:s12] =	ssyncadd.s32 $0xFFFFEC00  }
0xd5: {  	v3 =	vld.idx.msk [tilespmem:v2+s14+$0xFFFFFF90 ss:$0x1], $0xffff  }
0xd6: {  	v4 =	vld.idx.msk [tilespmem:v2+s22+$0x180 ss:$0x1], $0xffff;
	_ =	sdelay $0x1  }
0xd7: {  	v5 =	vld.idx.msk [tilespmem:v2+s18+$0x180 ss:$0x1], $0xffff;
	_ =	sdelay $0x2  }
0xd8: {  	v3 =	vadd.f32 v4, v3;
	_ =	sdelay $0x1  }
0xd9: {  	v3 =	vadd.f32 v5, v3;
	_ =	sdelay $0x1  }
0xda: {  	v3 =	vmax.f32 v3, $0.0e+00  }
0xdb: {  	[tilespmem:v2+s14+$0xFFFFFF90 ss:$0x1] =	vst.idx.msk $0xffff, v3  }
0xdc: {  	v3 =	vld.idx.msk [tilespmem:v2+s14+$0xFFFFFFA0 ss:$0x1], $0xffff  }
0xdd: {  	v4 =	vld.idx.msk [tilespmem:v2+s22+$0x190 ss:$0x1], $0xffff  }
0xde: {  	v6 =	vld.idx.msk [tilespmem:v2+s14+$0xFFFFFE10 ss:$0x1], $0xffff  }
0xdf: {  	v5 =	vld.idx.msk [tilespmem:v2+s18+$0x190 ss:$0x1], $0xffff  }
0xe0: {  	v7 =	vld.idx.msk [tilespmem:v2+s18+$0x0 ss:$0x1], $0xffff  }
0xe1: {  	v9 =	vld.idx.msk [tilespmem:v2+s22+$0x80 ss:$0x1], $0xffff  }
0xe2: {  	v10 =	vld.idx.msk [tilespmem:v2+s14+$0xFFFFFF10 ss:$0x1], $0xffff;
	v3 =	vadd.f32 v4, v3  }
0xe3: {  	s29 =	sadd.s32 $0x200, s14;
	v11 =	vld.idx.msk [tilespmem:v2+s18+$0x80 ss:$0x1], $0xffff  }
0xe4: {  	s30 =	sadd.s32 $0x200, s22;
	v14 =	vld.idx.msk [tilespmem:v2+s29+$0xFFFFFF90 ss:$0x1], $0xffff;
	v3 =	vadd.f32 v5, v3  }
0xe5: {  	v15 =	vld.idx.msk [tilespmem:v2+s30+$0x180 ss:$0x1], $0xffff  }
0xe6: {  	v4 =	vld.idx.msk [tilespmem:v2+s22+$0x0 ss:$0x1], $0xffff;
	v3 =	vmax.f32 v3, $0.0e+00  }
0xe7: {  	v16 =	vld.idx.msk [tilespmem:v2+s30+$0x0 ss:$0x1], $0xffff;
	[tilespmem:v2+s14+$0xFFFFFFA0 ss:$0x1] =	vst.idx.msk $0xffff, v3  }
0xe8: {  	v3 =	vld.idx.msk [tilespmem:v2+s14+$0xFFFFFFB0 ss:$0x1], $0xffff  }
0xe9: {  	v8 =	vld.idx.msk [tilespmem:v2+s22+$0x1A0 ss:$0x1], $0xffff  }
0xea: {  	v5 =	vld.idx.msk [tilespmem:v2+s14+$0xFFFFFE90 ss:$0x1], $0xffff  }
0xeb: {  	s31 =	sadd.s32 $0x200, s18;
	v4 =	vadd.f32 v4, v6;
	v6 =	vld.idx.msk [tilespmem:v2+s18+$0x1A0 ss:$0x1], $0xffff  }
0xec: {  	v17 =	vld.idx.msk [tilespmem:v2+s31+$0x180 ss:$0x1], $0xffff  }
0xed: {  	v18 =	vld.idx.msk [tilespmem:v2+s29+$0xFFFFFE90 ss:$0x1], $0xffff;
	v4 =	vadd.f32 v7, v4  }
0xee: {  	v7 =	vld.idx.msk [tilespmem:v2+s22+$0x100 ss:$0x1], $0xffff;
	v3 =	vadd.f32 v8, v3  }
0xef: {  	v19 =	vld.idx.msk [tilespmem:v2+s30+$0x80 ss:$0x1], $0xffff;
	v4 =	vmax.f32 v4, $0.0e+00  }
0xf0: {  	v5 =	vadd.f32 v9, v5;
	[tilespmem:v2+s14+$0xFFFFFE10 ss:$0x1] =	vst.idx.msk $0xffff, v4;
	v8 =	vld.idx.msk [tilespmem:v2+s18+$0x100 ss:$0x1], $0xffff;
	v3 =	vadd.f32 v6, v3  }
0xf1: {  	v4 =	vld.idx.msk [tilespmem:v2+s14+$0xFFFFFE20 ss:$0x1], $0xffff  }
0xf2: {  	v5 =	vadd.f32 v11, v5;
	v6 =	vld.idx.msk [tilespmem:v2+s22+$0x10 ss:$0x1], $0xffff;
	v3 =	vmax.f32 v3, $0.0e+00  }
0xf3: {  	v9 =	vld.idx.msk [tilespmem:v2+s18+$0x10 ss:$0x1], $0xffff;
	v7 =	vadd.f32 v7, v10;
	[tilespmem:v2+s14+$0xFFFFFFB0 ss:$0x1] =	vst.idx.msk $0xffff, v3  }
0xf4: {  	v3 =	vmax.f32 v5, $0.0e+00;
	v5 =	vld.idx.msk [tilespmem:v2+s14+$0xFFFFFFC0 ss:$0x1], $0xffff  }
0xf5: {  	v7 =	vadd.f32 v8, v7;
	[tilespmem:v2+s14+$0xFFFFFE90 ss:$0x1] =	vst.idx.msk $0xffff, v3;
	v3 =	vld.idx.msk [tilespmem:v2+s22+$0x1B0 ss:$0x1], $0xffff  }
0xf6: {  	v8 =	vld.idx.msk [tilespmem:v2+s14+$0xFFFFFEA0 ss:$0x1], $0xffff  }
0xf7: {  	v7 =	vmax.f32 v7, $0.0e+00;
	v4 =	vadd.f32 v6, v4;
	v6 =	vld.idx.msk [tilespmem:v2+s18+$0x1B0 ss:$0x1], $0xffff  }
0xf8: {  	[tilespmem:v2+s14+$0xFFFFFF10 ss:$0x1] =	vst.idx.msk $0xffff, v7;
	v7 =	vld.idx.msk [tilespmem:v2+s22+$0x90 ss:$0x1], $0xffff  }
0xf9: {  	v10 =	vld.idx.msk [tilespmem:v2+s14+$0xFFFFFF20 ss:$0x1], $0xffff  }
0xfa: {  	v4 =	vadd.f32 v9, v4;
	v9 =	vld.idx.msk [tilespmem:v2+s22+$0x110 ss:$0x1], $0xffff  }
0xfb: {  	v3 =	vadd.f32 v3, v5;
	v5 =	vld.idx.msk [tilespmem:v2+s18+$0x90 ss:$0x1], $0xffff  }
0xfc: {  	v20 =	vld.idx.msk [tilespmem:v2+s30+$0x100 ss:$0x1], $0xffff;
	v4 =	vmax.f32 v4, $0.0e+00  }
0xfd: {  	v11 =	vld.idx.msk [tilespmem:v2+s18+$0x110 ss:$0x1], $0xffff;
	[tilespmem:v2+s14+$0xFFFFFE20 ss:$0x1] =	vst.idx.msk $0xffff, v4;
	v3 =	vadd.f32 v6, v3  }
0xfe: {  	v4 =	vld.idx.msk [tilespmem:v2+s14+$0xFFFFFE30 ss:$0x1], $0xffff;
	v6 =	vadd.f32 v7, v8  }
0xff: {  	v7 =	vld.idx.msk [tilespmem:v2+s22+$0x20 ss:$0x1], $0xffff;
	v3 =	vmax.f32 v3, $0.0e+00  }
0x100: {  	v8 =	vld.idx.msk [tilespmem:v2+s18+$0x20 ss:$0x1], $0xffff;
	[tilespmem:v2+s14+$0xFFFFFFC0 ss:$0x1] =	vst.idx.msk $0xffff, v3;
	v3 =	vadd.f32 v9, v10;
	v5 =	vadd.f32 v5, v6  }
0x101: {  	v6 =	vld.idx.msk [tilespmem:v2+s14+$0xFFFFFFD0 ss:$0x1], $0xffff  }
0x102: {  	v9 =	vld.idx.msk [tilespmem:v2+s22+$0x1C0 ss:$0x1], $0xffff;
	v3 =	vadd.f32 v11, v3;
	v5 =	vmax.f32 v5, $0.0e+00  }
0x103: {  	[tilespmem:v2+s14+$0xFFFFFEA0 ss:$0x1] =	vst.idx.msk $0xffff, v5;
	v5 =	vld.idx.msk [tilespmem:v2+s18+$0x1C0 ss:$0x1], $0xffff  }
0x104: {  	v3 =	vmax.f32 v3, $0.0e+00;
	v10 =	vld.idx.msk [tilespmem:v2+s14+$0xFFFFFEB0 ss:$0x1], $0xffff  }
0x105: {  	v4 =	vadd.f32 v7, v4;
	[tilespmem:v2+s14+$0xFFFFFF20 ss:$0x1] =	vst.idx.msk $0xffff, v3;
	v3 =	vld.idx.msk [tilespmem:v2+s22+$0xA0 ss:$0x1], $0xffff  }
0x106: {  	v7 =	vld.idx.msk [tilespmem:v2+s14+$0xFFFFFF30 ss:$0x1], $0xffff  }
0x107: {  	v4 =	vadd.f32 v8, v4;
	v6 =	vadd.f32 v9, v6;
	v8 =	vld.idx.msk [tilespmem:v2+s22+$0x120 ss:$0x1], $0xffff  }
0x108: {  	v9 =	vld.idx.msk [tilespmem:v2+s18+$0xA0 ss:$0x1], $0xffff  }
0x109: {  	v54 =	vld.idx.msk [tilespmem:v2+s31+$0x0 ss:$0x1], $0xffff;
	v4 =	vmax.f32 v4, $0.0e+00;
	v5 =	vadd.f32 v5, v6  }
0x10a: {  	[tilespmem:v2+s14+$0xFFFFFE30 ss:$0x1] =	vst.idx.msk $0xffff, v4;
	v6 =	vld.idx.msk [tilespmem:v2+s18+$0x120 ss:$0x1], $0xffff  }
0x10b: {  	v4 =	vld.idx.msk [tilespmem:v2+s14+$0xFFFFFE40 ss:$0x1], $0xffff;
	v5 =	vmax.f32 v5, $0.0e+00;
	v3 =	vadd.f32 v3, v10  }
0x10c: {  	v10 =	vld.idx.msk [tilespmem:v2+s22+$0x30 ss:$0x1], $0xffff;
	[tilespmem:v2+s14+$0xFFFFFFD0 ss:$0x1] =	vst.idx.msk $0xffff, v5  }
0x10d: {  	v7 =	vadd.f32 v8, v7;
	v5 =	vld.idx.msk [tilespmem:v2+s14+$0xFFFFFFE0 ss:$0x1], $0xffff;
	v3 =	vadd.f32 v9, v3  }
0x10e: {  	v8 =	vld.idx.msk [tilespmem:v2+s22+$0x1D0 ss:$0x1], $0xffff  }
0x10f: {  	v9 =	vld.idx.msk [tilespmem:v2+s18+$0x30 ss:$0x1], $0xffff;
	v6 =	vadd.f32 v6, v7;
	v3 =	vmax.f32 v3, $0.0e+00  }
0x110: {  	v7 =	vld.idx.msk [tilespmem:v2+s18+$0x1D0 ss:$0x1], $0xffff;
	[tilespmem:v2+s14+$0xFFFFFEB0 ss:$0x1] =	vst.idx.msk $0xffff, v3  }
0x111: {  	v3 =	vmax.f32 v6, $0.0e+00;
	v6 =	vld.idx.msk [tilespmem:v2+s14+$0xFFFFFEC0 ss:$0x1], $0xffff  }
0x112: {  	v4 =	vadd.f32 v10, v4;
	[tilespmem:v2+s14+$0xFFFFFF30 ss:$0x1] =	vst.idx.msk $0xffff, v3;
	v3 =	vld.idx.msk [tilespmem:v2+s22+$0xB0 ss:$0x1], $0xffff  }
0x113: {  	v5 =	vadd.f32 v8, v5;
	v8 =	vld.idx.msk [tilespmem:v2+s14+$0xFFFFFF40 ss:$0x1], $0xffff  }
0x114: {  	v4 =	vadd.f32 v9, v4;
	v9 =	vld.idx.msk [tilespmem:v2+s22+$0x130 ss:$0x1], $0xffff  }
0x115: {  	v5 =	vadd.f32 v7, v5;
	v7 =	vld.idx.msk [tilespmem:v2+s18+$0xB0 ss:$0x1], $0xffff  }
0x116: {  	v55 =	vld.idx.msk [tilespmem:v2+s31+$0x80 ss:$0x1], $0xffff;
	v4 =	vmax.f32 v4, $0.0e+00  }
0x117: {  	v10 =	vld.idx.msk [tilespmem:v2+s18+$0x130 ss:$0x1], $0xffff;
	[tilespmem:v2+s14+$0xFFFFFE40 ss:$0x1] =	vst.idx.msk $0xffff, v4;
	v4 =	vmax.f32 v5, $0.0e+00  }
0x118: {  	v5 =	vld.idx.msk [tilespmem:v2+s14+$0xFFFFFE50 ss:$0x1], $0xffff;
	v3 =	vadd.f32 v3, v6;
	[tilespmem:v2+s14+$0xFFFFFFE0 ss:$0x1] =	vst.idx.msk $0xffff, v4  }
0x119: {  	v4 =	vld.idx.msk [tilespmem:v2+s14+$0xFFFFFFF0 ss:$0x1], $0xffff  }
0x11a: {  	v8 =	vadd.f32 v9, v8;
	v6 =	vld.idx.msk [tilespmem:v2+s22+$0x1E0 ss:$0x1], $0xffff;
	v3 =	vadd.f32 v7, v3  }
0x11b: {  	v9 =	vld.idx.msk [tilespmem:v2+s18+$0x1E0 ss:$0x1], $0xffff  }
0x11c: {  	v7 =	vld.idx.msk [tilespmem:v2+s22+$0x40 ss:$0x1], $0xffff;
	v8 =	vadd.f32 v10, v8;
	v3 =	vmax.f32 v3, $0.0e+00  }
0x11d: {  	[tilespmem:v2+s14+$0xFFFFFEC0 ss:$0x1] =	vst.idx.msk $0xffff, v3;
	v3 =	vld.idx.msk [tilespmem:v2+s18+$0x40 ss:$0x1], $0xffff  }
0x11e: {  	v8 =	vmax.f32 v8, $0.0e+00;
	v10 =	vld.idx.msk [tilespmem:v2+s14+$0xFFFFFED0 ss:$0x1], $0xffff  }
0x11f: {  	[tilespmem:v2+s14+$0xFFFFFF40 ss:$0x1] =	vst.idx.msk $0xffff, v8;
	v4 =	vadd.f32 v6, v4;
	v6 =	vld.idx.msk [tilespmem:v2+s22+$0xC0 ss:$0x1], $0xffff  }
0x120: {  	v8 =	vld.idx.msk [tilespmem:v2+s14+$0xFFFFFF50 ss:$0x1], $0xffff  }
0x121: {  	v11 =	vld.idx.msk [tilespmem:v2+s18+$0x140 ss:$0x1], $0xffff;
	v4 =	vadd.f32 v9, v4  }
0x122: {  	v5 =	vadd.f32 v7, v5;
	v7 =	vld.idx.msk [tilespmem:v2+s22+$0x140 ss:$0x1], $0xffff  }
0x123: {  	v9 =	vld.idx.msk [tilespmem:v2+s18+$0xC0 ss:$0x1], $0xffff;
	v4 =	vmax.f32 v4, $0.0e+00  }
0x124: {  	v3 =	vadd.f32 v3, v5;
	[tilespmem:v2+s14+$0xFFFFFFF0 ss:$0x1] =	vst.idx.msk $0xffff, v4;
	v6 =	vadd.f32 v6, v10;
	v10 =	vld.idx.msk [tilespmem:v2+s29+$0xFFFFFF10 ss:$0x1], $0xffff  }
0x125: {  	v14 =	vadd.f32 v15, v14;
	v4 =	vld.idx.msk [tilespmem:v2+s14+$0x0 ss:$0x1], $0xffff  }
0x126: {  	v3 =	vmax.f32 v3, $0.0e+00;
	v5 =	vld.idx.msk [tilespmem:v2+s22+$0x1F0 ss:$0x1], $0xffff  }
0x127: {  	v14 =	vadd.f32 v17, v14;
	[tilespmem:v2+s14+$0xFFFFFE50 ss:$0x1] =	vst.idx.msk $0xffff, v3;
	v3 =	vld.idx.msk [tilespmem:v2+s18+$0x1F0 ss:$0x1], $0xffff  }
0x128: {  	v6 =	vadd.f32 v9, v6;
	v9 =	vld.idx.msk [tilespmem:v2+s29+$0xFFFFFE10 ss:$0x1], $0xffff  }
0x129: {  	v7 =	vadd.f32 v7, v8;
	v8 =	vmax.f32 v14, $0.0e+00;
	v12 =	vld.idx.msk [tilespmem:v2+s14+$0xFFFFFE60 ss:$0x1], $0xffff  }
0x12a: {  	[tilespmem:v2+s29+$0xFFFFFF90 ss:$0x1] =	vst.idx.msk $0xffff, v8;
	v13 =	vld.idx.msk [tilespmem:v2+s22+$0x50 ss:$0x1], $0xffff  }
0x12b: {  	v7 =	vadd.f32 v11, v7;
	v11 =	vld.idx.msk [tilespmem:v2+s29+$0xFFFFFFA0 ss:$0x1], $0xffff  }
0x12c: {  	v56 =	vld.idx.msk [tilespmem:v2+s30+$0x190 ss:$0x1], $0xffff;
	v6 =	vmax.f32 v6, $0.0e+00  }
0x12d: {  	v58 =	vld.idx.msk [tilespmem:v2+s31+$0x190 ss:$0x1], $0xffff;
	[tilespmem:v2+s14+$0xFFFFFED0 ss:$0x1] =	vst.idx.msk $0xffff, v6;
	v7 =	vmax.f32 v7, $0.0e+00  }
0x12e: {  	v6 =	vld.idx.msk [tilespmem:v2+s31+$0x100 ss:$0x1], $0xffff;
	[tilespmem:v2+s14+$0xFFFFFF50 ss:$0x1] =	vst.idx.msk $0xffff, v7;
	v7 =	vadd.f32 v19, v18  }
0x12f: {  	v8 =	vld.idx.msk [tilespmem:v2+s14+$0xFFFFFEE0 ss:$0x1], $0xffff;
	v9 =	vadd.f32 v16, v9  }
0x130: {  	v57 =	vld.idx.msk [tilespmem:v2+s22+$0xD0 ss:$0x1], $0xffff;
	v7 =	vadd.f32 v55, v7  }
0x131: {  	v27 =	vld.idx.msk [tilespmem:v2+s18+$0xD0 ss:$0x1], $0xffff;
	v9 =	vadd.f32 v54, v9  }
0x132: {  	v59 =	vld.idx.msk [tilespmem:v2+s14+$0xFFFFFF60 ss:$0x1], $0xffff;
	v7 =	vmax.f32 v7, $0.0e+00  }
0x133: {  	v60 =	vld.idx.msk [tilespmem:v2+s22+$0x150 ss:$0x1], $0xffff;
	v9 =	vmax.f32 v9, $0.0e+00;
	[tilespmem:v2+s29+$0xFFFFFE90 ss:$0x1] =	vst.idx.msk $0xffff, v7  }
0x134: {  	v10 =	vadd.f32 v20, v10;
	[tilespmem:v2+s29+$0xFFFFFE10 ss:$0x1] =	vst.idx.msk $0xffff, v9;
	v9 =	vld.idx.msk [tilespmem:v2+s18+$0x50 ss:$0x1], $0xffff  }
0x135: {  	v61 =	vld.idx.msk [tilespmem:v2+s29+$0xFFFFFEA0 ss:$0x1], $0xffff  }
0x136: {  	v6 =	vadd.f32 v6, v10;
	v26 =	vld.idx.msk [tilespmem:v2+s31+$0x90 ss:$0x1], $0xffff  }
0x137: {  	v11 =	vadd.f32 v56, v11;
	v10 =	vld.idx.msk [tilespmem:v2+s29+$0xFFFFFE20 ss:$0x1], $0xffff  }
0x138: {  	v6 =	vmax.f32 v6, $0.0e+00;
	v7 =	vld.idx.msk [tilespmem:v2+s30+$0x10 ss:$0x1], $0xffff  }
0x139: {  	v11 =	vadd.f32 v58, v11;
	[tilespmem:v2+s29+$0xFFFFFF10 ss:$0x1] =	vst.idx.msk $0xffff, v6;
	v6 =	vld.idx.msk [tilespmem:v2+s30+$0x90 ss:$0x1], $0xffff  }
0x13a: {  	v8 =	vadd.f32 v57, v8;
	v25 =	vld.idx.msk [tilespmem:v2+s31+$0x10 ss:$0x1], $0xffff  }
0x13b: {  	v11 =	vmax.f32 v11, $0.0e+00;
	v62 =	vld.idx.msk [tilespmem:v2+s29+$0xFFFFFF20 ss:$0x1], $0xffff  }
0x13c: {  	[tilespmem:v2+s29+$0xFFFFFFA0 ss:$0x1] =	vst.idx.msk $0xffff, v11;
	v8 =	vadd.f32 v27, v8;
	v63 =	vld.idx.msk [tilespmem:v2+s30+$0x110 ss:$0x1], $0xffff  }
0x13d: {  	v11 =	vld.idx.msk [tilespmem:v2+s29+$0xFFFFFFB0 ss:$0x1], $0xffff  }
0x13e: {  	v12 =	vadd.f32 v13, v12;
	v24 =	vld.idx.msk [tilespmem:v2+s30+$0x1A0 ss:$0x1], $0xffff;
	v8 =	vmax.f32 v8, $0.0e+00  }
0x13f: {  	v21 =	vld.idx.msk [tilespmem:v2+s31+$0x1A0 ss:$0x1], $0xffff;
	[tilespmem:v2+s14+$0xFFFFFEE0 ss:$0x1] =	vst.idx.msk $0xffff, v8  }
0x140: {  	v9 =	vadd.f32 v9, v12;
	v38 =	vld.idx.msk [tilespmem:v2+s14+$0xFFFFFEF0 ss:$0x1], $0xffff  }
0x141: {  	v50 =	vld.idx.msk [tilespmem:v2+s18+$0xE0 ss:$0x1], $0xffff;
	v7 =	vadd.f32 v7, v10  }
0x142: {  	v10 =	vld.idx.msk [tilespmem:v2+s31+$0x110 ss:$0x1], $0xffff;
	v6 =	vadd.f32 v6, v61;
	v9 =	vmax.f32 v9, $0.0e+00  }
0x143: {  	v11 =	vadd.f32 v24, v11;
	[tilespmem:v2+s14+$0xFFFFFE60 ss:$0x1] =	vst.idx.msk $0xffff, v9;
	v9 =	vld.idx.msk [tilespmem:v2+s18+$0x150 ss:$0x1], $0xffff;
	v7 =	vadd.f32 v25, v7  }
0x144: {  	v6 =	vadd.f32 v26, v6;
	v28 =	vld.idx.msk [tilespmem:v2+s14+$0xFFFFFE70 ss:$0x1], $0xffff  }
0x145: {  	v11 =	vadd.f32 v21, v11;
	v29 =	vld.idx.msk [tilespmem:v2+s22+$0x60 ss:$0x1], $0xffff;
	v7 =	vmax.f32 v7, $0.0e+00  }
0x146: {  	v30 =	vld.idx.msk [tilespmem:v2+s18+$0x60 ss:$0x1], $0xffff;
	v6 =	vmax.f32 v6, $0.0e+00;
	[tilespmem:v2+s29+$0xFFFFFE20 ss:$0x1] =	vst.idx.msk $0xffff, v7  }
0x147: {  	v7 =	vmax.f32 v11, $0.0e+00;
	[tilespmem:v2+s29+$0xFFFFFEA0 ss:$0x1] =	vst.idx.msk $0xffff, v6;
	v11 =	vld.idx.msk [tilespmem:v2+s29+$0xFFFFFE30 ss:$0x1], $0xffff  }
0x148: {  	[tilespmem:v2+s29+$0xFFFFFFB0 ss:$0x1] =	vst.idx.msk $0xffff, v7;
	v33 =	vld.idx.msk [tilespmem:v2+s29+$0xFFFFFEB0 ss:$0x1], $0xffff  }
0x149: {  	v17 =	vadd.f32 v60, v59;
	v31 =	vld.idx.msk [tilespmem:v2+s29+$0xFFFFFFC0 ss:$0x1], $0xffff  }
0x14a: {  	v7 =	vadd.f32 v63, v62;
	v32 =	vld.idx.msk [tilespmem:v2+s30+$0x1B0 ss:$0x1], $0xffff  }
0x14b: {  	v36 =	vld.idx.msk [tilespmem:v2+s31+$0x20 ss:$0x1], $0xffff;
	v9 =	vadd.f32 v9, v17  }
0x14c: {  	v6 =	vld.idx.msk [tilespmem:v2+s31+$0x1B0 ss:$0x1], $0xffff;
	v7 =	vadd.f32 v10, v7  }
0x14d: {  	v37 =	vld.idx.msk [tilespmem:v2+s31+$0xA0 ss:$0x1], $0xffff;
	v9 =	vmax.f32 v9, $0.0e+00  }
0x14e: {  	v10 =	vld.idx.msk [tilespmem:v2+s30+$0x20 ss:$0x1], $0xffff;
	v7 =	vmax.f32 v7, $0.0e+00;
	[tilespmem:v2+s14+$0xFFFFFF60 ss:$0x1] =	vst.idx.msk $0xffff, v9  }
0x14f: {  	[tilespmem:v2+s29+$0xFFFFFF20 ss:$0x1] =	vst.idx.msk $0xffff, v7;
	v7 =	vld.idx.msk [tilespmem:v2+s30+$0xA0 ss:$0x1], $0xffff;
	v12 =	vadd.f32 v32, v31  }
0x150: {  	v39 =	vld.idx.msk [tilespmem:v2+s14+$0xFFFFFF70 ss:$0x1], $0xffff  }
0x151: {  	v34 =	vld.idx.msk [tilespmem:v2+s29+$0xFFFFFF30 ss:$0x1], $0xffff;
	v6 =	vadd.f32 v6, v12  }
0x152: {  	v35 =	vld.idx.msk [tilespmem:v2+s30+$0x120 ss:$0x1], $0xffff  }
0x153: {  	v8 =	vld.idx.msk [tilespmem:v2+s31+$0x120 ss:$0x1], $0xffff;
	v10 =	vadd.f32 v10, v11;
	v6 =	vmax.f32 v6, $0.0e+00  }
0x154: {  	[tilespmem:v2+s29+$0xFFFFFFC0 ss:$0x1] =	vst.idx.msk $0xffff, v6;
	v6 =	vld.idx.msk [tilespmem:v2+s22+$0xE0 ss:$0x1], $0xffff  }
0x155: {  	v9 =	vadd.f32 v36, v10;
	v11 =	vld.idx.msk [tilespmem:v2+s29+$0xFFFFFFD0 ss:$0x1], $0xffff  }
0x156: {  	v7 =	vadd.f32 v7, v33;
	v10 =	vld.idx.msk [tilespmem:v2+s30+$0x1C0 ss:$0x1], $0xffff  }
0x157: {  	v9 =	vmax.f32 v9, $0.0e+00;
	v40 =	vld.idx.msk [tilespmem:v2+s31+$0x1C0 ss:$0x1], $0xffff  }
0x158: {  	v16 =	vadd.f32 v35, v34;
	v7 =	vadd.f32 v37, v7;
	[tilespmem:v2+s29+$0xFFFFFE30 ss:$0x1] =	vst.idx.msk $0xffff, v9;
	v9 =	vld.idx.msk [tilespmem:v2+s22+$0x160 ss:$0x1], $0xffff  }
0x159: {  	v41 =	vld.idx.msk [tilespmem:v2+s29+$0xFFFFFE40 ss:$0x1], $0xffff  }
0x15a: {  	v8 =	vadd.f32 v8, v16;
	v44 =	vld.idx.msk [tilespmem:v2+s31+$0x30 ss:$0x1], $0xffff;
	v7 =	vmax.f32 v7, $0.0e+00  }
0x15b: {  	[tilespmem:v2+s29+$0xFFFFFEB0 ss:$0x1] =	vst.idx.msk $0xffff, v7;
	v7 =	vld.idx.msk [tilespmem:v2+s30+$0x30 ss:$0x1], $0xffff  }
0x15c: {  	v8 =	vmax.f32 v8, $0.0e+00;
	v42 =	vld.idx.msk [tilespmem:v2+s29+$0xFFFFFEC0 ss:$0x1], $0xffff;
	v6 =	vadd.f32 v6, v38  }
0x15d: {  	[tilespmem:v2+s29+$0xFFFFFF30 ss:$0x1] =	vst.idx.msk $0xffff, v8;
	v8 =	vld.idx.msk [tilespmem:v2+s30+$0xB0 ss:$0x1], $0xffff;
	v10 =	vadd.f32 v10, v11  }
0x15e: {  	v45 =	vld.idx.msk [tilespmem:v2+s31+$0xB0 ss:$0x1], $0xffff;
	v6 =	vadd.f32 v50, v6  }
0x15f: {  	v11 =	vld.idx.msk [tilespmem:v2+s29+$0xFFFFFF40 ss:$0x1], $0xffff;
	v10 =	vadd.f32 v40, v10  }
0x160: {  	v43 =	vld.idx.msk [tilespmem:v2+s30+$0x130 ss:$0x1], $0xffff;
	v6 =	vmax.f32 v6, $0.0e+00  }
0x161: {  	v48 =	vld.idx.msk [tilespmem:v2+s31+$0x130 ss:$0x1], $0xffff;
	v7 =	vadd.f32 v7, v41;
	v10 =	vmax.f32 v10, $0.0e+00;
	[tilespmem:v2+s14+$0xFFFFFEF0 ss:$0x1] =	vst.idx.msk $0xffff, v6  }
0x162: {  	v4 =	vadd.f32 v5, v4;
	[tilespmem:v2+s29+$0xFFFFFFD0 ss:$0x1] =	vst.idx.msk $0xffff, v10;
	v60 =	vld.idx.msk [tilespmem:v2+s14+$0xFFFFFF00 ss:$0x1], $0xffff  }
0x163: {  	v8 =	vadd.f32 v8, v42;
	v7 =	vadd.f32 v44, v7;
	v46 =	vld.idx.msk [tilespmem:v2+s29+$0xFFFFFFE0 ss:$0x1], $0xffff  }
0x164: {  	v3 =	vadd.f32 v3, v4;
	v47 =	vld.idx.msk [tilespmem:v2+s30+$0x1D0 ss:$0x1], $0xffff  }
0x165: {  	v10 =	vadd.f32 v29, v28;
	v4 =	vld.idx.msk [tilespmem:v2+s18+$0xF0 ss:$0x1], $0xffff;
	v8 =	vadd.f32 v45, v8;
	v7 =	vmax.f32 v7, $0.0e+00  }
0x166: {  	v49 =	vld.idx.msk [tilespmem:v2+s31+$0x1D0 ss:$0x1], $0xffff;
	[tilespmem:v2+s29+$0xFFFFFE40 ss:$0x1] =	vst.idx.msk $0xffff, v7  }
0x167: {  	v10 =	vadd.f32 v30, v10;
	v8 =	vmax.f32 v8, $0.0e+00;
	v53 =	vld.idx.msk [tilespmem:v2+s29+$0xFFFFFE50 ss:$0x1], $0xffff  }
0x168: {  	[tilespmem:v2+s29+$0xFFFFFEC0 ss:$0x1] =	vst.idx.msk $0xffff, v8;
	v8 =	vld.idx.msk [tilespmem:v2+s30+$0x40 ss:$0x1], $0xffff  }
0x169: {  	v10 =	vmax.f32 v10, $0.0e+00;
	v59 =	vld.idx.msk [tilespmem:v2+s31+$0x40 ss:$0x1], $0xffff;
	v7 =	vadd.f32 v47, v46  }
0x16a: {  	[tilespmem:v2+s14+$0xFFFFFE70 ss:$0x1] =	vst.idx.msk $0xffff, v10;
	v10 =	vld.idx.msk [tilespmem:v2+s18+$0x160 ss:$0x1], $0xffff  }
0x16b: {  	v11 =	vadd.f32 v43, v11;
	v54 =	vld.idx.msk [tilespmem:v2+s29+$0xFFFFFED0 ss:$0x1], $0xffff;
	v7 =	vadd.f32 v49, v7  }
0x16c: {  	v55 =	vld.idx.msk [tilespmem:v2+s30+$0xC0 ss:$0x1], $0xffff  }
0x16d: {  	v11 =	vadd.f32 v48, v11;
	v51 =	vld.idx.msk [tilespmem:v2+s14+$0xFFFFFE80 ss:$0x1], $0xffff;
	v7 =	vmax.f32 v7, $0.0e+00  }
0x16e: {  	v52 =	vld.idx.msk [tilespmem:v2+s22+$0x70 ss:$0x1], $0xffff;
	[tilespmem:v2+s29+$0xFFFFFFE0 ss:$0x1] =	vst.idx.msk $0xffff, v7  }
0x16f: {  	v11 =	vmax.f32 v11, $0.0e+00;
	v7 =	vld.idx.msk [tilespmem:v2+s29+$0xFFFFFFF0 ss:$0x1], $0xffff  }
0x170: {  	[tilespmem:v2+s29+$0xFFFFFF40 ss:$0x1] =	vst.idx.msk $0xffff, v11;
	v56 =	vld.idx.msk [tilespmem:v2+s30+$0x1E0 ss:$0x1], $0xffff  }
0x171: {  	v11 =	vld.idx.msk [tilespmem:v2+s29+$0xFFFFFF50 ss:$0x1], $0xffff  }
0x172: {  	v9 =	vadd.f32 v9, v39;
	v58 =	vld.idx.msk [tilespmem:v2+s31+$0x1E0 ss:$0x1], $0xffff  }
0x173: {  	v57 =	vld.idx.msk [tilespmem:v2+s30+$0x140 ss:$0x1], $0xffff  }
0x174: {  	v6 =	vld.idx.msk [tilespmem:v2+s31+$0x140 ss:$0x1], $0xffff;
	v8 =	vadd.f32 v8, v53;
	v9 =	vadd.f32 v10, v9  }
0x175: {  	v10 =	vld.idx.msk [tilespmem:v2+s31+$0xC0 ss:$0x1], $0xffff;
	v7 =	vadd.f32 v56, v7  }
0x176: {  	s26 =	smul.u32 $0xAB, s15;
	v63 =	vld.idx.msk [tilespmem:v2+s18+$0x70 ss:$0x1], $0xffff;
	v8 =	vadd.f32 v59, v8;
	v9 =	vmax.f32 v9, $0.0e+00  }
0x177: {  	[tilespmem:v2+s14+$0xFFFFFF70 ss:$0x1] =	vst.idx.msk $0xffff, v9;
	v9 =	vld.idx.msk [tilespmem:v2+s22+$0xF0 ss:$0x1], $0xffff;
	v7 =	vadd.f32 v58, v7  }
0x178: {  	s0 =	sshrl.u32 s26, $0x9;
	v5 =	vadd.f32 v55, v54;
	v8 =	vmax.f32 v8, $0.0e+00;
	v61 =	vld.idx.msk [tilespmem:v2+s14+$0xFFFFFF80 ss:$0x1], $0xffff  }
0x179: {  	s0 =	sand.u32 $0x7F, s0;
	v11 =	vadd.f32 v57, v11;
	v62 =	vld.idx.msk [tilespmem:v2+s22+$0x170 ss:$0x1], $0xffff;
	[tilespmem:v2+s29+$0xFFFFFE50 ss:$0x1] =	vst.idx.msk $0xffff, v8;
	v7 =	vmax.f32 v7, $0.0e+00  }
0x17a: {  	s0 =	smul.u32 $0x3, s0;
	[tilespmem:v2+s29+$0xFFFFFFF0 ss:$0x1] =	vst.idx.msk $0xffff, v7;
	v7 =	vadd.f32 v10, v5;
	v10 =	vld.idx.msk [tilespmem:v2+s29+$0xFFFFFE60 ss:$0x1], $0xffff  }
0x17b: {  	v3 =	vmax.f32 v3, $0.0e+00;
	v11 =	vadd.f32 v6, v11;
	v5 =	vld.idx.msk [tilespmem:v2+s29+$0x0 ss:$0x1], $0xffff  }
0x17c: {  	s19 =	simm.s32 $0x4;
	s28 =	smov.u32 s14;
	s0 =	ssub.s32 s15, s0;
	[tilespmem:v2+s14+$0x0 ss:$0x1] =	vst.idx.msk $0xffff, v3;
	v13 =	vadd.f32 v52, v51;
	v6 =	vld.idx.msk [tilespmem:v2+s30+$0x1F0 ss:$0x1], $0xffff;
	v3 =	vmax.f32 v7, $0.0e+00  }
0x17d: {  	s25 =	sadd.s32 $0x200, s29;
	s17 =	smov.u32 s30;
	s0 =	sand.u32 $0xFF, s0;
	v8 =	vadd.f32 v9, v60;
	v7 =	vld.idx.msk [tilespmem:v2+s31+$0x1F0 ss:$0x1], $0xffff;
	[tilespmem:v2+s29+$0xFFFFFED0 ss:$0x1] =	vst.idx.msk $0xffff, v3;
	v3 =	vmax.f32 v11, $0.0e+00  }
0x17e: {  	s16 =	smov.u32 s31;
	s26 =	smov.u32 s18;
	s6 =	smul.u32 $0x1400, s0;
	v9 =	vadd.f32 v63, v13;
	v11 =	vld.idx.msk [tilespmem:v2+s30+$0x50 ss:$0x1], $0xffff;
	[tilespmem:v2+s29+$0xFFFFFF50 ss:$0x1] =	vst.idx.msk $0xffff, v3;
	v3 =	vadd.f32 v62, v61  }
.LBB2_5:
0x17f: {  	v12 =	vld.idx.msk [tilespmem:v2+s25+$0xFFFFFF90 ss:$0x1], $0xffff;
	s30 =	sadd.s32 $0x200, s30;
	v4 =	vadd.f32 v4, v8  }
0x180: {  	v8 =	vld.idx.msk [tilespmem:v2+s30+$0x180 ss:$0x1], $0xffff;
	v9 =	vmax.f32 v9, $0.0e+00  }
0x181: {  	s31 =	sadd.s32 $0x200, s31;
	v5 =	vadd.f32 v6, v5;
	v13 =	vld.idx.msk [tilespmem:v2+s30+$0x0 ss:$0x1], $0xffff;
	[tilespmem:v2+s28+$0xFFFFFE80 ss:$0x1] =	vst.idx.msk $0xffff, v9;
	v4 =	vmax.f32 v4, $0.0e+00  }
0x182: {  	v6 =	vld.idx.msk [tilespmem:v2+s31+$0x180 ss:$0x1], $0xffff;
	[tilespmem:v2+s28+$0xFFFFFF00 ss:$0x1] =	vst.idx.msk $0xffff, v4  }
0x183: {  	v5 =	vadd.f32 v7, v5;
	v4 =	vld.idx.msk [tilespmem:v2+s25+$0xFFFFFE90 ss:$0x1], $0xffff  }
0x184: {  	v9 =	vadd.f32 v11, v10;
	v7 =	vld.idx.msk [tilespmem:v2+s30+$0x80 ss:$0x1], $0xffff  }
0x185: {  	v5 =	vmax.f32 v5, $0.0e+00;
	v10 =	vld.idx.msk [tilespmem:v2+s25+$0xFFFFFF10 ss:$0x1], $0xffff  }
0x186: {  	v8 =	vadd.f32 v8, v12;
	v11 =	vld.idx.msk [tilespmem:v2+s30+$0x100 ss:$0x1], $0xffff;
	[tilespmem:v2+s29+$0x0 ss:$0x1] =	vst.idx.msk $0xffff, v5  }
0x187: {  	s19 =	sadd.s32 $0x4, s19;
	v5 =	vld.idx.msk [tilespmem:v2+s25+$0xFFFFFE10 ss:$0x1], $0xffff  }
0x188: {  	p1 =	slt.u32 s19, $0x24;
	v6 =	vadd.f32 v6, v8;
	v12 =	vld.idx.msk [tilespmem:v2+s31+$0x0 ss:$0x1], $0xffff  }
0x189: {  	v8 =	vld.idx.msk [tilespmem:v2+s31+$0x80 ss:$0x1], $0xffff  }
0x18a: {  	v4 =	vadd.f32 v7, v4;
	v6 =	vmax.f32 v6, $0.0e+00;
	v7 =	vld.idx.msk [tilespmem:v2+s31+$0x100 ss:$0x1], $0xffff  }
0x18b: {  	[tilespmem:v2+s25+$0xFFFFFF90 ss:$0x1] =	vst.idx.msk $0xffff, v6;
	v6 =	vld.idx.msk [tilespmem:v2+s29+$0xFFFFFEE0 ss:$0x1], $0xffff  }
0x18c: {  	v10 =	vadd.f32 v11, v10;
	v11 =	vld.idx.msk [tilespmem:v2+s25+$0xFFFFFFA0 ss:$0x1], $0xffff  }
0x18d: {  	v5 =	vadd.f32 v13, v5;
	v13 =	vld.idx.msk [tilespmem:v2+s30+$0x190 ss:$0x1], $0xffff  }
0x18e: {  	v14 =	vld.idx.msk [tilespmem:v2+s17+$0xD0 ss:$0x1], $0xffff  }
0x18f: {  	v5 =	vadd.f32 v12, v5;
	v4 =	vadd.f32 v8, v4;
	v8 =	vld.idx.msk [tilespmem:v2+s31+$0x190 ss:$0x1], $0xffff  }
0x190: {  	v7 =	vadd.f32 v7, v10;
	v10 =	vld.idx.msk [tilespmem:v2+s29+$0xFFFFFF60 ss:$0x1], $0xffff  }
0x191: {  	v5 =	vmax.f32 v5, $0.0e+00;
	v4 =	vmax.f32 v4, $0.0e+00;
	v12 =	vld.idx.msk [tilespmem:v2+s17+$0x150 ss:$0x1], $0xffff  }
0x192: {  	[tilespmem:v2+s25+$0xFFFFFE10 ss:$0x1] =	vst.idx.msk $0xffff, v5;
	v5 =	vmax.f32 v7, $0.0e+00;
	v7 =	vld.idx.msk [tilespmem:v2+s16+$0x50 ss:$0x1], $0xffff  }
0x193: {  	v15 =	vld.idx.msk [tilespmem:v2+s25+$0xFFFFFE20 ss:$0x1], $0xffff;
	[tilespmem:v2+s25+$0xFFFFFE90 ss:$0x1] =	vst.idx.msk $0xffff, v4;
	v4 =	vadd.f32 v13, v11  }
0x194: {  	v11 =	vld.idx.msk [tilespmem:v2+s30+$0x10 ss:$0x1], $0xffff;
	[tilespmem:v2+s25+$0xFFFFFF10 ss:$0x1] =	vst.idx.msk $0xffff, v5;
	v5 =	vadd.f32 v14, v6  }
0x195: {  	v6 =	vld.idx.msk [tilespmem:v2+s25+$0xFFFFFEA0 ss:$0x1], $0xffff;
	v4 =	vadd.f32 v8, v4  }
0x196: {  	v8 =	vld.idx.msk [tilespmem:v2+s30+$0x90 ss:$0x1], $0xffff  }
0x197: {  	v10 =	vadd.f32 v12, v10;
	v13 =	vld.idx.msk [tilespmem:v2+s25+$0xFFFFFF20 ss:$0x1], $0xffff;
	v4 =	vmax.f32 v4, $0.0e+00  }
0x198: {  	v12 =	vld.idx.msk [tilespmem:v2+s30+$0x110 ss:$0x1], $0xffff;
	[tilespmem:v2+s25+$0xFFFFFFA0 ss:$0x1] =	vst.idx.msk $0xffff, v4;
	v4 =	vadd.f32 v7, v9  }
0x199: {  	v7 =	vld.idx.msk [tilespmem:v2+s25+$0xFFFFFFB0 ss:$0x1], $0xffff  }
0x19a: {  	v9 =	vadd.f32 v11, v15;
	v11 =	vld.idx.msk [tilespmem:v2+s30+$0x1A0 ss:$0x1], $0xffff;
	v4 =	vmax.f32 v4, $0.0e+00  }
0x19b: {  	v14 =	vld.idx.msk [tilespmem:v2+s31+$0x10 ss:$0x1], $0xffff;
	[tilespmem:v2+s29+$0xFFFFFE60 ss:$0x1] =	vst.idx.msk $0xffff, v4  }
0x19c: {  	v4 =	vadd.f32 v8, v6;
	v6 =	vld.idx.msk [tilespmem:v2+s31+$0x1A0 ss:$0x1], $0xffff  }
0x19d: {  	v8 =	vld.idx.msk [tilespmem:v2+s31+$0x90 ss:$0x1], $0xffff  }
0x19e: {  	v12 =	vadd.f32 v12, v13;
	v13 =	vld.idx.msk [tilespmem:v2+s31+$0x110 ss:$0x1], $0xffff  }
0x19f: {  	v15 =	vld.idx.msk [tilespmem:v2+s16+$0xD0 ss:$0x1], $0xffff  }
0x1a0: {  	v7 =	vadd.f32 v11, v7;
	v11 =	vld.idx.msk [tilespmem:v2+s16+$0x150 ss:$0x1], $0xffff  }
0x1a1: {  	v9 =	vadd.f32 v14, v9;
	v14 =	vld.idx.msk [tilespmem:v2+s29+$0xFFFFFE70 ss:$0x1], $0xffff  }
0x1a2: {  	v6 =	vadd.f32 v6, v7;
	v7 =	vld.idx.msk [tilespmem:v2+s17+$0x60 ss:$0x1], $0xffff  }
0x1a3: {  	v9 =	vmax.f32 v9, $0.0e+00;
	v4 =	vadd.f32 v8, v4;
	v8 =	vld.idx.msk [tilespmem:v2+s16+$0x60 ss:$0x1], $0xffff  }
0x1a4: {  	v6 =	vmax.f32 v6, $0.0e+00;
	[tilespmem:v2+s25+$0xFFFFFE20 ss:$0x1] =	vst.idx.msk $0xffff, v9;
	v9 =	vadd.f32 v13, v12;
	v12 =	vld.idx.msk [tilespmem:v2+s26+$0x170 ss:$0x1], $0xffff;
	s26 =	smov.u32 s16;
	s16 =	smov.u32 s31  }
0x1a5: {  	v4 =	vmax.f32 v4, $0.0e+00;
	v5 =	vadd.f32 v15, v5;
	v13 =	vld.idx.msk [tilespmem:v2+s25+$0xFFFFFE30 ss:$0x1], $0xffff;
	[tilespmem:v2+s25+$0xFFFFFFB0 ss:$0x1] =	vst.idx.msk $0xffff, v6  }
0x1a6: {  	[tilespmem:v2+s25+$0xFFFFFEA0 ss:$0x1] =	vst.idx.msk $0xffff, v4;
	v4 =	vmax.f32 v9, $0.0e+00;
	v6 =	vld.idx.msk [tilespmem:v2+s25+$0xFFFFFFC0 ss:$0x1], $0xffff;
	v9 =	vadd.f32 v11, v10  }
0x1a7: {  	v5 =	vmax.f32 v5, $0.0e+00;
	[tilespmem:v2+s25+$0xFFFFFF20 ss:$0x1] =	vst.idx.msk $0xffff, v4;
	v4 =	vld.idx.msk [tilespmem:v2+s30+$0x1B0 ss:$0x1], $0xffff  }
0x1a8: {  	v7 =	vadd.f32 v7, v14;
	v10 =	vld.idx.msk [tilespmem:v2+s30+$0x20 ss:$0x1], $0xffff;
	[tilespmem:v2+s29+$0xFFFFFEE0 ss:$0x1] =	vst.idx.msk $0xffff, v5;
	v5 =	vmax.f32 v9, $0.0e+00  }
0x1a9: {  	v9 =	vld.idx.msk [tilespmem:v2+s31+$0x1B0 ss:$0x1], $0xffff;
	[tilespmem:v2+s29+$0xFFFFFF60 ss:$0x1] =	vst.idx.msk $0xffff, v5  }
0x1aa: {  	v7 =	vadd.f32 v8, v7;
	v3 =	vadd.f32 v12, v3;
	v5 =	vld.idx.msk [tilespmem:v2+s25+$0xFFFFFEB0 ss:$0x1], $0xffff  }
0x1ab: {  	v8 =	vld.idx.msk [tilespmem:v2+s30+$0xA0 ss:$0x1], $0xffff  }
0x1ac: {  	v7 =	vmax.f32 v7, $0.0e+00;
	v3 =	vmax.f32 v3, $0.0e+00;
	v11 =	vld.idx.msk [tilespmem:v2+s25+$0xFFFFFF30 ss:$0x1], $0xffff  }
0x1ad: {  	v4 =	vadd.f32 v4, v6;
	v12 =	vld.idx.msk [tilespmem:v2+s30+$0x120 ss:$0x1], $0xffff;
	[tilespmem:v2+s29+$0xFFFFFE70 ss:$0x1] =	vst.idx.msk $0xffff, v7  }
0x1ae: {  	v6 =	vadd.f32 v10, v13;
	v7 =	vld.idx.msk [tilespmem:v2+s31+$0x20 ss:$0x1], $0xffff;
	[tilespmem:v2+s28+$0xFFFFFF80 ss:$0x1] =	vst.idx.msk $0xffff, v3;
	s28 =	smov.u32 s29;
	s29 =	smov.u32 s25  }
0x1af: {  	v4 =	vadd.f32 v9, v4;
	v3 =	vld.idx.msk [tilespmem:v2+s31+$0xA0 ss:$0x1], $0xffff  }
0x1b0: {  	v9 =	vld.idx.msk [tilespmem:v2+s31+$0x120 ss:$0x1], $0xffff  }
0x1b1: {  	v5 =	vadd.f32 v8, v5;
	v4 =	vmax.f32 v4, $0.0e+00;
	v8 =	vld.idx.msk [tilespmem:v2+s28+$0xFFFFFEF0 ss:$0x1], $0xffff  }
0x1b2: {  	[tilespmem:v2+s25+$0xFFFFFFC0 ss:$0x1] =	vst.idx.msk $0xffff, v4;
	v4 =	vld.idx.msk [tilespmem:v2+s17+$0xE0 ss:$0x1], $0xffff  }
0x1b3: {  	v10 =	vadd.f32 v12, v11;
	v11 =	vld.idx.msk [tilespmem:v2+s25+$0xFFFFFFD0 ss:$0x1], $0xffff  }
0x1b4: {  	v6 =	vadd.f32 v7, v6;
	v7 =	vld.idx.msk [tilespmem:v2+s30+$0x1C0 ss:$0x1], $0xffff  }
0x1b5: {  	v3 =	vadd.f32 v3, v5;
	v5 =	vld.idx.msk [tilespmem:v2+s28+$0xFFFFFF70 ss:$0x1], $0xffff  }
0x1b6: {  	v6 =	vmax.f32 v6, $0.0e+00;
	v9 =	vadd.f32 v9, v10;
	v10 =	vld.idx.msk [tilespmem:v2+s31+$0x1C0 ss:$0x1], $0xffff  }
0x1b7: {  	v3 =	vmax.f32 v3, $0.0e+00;
	[tilespmem:v2+s25+$0xFFFFFE30 ss:$0x1] =	vst.idx.msk $0xffff, v6;
	v6 =	vld.idx.msk [tilespmem:v2+s17+$0x160 ss:$0x1], $0xffff  }
0x1b8: {  	v4 =	vadd.f32 v4, v8;
	v12 =	vld.idx.msk [tilespmem:v2+s25+$0xFFFFFE40 ss:$0x1], $0xffff;
	[tilespmem:v2+s25+$0xFFFFFEB0 ss:$0x1] =	vst.idx.msk $0xffff, v3;
	v3 =	vmax.f32 v9, $0.0e+00  }
0x1b9: {  	v8 =	vld.idx.msk [tilespmem:v2+s30+$0x30 ss:$0x1], $0xffff;
	[tilespmem:v2+s25+$0xFFFFFF30 ss:$0x1] =	vst.idx.msk $0xffff, v3  }
0x1ba: {  	v7 =	vadd.f32 v7, v11;
	v3 =	vld.idx.msk [tilespmem:v2+s25+$0xFFFFFEC0 ss:$0x1], $0xffff  }
0x1bb: {  	v9 =	vld.idx.msk [tilespmem:v2+s30+$0xB0 ss:$0x1], $0xffff  }
0x1bc: {  	v7 =	vadd.f32 v10, v7;
	v11 =	vld.idx.msk [tilespmem:v2+s25+$0xFFFFFF40 ss:$0x1], $0xffff  }
0x1bd: {  	v5 =	vadd.f32 v6, v5;
	v10 =	vld.idx.msk [tilespmem:v2+s30+$0x130 ss:$0x1], $0xffff  }
0x1be: {  	v7 =	vmax.f32 v7, $0.0e+00;
	v6 =	vld.idx.msk [tilespmem:v2+s31+$0x30 ss:$0x1], $0xffff  }
0x1bf: {  	v8 =	vadd.f32 v8, v12;
	v12 =	vld.idx.msk [tilespmem:v2+s31+$0xB0 ss:$0x1], $0xffff;
	[tilespmem:v2+s25+$0xFFFFFFD0 ss:$0x1] =	vst.idx.msk $0xffff, v7  }
0x1c0: {  	v7 =	vld.idx.msk [tilespmem:v2+s25+$0xFFFFFFE0 ss:$0x1], $0xffff  }
0x1c1: {  	v3 =	vadd.f32 v9, v3;
	v9 =	vld.idx.msk [tilespmem:v2+s30+$0x1D0 ss:$0x1], $0xffff  }
0x1c2: {  	v13 =	vld.idx.msk [tilespmem:v2+s31+$0x130 ss:$0x1], $0xffff  }
0x1c3: {  	v10 =	vadd.f32 v10, v11;
	v11 =	vld.idx.msk [tilespmem:v2+s31+$0x1D0 ss:$0x1], $0xffff  }
0x1c4: {  	v6 =	vadd.f32 v6, v8;
	v8 =	vld.idx.msk [tilespmem:v2+s26+$0xE0 ss:$0x1], $0xffff  }
0x1c5: {  	v3 =	vadd.f32 v12, v3;
	v12 =	vld.idx.msk [tilespmem:v2+s26+$0x160 ss:$0x1], $0xffff  }
0x1c6: {  	v6 =	vmax.f32 v6, $0.0e+00;
	v14 =	vld.idx.msk [tilespmem:v2+s28+$0xFFFFFE80 ss:$0x1], $0xffff  }
0x1c7: {  	v3 =	vmax.f32 v3, $0.0e+00;
	[tilespmem:v2+s25+$0xFFFFFE40 ss:$0x1] =	vst.idx.msk $0xffff, v6;
	v6 =	vadd.f32 v9, v7;
	v7 =	vld.idx.msk [tilespmem:v2+s17+$0x70 ss:$0x1], $0xffff  }
0x1c8: {  	v9 =	vld.idx.msk [tilespmem:v2+s25+$0xFFFFFE50 ss:$0x1], $0xffff;
	[tilespmem:v2+s25+$0xFFFFFEC0 ss:$0x1] =	vst.idx.msk $0xffff, v3;
	v3 =	vadd.f32 v13, v10  }
0x1c9: {  	v10 =	vld.idx.msk [tilespmem:v2+s30+$0x40 ss:$0x1], $0xffff;
	v6 =	vadd.f32 v11, v6  }
0x1ca: {  	v4 =	vadd.f32 v8, v4;
	v11 =	vld.idx.msk [tilespmem:v2+s25+$0xFFFFFED0 ss:$0x1], $0xffff;
	v3 =	vmax.f32 v3, $0.0e+00  }
0x1cb: {  	v5 =	vadd.f32 v12, v5;
	v8 =	vld.idx.msk [tilespmem:v2+s30+$0xC0 ss:$0x1], $0xffff;
	[tilespmem:v2+s25+$0xFFFFFF40 ss:$0x1] =	vst.idx.msk $0xffff, v3;
	v3 =	vmax.f32 v6, $0.0e+00  }
0x1cc: {  	v6 =	vld.idx.msk [tilespmem:v2+s25+$0xFFFFFF50 ss:$0x1], $0xffff;
	[tilespmem:v2+s25+$0xFFFFFFE0 ss:$0x1] =	vst.idx.msk $0xffff, v3;
	v3 =	vmax.f32 v4, $0.0e+00  }
0x1cd: {  	v12 =	vadd.f32 v7, v14;
	v4 =	vld.idx.msk [tilespmem:v2+s25+$0xFFFFFFF0 ss:$0x1], $0xffff;
	[tilespmem:v2+s28+$0xFFFFFEF0 ss:$0x1] =	vst.idx.msk $0xffff, v3;
	v3 =	vmax.f32 v5, $0.0e+00  }
0x1ce: {  	v5 =	vld.idx.msk [tilespmem:v2+s30+$0x1E0 ss:$0x1], $0xffff;
	[tilespmem:v2+s28+$0xFFFFFF70 ss:$0x1] =	vst.idx.msk $0xffff, v3  }
0x1cf: {  	v3 =	vadd.f32 v10, v9;
	v7 =	vld.idx.msk [tilespmem:v2+s30+$0x140 ss:$0x1], $0xffff  }
0x1d0: {  	v9 =	vld.idx.msk [tilespmem:v2+s31+$0x1E0 ss:$0x1], $0xffff  }
0x1d1: {  	v8 =	vadd.f32 v8, v11;
	v10 =	vld.idx.msk [tilespmem:v2+s31+$0x40 ss:$0x1], $0xffff  }
0x1d2: {  	v11 =	vld.idx.msk [tilespmem:v2+s31+$0xC0 ss:$0x1], $0xffff  }
0x1d3: {  	v13 =	vld.idx.msk [tilespmem:v2+s31+$0x140 ss:$0x1], $0xffff  }
0x1d4: {  	v4 =	vadd.f32 v5, v4;
	v14 =	vld.idx.msk [tilespmem:v2+s28+$0xFFFFFF00 ss:$0x1], $0xffff  }
0x1d5: {  	v5 =	vadd.f32 v7, v6;
	v7 =	vld.idx.msk [tilespmem:v2+s17+$0xF0 ss:$0x1], $0xffff  }
0x1d6: {  	v4 =	vadd.f32 v9, v4;
	v9 =	vld.idx.msk [tilespmem:v2+s28+$0xFFFFFF80 ss:$0x1], $0xffff  }
0x1d7: {  	v3 =	vadd.f32 v10, v3;
	v15 =	vld.idx.msk [tilespmem:v2+s17+$0x170 ss:$0x1], $0xffff;
	s17 =	smov.u32 s30  }
0x1d8: {  	v6 =	vadd.f32 v11, v8;
	v4 =	vmax.f32 v4, $0.0e+00;
	v16 =	vld.idx.msk [tilespmem:v2+s26+$0x70 ss:$0x1], $0xffff  }
0x1d9: {  	v3 =	vmax.f32 v3, $0.0e+00;
	v8 =	vadd.f32 v13, v5;
	[tilespmem:v2+s25+$0xFFFFFFF0 ss:$0x1] =	vst.idx.msk $0xffff, v4;
	v4 =	vld.idx.msk [tilespmem:v2+s26+$0xF0 ss:$0x1], $0xffff  }
.Ltmp1:
0x1da: {  	[tilespmem:v2+s25+$0xFFFFFE50 ss:$0x1] =	vst.idx.msk $0xffff, v3;
	v3 =	vmax.f32 v6, $0.0e+00;
	v5 =	vld.idx.msk [tilespmem:v2+s25+$0x0 ss:$0x1], $0xffff;
	(pc) =	sbr.rel @p1 .LBB2_5-.Ltmp1, $4  }
0x1db: {  	[tilespmem:v2+s25+$0xFFFFFED0 ss:$0x1] =	vst.idx.msk $0xffff, v3;
	v3 =	vmax.f32 v8, $0.0e+00;
	v6 =	vld.idx.msk [tilespmem:v2+s30+$0x1F0 ss:$0x1], $0xffff;
	v8 =	vadd.f32 v7, v14  }
0x1dc: {  	v10 =	vld.idx.msk [tilespmem:v2+s25+$0xFFFFFE60 ss:$0x1], $0xffff;
	[tilespmem:v2+s25+$0xFFFFFF50 ss:$0x1] =	vst.idx.msk $0xffff, v3  }
0x1dd: {  	v3 =	vadd.f32 v15, v9;
	v7 =	vld.idx.msk [tilespmem:v2+s31+$0x1F0 ss:$0x1], $0xffff  }
0x1de: {  	s25 =	sadd.s32 $0x200, s25;
	v9 =	vadd.f32 v16, v12;
	v11 =	vld.idx.msk [tilespmem:v2+s30+$0x50 ss:$0x1], $0xffff  }
0x1df: {  	_ =	sdelay $0x3  }
0x1e0: {  	v12 =	vld.idx.msk [tilespmem:v2+s29+$0xFFFFFEE0 ss:$0x1], $0xffff  }
0x1e1: {  	v13 =	vld.idx.msk [tilespmem:v2+s17+$0xD0 ss:$0x1], $0xffff  }
0x1e2: {  	v14 =	vld.idx.msk [tilespmem:v2+s16+$0x50 ss:$0x1], $0xffff  }
0x1e3: {  	v15 =	vld.idx.msk [tilespmem:v2+s29+$0xFFFFFF60 ss:$0x1], $0xffff  }
0x1e4: {  	v16 =	vld.idx.msk [tilespmem:v2+s17+$0x150 ss:$0x1], $0xffff  }
0x1e5: {  	v35 =	vld.idx.msk [tilespmem:v2+s16+$0xD0 ss:$0x1], $0xffff;
	v10 =	vadd.f32 v11, v10;
	_ =	sdelay $0x1  }
0x1e6: {  	v36 =	vld.idx.msk [tilespmem:v2+s16+$0x150 ss:$0x1], $0xffff;
	v10 =	vadd.f32 v14, v10  }
0x1e7: {  	v12 =	vadd.f32 v13, v12  }
0x1e8: {  	v10 =	vmax.f32 v10, $0.0e+00  }
0x1e9: {  	v37 =	vadd.f32 v16, v15;
	v38 =	vadd.f32 v35, v12;
	[tilespmem:v2+s29+$0xFFFFFE60 ss:$0x1] =	vst.idx.msk $0xffff, v10  }
0x1ea: {  	v39 =	vld.idx.msk [tilespmem:v2+s29+$0xFFFFFE70 ss:$0x1], $0xffff  }
0x1eb: {  	v13 =	vadd.f32 v36, v37;
	v10 =	vmax.f32 v38, $0.0e+00;
	v40 =	vld.idx.msk [tilespmem:v2+s17+$0x60 ss:$0x1], $0xffff  }
0x1ec: {  	v41 =	vld.idx.msk [tilespmem:v2+s16+$0x60 ss:$0x1], $0xffff;
	[tilespmem:v2+s29+$0xFFFFFEE0 ss:$0x1] =	vst.idx.msk $0xffff, v10  }
0x1ed: {  	v42 =	vmax.f32 v13, $0.0e+00;
	v43 =	vld.idx.msk [tilespmem:v2+s29+$0xFFFFFEF0 ss:$0x1], $0xffff  }
0x1ee: {  	[tilespmem:v2+s29+$0xFFFFFF60 ss:$0x1] =	vst.idx.msk $0xffff, v42;
	v44 =	vld.idx.msk [tilespmem:v2+s17+$0xE0 ss:$0x1], $0xffff  }
0x1ef: {  	v45 =	vld.idx.msk [tilespmem:v2+s29+$0xFFFFFF70 ss:$0x1], $0xffff  }
0x1f0: {  	v46 =	vld.idx.msk [tilespmem:v2+s17+$0x160 ss:$0x1], $0xffff  }
0x1f1: {  	v17 =	vld.idx.msk [tilespmem:v2+s16+$0xE0 ss:$0x1], $0xffff;
	v11 =	vadd.f32 v40, v39;
	_ =	sdelay $0x1  }
0x1f2: {  	v47 =	vld.idx.msk [tilespmem:v2+s16+$0x160 ss:$0x1], $0xffff;
	v11 =	vadd.f32 v41, v11  }
0x1f3: {  	v10 =	vadd.f32 v44, v43  }
0x1f4: {  	v11 =	vmax.f32 v11, $0.0e+00  }
0x1f5: {  	v49 =	vld.idx.msk [tilespmem:v2+s26+$0x170 ss:$0x1], $0xffff;
	v48 =	vadd.f32 v46, v45;
	v10 =	vadd.f32 v17, v10;
	[tilespmem:v2+s29+$0xFFFFFE70 ss:$0x1] =	vst.idx.msk $0xffff, v11  }
0x1f6: {  	v11 =	vld.idx.msk [tilespmem:v2+s29+$0xFFFFFE80 ss:$0x1], $0xffff  }
0x1f7: {  	v12 =	vadd.f32 v47, v48;
	v10 =	vmax.f32 v10, $0.0e+00;
	v50 =	vld.idx.msk [tilespmem:v2+s17+$0x70 ss:$0x1], $0xffff  }
0x1f8: {  	[tilespmem:v2+s29+$0xFFFFFEF0 ss:$0x1] =	vst.idx.msk $0xffff, v10;
	v56 =	vld.idx.msk [tilespmem:v2+s16+$0x70 ss:$0x1], $0xffff  }
0x1f9: {  	v51 =	vmax.f32 v12, $0.0e+00;
	v52 =	vld.idx.msk [tilespmem:v2+s29+$0xFFFFFF00 ss:$0x1], $0xffff  }
0x1fa: {  	[tilespmem:v2+s29+$0xFFFFFF70 ss:$0x1] =	vst.idx.msk $0xffff, v51;
	v53 =	vld.idx.msk [tilespmem:v2+s17+$0xF0 ss:$0x1], $0xffff  }
0x1fb: {  	v54 =	vld.idx.msk [tilespmem:v2+s29+$0xFFFFFF80 ss:$0x1], $0xffff  }
0x1fc: {  	v55 =	vld.idx.msk [tilespmem:v2+s17+$0x170 ss:$0x1], $0xffff  }
0x1fd: {  	v5 =	vadd.f32 v6, v5;
	v57 =	vld.idx.msk [tilespmem:v2+s16+$0xF0 ss:$0x1], $0xffff  }
0x1fe: {  	v4 =	vadd.f32 v4, v8;
	v58 =	vld.idx.msk [tilespmem:v2+s16+$0x170 ss:$0x1], $0xffff  }
0x1ff: {  	v9 =	vmax.f32 v9, $0.0e+00;
	v5 =	vadd.f32 v7, v5;
	v59 =	vadd.f32 v50, v11  }
0x200: {  	[tilespmem:v2+s28+$0xFFFFFE80 ss:$0x1] =	vst.idx.msk $0xffff, v9;
	v4 =	vmax.f32 v4, $0.0e+00;
	v3 =	vadd.f32 v49, v3;
	v60 =	vadd.f32 v53, v52  }
0x201: {  	[tilespmem:v2+s28+$0xFFFFFF00 ss:$0x1] =	vst.idx.msk $0xffff, v4;
	v61 =	vmax.f32 v5, $0.0e+00;
	v62 =	vadd.f32 v55, v54;
	v7 =	vadd.f32 v56, v59  }
0x202: {  	[tilespmem:v2+s29+$0x0 ss:$0x1] =	vst.idx.msk $0xffff, v61;
	v3 =	vmax.f32 v3, $0.0e+00;
	s16 =	sadd.s32 $0x2, s15;
	v63 =	vadd.f32 v57, v60  }
0x203: {  	[tilespmem:v2+s28+$0xFFFFFF80 ss:$0x1] =	vst.idx.msk $0xffff, v3;
	s30 =	sand.u32 $0xFF, s16;
	v5 =	vadd.f32 v58, v62;
	v3 =	vmax.f32 v7, $0.0e+00  }
0x204: {  	s0 =	sshll.u32 s0, $0x7;
	p1 =	sgt.u32 s15, $0xF7;
	s17 =	smul.u32 $0xAB, s30;
	[tilespmem:v2+s29+$0xFFFFFE80 ss:$0x1] =	vst.idx.msk $0xffff, v3;
	v3 =	vmax.f32 v63, $0.0e+00  }
0x205: {  	s6 =	sadd.s32 $0x400, s6;
	s0 =	sadd.s32 $0x200, s0;
	p2 =	seq.s32 @!p1 s15, $0x0;
	[tilespmem:v2+s29+$0xFFFFFF00 ss:$0x1] =	vst.idx.msk $0xffff, v3;
	v3 =	vmax.f32 v5, $0.0e+00  }
0x206: {  	p2 =	por p2, p1;
	s31 =	sshrl.u32 s17, $0x9;
	s17 =	smul.u32 @!p1 $0x28, s16;
	[tilespmem:v2+s29+$0xFFFFFF80 ss:$0x1] =	vst.idx.msk $0xffff, v3  }
0x207: {  	[spmem:s4] =	stream.indirect.scatter.add.f32 [tilespmem:s6], [sflag:$0x2], $0x80, s0, s24, $0xb8;
	[tilespmem:$0x1F080] =	vst v63  }
0x208: {  	s0 =	smul.u32 $0x3, s31;
	s6 =	simm.s32 @!p2 $0x2  }
0x209: {  	_ =	swait.ge @!p2 [sflag:s6], $0x1400  }
0x20a: {  	s0 =	ssub.s32 s16, s0;
	[sflag:s6] =	ssyncset.done @!p2 $0x0;
	s16 =	sadd.s32 @!p1 s9, s17  }
0x20b: {  	s0 =	sand.u32 $0xFF, s0;
	[sflag:s6] =	ssyncadd.s32 @!p2 $0xFFFFEC00;
	s6 =	sshrl.u32 @!p1 s16, $0x3  }
0x20c: {  	s25 =	simm.s32 @!p1 $0x0;
	s17 =	sshll.u32 @!p1 s0, $0x7;
	s19 =	sadd.s32 @!p1 s1, s6  }
0x20d: {  	[tilespmem:s17], [sflag:$0x3] =	stream.linear.gather @!p1 [hbm4b:s19+s25], $0x28, $0x38;
	[tilespmem:$0x1F080] =	vst v63  }
0x20e: {  	s19 =	simm.s32 @!p1 $0x3  }
0x20f: {  	_ =	swait.ge @!p1 [sflag:s19], $0x28  }
0x210: {  	[sflag:s19] =	ssyncset.done @!p1 $0x0  }
0x211: {  	s6 =	sadd.s32 @!p1 s2, s6;
	s26 =	sadd.s32 @!p1 $0x200, s17;
	[sflag:s19] =	ssyncadd.s32 @!p1 $0xFFFFFFD8  }
0x212: {  	[tilespmem:s26], [sflag:$0x3] =	stream.linear.gather @!p1 [hbm4b:s6+s25], $0x28, $0x38;
	[tilespmem:$0x1F080] =	vst v63  }
0x213: {  	s0 =	smul.u32 @!p1 $0x1400, s0;
	_ =	swait.ge @!p1 [sflag:s19], $0x28  }
0x214: {  	[sflag:s19] =	ssyncset.done @!p1 $0x0  }
0x215: {  	s6 =	sadd.s32 @!p1 $0x400, s0;
	[sflag:s19] =	ssyncadd.s32 @!p1 $0xFFFFFFD8;
	s19 =	simm.s32 @!p1 $0x28  }
0x216: {  	[tilespmem:s6], [sflag:$0x1] =	stream.indirect.gather @!p1 [hbm4b:s3+s19], $0x80, s17, s19, $0xb8;
	[tilespmem:$0x1F080] =	vst v63  }
0x217: {  	s6 =	sadd.s32 @!p1 $0x4000, s0  }
0x218: {  	[tilespmem:s6], [sflag:$0x1] =	stream.indirect.gather @!p1 [hbm4b:s7+s19], $0x80, s26, s19, $0xb8;
	[tilespmem:$0x1F080] =	vst v63  }
0x219: {  	s6 =	sshll.u32 @!p1 s16, $0x4  }
0x21a: {  	s15 =	sadd.s32 $0x1, s15;
	s0 =	sadd.s32 @!p1 $0x7C00, s0;
	s6 =	sadd.s32 @!p1 s8, s6  }
0x21b: {  	[tilespmem:s0], [sflag:$0x1] =	stream.linear.gather @!p1 [hbm4b:s6+s25], $0x1400, $0x38;
	[tilespmem:$0x1F080] =	vst v63  }
0x21c: {  	p1 =	sne.s32 s15, $0xFA  }
.Ltmp2:
0x21d: {  	_ = 	snop;
	(pc) =	sbr.rel @p1 .LBB2_4-.Ltmp2, $2  }
0x21e: {  	_ =	sdelay $0x2  }
0x21f: {  	s18 =	sadd.s32 $0x1400, s18;
	s22 =	sadd.s32 $0x1400, s22;
	s14 =	sadd.s32 $0x1400, s14  }
0x220: {  	_ =	swait.ge [sflag:s13], $0x1400  }
0x221: {  	[sflag:s13] =	ssyncset.done $0x0  }
0x222: {  	[sflag:s13] =	ssyncadd.s32 $0xFFFFEC00  }
0x223: {  	_ =	swait.ge [sflag:s13], $0x1400  }
0x224: {  	[sflag:s13] =	ssyncset.done $0x0  }
0x225: {  	[sflag:s13] =	ssyncadd.s32 $0xFFFFEC00  }
0x226: {  	_ =	swait.ge [sflag:s13], $0x1400  }
0x227: {  	[sflag:s13] =	ssyncset.done $0x0  }
0x228: {  	s0 =	stileid.u32;
	[sflag:s13] =	ssyncadd.s32 $0xFFFFEC00  }
0x229: {  	s0 =	sshll.u32 s0, $0x6;
	[bflag:$0x0] =	sbarrier.arrive $0xFFFF  }
0x22a: {  	s15 =	sor.u32 $0x1C03, s0;
	s0 =	sshrl.u32 s10, $0x3;
	s6 =	rddreg [dreg:$0xb]  }
0x22b: {  	[hbm:s6], [sflag:s15] =	dma.local [spmem:s0], $0x2700  }
0x22c: {  	_ =	swait.ge [sflag:s23], $0x2700  }
0x22d: {  	[sflag:s23] =	ssyncset.done $0x0  }
0x22e: {  	s6 =	sshrl.u32 @!p0 s20, $0x3;
	s14 =	rddreg [dreg:$0xc];
	[sflag:s23] =	ssyncadd.s32 $0xFFFFD900  }
0x22f: {  	[hbm:s14], [sflag:s15] =	dma.local @!p0 [spmem:s6], $0x100  }
0x230: {  	s14 =	simm.s32 @!p0 $0x3  }
0x231: {  	_ =	swait.ge @!p0 [sflag:s14], $0x100  }
0x232: {  	[sflag:s14] =	ssyncset.done @!p0 $0x0  }
0x233: {  	[sflag:s14] =	ssyncadd.s32 @!p0 $0xFFFFFF00;
	s14 =	simm.s32 $0x7D00  }
0x234: {  	[tilespmem:s14+$0xFFFFFF00] =	vst v0  }
0x235: {  	[tilespmem:s14+$0xF0] =	vst v0  }
0x236: {  	[tilespmem:s14+$0xE0] =	vst v0  }
0x237: {  	[tilespmem:s14+$0xD0] =	vst v0  }
0x238: {  	[tilespmem:s14+$0xC0] =	vst v0  }
0x239: {  	[tilespmem:s14+$0xB0] =	vst v0  }
0x23a: {  	[tilespmem:s14+$0xA0] =	vst v0  }
0x23b: {  	[tilespmem:s14+$0x90] =	vst v0  }
0x23c: {  	[tilespmem:s14+$0x80] =	vst v0  }
0x23d: {  	[tilespmem:s14+$0x70] =	vst v0  }
0x23e: {  	[tilespmem:s14+$0x60] =	vst v0  }
0x23f: {  	[tilespmem:s14+$0x50] =	vst v0  }
0x240: {  	[tilespmem:s14+$0x40] =	vst v0  }
0x241: {  	[tilespmem:s14+$0x30] =	vst v0  }
0x242: {  	[tilespmem:s14+$0x20] =	vst v0  }
0x243: {  	[tilespmem:s14+$0x10] =	vst v0  }
0x244: {  	[tilespmem:s14+$0x0] =	vst v0  }
0x245: {  	[tilespmem:s14+$0xFFFFFFF0] =	vst v0  }
0x246: {  	[tilespmem:s14+$0xFFFFFFE0] =	vst v0  }
0x247: {  	[tilespmem:s14+$0xFFFFFFD0] =	vst v0  }
0x248: {  	[tilespmem:s14+$0xFFFFFFC0] =	vst v0  }
0x249: {  	[tilespmem:s14+$0xFFFFFFB0] =	vst v0  }
0x24a: {  	[tilespmem:s14+$0xFFFFFFA0] =	vst v0  }
0x24b: {  	[tilespmem:s14+$0xFFFFFF90] =	vst v0  }
0x24c: {  	[tilespmem:s14+$0xFFFFFF80] =	vst v0  }
0x24d: {  	[tilespmem:s14+$0xFFFFFF70] =	vst v0  }
0x24e: {  	[tilespmem:s14+$0xFFFFFF60] =	vst v0  }
0x24f: {  	[tilespmem:s14+$0xFFFFFF50] =	vst v0  }
0x250: {  	[tilespmem:s14+$0xFFFFFF40] =	vst v0  }
0x251: {  	[tilespmem:s14+$0xFFFFFF30] =	vst v0  }
0x252: {  	s16 =	simm.s32 $0x0;
	[tilespmem:s14+$0xFFFFFF20] =	vst v0  }
.LBB2_8:
0x253: {  	s16 =	sadd.s32 $0x4, s16;
	[tilespmem:s14+$0xFFFFFF10] =	vst v0;
	s14 =	sadd.s32 $0x200, s14  }
0x254: {  	[tilespmem:s14+$0xFFFFFF00] =	vst v0;
	p1 =	slt.u32 s16, $0x24  }
0x255: {  	[tilespmem:s14+$0xF0] =	vst v0  }
0x256: {  	[tilespmem:s14+$0xE0] =	vst v0  }
0x257: {  	[tilespmem:s14+$0xD0] =	vst v0  }
0x258: {  	[tilespmem:s14+$0xC0] =	vst v0  }
0x259: {  	[tilespmem:s14+$0xB0] =	vst v0  }
0x25a: {  	[tilespmem:s14+$0xA0] =	vst v0  }
0x25b: {  	[tilespmem:s14+$0x90] =	vst v0  }
0x25c: {  	[tilespmem:s14+$0x80] =	vst v0  }
0x25d: {  	[tilespmem:s14+$0x70] =	vst v0  }
0x25e: {  	[tilespmem:s14+$0x60] =	vst v0  }
0x25f: {  	[tilespmem:s14+$0x50] =	vst v0  }
0x260: {  	[tilespmem:s14+$0x40] =	vst v0  }
0x261: {  	[tilespmem:s14+$0x30] =	vst v0  }
0x262: {  	[tilespmem:s14+$0x20] =	vst v0  }
0x263: {  	[tilespmem:s14+$0x10] =	vst v0  }
0x264: {  	[tilespmem:s14+$0x0] =	vst v0  }
0x265: {  	[tilespmem:s14+$0xFFFFFFF0] =	vst v0  }
0x266: {  	[tilespmem:s14+$0xFFFFFFE0] =	vst v0  }
0x267: {  	[tilespmem:s14+$0xFFFFFFD0] =	vst v0  }
0x268: {  	[tilespmem:s14+$0xFFFFFFC0] =	vst v0  }
0x269: {  	[tilespmem:s14+$0xFFFFFFB0] =	vst v0  }
0x26a: {  	[tilespmem:s14+$0xFFFFFFA0] =	vst v0  }
0x26b: {  	[tilespmem:s14+$0xFFFFFF90] =	vst v0  }
0x26c: {  	[tilespmem:s14+$0xFFFFFF80] =	vst v0  }
0x26d: {  	[tilespmem:s14+$0xFFFFFF70] =	vst v0  }
.Ltmp3:
0x26e: {  	[tilespmem:s14+$0xFFFFFF60] =	vst v0;
	(pc) =	sbr.rel @p1 .LBB2_8-.Ltmp3, $4  }
0x26f: {  	[tilespmem:s14+$0xFFFFFF50] =	vst v0  }
0x270: {  	[tilespmem:s14+$0xFFFFFF40] =	vst v0  }
0x271: {  	[tilespmem:s14+$0xFFFFFF30] =	vst v0  }
0x272: {  	[tilespmem:s14+$0xFFFFFF20] =	vst v0  }
0x273: {  	[tilespmem:s14+$0xFFFFFF10] =	vst v0  }
0x274: {  	[spmem:s10] =	stream.linear.scatter [tilespmem:s21], [sflag:$0x3], $0x1400, $0x38;
	[tilespmem:$0x1F080] =	vst v63  }
0x275: {  	_ =	swait.ge [sflag:s23], $0x1400  }
0x276: {  	[sflag:s23] =	ssyncset.done $0x0  }
0x277: {  	s30 =	rddreg [dreg:$0x6];
	[sflag:s23] =	ssyncadd.s32 $0xFFFFEC00  }
0x278: {  	[spmem:s30] =	stream.linear.scatter [tilespmem:s21], [sflag:$0x3], $0x1400, $0x38;
	[tilespmem:$0x1F080] =	vst v63  }
0x279: {  	_ =	swait.ge [sflag:s23], $0x1400  }
0x27a: {  	[sflag:s23] =	ssyncset.done $0x0  }
0x27b: {  	s31 =	rddreg [dreg:$0x7];
	[sflag:s23] =	ssyncadd.s32 $0xFFFFEC00  }
0x27c: {  	[spmem:s31] =	stream.linear.scatter [tilespmem:s21], [sflag:$0x3], $0x1400, $0x38;
	[tilespmem:$0x1F080] =	vst v63  }
0x27d: {  	_ =	swait.ge [sflag:s23], $0x1400  }
0x27e: {  	[sflag:s23] =	ssyncset.done $0x0  }
0x27f: {  	s25 =	rddreg [dreg:$0x8];
	[sflag:s23] =	ssyncadd.s32 $0xFFFFEC00  }
0x280: {  	[spmem:s25] =	stream.linear.scatter [tilespmem:s21], [sflag:$0x3], $0x1400, $0x38;
	[tilespmem:$0x1F080] =	vst v63  }
0x281: {  	_ =	swait.ge [sflag:s23], $0x1400  }
0x282: {  	[sflag:s23] =	ssyncset.done $0x0  }
0x283: {  	s26 =	rddreg [dreg:$0x15];
	[sflag:s23] =	ssyncadd.s32 $0xFFFFEC00  }
0x284: {  	[spmem:s26] =	stream.linear.scatter [tilespmem:s21], [sflag:$0x3], $0x1400, $0x38;
	[tilespmem:$0x1F080] =	vst v63  }
0x285: {  	_ =	swait.ge [sflag:s23], $0x1400  }
0x286: {  	[sflag:s23] =	ssyncset.done $0x0  }
0x287: {  	s28 =	rddreg [dreg:$0x16];
	[sflag:s23] =	ssyncadd.s32 $0xFFFFEC00  }
0x288: {  	[spmem:s28] =	stream.linear.scatter [tilespmem:s21], [sflag:$0x3], $0x1400, $0x38;
	[tilespmem:$0x1F080] =	vst v63  }
0x289: {  	_ =	swait.ge [sflag:s23], $0x1400  }
0x28a: {  	[sflag:s23] =	ssyncset.done $0x0  }
0x28b: {  	s29 =	rddreg [dreg:$0x17];
	[sflag:s23] =	ssyncadd.s32 $0xFFFFEC00  }
0x28c: {  	[spmem:s29] =	stream.linear.scatter [tilespmem:s21], [sflag:$0x3], $0x1400, $0x38;
	[tilespmem:$0x1F080] =	vst v63  }
0x28d: {  	_ =	swait.ge [sflag:s23], $0x1400  }
0x28e: {  	[sflag:s23] =	ssyncset.done $0x0  }
0x28f: {  	s16 =	rddreg [dreg:$0x18];
	[sflag:s23] =	ssyncadd.s32 $0xFFFFEC00  }
0x290: {  	[spmem:s16] =	stream.linear.scatter [tilespmem:s21], [sflag:$0x3], $0x1400, $0x38;
	[tilespmem:$0x1F080] =	vst v63  }
0x291: {  	_ =	swait.ge [sflag:s23], $0x1400  }
0x292: {  	[sflag:s23] =	ssyncset.done $0x0  }
0x293: {  	s17 =	rddreg [dreg:$0x19];
	[sflag:s23] =	ssyncadd.s32 $0xFFFFEC00  }
0x294: {  	[spmem:s17] =	stream.linear.scatter [tilespmem:s21], [sflag:$0x3], $0x1400, $0x38;
	[tilespmem:$0x1F080] =	vst v63  }
0x295: {  	_ =	swait.ge [sflag:s23], $0x1400  }
0x296: {  	[sflag:s23] =	ssyncset.done $0x0  }
0x297: {  	s18 =	rddreg [dreg:$0x1a];
	[sflag:s23] =	ssyncadd.s32 $0xFFFFEC00  }
0x298: {  	[spmem:s18] =	stream.linear.scatter [tilespmem:s21], [sflag:$0x3], $0x1400, $0x38;
	[tilespmem:$0x1F080] =	vst v63  }
0x299: {  	_ =	swait.ge [sflag:s23], $0x1400  }
0x29a: {  	[sflag:s23] =	ssyncset.done $0x0  }
0x29b: {  	s19 =	rddreg [dreg:$0x1b];
	[sflag:s23] =	ssyncadd.s32 $0xFFFFEC00  }
0x29c: {  	[spmem:s19] =	stream.linear.scatter [tilespmem:s21], [sflag:$0x3], $0x1400, $0x38;
	[tilespmem:$0x1F080] =	vst v63  }
0x29d: {  	_ =	swait.ge [sflag:s23], $0x1400  }
0x29e: {  	[sflag:s23] =	ssyncset.done $0x0  }
0x29f: {  	s22 =	rddreg [dreg:$0x1c];
	[sflag:s23] =	ssyncadd.s32 $0xFFFFEC00  }
0x2a0: {  	[spmem:s22] =	stream.linear.scatter [tilespmem:s21], [sflag:$0x3], $0x1400, $0x38;
	[tilespmem:$0x1F080] =	vst v63  }
0x2a1: {  	_ =	swait.ge [sflag:s23], $0x1400  }
0x2a2: {  	[sflag:s23] =	ssyncset.done $0x0  }
0x2a3: {  	s25 =	rddreg [dreg:$0x1d];
	[sflag:s23] =	ssyncadd.s32 $0xFFFFEC00  }
0x2a4: {  	[spmem:s25] =	stream.linear.scatter [tilespmem:s21], [sflag:$0x3], $0x1400, $0x38;
	[tilespmem:$0x1F080] =	vst v63  }
0x2a5: {  	_ =	swait.ge [sflag:s23], $0x1400  }
0x2a6: {  	[sflag:s23] =	ssyncset.done $0x0  }
0x2a7: {  	s26 =	rddreg [dreg:$0x1e];
	[sflag:s23] =	ssyncadd.s32 $0xFFFFEC00  }
0x2a8: {  	[spmem:s26] =	stream.linear.scatter [tilespmem:s21], [sflag:$0x3], $0x1400, $0x38;
	[tilespmem:$0x1F080] =	vst v63  }
0x2a9: {  	_ =	swait.ge [sflag:s23], $0x1400  }
0x2aa: {  	[sflag:s23] =	ssyncset.done $0x0  }
0x2ab: {  	s28 =	rddreg [dreg:$0x1f];
	[sflag:s23] =	ssyncadd.s32 $0xFFFFEC00  }
0x2ac: {  	[spmem:s28] =	stream.linear.scatter [tilespmem:s21], [sflag:$0x3], $0x1400, $0x38;
	[tilespmem:$0x1F080] =	vst v63  }
0x2ad: {  	_ =	swait.ge [sflag:s23], $0x1400  }
0x2ae: {  	s29 =	sld [smem:$0x7FD]  }
0x2af: {  	[sflag:s23] =	ssyncset.done $0x0  }
0x2b0: {  	[sflag:s23] =	ssyncadd.s32 $0xFFFFEC00  }
0x2b1: {  	[spmem:s29] =	stream.linear.scatter [tilespmem:s21], [sflag:$0x3], $0xC00, $0x38;
	[tilespmem:$0x1F080] =	vst v63  }
0x2b2: {  	_ =	swait.ge [sflag:s23], $0xC00  }
0x2b3: {  	[sflag:s23] =	ssyncset.done $0x0  }
0x2b4: {  	s14 =	simm.s32 @!p0 $0x7C00;
	[sflag:s23] =	ssyncadd.s32 $0xFFFFF400  }
0x2b5: {  	[spmem:s20] =	stream.linear.scatter @!p0 [tilespmem:s14], [sflag:$0x3], $0x800, $0x38;
	[tilespmem:$0x1F080] =	vst v63  }
0x2b6: {  	s14 =	simm.s32 @!p0 $0x3  }
0x2b7: {  	_ =	swait.ge @!p0 [sflag:s14], $0x800  }
0x2b8: {  	[sflag:s14] =	ssyncset.done @!p0 $0x0  }
0x2b9: {  	[sflag:s14] =	ssyncadd.s32 @!p0 $0xFFFFF800;
	s14 =	simm.s32 $0x500  }
0x2ba: {  	[tilespmem:s14+$0xFFFFFF00] =	vst v1  }
0x2bb: {  	[tilespmem:s14+$0xF0] =	vst v1  }
0x2bc: {  	[tilespmem:s14+$0xE0] =	vst v1  }
0x2bd: {  	[tilespmem:s14+$0xD0] =	vst v1  }
0x2be: {  	[tilespmem:s14+$0xC0] =	vst v1  }
0x2bf: {  	[tilespmem:s14+$0xB0] =	vst v1  }
0x2c0: {  	[tilespmem:s14+$0xA0] =	vst v1  }
0x2c1: {  	[tilespmem:s14+$0x90] =	vst v1  }
0x2c2: {  	[tilespmem:s14+$0x80] =	vst v1  }
0x2c3: {  	[tilespmem:s14+$0x70] =	vst v1  }
0x2c4: {  	[tilespmem:s14+$0x60] =	vst v1  }
0x2c5: {  	[tilespmem:s14+$0x50] =	vst v1  }
0x2c6: {  	[tilespmem:s14+$0x40] =	vst v1  }
0x2c7: {  	[tilespmem:s14+$0x30] =	vst v1  }
0x2c8: {  	[tilespmem:s14+$0x20] =	vst v1  }
0x2c9: {  	[tilespmem:s14+$0x10] =	vst v1  }
0x2ca: {  	[tilespmem:s14+$0x0] =	vst v1  }
0x2cb: {  	[tilespmem:s14+$0xFFFFFFF0] =	vst v1  }
0x2cc: {  	[tilespmem:s14+$0xFFFFFFE0] =	vst v1  }
0x2cd: {  	[tilespmem:s14+$0xFFFFFFD0] =	vst v1  }
0x2ce: {  	[tilespmem:s14+$0xFFFFFFC0] =	vst v1  }
0x2cf: {  	[tilespmem:s14+$0xFFFFFFB0] =	vst v1  }
0x2d0: {  	[tilespmem:s14+$0xFFFFFFA0] =	vst v1  }
0x2d1: {  	[tilespmem:s14+$0xFFFFFF90] =	vst v1  }
0x2d2: {  	[tilespmem:s14+$0xFFFFFF80] =	vst v1  }
0x2d3: {  	[tilespmem:s14+$0xFFFFFF70] =	vst v1  }
0x2d4: {  	[tilespmem:s14+$0xFFFFFF60] =	vst v1  }
0x2d5: {  	[tilespmem:s14+$0xFFFFFF50] =	vst v1  }
0x2d6: {  	[tilespmem:s14+$0xFFFFFF40] =	vst v1  }
0x2d7: {  	[tilespmem:s14+$0xFFFFFF30] =	vst v1  }
0x2d8: {  	s16 =	simm.s32 $0x0;
	[tilespmem:s14+$0xFFFFFF20] =	vst v1  }
.LBB2_10:
0x2d9: {  	s16 =	sadd.s32 $0x4, s16;
	[tilespmem:s14+$0xFFFFFF10] =	vst v1;
	s14 =	sadd.s32 $0x200, s14  }
0x2da: {  	[tilespmem:s14+$0xFFFFFF00] =	vst v1;
	p1 =	slt.u32 s16, $0x24  }
0x2db: {  	[tilespmem:s14+$0xF0] =	vst v1  }
0x2dc: {  	[tilespmem:s14+$0xE0] =	vst v1  }
0x2dd: {  	[tilespmem:s14+$0xD0] =	vst v1  }
0x2de: {  	[tilespmem:s14+$0xC0] =	vst v1  }
0x2df: {  	[tilespmem:s14+$0xB0] =	vst v1  }
0x2e0: {  	[tilespmem:s14+$0xA0] =	vst v1  }
0x2e1: {  	[tilespmem:s14+$0x90] =	vst v1  }
0x2e2: {  	[tilespmem:s14+$0x80] =	vst v1  }
0x2e3: {  	[tilespmem:s14+$0x70] =	vst v1  }
0x2e4: {  	[tilespmem:s14+$0x60] =	vst v1  }
0x2e5: {  	[tilespmem:s14+$0x50] =	vst v1  }
0x2e6: {  	[tilespmem:s14+$0x40] =	vst v1  }
0x2e7: {  	[tilespmem:s14+$0x30] =	vst v1  }
0x2e8: {  	[tilespmem:s14+$0x20] =	vst v1  }
0x2e9: {  	[tilespmem:s14+$0x10] =	vst v1  }
0x2ea: {  	[tilespmem:s14+$0x0] =	vst v1  }
0x2eb: {  	[tilespmem:s14+$0xFFFFFFF0] =	vst v1  }
0x2ec: {  	[tilespmem:s14+$0xFFFFFFE0] =	vst v1  }
0x2ed: {  	[tilespmem:s14+$0xFFFFFFD0] =	vst v1  }
0x2ee: {  	[tilespmem:s14+$0xFFFFFFC0] =	vst v1  }
0x2ef: {  	[tilespmem:s14+$0xFFFFFFB0] =	vst v1  }
0x2f0: {  	[tilespmem:s14+$0xFFFFFFA0] =	vst v1  }
0x2f1: {  	[tilespmem:s14+$0xFFFFFF90] =	vst v1  }
0x2f2: {  	[tilespmem:s14+$0xFFFFFF80] =	vst v1  }
0x2f3: {  	[tilespmem:s14+$0xFFFFFF70] =	vst v1  }
.Ltmp4:
0x2f4: {  	[tilespmem:s14+$0xFFFFFF60] =	vst v1;
	(pc) =	sbr.rel @p1 .LBB2_10-.Ltmp4, $4  }
0x2f5: {  	[tilespmem:s14+$0xFFFFFF50] =	vst v1  }
0x2f6: {  	[tilespmem:s14+$0xFFFFFF40] =	vst v1  }
0x2f7: {  	[tilespmem:s14+$0xFFFFFF30] =	vst v1  }
0x2f8: {  	[tilespmem:s14+$0xFFFFFF20] =	vst v1  }
0x2f9: {  	[tilespmem:s14+$0xFFFFFF10] =	vst v1  }
0x2fa: {  	s22 =	simm.s32 $0x0;
	s17 =	simm.s32 $0x200;
	[bflag:$0x0] =	sbarrier.arrive $0xFFFF  }
0x2fb: {  	s18 =	simm.s32 $0x280;
	s25 =	smul.u32 $0xAB, s22;
	s16 =	rddreg [dreg:$0xa]  }
0x2fc: {  	[tilespmem:s17], [sflag:$0x1] =	stream.linear.gather [hbm4b:s16+s22], $0x28, $0x38;
	[tilespmem:$0x1F080] =	vst v63  }
0x2fd: {  	s29 =	simm.s32 $0x2;
	p1 =	por $0x0, $0x0;
	s28 =	sshrl.u32 s25, $0x9  }
0x2fe: {  	p2 =	por @!p1 $0x1, $0x1;
	s26 =	rddreg [dreg:$0x11];
	s14 =	sand.u32 $0x7F, s28  }
0x2ff: {  	p3 =	por p2, p1;
	s16 =	sand.u32 $0xFF, s29;
	s19 =	smul.u32 $0x3, s14  }
0x300: {  	[tilespmem:s18], [sflag:$0x1] =	stream.linear.gather [hbm4b:s26+s22], $0x28, $0x38;
	[tilespmem:$0x1F080] =	vst v63  }
0x301: {  	s17 =	simm.s32 $0x2;
	s16 =	smul.u32 $0xAB, s16;
	s19 =	ssub.s32 $0x0, s19  }
0x302: {  	s25 =	simm.s32 @!p3 $0x2;
	_ =	swait.ge [sflag:s12], $0x28;
	s19 =	sand.u32 $0xFB, s19  }
0x303: {  	s16 =	sshrl.u32 s16, $0x9;
	[sflag:s12] =	ssyncset.done $0x0;
	s19 =	sshll.u32 s19, $0x7  }
0x304: {  	s16 =	smul.u32 $0x3, s16;
	[sflag:s12] =	ssyncadd.s32 $0xFFFFFFD8;
	s19 =	sor.u32 $0x200, s19  }
0x305: {  	[spmem:s4] =	stream.indirect.scatter.add.f32 [tilespmem:s11], [sflag:$0x2], $0x80, s19, s24, $0xb8;
	[tilespmem:$0x1F080] =	vst v63  }
0x306: {  	s14 =	simm.s32 $0x1;
	s16 =	ssub.s32 $0x2, s16;
	_ =	swait.ge @!p3 [sflag:s25], $0x1400  }
0x307: {  	s22 =	simm.s32 @!p1 $0x0;
	s16 =	sand.u32 $0xFF, s16;
	s19 =	rddreg [dreg:$0x14]  }
0x308: {  	s18 =	smul.u32 $0xAB, s14;
	s26 =	sshll.u32 @!p1 s16, $0x7;
	s16 =	sadd.s32 $0x5, s19  }
.LBB2_12:
0x309: {  	s28 =	smul.u32 $0xAB, s17  }
0x30a: {  	[sflag:s25] =	ssyncset.done @!p3 $0x0;
	s29 =	smov.u32 s17;
	s17 =	sadd.s32 $0x1, s17  }
0x30b: {  	s18 =	sshrl.u32 s18, $0x9;
	[sflag:s25] =	ssyncadd.s32 @!p3 $0xFFFFEC00;
	s25 =	sadd.s32 @!p1 $0x200, s26  }
0x30c: {  	[tilespmem:s25], [sflag:$0x1] =	stream.linear.gather @!p1 [hbm4b:s19+s22], $0x28, $0x38;
	[tilespmem:$0x1F080] =	vst v63  }
0x30d: {  	p2 =	sne.s32 s17, $0xFA;
	s18 =	sand.u32 $0x7F, s18;
	s22 =	sadd.s32 $0x2, s14  }
0x30e: {  	s25 =	smul.u32 $0x3, s18;
	s18 =	smov.u32 s28;
	s19 =	sand.u32 $0xFF, s22  }
0x30f: {  	p1 =	sgt.u32 s14, $0xF7;
	s26 =	smul.u32 $0xAB, s19;
	s19 =	smov.u32 s16  }
0x310: {  	p3 =	seq.s32 @!p1 s14, $0x0;
	s25 =	ssub.s32 s14, s25  }
0x311: {  	s25 =	sand.u32 $0xFB, s25;
	s26 =	sshrl.u32 s26, $0x9;
	_ =	swait.ge [sflag:s12], $0x28  }
0x312: {  	s25 =	sshll.u32 s25, $0x7;
	s26 =	smul.u32 $0x3, s26;
	[sflag:s12] =	ssyncset.done $0x0  }
.Ltmp5:
0x313: {  	s28 =	sor.u32 $0x200, s25;
	[sflag:s12] =	ssyncadd.s32 $0xFFFFFFD8;
	(pc) =	sbr.rel @p2 .LBB2_12-.Ltmp5, $4  }
0x314: {  	p3 =	por p3, p1;
	s14 =	ssub.s32 s22, s26;
	s22 =	simm.s32 @!p1 $0x0  }
0x315: {  	s25 =	simm.s32 @!p3 $0x2;
	s26 =	sand.u32 $0xFF, s14;
	s14 =	smov.u32 s29  }
0x316: {  	[spmem:s4] =	stream.indirect.scatter.add.f32 [tilespmem:s11], [sflag:$0x2], $0x80, s28, s24, $0xb8;
	[tilespmem:$0x1F080] =	vst v63  }
0x317: {  	s16 =	sadd.s32 $0x5, s16;
	s26 =	sshll.u32 @!p1 s26, $0x7;
	_ =	swait.ge @!p3 [sflag:s25], $0x1400  }
0x318: {  	[sflag:s25] =	ssyncset.done @!p3 $0x0;
	s17 =	sshrl.u32 s18, $0x9;
	s18 =	sadd.s32 @!p1 $0x200, s26  }
0x319: {  	s29 =	sadd.s32 $0x2, s14;
	[sflag:s25] =	ssyncadd.s32 @!p3 $0xFFFFEC00;
	s17 =	sand.u32 $0x7F, s17  }
0x31a: {  	[tilespmem:s18], [sflag:$0x1] =	stream.linear.gather @!p1 [hbm4b:s19+s22], $0x28, $0x38;
	[tilespmem:$0x1F080] =	vst v63  }
0x31b: {  	s17 =	smul.u32 $0x3, s17;
	s22 =	sand.u32 $0xFF, s29  }
0x31c: {  	s19 =	smul.u32 $0xAB, s22  }
0x31d: {  	p1 =	sgt.u32 s14, $0xF7;
	_ =	swait.ge [sflag:s12], $0x28  }
0x31e: {  	p2 =	seq.s32 @!p1 s14, $0x0;
	s17 =	ssub.s32 s14, s17;
	s19 =	sshrl.u32 s19, $0x9  }
0x31f: {  	[sflag:s12] =	ssyncset.done $0x0;
	s17 =	sand.u32 $0xFB, s17;
	s19 =	smul.u32 $0x3, s19  }
0x320: {  	p2 =	por p2, p1;
	[sflag:s12] =	ssyncadd.s32 $0xFFFFFFD8;
	s17 =	sshll.u32 s17, $0x7  }
0x321: {  	s18 =	simm.s32 @!p2 $0x2;
	s25 =	sor.u32 $0x200, s17;
	s26 =	ssub.s32 s29, s19  }
0x322: {  	[spmem:s4] =	stream.indirect.scatter.add.f32 [tilespmem:s11], [sflag:$0x2], $0x80, s25, s24, $0xb8;
	[tilespmem:$0x1F080] =	vst v63  }
0x323: {  	s14 =	sand.u32 $0xFF, s26;
	_ =	swait.ge @!p2 [sflag:s18], $0x1400  }
0x324: {  	s14 =	sshll.u32 @!p1 s14, $0x7;
	[sflag:s18] =	ssyncset.done @!p2 $0x0  }
0x325: {  	s17 =	simm.s32 @!p1 $0x0;
	[sflag:s18] =	ssyncadd.s32 @!p2 $0xFFFFEC00;
	s14 =	sadd.s32 @!p1 $0x200, s14  }
0x326: {  	[tilespmem:s14], [sflag:$0x1] =	stream.linear.gather @!p1 [hbm4b:s16+s17], $0x28, $0x38;
	[tilespmem:$0x1F080] =	vst v63  }
0x327: {  	_ =	swait.ge [sflag:s13], $0x1400  }
0x328: {  	[sflag:s13] =	ssyncset.done $0x0  }
0x329: {  	[sflag:s13] =	ssyncadd.s32 $0xFFFFEC00  }
0x32a: {  	_ =	swait.ge [sflag:s13], $0x1400  }
0x32b: {  	[sflag:s13] =	ssyncset.done $0x0  }
0x32c: {  	[sflag:s13] =	ssyncadd.s32 $0xFFFFEC00  }
0x32d: {  	_ =	swait.ge [sflag:s13], $0x1400  }
0x32e: {  	[sflag:s13] =	ssyncset.done $0x0  }
0x32f: {  	[sflag:s13] =	ssyncadd.s32 $0xFFFFEC00  }
0x330: {  	[bflag:$0x0] =	sbarrier.arrive $0xFFFF  }
0x331: {  	s28 =	rddreg [dreg:$0xd]  }
0x332: {  	[hbm:s28], [sflag:s15] =	dma.local [spmem:s0], $0x2700  }
0x333: {  	_ =	swait.ge [sflag:s23], $0x2700  }
0x334: {  	[sflag:s23] =	ssyncset.done $0x0  }
0x335: {  	s0 =	rddreg [dreg:$0xe];
	[sflag:s23] =	ssyncadd.s32 $0xFFFFD900  }
0x336: {  	[hbm:s0], [sflag:s15] =	dma.local @!p0 [spmem:s6], $0x100  }
0x337: {  	s0 =	simm.s32 @!p0 $0x3  }
0x338: {  	_ =	swait.ge @!p0 [sflag:s0], $0x100  }
0x339: {  	s5 =	sadd.s32 $0x1, s5;
	s29 =	rddreg [dreg:$0x13]  }
0x33a: {  	p1 =	sne.s32 s5, s29  }
.Ltmp6:
0x33b: {  	_ = 	snop;
	(pc) =	sbr.rel @p1 .LBB2_1-.Ltmp6, $3  }
0x33c: {  	_ =	sdelay $0x1  }
0x33d: {  	[sflag:s0] =	ssyncset.done @!p0 $0x0  }
0x33e: {  	[sflag:s0] =	ssyncadd.s32 @!p0 $0xFFFFFF00  }
0x33f: {  	_ =	sfence.sel $0x180000  }
0x340: {  	[bflag:$0x0] =	sbarrier.arrive $0xFFFF  }
0x341: {  	_ =	strace $0x90000047  }
0x342: {  	s0 =	stileid.u32;
	[bflag:$0x2] =	sbarrier.arrive $0xFFFF  }
0x343: {  	p0 =	sne.s32 s0, $0x0;
	s0 =	rddreg [dreg:$0x5]  }
0x344: {  	s0 =	sadd.s32 @!p0 $0x100000, s0  }
0x345: {  	[sflag:s0] =	ssyncadd.tile.s32 @!p0 $0x1;
	_ =	shalt  }
.Lfunc_end2:
_tile_overlayer_lowered:
.L_overlay_start_2:
0x346: {  	(tag) =	ssettag $0x2  }
0x347: {  	s0 =	rddreg [dreg:$0x0];
	s2 =	stileid.u32  }
0x348: {  	s1 =	rddreg [dreg:$0x1];
	p0 =	sne.s32 s2, $0x0  }
0x349: {  	s3 =	rddreg [dreg:$0x2];
	[bflag:$0x3] =	sbarrier.arrive $0xFFFF;
	s2 =	simm.s32 @!p0 $0x1C03  }
0x34a: {  	[timem:s3], [sflag:s2] =	dma.local @!p0 [hbm:s0], s1  }
0x34b: {  	s0 =	simm.s32 @!p0 $0x3  }
0x34c: {  	_ =	swait.ge @!p0 [sflag:s0], s1  }
0x34d: {  	s1 =	ssub.s32 @!p0 $0x0, s1;
	[sflag:s0] =	ssyncset.done @!p0 $0x0  }
0x34e: {  	[sflag:s0] =	ssyncadd.s32 @!p0 s1  }
0x34f: {  	[bflag:$0x3] =	sbarrier.arrive $0xFFFF  }
0x350: {  	_ =	shalt  }

</sc_bundles>
